<compile_context>
chip_gen: v7x
topology: tpu7x:2x2x1
jax: 0.10.2.dev20260603
libtpu: 0.0.44.dev20260713+nightly
codegen_flags: <defaults>
</compile_context>

<pallas_src>
import dataclasses
import functools

import jax
import jax.numpy as jnp
from jax import lax
from jax.experimental import pallas as pl
from jax.experimental.pallas import tpu as pltpu
from jax.experimental.pallas import tpu_sc as plsc

NUM_ROWS = 17
DIM = 10
ROW_PAD = 24
B = 16384
LEN = 200
LT = LEN // 8

NC, NS, L = 2, 16, 16
NW = NC * NS
WB = B // NW

_MESH = plsc.VectorSubcoreMesh(core_axis_name="c", subcore_axis_name="s")

_CP = pltpu.CompilerParams()
if "needs_layout_passes" in pltpu.CompilerParams.__dataclass_fields__:
    _CP = dataclasses.replace(_CP, needs_layout_passes=False)
_CP = dataclasses.replace(_CP, use_tc_tiling_on_sc=True)


@functools.partial(
    pl.kernel,
    out_type=jax.ShapeDtypeStruct((DIM, LEN, B), jnp.float32),
    mesh=_MESH,
    compiler_params=_CP,
    scratch_types=[
        pltpu.VMEM((DIM * ROW_PAD,), jnp.float32),
        pltpu.VMEM((8, WB), jnp.int32),
        pltpu.VMEM((2, DIM, 8, WB), jnp.float32),
        pltpu.SemaphoreType.DMA,
    ],
)
def _sc_lookup(tab_hbm, idx_hbm, out_hbm, tab_v, idx_v, out_v, sem):
    wid = lax.axis_index("s") * NC + lax.axis_index("c")
    b0 = wid * WB
    pltpu.sync_copy(tab_hbm, tab_v)

    def compute(lt, buf):
        pltpu.sync_copy(idx_hbm.at[pl.ds(lt * 8, 8), pl.ds(b0, WB)], idx_v)

        @pl.loop(0, 8)
        def _(i):
            @pl.loop(0, WB // L, unroll=4)
            def _(j):
                idxv = idx_v[i, pl.ds(j * L, L)]
                for d in range(DIM):
                    vals = plsc.load_gather(
                        tab_v.at[pl.ds(d * ROW_PAD, ROW_PAD)], [idxv]
                    )
                    out_v[buf, d, i, pl.ds(j * L, L)] = vals

        for d in range(DIM):
            pltpu.async_copy(
                out_v.at[buf, d],
                out_hbm.at[d, pl.ds(lt * 8, 8), pl.ds(b0, WB)],
                sem,
            )

    def drain(lt, buf):
        for d in range(DIM):
            pltpu.make_async_copy(
                out_hbm.at[d, pl.ds(lt * 8, 8), pl.ds(b0, WB)],
                out_v.at[buf, d],
                sem,
            ).wait()

    compute(0, 0)
    compute(1, 1)

    @pl.loop(0, LT - 2)
    def _(k):
        drain(k, lax.rem(k, 2))
        compute(k + 2, lax.rem(k, 2))

    drain(LT - 2, (LT - 2) % 2)
    drain(LT - 1, (LT - 1) % 2)


def kernel(list_POSs, table):
    idx_t = list_POSs.astype(jnp.int32).T
    tab_dm = jnp.pad(
        table.astype(jnp.float32).T, ((0, 0), (0, ROW_PAD - NUM_ROWS))
    )
    out_t = _sc_lookup(tab_dm.reshape(-1), idx_t)
    return jnp.transpose(out_t, (2, 1, 0))

# --- scband reference (transcript-rebuilt; emitter-appended) ---
"""Pipeline reference for scband-posembedding-20203526160893 (READ-ONLY COPY).

The authoritative reference and input builder live on the scoring server;
editing this copy changes nothing except your own understanding.
"""

import jax, jax.numpy as jnp
import numpy as np

NUM_POS = 17
EMB_DIM = 10

def setup_inputs(seed: int = 0) -> dict:
    key = jax.random.key(seed)
    k_idx, k_tab = jax.random.split(key)
    indices = jax.random.randint(k_idx, (16384, 200), 0, NUM_POS, dtype=jnp.int64 if jax.config.jax_enable_x64 else jnp.int32)
    table = jax.random.normal(k_tab, (NUM_POS, EMB_DIM), dtype=jnp.float32) * 0.05
    return {"list_POSs": indices, "table": table}

def reference(list_POSs, table):
    # Faithful translation: map POS ids (already integer-encoded) through the
    # embedding table, i.e. a row gather: out[b, l, :] = table[idx[b, l], :].
    return jnp.take(table, list_POSs, axis=0)

if __name__ == "__main__":
    import jax
    _d = setup_inputs()
    print(jax.jit(kernel)(*tuple(_d.values())))

</pallas_src>

<mosaic_0001>
#map = affine_map<(d0, d1) -> (0)>
#map1 = affine_map<(d0, d1) -> (0, 0)>
#map2 = affine_map<(d0, d1) -> (0, 0, 0)>
module attributes {stable_mosaic.version = 14 : i64} {
  func.func @_sc_lookup(%arg0: i32, %arg1: i32, %arg2: memref<240xf32, #tpu.memory_space<hbm>>, %arg3: memref<200x16384xi32, #tpu.memory_space<hbm>>, %arg4: memref<10x200x16384xf32, #tpu.memory_space<hbm>>, %arg5: memref<240xf32, #tpu.memory_space<vmem>>, %arg6: memref<8x512xi32, #tpu.memory_space<vmem>>, %arg7: memref<2x10x8x512xf32, #tpu.memory_space<vmem>>, %arg8: memref<!tpu.dma_semaphore, #tpu.memory_space<semaphore_mem>>) attributes {dimension_semantics = [#tpu.dimension_semantics<core_parallel>, #tpu.dimension_semantics<subcore_parallel>], iteration_bounds = array<i64: 2, 16>, scalar_prefetch = 0 : i64, scratch_operands = 4 : i64, tpu.core_type = #tpu.core_type<sc_vector_subcore>, window_params = [{transform_indices = #map}, {transform_indices = #map1}, {transform_indices = #map2}]} {
    %mul3A = arith.constant 2 : i32
    %mul3A_0 = arith.muli %arg1, %mul3A : i32
    %add3A = arith.addi %mul3A_0, %arg0 : i32
    %mul3A_1 = arith.constant 512 : i32
    %mul3A_2 = arith.muli %add3A, %mul3A_1 : i32
    "tpu.region"() ({
      %run_scoped3A = tpu.sem_alloc : memref<!tpu.dma_semaphore, #tpu.memory_space<semaphore_mem>>
      tpu.enqueue_dma source(%arg2 : memref<240xf32, #tpu.memory_space<hbm>>) target(%arg5 : memref<240xf32, #tpu.memory_space<vmem>>) target_semaphore(%run_scoped3A : memref<!tpu.dma_semaphore, #tpu.memory_space<semaphore_mem>>)
      tpu.wait_dma2 semaphore(%run_scoped3A : memref<!tpu.dma_semaphore, #tpu.memory_space<semaphore_mem>>) src(%arg2 : memref<240xf32, #tpu.memory_space<hbm>>) dst(%arg5 : memref<240xf32, #tpu.memory_space<vmem>>)
      tpu.yield
    }) : () -> ()
    "tpu.region"() ({
      %run_scoped3A = tpu.sem_alloc : memref<!tpu.dma_semaphore, #tpu.memory_space<semaphore_mem>>
      %dma_start3A_695 = arith.constant 0 : i32
      %dma_start3A_696 = tpu.memref_slice %arg3[%dma_start3A_695, %mul3A_2] : memref<200x16384xi32, #tpu.memory_space<hbm>> -> memref<8x512xi32, #tpu.memory_space<hbm>>
      %dma_start3A_697 = arith.constant 0 : i32
      %dma_start3A_698 = tpu.memref_slice %arg3[%dma_start3A_697, %mul3A_2] : memref<200x16384xi32, #tpu.memory_space<hbm>> -> memref<8x512xi32, #tpu.memory_space<hbm>>
      tpu.enqueue_dma source(%dma_start3A_698 : memref<8x512xi32, #tpu.memory_space<hbm>>) target(%arg6 : memref<8x512xi32, #tpu.memory_space<vmem>>) target_semaphore(%run_scoped3A : memref<!tpu.dma_semaphore, #tpu.memory_space<semaphore_mem>>)
      %dma_wait3A_699 = arith.constant 0 : i32
      %dma_wait3A_700 = tpu.memref_slice %arg3[%dma_wait3A_699, %mul3A_2] : memref<200x16384xi32, #tpu.memory_space<hbm>> -> memref<8x512xi32, #tpu.memory_space<hbm>>
      %dma_wait3A_701 = arith.constant 0 : i32
      %dma_wait3A_702 = tpu.memref_slice %arg3[%dma_wait3A_701, %mul3A_2] : memref<200x16384xi32, #tpu.memory_space<hbm>> -> memref<8x512xi32, #tpu.memory_space<hbm>>
      tpu.wait_dma2 semaphore(%run_scoped3A : memref<!tpu.dma_semaphore, #tpu.memory_space<semaphore_mem>>) src(%dma_wait3A_702 : memref<8x512xi32, #tpu.memory_space<hbm>>) dst(%arg6 : memref<8x512xi32, #tpu.memory_space<vmem>>)
      tpu.yield
    }) : () -> ()
    %scan3A = arith.constant 0 : i32
    %scan3A_3 = arith.constant 8 : i32
    %scan3A_4 = arith.addi %scan3A, %scan3A_3 : i32
    %scan3A_5 = arith.constant 1 : i32
    scf.for %scan3A_695 = %scan3A to %scan3A_4 step %scan3A_5  : i32 {
      %mul3A_696 = arith.constant 1 : i32
      %mul3A_697 = arith.muli %scan3A_695, %mul3A_696 : i32
      %add3A_698 = arith.constant 0 : i32
      %add3A_699 = arith.addi %add3A_698, %mul3A_697 : i32
      %scan3A_700 = arith.constant 0 : i32
      %scan3A_701 = arith.constant 32 : i32
      %scan3A_702 = arith.addi %scan3A_700, %scan3A_701 : i32
      %scan3A_703 = arith.constant 4 : i32
      scf.for %scan3A_705 = %scan3A_700 to %scan3A_702 step %scan3A_703  : i32 {
        %mul3A_706 = arith.constant 1 : i32
        %mul3A_707 = arith.muli %scan3A_705, %mul3A_706 : i32
        %add3A_708 = arith.constant 0 : i32
        %add3A_709 = arith.addi %add3A_708, %mul3A_707 : i32
        %mul3A_710 = arith.constant 16 : i32
        %mul3A_711 = arith.muli %add3A_709, %mul3A_710 : i32
        %get3A = arith.index_cast %add3A_699 : i32 to index
        %get3A_712 = arith.index_cast %mul3A_711 : i32 to index
        %get3A_713 = tpu.vector_load %arg6[%get3A, %get3A_712] {strides = array<i32>} : memref<8x512xi32, #tpu.memory_space<vmem>>, vector<16xi32>,
        %gather3A = arith.constant 0 : i32
        %gather3A_714 = tpu.memref_slice %arg5[%gather3A] : memref<240xf32, #tpu.memory_space<vmem>> -> memref<24xf32, #tpu.memory_space<vmem>>
        %gather3A_715 = tpu.vector_load_idx %gather3A_714[%get3A_713] : memref<24xf32, #tpu.memory_space<vmem>>[vector<16xi32>], vector<16xf32>,
        %mul3A_716 = arith.constant 16 : i32
        %mul3A_717 = arith.muli %add3A_709, %mul3A_716 : i32
        %swap3A = arith.constant 0 : i32
        %swap3A_718 = arith.constant 0 : i32
        %swap3A_719 = arith.index_cast %swap3A : i32 to index
        %swap3A_720 = arith.index_cast %swap3A_718 : i32 to index
        %swap3A_721 = arith.index_cast %add3A_699 : i32 to index
        %swap3A_722 = arith.index_cast %mul3A_717 : i32 to index
        %swap3A_723 = tpu.vector_load %arg7[%swap3A_719, %swap3A_720, %swap3A_721, %swap3A_722] {strides = array<i32>} : memref<2x10x8x512xf32, #tpu.memory_space<vmem>>, vector<16xf32>,
        tpu.vector_store %arg7[%swap3A_719, %swap3A_720, %swap3A_721, %swap3A_722], %gather3A_715 {strides = array<i32>} : memref<2x10x8x512xf32, #tpu.memory_space<vmem>>, vector<16xf32>,
        %gather3A_724 = arith.constant 24 : i32
        %gather3A_725 = tpu.memref_slice %arg5[%gather3A_724] : memref<240xf32, #tpu.memory_space<vmem>> -> memref<24xf32, #tpu.memory_space<vmem>>
        %gather3A_726 = tpu.vector_load_idx %gather3A_725[%get3A_713] : memref<24xf32, #tpu.memory_space<vmem>>[vector<16xi32>], vector<16xf32>,
        %mul3A_727 = arith.constant 16 : i32
        %mul3A_728 = arith.muli %add3A_709, %mul3A_727 : i32
        %swap3A_729 = arith.constant 0 : i32
        %swap3A_730 = arith.constant 1 : i32
        %swap3A_731 = arith.index_cast %swap3A_729 : i32 to index
        %swap3A_732 = arith.index_cast %swap3A_730 : i32 to index
        %swap3A_733 = arith.index_cast %add3A_699 : i32 to index
        %swap3A_734 = arith.index_cast %mul3A_728 : i32 to index
        %swap3A_735 = tpu.vector_load %arg7[%swap3A_731, %swap3A_732, %swap3A_733, %swap3A_734] {strides = array<i32>} : memref<2x10x8x512xf32, #tpu.memory_space<vmem>>, vector<16xf32>,
        tpu.vector_store %arg7[%swap3A_731, %swap3A_732, %swap3A_733, %swap3A_734], %gather3A_726 {strides = array<i32>} : memref<2x10x8x512xf32, #tpu.memory_space<vmem>>, vector<16xf32>,
        %gather3A_736 = arith.constant 48 : i32
        %gather3A_737 = tpu.memref_slice %arg5[%gather3A_736] : memref<240xf32, #tpu.memory_space<vmem>> -> memref<24xf32, #tpu.memory_space<vmem>>
        %gather3A_738 = tpu.vector_load_idx %gather3A_737[%get3A_713] : memref<24xf32, #tpu.memory_space<vmem>>[vector<16xi32>], vector<16xf32>,
        %mul3A_739 = arith.constant 16 : i32
        %mul3A_740 = arith.muli %add3A_709, %mul3A_739 : i32
        %swap3A_741 = arith.constant 0 : i32
        %swap3A_742 = arith.constant 2 : i32
        %swap3A_743 = arith.index_cast %swap3A_741 : i32 to index
        %swap3A_744 = arith.index_cast %swap3A_742 : i32 to index
        %swap3A_745 = arith.index_cast %add3A_699 : i32 to index
        %swap3A_746 = arith.index_cast %mul3A_740 : i32 to index
        %swap3A_747 = tpu.vector_load %arg7[%swap3A_743, %swap3A_744, %swap3A_745, %swap3A_746] {strides = array<i32>} : memref<2x10x8x512xf32, #tpu.memory_space<vmem>>, vector<16xf32>,
        tpu.vector_store %arg7[%swap3A_743, %swap3A_744, %swap3A_745, %swap3A_746], %gather3A_738 {strides = array<i32>} : memref<2x10x8x512xf32, #tpu.memory_space<vmem>>, vector<16xf32>,
        %gather3A_748 = arith.constant 72 : i32
        %gather3A_749 = tpu.memref_slice %arg5[%gather3A_748] : memref<240xf32, #tpu.memory_space<vmem>> -> memref<24xf32, #tpu.memory_space<vmem>>
        %gather3A_750 = tpu.vector_load_idx %gather3A_749[%get3A_713] : memref<24xf32, #tpu.memory_space<vmem>>[vector<16xi32>], vector<16xf32>,
        %mul3A_751 = arith.constant 16 : i32
        %mul3A_752 = arith.muli %add3A_709, %mul3A_751 : i32
        %swap3A_753 = arith.constant 0 : i32
        %swap3A_754 = arith.constant 3 : i32
        %swap3A_755 = arith.index_cast %swap3A_753 : i32 to index
        %swap3A_756 = arith.index_cast %swap3A_754 : i32 to index
        %swap3A_757 = arith.index_cast %add3A_699 : i32 to index
        %swap3A_758 = arith.index_cast %mul3A_752 : i32 to index
        %swap3A_759 = tpu.vector_load %arg7[%swap3A_755, %swap3A_756, %swap3A_757, %swap3A_758] {strides = array<i32>} : memref<2x10x8x512xf32, #tpu.memory_space<vmem>>, vector<16xf32>,
        tpu.vector_store %arg7[%swap3A_755, %swap3A_756, %swap3A_757, %swap3A_758], %gather3A_750 {strides = array<i32>} : memref<2x10x8x512xf32, #tpu.memory_space<vmem>>, vector<16xf32>,
        %gather3A_760 = arith.constant 96 : i32
        %gather3A_761 = tpu.memref_slice %arg5[%gather3A_760] : memref<240xf32, #tpu.memory_space<vmem>> -> memref<24xf32, #tpu.memory_space<vmem>>
        %gather3A_762 = tpu.vector_load_idx %gather3A_761[%get3A_713] : memref<24xf32, #tpu.memory_space<vmem>>[vector<16xi32>], vector<16xf32>,
        %mul3A_763 = arith.constant 16 : i32
        %mul3A_764 = arith.muli %add3A_709, %mul3A_763 : i32
        %swap3A_765 = arith.constant 0 : i32
        %swap3A_766 = arith.constant 4 : i32
        %swap3A_767 = arith.index_cast %swap3A_765 : i32 to index
        %swap3A_768 = arith.index_cast %swap3A_766 : i32 to index
        %swap3A_769 = arith.index_cast %add3A_699 : i32 to index
        %swap3A_770 = arith.index_cast %mul3A_764 : i32 to index
        %swap3A_771 = tpu.vector_load %arg7[%swap3A_767, %swap3A_768, %swap3A_769, %swap3A_770] {strides = array<i32>} : memref<2x10x8x512xf32, #tpu.memory_space<vmem>>, vector<16xf32>,
        tpu.vector_store %arg7[%swap3A_767, %swap3A_768, %swap3A_769, %swap3A_770], %gather3A_762 {strides = array<i32>} : memref<2x10x8x512xf32, #tpu.memory_space<vmem>>, vector<16xf32>,
        %gather3A_772 = arith.constant 120 : i32
        %gather3A_773 = tpu.memref_slice %arg5[%gather3A_772] : memref<240xf32, #tpu.memory_space<vmem>> -> memref<24xf32, #tpu.memory_space<vmem>>
        %gather3A_774 = tpu.vector_load_idx %gather3A_773[%get3A_713] : memref<24xf32, #tpu.memory_space<vmem>>[vector<16xi32>], vector<16xf32>,
        %mul3A_775 = arith.constant 16 : i32
        %mul3A_776 = arith.muli %add3A_709, %mul3A_775 : i32
        %swap3A_777 = arith.constant 0 : i32
        %swap3A_778 = arith.constant 5 : i32
        %swap3A_779 = arith.index_cast %swap3A_777 : i32 to index
        %swap3A_780 = arith.index_cast %swap3A_778 : i32 to index
        %swap3A_781 = arith.index_cast %add3A_699 : i32 to index
        %swap3A_782 = arith.index_cast %mul3A_776 : i32 to index
        %swap3A_783 = tpu.vector_load %arg7[%swap3A_779, %swap3A_780, %swap3A_781, %swap3A_782] {strides = array<i32>} : memref<2x10x8x512xf32, #tpu.memory_space<vmem>>, vector<16xf32>,
        tpu.vector_store %arg7[%swap3A_779, %swap3A_780, %swap3A_781, %swap3A_782], %gather3A_774 {strides = array<i32>} : memref<2x10x8x512xf32, #tpu.memory_space<vmem>>, vector<16xf32>,
        %gather3A_784 = arith.constant 144 : i32
        %gather3A_785 = tpu.memref_slice %arg5[%gather3A_784] : memref<240xf32, #tpu.memory_space<vmem>> -> memref<24xf32, #tpu.memory_space<vmem>>
        %gather3A_786 = tpu.vector_load_idx %gather3A_785[%get3A_713] : memref<24xf32, #tpu.memory_space<vmem>>[vector<16xi32>], vector<16xf32>,
        %mul3A_787 = arith.constant 16 : i32
        %mul3A_788 = arith.muli %add3A_709, %mul3A_787 : i32
        %swap3A_789 = arith.constant 0 : i32
        %swap3A_790 = arith.constant 6 : i32
        %swap3A_791 = arith.index_cast %swap3A_789 : i32 to index
        %swap3A_792 = arith.index_cast %swap3A_790 : i32 to index
        %swap3A_793 = arith.index_cast %add3A_699 : i32 to index
        %swap3A_794 = arith.index_cast %mul3A_788 : i32 to index
        %swap3A_795 = tpu.vector_load %arg7[%swap3A_791, %swap3A_792, %swap3A_793, %swap3A_794] {strides = array<i32>} : memref<2x10x8x512xf32, #tpu.memory_space<vmem>>, vector<16xf32>,
        tpu.vector_store %arg7[%swap3A_791, %swap3A_792, %swap3A_793, %swap3A_794], %gather3A_786 {strides = array<i32>} : memref<2x10x8x512xf32, #tpu.memory_space<vmem>>, vector<16xf32>,
        %gather3A_796 = arith.constant 168 : i32
        %gather3A_797 = tpu.memref_slice %arg5[%gather3A_796] : memref<240xf32, #tpu.memory_space<vmem>> -> memref<24xf32, #tpu.memory_space<vmem>>
        %gather3A_798 = tpu.vector_load_idx %gather3A_797[%get3A_713] : memref<24xf32, #tpu.memory_space<vmem>>[vector<16xi32>], vector<16xf32>,
        %mul3A_799 = arith.constant 16 : i32
        %mul3A_800 = arith.muli %add3A_709, %mul3A_799 : i32
        %swap3A_801 = arith.constant 0 : i32
        %swap3A_802 = arith.constant 7 : i32
        %swap3A_803 = arith.index_cast %swap3A_801 : i32 to index
        %swap3A_804 = arith.index_cast %swap3A_802 : i32 to index
        %swap3A_805 = arith.index_cast %add3A_699 : i32 to index
        %swap3A_806 = arith.index_cast %mul3A_800 : i32 to index
        %swap3A_807 = tpu.vector_load %arg7[%swap3A_803, %swap3A_804, %swap3A_805, %swap3A_806] {strides = array<i32>} : memref<2x10x8x512xf32, #tpu.memory_space<vmem>>, vector<16xf32>,
        tpu.vector_store %arg7[%swap3A_803, %swap3A_804, %swap3A_805, %swap3A_806], %gather3A_798 {strides = array<i32>} : memref<2x10x8x512xf32, #tpu.memory_space<vmem>>, vector<16xf32>,
        %gather3A_808 = arith.constant 192 : i32
        %gather3A_809 = tpu.memref_slice %arg5[%gather3A_808] : memref<240xf32, #tpu.memory_space<vmem>> -> memref<24xf32, #tpu.memory_space<vmem>>
        %gather3A_810 = tpu.vector_load_idx %gather3A_809[%get3A_713] : memref<24xf32, #tpu.memory_space<vmem>>[vector<16xi32>], vector<16xf32>,
        %mul3A_811 = arith.constant 16 : i32
        %mul3A_812 = arith.muli %add3A_709, %mul3A_811 : i32
        %swap3A_813 = arith.constant 0 : i32
        %swap3A_814 = arith.constant 8 : i32
        %swap3A_815 = arith.index_cast %swap3A_813 : i32 to index
        %swap3A_816 = arith.index_cast %swap3A_814 : i32 to index
        %swap3A_817 = arith.index_cast %add3A_699 : i32 to index
        %swap3A_818 = arith.index_cast %mul3A_812 : i32 to index
        %swap3A_819 = tpu.vector_load %arg7[%swap3A_815, %swap3A_816, %swap3A_817, %swap3A_818] {strides = array<i32>} : memref<2x10x8x512xf32, #tpu.memory_space<vmem>>, vector<16xf32>,
        tpu.vector_store %arg7[%swap3A_815, %swap3A_816, %swap3A_817, %swap3A_818], %gather3A_810 {strides = array<i32>} : memref<2x10x8x512xf32, #tpu.memory_space<vmem>>, vector<16xf32>,
        %gather3A_820 = arith.constant 216 : i32
        %gather3A_821 = tpu.memref_slice %arg5[%gather3A_820] : memref<240xf32, #tpu.memory_space<vmem>> -> memref<24xf32, #tpu.memory_space<vmem>>
        %gather3A_822 = tpu.vector_load_idx %gather3A_821[%get3A_713] : memref<24xf32, #tpu.memory_space<vmem>>[vector<16xi32>], vector<16xf32>,
        %mul3A_823 = arith.constant 16 : i32
        %mul3A_824 = arith.muli %add3A_709, %mul3A_823 : i32
        %swap3A_825 = arith.constant 0 : i32
        %swap3A_826 = arith.constant 9 : i32
        %swap3A_827 = arith.index_cast %swap3A_825 : i32 to index
        %swap3A_828 = arith.index_cast %swap3A_826 : i32 to index
        %swap3A_829 = arith.index_cast %add3A_699 : i32 to index
        %swap3A_830 = arith.index_cast %mul3A_824 : i32 to index
        %swap3A_831 = tpu.vector_load %arg7[%swap3A_827, %swap3A_828, %swap3A_829, %swap3A_830] {strides = array<i32>} : memref<2x10x8x512xf32, #tpu.memory_space<vmem>>, vector<16xf32>,
        tpu.vector_store %arg7[%swap3A_827, %swap3A_828, %swap3A_829, %swap3A_830], %gather3A_822 {strides = array<i32>} : memref<2x10x8x512xf32, #tpu.memory_space<vmem>>, vector<16xf32>,
        %scan3A_832 = arith.constant 1 : i32
        %scan3A_833 = arith.addi %scan3A_705, %scan3A_832 : i32
        %mul3A_834 = arith.constant 1 : i32
        %mul3A_835 = arith.muli %scan3A_833, %mul3A_834 : i32
        %add3A_836 = arith.constant 0 : i32
        %add3A_837 = arith.addi %add3A_836, %mul3A_835 : i32
        %mul3A_838 = arith.constant 16 : i32
        %mul3A_839 = arith.muli %add3A_837, %mul3A_838 : i32
        %get3A_840 = arith.index_cast %add3A_699 : i32 to index
        %get3A_841 = arith.index_cast %mul3A_839 : i32 to index
        %get3A_842 = tpu.vector_load %arg6[%get3A_840, %get3A_841] {strides = array<i32>} : memref<8x512xi32, #tpu.memory_space<vmem>>, vector<16xi32>,
        %gather3A_843 = arith.constant 0 : i32
        %gather3A_844 = tpu.memref_slice %arg5[%gather3A_843] : memref<240xf32, #tpu.memory_space<vmem>> -> memref<24xf32, #tpu.memory_space<vmem>>
        %gather3A_845 = tpu.vector_load_idx %gather3A_844[%get3A_842] : memref<24xf32, #tpu.memory_space<vmem>>[vector<16xi32>], vector<16xf32>,
        %mul3A_846 = arith.constant 16 : i32
        %mul3A_847 = arith.muli %add3A_837, %mul3A_846 : i32
        %swap3A_848 = arith.constant 0 : i32
        %swap3A_849 = arith.constant 0 : i32
        %swap3A_850 = arith.index_cast %swap3A_848 : i32 to index
        %swap3A_851 = arith.index_cast %swap3A_849 : i32 to index
        %swap3A_852 = arith.index_cast %add3A_699 : i32 to index
        %swap3A_853 = arith.index_cast %mul3A_847 : i32 to index
        %swap3A_854 = tpu.vector_load %arg7[%swap3A_850, %swap3A_851, %swap3A_852, %swap3A_853] {strides = array<i32>} : memref<2x10x8x512xf32, #tpu.memory_space<vmem>>, vector<16xf32>,
        tpu.vector_store %arg7[%swap3A_850, %swap3A_851, %swap3A_852, %swap3A_853], %gather3A_845 {strides = array<i32>} : memref<2x10x8x512xf32, #tpu.memory_space<vmem>>, vector<16xf32>,
        %gather3A_855 = arith.constant 24 : i32
        %gather3A_856 = tpu.memref_slice %arg5[%gather3A_855] : memref<240xf32, #tpu.memory_space<vmem>> -> memref<24xf32, #tpu.memory_space<vmem>>
        %gather3A_857 = tpu.vector_load_idx %gather3A_856[%get3A_842] : memref<24xf32, #tpu.memory_space<vmem>>[vector<16xi32>], vector<16xf32>,
        %mul3A_858 = arith.constant 16 : i32
        %mul3A_859 = arith.muli %add3A_837, %mul3A_858 : i32
        %swap3A_860 = arith.constant 0 : i32
        %swap3A_861 = arith.constant 1 : i32
        %swap3A_862 = arith.index_cast %swap3A_860 : i32 to index
        %swap3A_863 = arith.index_cast %swap3A_861 : i32 to index
        %swap3A_864 = arith.index_cast %add3A_699 : i32 to index
        %swap3A_865 = arith.index_cast %mul3A_859 : i32 to index
        %swap3A_866 = tpu.vector_load %arg7[%swap3A_862, %swap3A_863, %swap3A_864, %swap3A_865] {strides = array<i32>} : memref<2x10x8x512xf32, #tpu.memory_space<vmem>>, vector<16xf32>,
        tpu.vector_store %arg7[%swap3A_862, %swap3A_863, %swap3A_864, %swap3A_865], %gather3A_857 {strides = array<i32>} : memref<2x10x8x512xf32, #tpu.memory_space<vmem>>, vector<16xf32>,
        %gather3A_867 = arith.constant 48 : i32
        %gather3A_868 = tpu.memref_slice %arg5[%gather3A_867] : memref<240xf32, #tpu.memory_space<vmem>> -> memref<24xf32, #tpu.memory_space<vmem>>
        %gather3A_869 = tpu.vector_load_idx %gather3A_868[%get3A_842] : memref<24xf32, #tpu.memory_space<vmem>>[vector<16xi32>], vector<16xf32>,
        %mul3A_870 = arith.constant 16 : i32
        %mul3A_871 = arith.muli %add3A_837, %mul3A_870 : i32
        %swap3A_872 = arith.constant 0 : i32
        %swap3A_873 = arith.constant 2 : i32
        %swap3A_874 = arith.index_cast %swap3A_872 : i32 to index
        %swap3A_875 = arith.index_cast %swap3A_873 : i32 to index
        %swap3A_876 = arith.index_cast %add3A_699 : i32 to index
        %swap3A_877 = arith.index_cast %mul3A_871 : i32 to index
        %swap3A_878 = tpu.vector_load %arg7[%swap3A_874, %swap3A_875, %swap3A_876, %swap3A_877] {strides = array<i32>} : memref<2x10x8x512xf32, #tpu.memory_space<vmem>>, vector<16xf32>,
        tpu.vector_store %arg7[%swap3A_874, %swap3A_875, %swap3A_876, %swap3A_877], %gather3A_869 {strides = array<i32>} : memref<2x10x8x512xf32, #tpu.memory_space<vmem>>, vector<16xf32>,
        %gather3A_879 = arith.constant 72 : i32
        %gather3A_880 = tpu.memref_slice %arg5[%gather3A_879] : memref<240xf32, #tpu.memory_space<vmem>> -> memref<24xf32, #tpu.memory_space<vmem>>
        %gather3A_881 = tpu.vector_load_idx %gather3A_880[%get3A_842] : memref<24xf32, #tpu.memory_space<vmem>>[vector<16xi32>], vector<16xf32>,
        %mul3A_882 = arith.constant 16 : i32
        %mul3A_883 = arith.muli %add3A_837, %mul3A_882 : i32
        %swap3A_884 = arith.constant 0 : i32
        %swap3A_885 = arith.constant 3 : i32
        %swap3A_886 = arith.index_cast %swap3A_884 : i32 to index
        %swap3A_887 = arith.index_cast %swap3A_885 : i32 to index
        %swap3A_888 = arith.index_cast %add3A_699 : i32 to index
        %swap3A_889 = arith.index_cast %mul3A_883 : i32 to index
        %swap3A_890 = tpu.vector_load %arg7[%swap3A_886, %swap3A_887, %swap3A_888, %swap3A_889] {strides = array<i32>} : memref<2x10x8x512xf32, #tpu.memory_space<vmem>>, vector<16xf32>,
        tpu.vector_store %arg7[%swap3A_886, %swap3A_887, %swap3A_888, %swap3A_889], %gather3A_881 {strides = array<i32>} : memref<2x10x8x512xf32, #tpu.memory_space<vmem>>, vector<16xf32>,
        %gather3A_891 = arith.constant 96 : i32
        %gather3A_892 = tpu.memref_slice %arg5[%gather3A_891] : memref<240xf32, #tpu.memory_space<vmem>> -> memref<24xf32, #tpu.memory_space<vmem>>
        %gather3A_893 = tpu.vector_load_idx %gather3A_892[%get3A_842] : memref<24xf32, #tpu.memory_space<vmem>>[vector<16xi32>], vector<16xf32>,
        %mul3A_894 = arith.constant 16 : i32
        %mul3A_895 = arith.muli %add3A_837, %mul3A_894 : i32
        %swap3A_896 = arith.constant 0 : i32
        %swap3A_897 = arith.constant 4 : i32
        %swap3A_898 = arith.index_cast %swap3A_896 : i32 to index
        %swap3A_899 = arith.index_cast %swap3A_897 : i32 to index
        %swap3A_900 = arith.index_cast %add3A_699 : i32 to index
        %swap3A_901 = arith.index_cast %mul3A_895 : i32 to index
        %swap3A_902 = tpu.vector_load %arg7[%swap3A_898, %swap3A_899, %swap3A_900, %swap3A_901] {strides = array<i32>} : memref<2x10x8x512xf32, #tpu.memory_space<vmem>>, vector<16xf32>,
        tpu.vector_store %arg7[%swap3A_898, %swap3A_899, %swap3A_900, %swap3A_901], %gather3A_893 {strides = array<i32>} : memref<2x10x8x512xf32, #tpu.memory_space<vmem>>, vector<16xf32>,
        %gather3A_903 = arith.constant 120 : i32
        %gather3A_904 = tpu.memref_slice %arg5[%gather3A_903] : memref<240xf32, #tpu.memory_space<vmem>> -> memref<24xf32, #tpu.memory_space<vmem>>
        %gather3A_905 = tpu.vector_load_idx %gather3A_904[%get3A_842] : memref<24xf32, #tpu.memory_space<vmem>>[vector<16xi32>], vector<16xf32>,
        %mul3A_906 = arith.constant 16 : i32
        %mul3A_907 = arith.muli %add3A_837, %mul3A_906 : i32
        %swap3A_908 = arith.constant 0 : i32
        %swap3A_909 = arith.constant 5 : i32
        %swap3A_910 = arith.index_cast %swap3A_908 : i32 to index
        %swap3A_911 = arith.index_cast %swap3A_909 : i32 to index
        %swap3A_912 = arith.index_cast %add3A_699 : i32 to index
        %swap3A_913 = arith.index_cast %mul3A_907 : i32 to index
        %swap3A_914 = tpu.vector_load %arg7[%swap3A_910, %swap3A_911, %swap3A_912, %swap3A_913] {strides = array<i32>} : memref<2x10x8x512xf32, #tpu.memory_space<vmem>>, vector<16xf32>,
        tpu.vector_store %arg7[%swap3A_910, %swap3A_911, %swap3A_912, %swap3A_913], %gather3A_905 {strides = array<i32>} : memref<2x10x8x512xf32, #tpu.memory_space<vmem>>, vector<16xf32>,
        %gather3A_915 = arith.constant 144 : i32
        %gather3A_916 = tpu.memref_slice %arg5[%gather3A_915] : memref<240xf32, #tpu.memory_space<vmem>> -> memref<24xf32, #tpu.memory_space<vmem>>
        %gather3A_917 = tpu.vector_load_idx %gather3A_916[%get3A_842] : memref<24xf32, #tpu.memory_space<vmem>>[vector<16xi32>], vector<16xf32>,
        %mul3A_918 = arith.constant 16 : i32
        %mul3A_919 = arith.muli %add3A_837, %mul3A_918 : i32
        %swap3A_920 = arith.constant 0 : i32
        %swap3A_921 = arith.constant 6 : i32
        %swap3A_922 = arith.index_cast %swap3A_920 : i32 to index
        %swap3A_923 = arith.index_cast %swap3A_921 : i32 to index
        %swap3A_924 = arith.index_cast %add3A_699 : i32 to index
        %swap3A_925 = arith.index_cast %mul3A_919 : i32 to index
        %swap3A_926 = tpu.vector_load %arg7[%swap3A_922, %swap3A_923, %swap3A_924, %swap3A_925] {strides = array<i32>} : memref<2x10x8x512xf32, #tpu.memory_space<vmem>>, vector<16xf32>,
        tpu.vector_store %arg7[%swap3A_922, %swap3A_923, %swap3A_924, %swap3A_925], %gather3A_917 {strides = array<i32>} : memref<2x10x8x512xf32, #tpu.memory_space<vmem>>, vector<16xf32>,
        %gather3A_927 = arith.constant 168 : i32
        %gather3A_928 = tpu.memref_slice %arg5[%gather3A_927] : memref<240xf32, #tpu.memory_space<vmem>> -> memref<24xf32, #tpu.memory_space<vmem>>
        %gather3A_929 = tpu.vector_load_idx %gather3A_928[%get3A_842] : memref<24xf32, #tpu.memory_space<vmem>>[vector<16xi32>], vector<16xf32>,
        %mul3A_930 = arith.constant 16 : i32
        %mul3A_931 = arith.muli %add3A_837, %mul3A_930 : i32
        %swap3A_932 = arith.constant 0 : i32
        %swap3A_933 = arith.constant 7 : i32
        %swap3A_934 = arith.index_cast %swap3A_932 : i32 to index
        %swap3A_935 = arith.index_cast %swap3A_933 : i32 to index
        %swap3A_936 = arith.index_cast %add3A_699 : i32 to index
        %swap3A_937 = arith.index_cast %mul3A_931 : i32 to index
        %swap3A_938 = tpu.vector_load %arg7[%swap3A_934, %swap3A_935, %swap3A_936, %swap3A_937] {strides = array<i32>} : memref<2x10x8x512xf32, #tpu.memory_space<vmem>>, vector<16xf32>,
        tpu.vector_store %arg7[%swap3A_934, %swap3A_935, %swap3A_936, %swap3A_937], %gather3A_929 {strides = array<i32>} : memref<2x10x8x512xf32, #tpu.memory_space<vmem>>, vector<16xf32>,
        %gather3A_939 = arith.constant 192 : i32
        %gather3A_940 = tpu.memref_slice %arg5[%gather3A_939] : memref<240xf32, #tpu.memory_space<vmem>> -> memref<24xf32, #tpu.memory_space<vmem>>
        %gather3A_941 = tpu.vector_load_idx %gather3A_940[%get3A_842] : memref<24xf32, #tpu.memory_space<vmem>>[vector<16xi32>], vector<16xf32>,
        %mul3A_942 = arith.constant 16 : i32
        %mul3A_943 = arith.muli %add3A_837, %mul3A_942 : i32
        %swap3A_944 = arith.constant 0 : i32
        %swap3A_945 = arith.constant 8 : i32
        %swap3A_946 = arith.index_cast %swap3A_944 : i32 to index
        %swap3A_947 = arith.index_cast %swap3A_945 : i32 to index
        %swap3A_948 = arith.index_cast %add3A_699 : i32 to index
        %swap3A_949 = arith.index_cast %mul3A_943 : i32 to index
        %swap3A_950 = tpu.vector_load %arg7[%swap3A_946, %swap3A_947, %swap3A_948, %swap3A_949] {strides = array<i32>} : memref<2x10x8x512xf32, #tpu.memory_space<vmem>>, vector<16xf32>,
        tpu.vector_store %arg7[%swap3A_946, %swap3A_947, %swap3A_948, %swap3A_949], %gather3A_941 {strides = array<i32>} : memref<2x10x8x512xf32, #tpu.memory_space<vmem>>, vector<16xf32>,
        %gather3A_951 = arith.constant 216 : i32
        %gather3A_952 = tpu.memref_slice %arg5[%gather3A_951] : memref<240xf32, #tpu.memory_space<vmem>> -> memref<24xf32, #tpu.memory_space<vmem>>
        %gather3A_953 = tpu.vector_load_idx %gather3A_952[%get3A_842] : memref<24xf32, #tpu.memory_space<vmem>>[vector<16xi32>], vector<16xf32>,
        %mul3A_954 = arith.constant 16 : i32
        %mul3A_955 = arith.muli %add3A_837, %mul3A_954 : i32
        %swap3A_956 = arith.constant 0 : i32
        %swap3A_957 = arith.constant 9 : i32
        %swap3A_958 = arith.index_cast %swap3A_956 : i32 to index
        %swap3A_959 = arith.index_cast %swap3A_957 : i32 to index
        %swap3A_960 = arith.index_cast %add3A_699 : i32 to index
        %swap3A_961 = arith.index_cast %mul3A_955 : i32 to index
        %swap3A_962 = tpu.vector_load %arg7[%swap3A_958, %swap3A_959, %swap3A_960, %swap3A_961] {strides = array<i32>} : memref<2x10x8x512xf32, #tpu.memory_space<vmem>>, vector<16xf32>,
        tpu.vector_store %arg7[%swap3A_958, %swap3A_959, %swap3A_960, %swap3A_961], %gather3A_953 {strides = array<i32>} : memref<2x10x8x512xf32, #tpu.memory_space<vmem>>, vector<16xf32>,
        %scan3A_963 = arith.constant 2 : i32
        %scan3A_964 = arith.addi %scan3A_705, %scan3A_963 : i32
        %mul3A_965 = arith.constant 1 : i32
        %mul3A_966 = arith.muli %scan3A_964, %mul3A_965 : i32
        %add3A_967 = arith.constant 0 : i32
        %add3A_968 = arith.addi %add3A_967, %mul3A_966 : i32
        %mul3A_969 = arith.constant 16 : i32
        %mul3A_970 = arith.muli %add3A_968, %mul3A_969 : i32
        %get3A_971 = arith.index_cast %add3A_699 : i32 to index
        %get3A_972 = arith.index_cast %mul3A_970 : i32 to index
        %get3A_973 = tpu.vector_load %arg6[%get3A_971, %get3A_972] {strides = array<i32>} : memref<8x512xi32, #tpu.memory_space<vmem>>, vector<16xi32>,
        %gather3A_974 = arith.constant 0 : i32
        %gather3A_975 = tpu.memref_slice %arg5[%gather3A_974] : memref<240xf32, #tpu.memory_space<vmem>> -> memref<24xf32, #tpu.memory_space<vmem>>
        %gather3A_976 = tpu.vector_load_idx %gather3A_975[%get3A_973] : memref<24xf32, #tpu.memory_space<vmem>>[vector<16xi32>], vector<16xf32>,
        %mul3A_977 = arith.constant 16 : i32
        %mul3A_978 = arith.muli %add3A_968, %mul3A_977 : i32
        %swap3A_979 = arith.constant 0 : i32
        %swap3A_980 = arith.constant 0 : i32
        %swap3A_981 = arith.index_cast %swap3A_979 : i32 to index
        %swap3A_982 = arith.index_cast %swap3A_980 : i32 to index
        %swap3A_983 = arith.index_cast %add3A_699 : i32 to index
        %swap3A_984 = arith.index_cast %mul3A_978 : i32 to index
        %swap3A_985 = tpu.vector_load %arg7[%swap3A_981, %swap3A_982, %swap3A_983, %swap3A_984] {strides = array<i32>} : memref<2x10x8x512xf32, #tpu.memory_space<vmem>>, vector<16xf32>,
        tpu.vector_store %arg7[%swap3A_981, %swap3A_982, %swap3A_983, %swap3A_984], %gather3A_976 {strides = array<i32>} : memref<2x10x8x512xf32, #tpu.memory_space<vmem>>, vector<16xf32>,
        %gather3A_986 = arith.constant 24 : i32
        %gather3A_987 = tpu.memref_slice %arg5[%gather3A_986] : memref<240xf32, #tpu.memory_space<vmem>> -> memref<24xf32, #tpu.memory_space<vmem>>
        %gather3A_988 = tpu.vector_load_idx %gather3A_987[%get3A_973] : memref<24xf32, #tpu.memory_space<vmem>>[vector<16xi32>], vector<16xf32>,
        %mul3A_989 = arith.constant 16 : i32
        %mul3A_990 = arith.muli %add3A_968, %mul3A_989 : i32
        %swap3A_991 = arith.constant 0 : i32
        %swap3A_992 = arith.constant 1 : i32
        %swap3A_993 = arith.index_cast %swap3A_991 : i32 to index
        %swap3A_994 = arith.index_cast %swap3A_992 : i32 to index
        %swap3A_995 = arith.index_cast %add3A_699 : i32 to index
        %swap3A_996 = arith.index_cast %mul3A_990 : i32 to index
        %swap3A_997 = tpu.vector_load %arg7[%swap3A_993, %swap3A_994, %swap3A_995, %swap3A_996] {strides = array<i32>} : memref<2x10x8x512xf32, #tpu.memory_space<vmem>>, vector<16xf32>,
        tpu.vector_store %arg7[%swap3A_993, %swap3A_994, %swap3A_995, %swap3A_996], %gather3A_988 {strides = array<i32>} : memref<2x10x8x512xf32, #tpu.memory_space<vmem>>, vector<16xf32>,
        %gather3A_998 = arith.constant 48 : i32
        %gather3A_999 = tpu.memref_slice %arg5[%gather3A_998] : memref<240xf32, #tpu.memory_space<vmem>> -> memref<24xf32, #tpu.memory_space<vmem>>
        %gather3A_1000 = tpu.vector_load_idx %gather3A_999[%get3A_973] : memref<24xf32, #tpu.memory_space<vmem>>[vector<16xi32>], vector<16xf32>,
        %mul3A_1001 = arith.constant 16 : i32
        %mul3A_1002 = arith.muli %add3A_968, %mul3A_1001 : i32
        %swap3A_1003 = arith.constant 0 : i32
        %swap3A_1004 = arith.constant 2 : i32
        %swap3A_1005 = arith.index_cast %swap3A_1003 : i32 to index
        %swap3A_1006 = arith.index_cast %swap3A_1004 : i32 to index
        %swap3A_1007 = arith.index_cast %add3A_699 : i32 to index
        %swap3A_1008 = arith.index_cast %mul3A_1002 : i32 to index
        %swap3A_1009 = tpu.vector_load %arg7[%swap3A_1005, %swap3A_1006, %swap3A_1007, %swap3A_1008] {strides = array<i32>} : memref<2x10x8x512xf32, #tpu.memory_space<vmem>>, vector<16xf32>,
        tpu.vector_store %arg7[%swap3A_1005, %swap3A_1006, %swap3A_1007, %swap3A_1008], %gather3A_1000 {strides = array<i32>} : memref<2x10x8x512xf32, #tpu.memory_space<vmem>>, vector<16xf32>,
        %gather3A_1010 = arith.constant 72 : i32
        %gather3A_1011 = tpu.memref_slice %arg5[%gather3A_1010] : memref<240xf32, #tpu.memory_space<vmem>> -> memref<24xf32, #tpu.memory_space<vmem>>
        %gather3A_1012 = tpu.vector_load_idx %gather3A_1011[%get3A_973] : memref<24xf32, #tpu.memory_space<vmem>>[vector<16xi32>], vector<16xf32>,
        %mul3A_1013 = arith.constant 16 : i32
        %mul3A_1014 = arith.muli %add3A_968, %mul3A_1013 : i32
        %swap3A_1015 = arith.constant 0 : i32
        %swap3A_1016 = arith.constant 3 : i32
        %swap3A_1017 = arith.index_cast %swap3A_1015 : i32 to index
        %swap3A_1018 = arith.index_cast %swap3A_1016 : i32 to index
        %swap3A_1019 = arith.index_cast %add3A_699 : i32 to index
        %swap3A_1020 = arith.index_cast %mul3A_1014 : i32 to index
        %swap3A_1021 = tpu.vector_load %arg7[%swap3A_1017, %swap3A_1018, %swap3A_1019, %swap3A_1020] {strides = array<i32>} : memref<2x10x8x512xf32, #tpu.memory_space<vmem>>, vector<16xf32>,
        tpu.vector_store %arg7[%swap3A_1017, %swap3A_1018, %swap3A_1019, %swap3A_1020], %gather3A_1012 {strides = array<i32>} : memref<2x10x8x512xf32, #tpu.memory_space<vmem>>, vector<16xf32>,
        %gather3A_1022 = arith.constant 96 : i32
        %gather3A_1023 = tpu.memref_slice %arg5[%gather3A_1022] : memref<240xf32, #tpu.memory_space<vmem>> -> memref<24xf32, #tpu.memory_space<vmem>>
        %gather3A_1024 = tpu.vector_load_idx %gather3A_1023[%get3A_973] : memref<24xf32, #tpu.memory_space<vmem>>[vector<16xi32>], vector<16xf32>,
        %mul3A_1025 = arith.constant 16 : i32
        %mul3A_1026 = arith.muli %add3A_968, %mul3A_1025 : i32
        %swap3A_1027 = arith.constant 0 : i32
        %swap3A_1028 = arith.constant 4 : i32
        %swap3A_1029 = arith.index_cast %swap3A_1027 : i32 to index
        %swap3A_1030 = arith.index_cast %swap3A_1028 : i32 to index
        %swap3A_1031 = arith.index_cast %add3A_699 : i32 to index
        %swap3A_1032 = arith.index_cast %mul3A_1026 : i32 to index
        %swap3A_1033 = tpu.vector_load %arg7[%swap3A_1029, %swap3A_1030, %swap3A_1031, %swap3A_1032] {strides = array<i32>} : memref<2x10x8x512xf32, #tpu.memory_space<vmem>>, vector<16xf32>,
        tpu.vector_store %arg7[%swap3A_1029, %swap3A_1030, %swap3A_1031, %swap3A_1032], %gather3A_1024 {strides = array<i32>} : memref<2x10x8x512xf32, #tpu.memory_space<vmem>>, vector<16xf32>,
        %gather3A_1034 = arith.constant 120 : i32
        %gather3A_1035 = tpu.memref_slice %arg5[%gather3A_1034] : memref<240xf32, #tpu.memory_space<vmem>> -> memref<24xf32, #tpu.memory_space<vmem>>
        %gather3A_1036 = tpu.vector_load_idx %gather3A_1035[%get3A_973] : memref<24xf32, #tpu.memory_space<vmem>>[vector<16xi32>], vector<16xf32>,
        %mul3A_1037 = arith.constant 16 : i32
        %mul3A_1038 = arith.muli %add3A_968, %mul3A_1037 : i32
        %swap3A_1039 = arith.constant 0 : i32
        %swap3A_1040 = arith.constant 5 : i32
        %swap3A_1041 = arith.index_cast %swap3A_1039 : i32 to index
        %swap3A_1042 = arith.index_cast %swap3A_1040 : i32 to index
        %swap3A_1043 = arith.index_cast %add3A_699 : i32 to index
        %swap3A_1044 = arith.index_cast %mul3A_1038 : i32 to index
        %swap3A_1045 = tpu.vector_load %arg7[%swap3A_1041, %swap3A_1042, %swap3A_1043, %swap3A_1044] {strides = array<i32>} : memref<2x10x8x512xf32, #tpu.memory_space<vmem>>, vector<16xf32>,
        tpu.vector_store %arg7[%swap3A_1041, %swap3A_1042, %swap3A_1043, %swap3A_1044], %gather3A_1036 {strides = array<i32>} : memref<2x10x8x512xf32, #tpu.memory_space<vmem>>, vector<16xf32>,
        %gather3A_1046 = arith.constant 144 : i32
        %gather3A_1047 = tpu.memref_slice %arg5[%gather3A_1046] : memref<240xf32, #tpu.memory_space<vmem>> -> memref<24xf32, #tpu.memory_space<vmem>>
        %gather3A_1048 = tpu.vector_load_idx %gather3A_1047[%get3A_973] : memref<24xf32, #tpu.memory_space<vmem>>[vector<16xi32>], vector<16xf32>,
        %mul3A_1049 = arith.constant 16 : i32
        %mul3A_1050 = arith.muli %add3A_968, %mul3A_1049 : i32
        %swap3A_1051 = arith.constant 0 : i32
        %swap3A_1052 = arith.constant 6 : i32
        %swap3A_1053 = arith.index_cast %swap3A_1051 : i32 to index
        %swap3A_1054 = arith.index_cast %swap3A_1052 : i32 to index
        %swap3A_1055 = arith.index_cast %add3A_699 : i32 to index
        %swap3A_1056 = arith.index_cast %mul3A_1050 : i32 to index
        %swap3A_1057 = tpu.vector_load %arg7[%swap3A_1053, %swap3A_1054, %swap3A_1055, %swap3A_1056] {strides = array<i32>} : memref<2x10x8x512xf32, #tpu.memory_space<vmem>>, vector<16xf32>,
        tpu.vector_store %arg7[%swap3A_1053, %swap3A_1054, %swap3A_1055, %swap3A_1056], %gather3A_1048 {strides = array<i32>} : memref<2x10x8x512xf32, #tpu.memory_space<vmem>>, vector<16xf32>,
        %gather3A_1058 = arith.constant 168 : i32
        %gather3A_1059 = tpu.memref_slice %arg5[%gather3A_1058] : memref<240xf32, #tpu.memory_space<vmem>> -> memref<24xf32, #tpu.memory_space<vmem>>
        %gather3A_1060 = tpu.vector_load_idx %gather3A_1059[%get3A_973] : memref<24xf32, #tpu.memory_space<vmem>>[vector<16xi32>], vector<16xf32>,
        %mul3A_1061 = arith.constant 16 : i32
        %mul3A_1062 = arith.muli %add3A_968, %mul3A_1061 : i32
        %swap3A_1063 = arith.constant 0 : i32
        %swap3A_1064 = arith.constant 7 : i32
        %swap3A_1065 = arith.index_cast %swap3A_1063 : i32 to index
        %swap3A_1066 = arith.index_cast %swap3A_1064 : i32 to index
        %swap3A_1067 = arith.index_cast %add3A_699 : i32 to index
        %swap3A_1068 = arith.index_cast %mul3A_1062 : i32 to index
        %swap3A_1069 = tpu.vector_load %arg7[%swap3A_1065, %swap3A_1066, %swap3A_1067, %swap3A_1068] {strides = array<i32>} : memref<2x10x8x512xf32, #tpu.memory_space<vmem>>, vector<16xf32>,
        tpu.vector_store %arg7[%swap3A_1065, %swap3A_1066, %swap3A_1067, %swap3A_1068], %gather3A_1060 {strides = array<i32>} : memref<2x10x8x512xf32, #tpu.memory_space<vmem>>, vector<16xf32>,
        %gather3A_1070 = arith.constant 192 : i32
        %gather3A_1071 = tpu.memref_slice %arg5[%gather3A_1070] : memref<240xf32, #tpu.memory_space<vmem>> -> memref<24xf32, #tpu.memory_space<vmem>>
        %gather3A_1072 = tpu.vector_load_idx %gather3A_1071[%get3A_973] : memref<24xf32, #tpu.memory_space<vmem>>[vector<16xi32>], vector<16xf32>,
        %mul3A_1073 = arith.constant 16 : i32
        %mul3A_1074 = arith.muli %add3A_968, %mul3A_1073 : i32
        %swap3A_1075 = arith.constant 0 : i32
        %swap3A_1076 = arith.constant 8 : i32
        %swap3A_1077 = arith.index_cast %swap3A_1075 : i32 to index
        %swap3A_1078 = arith.index_cast %swap3A_1076 : i32 to index
        %swap3A_1079 = arith.index_cast %add3A_699 : i32 to index
        %swap3A_1080 = arith.index_cast %mul3A_1074 : i32 to index
        %swap3A_1081 = tpu.vector_load %arg7[%swap3A_1077, %swap3A_1078, %swap3A_1079, %swap3A_1080] {strides = array<i32>} : memref<2x10x8x512xf32, #tpu.memory_space<vmem>>, vector<16xf32>,
        tpu.vector_store %arg7[%swap3A_1077, %swap3A_1078, %swap3A_1079, %swap3A_1080], %gather3A_1072 {strides = array<i32>} : memref<2x10x8x512xf32, #tpu.memory_space<vmem>>, vector<16xf32>,
        %gather3A_1082 = arith.constant 216 : i32
        %gather3A_1083 = tpu.memref_slice %arg5[%gather3A_1082] : memref<240xf32, #tpu.memory_space<vmem>> -> memref<24xf32, #tpu.memory_space<vmem>>
        %gather3A_1084 = tpu.vector_load_idx %gather3A_1083[%get3A_973] : memref<24xf32, #tpu.memory_space<vmem>>[vector<16xi32>], vector<16xf32>,
        %mul3A_1085 = arith.constant 16 : i32
        %mul3A_1086 = arith.muli %add3A_968, %mul3A_1085 : i32
        %swap3A_1087 = arith.constant 0 : i32
        %swap3A_1088 = arith.constant 9 : i32
        %swap3A_1089 = arith.index_cast %swap3A_1087 : i32 to index
        %swap3A_1090 = arith.index_cast %swap3A_1088 : i32 to index
        %swap3A_1091 = arith.index_cast %add3A_699 : i32 to index
        %swap3A_1092 = arith.index_cast %mul3A_1086 : i32 to index
        %swap3A_1093 = tpu.vector_load %arg7[%swap3A_1089, %swap3A_1090, %swap3A_1091, %swap3A_1092] {strides = array<i32>} : memref<2x10x8x512xf32, #tpu.memory_space<vmem>>, vector<16xf32>,
        tpu.vector_store %arg7[%swap3A_1089, %swap3A_1090, %swap3A_1091, %swap3A_1092], %gather3A_1084 {strides = array<i32>} : memref<2x10x8x512xf32, #tpu.memory_space<vmem>>, vector<16xf32>,
        %scan3A_1094 = arith.constant 3 : i32
        %scan3A_1095 = arith.addi %scan3A_705, %scan3A_1094 : i32
        %mul3A_1096 = arith.constant 1 : i32
        %mul3A_1097 = arith.muli %scan3A_1095, %mul3A_1096 : i32
        %add3A_1098 = arith.constant 0 : i32
        %add3A_1099 = arith.addi %add3A_1098, %mul3A_1097 : i32
        %mul3A_1100 = arith.constant 16 : i32
        %mul3A_1101 = arith.muli %add3A_1099, %mul3A_1100 : i32
        %get3A_1102 = arith.index_cast %add3A_699 : i32 to index
        %get3A_1103 = arith.index_cast %mul3A_1101 : i32 to index
        %get3A_1104 = tpu.vector_load %arg6[%get3A_1102, %get3A_1103] {strides = array<i32>} : memref<8x512xi32, #tpu.memory_space<vmem>>, vector<16xi32>,
        %gather3A_1105 = arith.constant 0 : i32
        %gather3A_1106 = tpu.memref_slice %arg5[%gather3A_1105] : memref<240xf32, #tpu.memory_space<vmem>> -> memref<24xf32, #tpu.memory_space<vmem>>
        %gather3A_1107 = tpu.vector_load_idx %gather3A_1106[%get3A_1104] : memref<24xf32, #tpu.memory_space<vmem>>[vector<16xi32>], vector<16xf32>,
        %mul3A_1108 = arith.constant 16 : i32
        %mul3A_1109 = arith.muli %add3A_1099, %mul3A_1108 : i32
        %swap3A_1110 = arith.constant 0 : i32
        %swap3A_1111 = arith.constant 0 : i32
        %swap3A_1112 = arith.index_cast %swap3A_1110 : i32 to index
        %swap3A_1113 = arith.index_cast %swap3A_1111 : i32 to index
        %swap3A_1114 = arith.index_cast %add3A_699 : i32 to index
        %swap3A_1115 = arith.index_cast %mul3A_1109 : i32 to index
        %swap3A_1116 = tpu.vector_load %arg7[%swap3A_1112, %swap3A_1113, %swap3A_1114, %swap3A_1115] {strides = array<i32>} : memref<2x10x8x512xf32, #tpu.memory_space<vmem>>, vector<16xf32>,
        tpu.vector_store %arg7[%swap3A_1112, %swap3A_1113, %swap3A_1114, %swap3A_1115], %gather3A_1107 {strides = array<i32>} : memref<2x10x8x512xf32, #tpu.memory_space<vmem>>, vector<16xf32>,
        %gather3A_1117 = arith.constant 24 : i32
        %gather3A_1118 = tpu.memref_slice %arg5[%gather3A_1117] : memref<240xf32, #tpu.memory_space<vmem>> -> memref<24xf32, #tpu.memory_space<vmem>>
        %gather3A_1119 = tpu.vector_load_idx %gather3A_1118[%get3A_1104] : memref<24xf32, #tpu.memory_space<vmem>>[vector<16xi32>], vector<16xf32>,
        %mul3A_1120 = arith.constant 16 : i32
        %mul3A_1121 = arith.muli %add3A_1099, %mul3A_1120 : i32
        %swap3A_1122 = arith.constant 0 : i32
        %swap3A_1123 = arith.constant 1 : i32
        %swap3A_1124 = arith.index_cast %swap3A_1122 : i32 to index
        %swap3A_1125 = arith.index_cast %swap3A_1123 : i32 to index
        %swap3A_1126 = arith.index_cast %add3A_699 : i32 to index
        %swap3A_1127 = arith.index_cast %mul3A_1121 : i32 to index
        %swap3A_1128 = tpu.vector_load %arg7[%swap3A_1124, %swap3A_1125, %swap3A_1126, %swap3A_1127] {strides = array<i32>} : memref<2x10x8x512xf32, #tpu.memory_space<vmem>>, vector<16xf32>,
        tpu.vector_store %arg7[%swap3A_1124, %swap3A_1125, %swap3A_1126, %swap3A_1127], %gather3A_1119 {strides = array<i32>} : memref<2x10x8x512xf32, #tpu.memory_space<vmem>>, vector<16xf32>,
        %gather3A_1129 = arith.constant 48 : i32
        %gather3A_1130 = tpu.memref_slice %arg5[%gather3A_1129] : memref<240xf32, #tpu.memory_space<vmem>> -> memref<24xf32, #tpu.memory_space<vmem>>
        %gather3A_1131 = tpu.vector_load_idx %gather3A_1130[%get3A_1104] : memref<24xf32, #tpu.memory_space<vmem>>[vector<16xi32>], vector<16xf32>,
        %mul3A_1132 = arith.constant 16 : i32
        %mul3A_1133 = arith.muli %add3A_1099, %mul3A_1132 : i32
        %swap3A_1134 = arith.constant 0 : i32
        %swap3A_1135 = arith.constant 2 : i32
        %swap3A_1136 = arith.index_cast %swap3A_1134 : i32 to index
        %swap3A_1137 = arith.index_cast %swap3A_1135 : i32 to index
        %swap3A_1138 = arith.index_cast %add3A_699 : i32 to index
        %swap3A_1139 = arith.index_cast %mul3A_1133 : i32 to index
        %swap3A_1140 = tpu.vector_load %arg7[%swap3A_1136, %swap3A_1137, %swap3A_1138, %swap3A_1139] {strides = array<i32>} : memref<2x10x8x512xf32, #tpu.memory_space<vmem>>, vector<16xf32>,
        tpu.vector_store %arg7[%swap3A_1136, %swap3A_1137, %swap3A_1138, %swap3A_1139], %gather3A_1131 {strides = array<i32>} : memref<2x10x8x512xf32, #tpu.memory_space<vmem>>, vector<16xf32>,
        %gather3A_1141 = arith.constant 72 : i32
        %gather3A_1142 = tpu.memref_slice %arg5[%gather3A_1141] : memref<240xf32, #tpu.memory_space<vmem>> -> memref<24xf32, #tpu.memory_space<vmem>>
        %gather3A_1143 = tpu.vector_load_idx %gather3A_1142[%get3A_1104] : memref<24xf32, #tpu.memory_space<vmem>>[vector<16xi32>], vector<16xf32>,
        %mul3A_1144 = arith.constant 16 : i32
        %mul3A_1145 = arith.muli %add3A_1099, %mul3A_1144 : i32
        %swap3A_1146 = arith.constant 0 : i32
        %swap3A_1147 = arith.constant 3 : i32
        %swap3A_1148 = arith.index_cast %swap3A_1146 : i32 to index
        %swap3A_1149 = arith.index_cast %swap3A_1147 : i32 to index
        %swap3A_1150 = arith.index_cast %add3A_699 : i32 to index
        %swap3A_1151 = arith.index_cast %mul3A_1145 : i32 to index
        %swap3A_1152 = tpu.vector_load %arg7[%swap3A_1148, %swap3A_1149, %swap3A_1150, %swap3A_1151] {strides = array<i32>} : memref<2x10x8x512xf32, #tpu.memory_space<vmem>>, vector<16xf32>,
        tpu.vector_store %arg7[%swap3A_1148, %swap3A_1149, %swap3A_1150, %swap3A_1151], %gather3A_1143 {strides = array<i32>} : memref<2x10x8x512xf32, #tpu.memory_space<vmem>>, vector<16xf32>,
        %gather3A_1153 = arith.constant 96 : i32
        %gather3A_1154 = tpu.memref_slice %arg5[%gather3A_1153] : memref<240xf32, #tpu.memory_space<vmem>> -> memref<24xf32, #tpu.memory_space<vmem>>
        %gather3A_1155 = tpu.vector_load_idx %gather3A_1154[%get3A_1104] : memref<24xf32, #tpu.memory_space<vmem>>[vector<16xi32>], vector<16xf32>,
        %mul3A_1156 = arith.constant 16 : i32
        %mul3A_1157 = arith.muli %add3A_1099, %mul3A_1156 : i32
        %swap3A_1158 = arith.constant 0 : i32
        %swap3A_1159 = arith.constant 4 : i32
        %swap3A_1160 = arith.index_cast %swap3A_1158 : i32 to index
        %swap3A_1161 = arith.index_cast %swap3A_1159 : i32 to index
        %swap3A_1162 = arith.index_cast %add3A_699 : i32 to index
        %swap3A_1163 = arith.index_cast %mul3A_1157 : i32 to index
        %swap3A_1164 = tpu.vector_load %arg7[%swap3A_1160, %swap3A_1161, %swap3A_1162, %swap3A_1163] {strides = array<i32>} : memref<2x10x8x512xf32, #tpu.memory_space<vmem>>, vector<16xf32>,
        tpu.vector_store %arg7[%swap3A_1160, %swap3A_1161, %swap3A_1162, %swap3A_1163], %gather3A_1155 {strides = array<i32>} : memref<2x10x8x512xf32, #tpu.memory_space<vmem>>, vector<16xf32>,
        %gather3A_1165 = arith.constant 120 : i32
        %gather3A_1166 = tpu.memref_slice %arg5[%gather3A_1165] : memref<240xf32, #tpu.memory_space<vmem>> -> memref<24xf32, #tpu.memory_space<vmem>>
        %gather3A_1167 = tpu.vector_load_idx %gather3A_1166[%get3A_1104] : memref<24xf32, #tpu.memory_space<vmem>>[vector<16xi32>], vector<16xf32>,
        %mul3A_1168 = arith.constant 16 : i32
        %mul3A_1169 = arith.muli %add3A_1099, %mul3A_1168 : i32
        %swap3A_1170 = arith.constant 0 : i32
        %swap3A_1171 = arith.constant 5 : i32
        %swap3A_1172 = arith.index_cast %swap3A_1170 : i32 to index
        %swap3A_1173 = arith.index_cast %swap3A_1171 : i32 to index
        %swap3A_1174 = arith.index_cast %add3A_699 : i32 to index
        %swap3A_1175 = arith.index_cast %mul3A_1169 : i32 to index
        %swap3A_1176 = tpu.vector_load %arg7[%swap3A_1172, %swap3A_1173, %swap3A_1174, %swap3A_1175] {strides = array<i32>} : memref<2x10x8x512xf32, #tpu.memory_space<vmem>>, vector<16xf32>,
        tpu.vector_store %arg7[%swap3A_1172, %swap3A_1173, %swap3A_1174, %swap3A_1175], %gather3A_1167 {strides = array<i32>} : memref<2x10x8x512xf32, #tpu.memory_space<vmem>>, vector<16xf32>,
        %gather3A_1177 = arith.constant 144 : i32
        %gather3A_1178 = tpu.memref_slice %arg5[%gather3A_1177] : memref<240xf32, #tpu.memory_space<vmem>> -> memref<24xf32, #tpu.memory_space<vmem>>
        %gather3A_1179 = tpu.vector_load_idx %gather3A_1178[%get3A_1104] : memref<24xf32, #tpu.memory_space<vmem>>[vector<16xi32>], vector<16xf32>,
        %mul3A_1180 = arith.constant 16 : i32
        %mul3A_1181 = arith.muli %add3A_1099, %mul3A_1180 : i32
        %swap3A_1182 = arith.constant 0 : i32
        %swap3A_1183 = arith.constant 6 : i32
        %swap3A_1184 = arith.index_cast %swap3A_1182 : i32 to index
        %swap3A_1185 = arith.index_cast %swap3A_1183 : i32 to index
        %swap3A_1186 = arith.index_cast %add3A_699 : i32 to index
        %swap3A_1187 = arith.index_cast %mul3A_1181 : i32 to index
        %swap3A_1188 = tpu.vector_load %arg7[%swap3A_1184, %swap3A_1185, %swap3A_1186, %swap3A_1187] {strides = array<i32>} : memref<2x10x8x512xf32, #tpu.memory_space<vmem>>, vector<16xf32>,
        tpu.vector_store %arg7[%swap3A_1184, %swap3A_1185, %swap3A_1186, %swap3A_1187], %gather3A_1179 {strides = array<i32>} : memref<2x10x8x512xf32, #tpu.memory_space<vmem>>, vector<16xf32>,
        %gather3A_1189 = arith.constant 168 : i32
        %gather3A_1190 = tpu.memref_slice %arg5[%gather3A_1189] : memref<240xf32, #tpu.memory_space<vmem>> -> memref<24xf32, #tpu.memory_space<vmem>>
        %gather3A_1191 = tpu.vector_load_idx %gather3A_1190[%get3A_1104] : memref<24xf32, #tpu.memory_space<vmem>>[vector<16xi32>], vector<16xf32>,
        %mul3A_1192 = arith.constant 16 : i32
        %mul3A_1193 = arith.muli %add3A_1099, %mul3A_1192 : i32
        %swap3A_1194 = arith.constant 0 : i32
        %swap3A_1195 = arith.constant 7 : i32
        %swap3A_1196 = arith.index_cast %swap3A_1194 : i32 to index
        %swap3A_1197 = arith.index_cast %swap3A_1195 : i32 to index
        %swap3A_1198 = arith.index_cast %add3A_699 : i32 to index
        %swap3A_1199 = arith.index_cast %mul3A_1193 : i32 to index
        %swap3A_1200 = tpu.vector_load %arg7[%swap3A_1196, %swap3A_1197, %swap3A_1198, %swap3A_1199] {strides = array<i32>} : memref<2x10x8x512xf32, #tpu.memory_space<vmem>>, vector<16xf32>,
        tpu.vector_store %arg7[%swap3A_1196, %swap3A_1197, %swap3A_1198, %swap3A_1199], %gather3A_1191 {strides = array<i32>} : memref<2x10x8x512xf32, #tpu.memory_space<vmem>>, vector<16xf32>,
        %gather3A_1201 = arith.constant 192 : i32
        %gather3A_1202 = tpu.memref_slice %arg5[%gather3A_1201] : memref<240xf32, #tpu.memory_space<vmem>> -> memref<24xf32, #tpu.memory_space<vmem>>
        %gather3A_1203 = tpu.vector_load_idx %gather3A_1202[%get3A_1104] : memref<24xf32, #tpu.memory_space<vmem>>[vector<16xi32>], vector<16xf32>,
        %mul3A_1204 = arith.constant 16 : i32
        %mul3A_1205 = arith.muli %add3A_1099, %mul3A_1204 : i32
        %swap3A_1206 = arith.constant 0 : i32
        %swap3A_1207 = arith.constant 8 : i32
        %swap3A_1208 = arith.index_cast %swap3A_1206 : i32 to index
        %swap3A_1209 = arith.index_cast %swap3A_1207 : i32 to index
        %swap3A_1210 = arith.index_cast %add3A_699 : i32 to index
        %swap3A_1211 = arith.index_cast %mul3A_1205 : i32 to index
        %swap3A_1212 = tpu.vector_load %arg7[%swap3A_1208, %swap3A_1209, %swap3A_1210, %swap3A_1211] {strides = array<i32>} : memref<2x10x8x512xf32, #tpu.memory_space<vmem>>, vector<16xf32>,
        tpu.vector_store %arg7[%swap3A_1208, %swap3A_1209, %swap3A_1210, %swap3A_1211], %gather3A_1203 {strides = array<i32>} : memref<2x10x8x512xf32, #tpu.memory_space<vmem>>, vector<16xf32>,
        %gather3A_1213 = arith.constant 216 : i32
        %gather3A_1214 = tpu.memref_slice %arg5[%gather3A_1213] : memref<240xf32, #tpu.memory_space<vmem>> -> memref<24xf32, #tpu.memory_space<vmem>>
        %gather3A_1215 = tpu.vector_load_idx %gather3A_1214[%get3A_1104] : memref<24xf32, #tpu.memory_space<vmem>>[vector<16xi32>], vector<16xf32>,
        %mul3A_1216 = arith.constant 16 : i32
        %mul3A_1217 = arith.muli %add3A_1099, %mul3A_1216 : i32
        %swap3A_1218 = arith.constant 0 : i32
        %swap3A_1219 = arith.constant 9 : i32
        %swap3A_1220 = arith.index_cast %swap3A_1218 : i32 to index
        %swap3A_1221 = arith.index_cast %swap3A_1219 : i32 to index
        %swap3A_1222 = arith.index_cast %add3A_699 : i32 to index
        %swap3A_1223 = arith.index_cast %mul3A_1217 : i32 to index
        %swap3A_1224 = tpu.vector_load %arg7[%swap3A_1220, %swap3A_1221, %swap3A_1222, %swap3A_1223] {strides = array<i32>} : memref<2x10x8x512xf32, #tpu.memory_space<vmem>>, vector<16xf32>,
        tpu.vector_store %arg7[%swap3A_1220, %swap3A_1221, %swap3A_1222, %swap3A_1223], %gather3A_1215 {strides = array<i32>} : memref<2x10x8x512xf32, #tpu.memory_space<vmem>>, vector<16xf32>,
      }
      %scan3A_704 = arith.constant 32 : i32
    }
    %scan3A_6 = arith.constant 8 : i32
    %dma_start3A = arith.constant 0 : i32
    %dma_start3A_7 = arith.constant 0 : i32
    %dma_start3A_8 = arith.constant 0 : i32
    %dma_start3A_9 = arith.constant 0 : i32
    %dma_start3A_10 = arith.constant 0 : i32
    %dma_start3A_11 = tpu.memref_slice %arg7[%dma_start3A, %dma_start3A_7, %dma_start3A_9, %dma_start3A_10] : memref<2x10x8x512xf32, #tpu.memory_space<vmem>> -> memref<1x1x8x512xf32, #tpu.memory_space<vmem>>
    %dma_start3A_12 = tpu.memref_squeeze %dma_start3A_11 : memref<1x1x8x512xf32, #tpu.memory_space<vmem>> -> memref<8x512xf32, #tpu.memory_space<vmem>>
    %dma_start3A_13 = arith.constant 0 : i32
    %dma_start3A_14 = tpu.memref_slice %arg4[%dma_start3A_8, %dma_start3A_13, %mul3A_2] : memref<10x200x16384xf32, #tpu.memory_space<hbm>> -> memref<1x8x512xf32, #tpu.memory_space<hbm>>
    %dma_start3A_15 = tpu.memref_squeeze %dma_start3A_14 : memref<1x8x512xf32, #tpu.memory_space<hbm>> -> memref<8x512xf32, #tpu.memory_space<hbm>>
    %dma_start3A_16 = arith.constant 0 : i32
    %dma_start3A_17 = tpu.memref_slice %arg4[%dma_start3A_8, %dma_start3A_16, %mul3A_2] : memref<10x200x16384xf32, #tpu.memory_space<hbm>> -> memref<1x8x512xf32, #tpu.memory_space<hbm>>
    %dma_start3A_18 = tpu.memref_squeeze %dma_start3A_17 : memref<1x8x512xf32, #tpu.memory_space<hbm>> -> memref<8x512xf32, #tpu.memory_space<hbm>>
    %dma_start3A_19 = arith.constant 0 : i32
    %dma_start3A_20 = arith.constant 0 : i32
    %dma_start3A_21 = tpu.memref_slice %arg7[%dma_start3A, %dma_start3A_7, %dma_start3A_19, %dma_start3A_20] : memref<2x10x8x512xf32, #tpu.memory_space<vmem>> -> memref<1x1x8x512xf32, #tpu.memory_space<vmem>>
    %dma_start3A_22 = tpu.memref_squeeze %dma_start3A_21 : memref<1x1x8x512xf32, #tpu.memory_space<vmem>> -> memref<8x512xf32, #tpu.memory_space<vmem>>
    tpu.enqueue_dma source(%dma_start3A_22 : memref<8x512xf32, #tpu.memory_space<vmem>>) target(%dma_start3A_18 : memref<8x512xf32, #tpu.memory_space<hbm>>) target_semaphore(%arg8 : memref<!tpu.dma_semaphore, #tpu.memory_space<semaphore_mem>>)
    %dma_start3A_23 = arith.constant 0 : i32
    %dma_start3A_24 = arith.constant 1 : i32
    %dma_start3A_25 = arith.constant 1 : i32
    %dma_start3A_26 = arith.constant 0 : i32
    %dma_start3A_27 = arith.constant 0 : i32
    %dma_start3A_28 = tpu.memref_slice %arg7[%dma_start3A_23, %dma_start3A_24, %dma_start3A_26, %dma_start3A_27] : memref<2x10x8x512xf32, #tpu.memory_space<vmem>> -> memref<1x1x8x512xf32, #tpu.memory_space<vmem>>
    %dma_start3A_29 = tpu.memref_squeeze %dma_start3A_28 : memref<1x1x8x512xf32, #tpu.memory_space<vmem>> -> memref<8x512xf32, #tpu.memory_space<vmem>>
    %dma_start3A_30 = arith.constant 0 : i32
    %dma_start3A_31 = tpu.memref_slice %arg4[%dma_start3A_25, %dma_start3A_30, %mul3A_2] : memref<10x200x16384xf32, #tpu.memory_space<hbm>> -> memref<1x8x512xf32, #tpu.memory_space<hbm>>
    %dma_start3A_32 = tpu.memref_squeeze %dma_start3A_31 : memref<1x8x512xf32, #tpu.memory_space<hbm>> -> memref<8x512xf32, #tpu.memory_space<hbm>>
    %dma_start3A_33 = arith.constant 0 : i32
    %dma_start3A_34 = tpu.memref_slice %arg4[%dma_start3A_25, %dma_start3A_33, %mul3A_2] : memref<10x200x16384xf32, #tpu.memory_space<hbm>> -> memref<1x8x512xf32, #tpu.memory_space<hbm>>
    %dma_start3A_35 = tpu.memref_squeeze %dma_start3A_34 : memref<1x8x512xf32, #tpu.memory_space<hbm>> -> memref<8x512xf32, #tpu.memory_space<hbm>>
    %dma_start3A_36 = arith.constant 0 : i32
    %dma_start3A_37 = arith.constant 0 : i32
    %dma_start3A_38 = tpu.memref_slice %arg7[%dma_start3A_23, %dma_start3A_24, %dma_start3A_36, %dma_start3A_37] : memref<2x10x8x512xf32, #tpu.memory_space<vmem>> -> memref<1x1x8x512xf32, #tpu.memory_space<vmem>>
    %dma_start3A_39 = tpu.memref_squeeze %dma_start3A_38 : memref<1x1x8x512xf32, #tpu.memory_space<vmem>> -> memref<8x512xf32, #tpu.memory_space<vmem>>
    tpu.enqueue_dma source(%dma_start3A_39 : memref<8x512xf32, #tpu.memory_space<vmem>>) target(%dma_start3A_35 : memref<8x512xf32, #tpu.memory_space<hbm>>) target_semaphore(%arg8 : memref<!tpu.dma_semaphore, #tpu.memory_space<semaphore_mem>>)
    %dma_start3A_40 = arith.constant 0 : i32
    %dma_start3A_41 = arith.constant 2 : i32
    %dma_start3A_42 = arith.constant 2 : i32
    %dma_start3A_43 = arith.constant 0 : i32
    %dma_start3A_44 = arith.constant 0 : i32
    %dma_start3A_45 = tpu.memref_slice %arg7[%dma_start3A_40, %dma_start3A_41, %dma_start3A_43, %dma_start3A_44] : memref<2x10x8x512xf32, #tpu.memory_space<vmem>> -> memref<1x1x8x512xf32, #tpu.memory_space<vmem>>
    %dma_start3A_46 = tpu.memref_squeeze %dma_start3A_45 : memref<1x1x8x512xf32, #tpu.memory_space<vmem>> -> memref<8x512xf32, #tpu.memory_space<vmem>>
    %dma_start3A_47 = arith.constant 0 : i32
    %dma_start3A_48 = tpu.memref_slice %arg4[%dma_start3A_42, %dma_start3A_47, %mul3A_2] : memref<10x200x16384xf32, #tpu.memory_space<hbm>> -> memref<1x8x512xf32, #tpu.memory_space<hbm>>
    %dma_start3A_49 = tpu.memref_squeeze %dma_start3A_48 : memref<1x8x512xf32, #tpu.memory_space<hbm>> -> memref<8x512xf32, #tpu.memory_space<hbm>>
    %dma_start3A_50 = arith.constant 0 : i32
    %dma_start3A_51 = tpu.memref_slice %arg4[%dma_start3A_42, %dma_start3A_50, %mul3A_2] : memref<10x200x16384xf32, #tpu.memory_space<hbm>> -> memref<1x8x512xf32, #tpu.memory_space<hbm>>
    %dma_start3A_52 = tpu.memref_squeeze %dma_start3A_51 : memref<1x8x512xf32, #tpu.memory_space<hbm>> -> memref<8x512xf32, #tpu.memory_space<hbm>>
    %dma_start3A_53 = arith.constant 0 : i32
    %dma_start3A_54 = arith.constant 0 : i32
    %dma_start3A_55 = tpu.memref_slice %arg7[%dma_start3A_40, %dma_start3A_41, %dma_start3A_53, %dma_start3A_54] : memref<2x10x8x512xf32, #tpu.memory_space<vmem>> -> memref<1x1x8x512xf32, #tpu.memory_space<vmem>>
    %dma_start3A_56 = tpu.memref_squeeze %dma_start3A_55 : memref<1x1x8x512xf32, #tpu.memory_space<vmem>> -> memref<8x512xf32, #tpu.memory_space<vmem>>
    tpu.enqueue_dma source(%dma_start3A_56 : memref<8x512xf32, #tpu.memory_space<vmem>>) target(%dma_start3A_52 : memref<8x512xf32, #tpu.memory_space<hbm>>) target_semaphore(%arg8 : memref<!tpu.dma_semaphore, #tpu.memory_space<semaphore_mem>>)
    %dma_start3A_57 = arith.constant 0 : i32
    %dma_start3A_58 = arith.constant 3 : i32
    %dma_start3A_59 = arith.constant 3 : i32
    %dma_start3A_60 = arith.constant 0 : i32
    %dma_start3A_61 = arith.constant 0 : i32
    %dma_start3A_62 = tpu.memref_slice %arg7[%dma_start3A_57, %dma_start3A_58, %dma_start3A_60, %dma_start3A_61] : memref<2x10x8x512xf32, #tpu.memory_space<vmem>> -> memref<1x1x8x512xf32, #tpu.memory_space<vmem>>
    %dma_start3A_63 = tpu.memref_squeeze %dma_start3A_62 : memref<1x1x8x512xf32, #tpu.memory_space<vmem>> -> memref<8x512xf32, #tpu.memory_space<vmem>>
    %dma_start3A_64 = arith.constant 0 : i32
    %dma_start3A_65 = tpu.memref_slice %arg4[%dma_start3A_59, %dma_start3A_64, %mul3A_2] : memref<10x200x16384xf32, #tpu.memory_space<hbm>> -> memref<1x8x512xf32, #tpu.memory_space<hbm>>
    %dma_start3A_66 = tpu.memref_squeeze %dma_start3A_65 : memref<1x8x512xf32, #tpu.memory_space<hbm>> -> memref<8x512xf32, #tpu.memory_space<hbm>>
    %dma_start3A_67 = arith.constant 0 : i32
    %dma_start3A_68 = tpu.memref_slice %arg4[%dma_start3A_59, %dma_start3A_67, %mul3A_2] : memref<10x200x16384xf32, #tpu.memory_space<hbm>> -> memref<1x8x512xf32, #tpu.memory_space<hbm>>
    %dma_start3A_69 = tpu.memref_squeeze %dma_start3A_68 : memref<1x8x512xf32, #tpu.memory_space<hbm>> -> memref<8x512xf32, #tpu.memory_space<hbm>>
    %dma_start3A_70 = arith.constant 0 : i32
    %dma_start3A_71 = arith.constant 0 : i32
    %dma_start3A_72 = tpu.memref_slice %arg7[%dma_start3A_57, %dma_start3A_58, %dma_start3A_70, %dma_start3A_71] : memref<2x10x8x512xf32, #tpu.memory_space<vmem>> -> memref<1x1x8x512xf32, #tpu.memory_space<vmem>>
    %dma_start3A_73 = tpu.memref_squeeze %dma_start3A_72 : memref<1x1x8x512xf32, #tpu.memory_space<vmem>> -> memref<8x512xf32, #tpu.memory_space<vmem>>
    tpu.enqueue_dma source(%dma_start3A_73 : memref<8x512xf32, #tpu.memory_space<vmem>>) target(%dma_start3A_69 : memref<8x512xf32, #tpu.memory_space<hbm>>) target_semaphore(%arg8 : memref<!tpu.dma_semaphore, #tpu.memory_space<semaphore_mem>>)
    %dma_start3A_74 = arith.constant 0 : i32
    %dma_start3A_75 = arith.constant 4 : i32
    %dma_start3A_76 = arith.constant 4 : i32
    %dma_start3A_77 = arith.constant 0 : i32
    %dma_start3A_78 = arith.constant 0 : i32
    %dma_start3A_79 = tpu.memref_slice %arg7[%dma_start3A_74, %dma_start3A_75, %dma_start3A_77, %dma_start3A_78] : memref<2x10x8x512xf32, #tpu.memory_space<vmem>> -> memref<1x1x8x512xf32, #tpu.memory_space<vmem>>
    %dma_start3A_80 = tpu.memref_squeeze %dma_start3A_79 : memref<1x1x8x512xf32, #tpu.memory_space<vmem>> -> memref<8x512xf32, #tpu.memory_space<vmem>>
    %dma_start3A_81 = arith.constant 0 : i32
    %dma_start3A_82 = tpu.memref_slice %arg4[%dma_start3A_76, %dma_start3A_81, %mul3A_2] : memref<10x200x16384xf32, #tpu.memory_space<hbm>> -> memref<1x8x512xf32, #tpu.memory_space<hbm>>
    %dma_start3A_83 = tpu.memref_squeeze %dma_start3A_82 : memref<1x8x512xf32, #tpu.memory_space<hbm>> -> memref<8x512xf32, #tpu.memory_space<hbm>>
    %dma_start3A_84 = arith.constant 0 : i32
    %dma_start3A_85 = tpu.memref_slice %arg4[%dma_start3A_76, %dma_start3A_84, %mul3A_2] : memref<10x200x16384xf32, #tpu.memory_space<hbm>> -> memref<1x8x512xf32, #tpu.memory_space<hbm>>
    %dma_start3A_86 = tpu.memref_squeeze %dma_start3A_85 : memref<1x8x512xf32, #tpu.memory_space<hbm>> -> memref<8x512xf32, #tpu.memory_space<hbm>>
    %dma_start3A_87 = arith.constant 0 : i32
    %dma_start3A_88 = arith.constant 0 : i32
    %dma_start3A_89 = tpu.memref_slice %arg7[%dma_start3A_74, %dma_start3A_75, %dma_start3A_87, %dma_start3A_88] : memref<2x10x8x512xf32, #tpu.memory_space<vmem>> -> memref<1x1x8x512xf32, #tpu.memory_space<vmem>>
    %dma_start3A_90 = tpu.memref_squeeze %dma_start3A_89 : memref<1x1x8x512xf32, #tpu.memory_space<vmem>> -> memref<8x512xf32, #tpu.memory_space<vmem>>
    tpu.enqueue_dma source(%dma_start3A_90 : memref<8x512xf32, #tpu.memory_space<vmem>>) target(%dma_start3A_86 : memref<8x512xf32, #tpu.memory_space<hbm>>) target_semaphore(%arg8 : memref<!tpu.dma_semaphore, #tpu.memory_space<semaphore_mem>>)
    %dma_start3A_91 = arith.constant 0 : i32
    %dma_start3A_92 = arith.constant 5 : i32
    %dma_start3A_93 = arith.constant 5 : i32
    %dma_start3A_94 = arith.constant 0 : i32
    %dma_start3A_95 = arith.constant 0 : i32
    %dma_start3A_96 = tpu.memref_slice %arg7[%dma_start3A_91, %dma_start3A_92, %dma_start3A_94, %dma_start3A_95] : memref<2x10x8x512xf32, #tpu.memory_space<vmem>> -> memref<1x1x8x512xf32, #tpu.memory_space<vmem>>
    %dma_start3A_97 = tpu.memref_squeeze %dma_start3A_96 : memref<1x1x8x512xf32, #tpu.memory_space<vmem>> -> memref<8x512xf32, #tpu.memory_space<vmem>>
    %dma_start3A_98 = arith.constant 0 : i32
    %dma_start3A_99 = tpu.memref_slice %arg4[%dma_start3A_93, %dma_start3A_98, %mul3A_2] : memref<10x200x16384xf32, #tpu.memory_space<hbm>> -> memref<1x8x512xf32, #tpu.memory_space<hbm>>
    %dma_start3A_100 = tpu.memref_squeeze %dma_start3A_99 : memref<1x8x512xf32, #tpu.memory_space<hbm>> -> memref<8x512xf32, #tpu.memory_space<hbm>>
    %dma_start3A_101 = arith.constant 0 : i32
    %dma_start3A_102 = tpu.memref_slice %arg4[%dma_start3A_93, %dma_start3A_101, %mul3A_2] : memref<10x200x16384xf32, #tpu.memory_space<hbm>> -> memref<1x8x512xf32, #tpu.memory_space<hbm>>
    %dma_start3A_103 = tpu.memref_squeeze %dma_start3A_102 : memref<1x8x512xf32, #tpu.memory_space<hbm>> -> memref<8x512xf32, #tpu.memory_space<hbm>>
    %dma_start3A_104 = arith.constant 0 : i32
    %dma_start3A_105 = arith.constant 0 : i32
    %dma_start3A_106 = tpu.memref_slice %arg7[%dma_start3A_91, %dma_start3A_92, %dma_start3A_104, %dma_start3A_105] : memref<2x10x8x512xf32, #tpu.memory_space<vmem>> -> memref<1x1x8x512xf32, #tpu.memory_space<vmem>>
    %dma_start3A_107 = tpu.memref_squeeze %dma_start3A_106 : memref<1x1x8x512xf32, #tpu.memory_space<vmem>> -> memref<8x512xf32, #tpu.memory_space<vmem>>
    tpu.enqueue_dma source(%dma_start3A_107 : memref<8x512xf32, #tpu.memory_space<vmem>>) target(%dma_start3A_103 : memref<8x512xf32, #tpu.memory_space<hbm>>) target_semaphore(%arg8 : memref<!tpu.dma_semaphore, #tpu.memory_space<semaphore_mem>>)
    %dma_start3A_108 = arith.constant 0 : i32
    %dma_start3A_109 = arith.constant 6 : i32
    %dma_start3A_110 = arith.constant 6 : i32
    %dma_start3A_111 = arith.constant 0 : i32
    %dma_start3A_112 = arith.constant 0 : i32
    %dma_start3A_113 = tpu.memref_slice %arg7[%dma_start3A_108, %dma_start3A_109, %dma_start3A_111, %dma_start3A_112] : memref<2x10x8x512xf32, #tpu.memory_space<vmem>> -> memref<1x1x8x512xf32, #tpu.memory_space<vmem>>
    %dma_start3A_114 = tpu.memref_squeeze %dma_start3A_113 : memref<1x1x8x512xf32, #tpu.memory_space<vmem>> -> memref<8x512xf32, #tpu.memory_space<vmem>>
    %dma_start3A_115 = arith.constant 0 : i32
    %dma_start3A_116 = tpu.memref_slice %arg4[%dma_start3A_110, %dma_start3A_115, %mul3A_2] : memref<10x200x16384xf32, #tpu.memory_space<hbm>> -> memref<1x8x512xf32, #tpu.memory_space<hbm>>
    %dma_start3A_117 = tpu.memref_squeeze %dma_start3A_116 : memref<1x8x512xf32, #tpu.memory_space<hbm>> -> memref<8x512xf32, #tpu.memory_space<hbm>>
    %dma_start3A_118 = arith.constant 0 : i32
    %dma_start3A_119 = tpu.memref_slice %arg4[%dma_start3A_110, %dma_start3A_118, %mul3A_2] : memref<10x200x16384xf32, #tpu.memory_space<hbm>> -> memref<1x8x512xf32, #tpu.memory_space<hbm>>
    %dma_start3A_120 = tpu.memref_squeeze %dma_start3A_119 : memref<1x8x512xf32, #tpu.memory_space<hbm>> -> memref<8x512xf32, #tpu.memory_space<hbm>>
    %dma_start3A_121 = arith.constant 0 : i32
    %dma_start3A_122 = arith.constant 0 : i32
    %dma_start3A_123 = tpu.memref_slice %arg7[%dma_start3A_108, %dma_start3A_109, %dma_start3A_121, %dma_start3A_122] : memref<2x10x8x512xf32, #tpu.memory_space<vmem>> -> memref<1x1x8x512xf32, #tpu.memory_space<vmem>>
    %dma_start3A_124 = tpu.memref_squeeze %dma_start3A_123 : memref<1x1x8x512xf32, #tpu.memory_space<vmem>> -> memref<8x512xf32, #tpu.memory_space<vmem>>
    tpu.enqueue_dma source(%dma_start3A_124 : memref<8x512xf32, #tpu.memory_space<vmem>>) target(%dma_start3A_120 : memref<8x512xf32, #tpu.memory_space<hbm>>) target_semaphore(%arg8 : memref<!tpu.dma_semaphore, #tpu.memory_space<semaphore_mem>>)
    %dma_start3A_125 = arith.constant 0 : i32
    %dma_start3A_126 = arith.constant 7 : i32
    %dma_start3A_127 = arith.constant 7 : i32
    %dma_start3A_128 = arith.constant 0 : i32
    %dma_start3A_129 = arith.constant 0 : i32
    %dma_start3A_130 = tpu.memref_slice %arg7[%dma_start3A_125, %dma_start3A_126, %dma_start3A_128, %dma_start3A_129] : memref<2x10x8x512xf32, #tpu.memory_space<vmem>> -> memref<1x1x8x512xf32, #tpu.memory_space<vmem>>
    %dma_start3A_131 = tpu.memref_squeeze %dma_start3A_130 : memref<1x1x8x512xf32, #tpu.memory_space<vmem>> -> memref<8x512xf32, #tpu.memory_space<vmem>>
    %dma_start3A_132 = arith.constant 0 : i32
    %dma_start3A_133 = tpu.memref_slice %arg4[%dma_start3A_127, %dma_start3A_132, %mul3A_2] : memref<10x200x16384xf32, #tpu.memory_space<hbm>> -> memref<1x8x512xf32, #tpu.memory_space<hbm>>
    %dma_start3A_134 = tpu.memref_squeeze %dma_start3A_133 : memref<1x8x512xf32, #tpu.memory_space<hbm>> -> memref<8x512xf32, #tpu.memory_space<hbm>>
    %dma_start3A_135 = arith.constant 0 : i32
    %dma_start3A_136 = tpu.memref_slice %arg4[%dma_start3A_127, %dma_start3A_135, %mul3A_2] : memref<10x200x16384xf32, #tpu.memory_space<hbm>> -> memref<1x8x512xf32, #tpu.memory_space<hbm>>
    %dma_start3A_137 = tpu.memref_squeeze %dma_start3A_136 : memref<1x8x512xf32, #tpu.memory_space<hbm>> -> memref<8x512xf32, #tpu.memory_space<hbm>>
    %dma_start3A_138 = arith.constant 0 : i32
    %dma_start3A_139 = arith.constant 0 : i32
    %dma_start3A_140 = tpu.memref_slice %arg7[%dma_start3A_125, %dma_start3A_126, %dma_start3A_138, %dma_start3A_139] : memref<2x10x8x512xf32, #tpu.memory_space<vmem>> -> memref<1x1x8x512xf32, #tpu.memory_space<vmem>>
    %dma_start3A_141 = tpu.memref_squeeze %dma_start3A_140 : memref<1x1x8x512xf32, #tpu.memory_space<vmem>> -> memref<8x512xf32, #tpu.memory_space<vmem>>
    tpu.enqueue_dma source(%dma_start3A_141 : memref<8x512xf32, #tpu.memory_space<vmem>>) target(%dma_start3A_137 : memref<8x512xf32, #tpu.memory_space<hbm>>) target_semaphore(%arg8 : memref<!tpu.dma_semaphore, #tpu.memory_space<semaphore_mem>>)
    %dma_start3A_142 = arith.constant 0 : i32
    %dma_start3A_143 = arith.constant 8 : i32
    %dma_start3A_144 = arith.constant 8 : i32
    %dma_start3A_145 = arith.constant 0 : i32
    %dma_start3A_146 = arith.constant 0 : i32
    %dma_start3A_147 = tpu.memref_slice %arg7[%dma_start3A_142, %dma_start3A_143, %dma_start3A_145, %dma_start3A_146] : memref<2x10x8x512xf32, #tpu.memory_space<vmem>> -> memref<1x1x8x512xf32, #tpu.memory_space<vmem>>
    %dma_start3A_148 = tpu.memref_squeeze %dma_start3A_147 : memref<1x1x8x512xf32, #tpu.memory_space<vmem>> -> memref<8x512xf32, #tpu.memory_space<vmem>>
    %dma_start3A_149 = arith.constant 0 : i32
    %dma_start3A_150 = tpu.memref_slice %arg4[%dma_start3A_144, %dma_start3A_149, %mul3A_2] : memref<10x200x16384xf32, #tpu.memory_space<hbm>> -> memref<1x8x512xf32, #tpu.memory_space<hbm>>
    %dma_start3A_151 = tpu.memref_squeeze %dma_start3A_150 : memref<1x8x512xf32, #tpu.memory_space<hbm>> -> memref<8x512xf32, #tpu.memory_space<hbm>>
    %dma_start3A_152 = arith.constant 0 : i32
    %dma_start3A_153 = tpu.memref_slice %arg4[%dma_start3A_144, %dma_start3A_152, %mul3A_2] : memref<10x200x16384xf32, #tpu.memory_space<hbm>> -> memref<1x8x512xf32, #tpu.memory_space<hbm>>
    %dma_start3A_154 = tpu.memref_squeeze %dma_start3A_153 : memref<1x8x512xf32, #tpu.memory_space<hbm>> -> memref<8x512xf32, #tpu.memory_space<hbm>>
    %dma_start3A_155 = arith.constant 0 : i32
    %dma_start3A_156 = arith.constant 0 : i32
    %dma_start3A_157 = tpu.memref_slice %arg7[%dma_start3A_142, %dma_start3A_143, %dma_start3A_155, %dma_start3A_156] : memref<2x10x8x512xf32, #tpu.memory_space<vmem>> -> memref<1x1x8x512xf32, #tpu.memory_space<vmem>>
    %dma_start3A_158 = tpu.memref_squeeze %dma_start3A_157 : memref<1x1x8x512xf32, #tpu.memory_space<vmem>> -> memref<8x512xf32, #tpu.memory_space<vmem>>
    tpu.enqueue_dma source(%dma_start3A_158 : memref<8x512xf32, #tpu.memory_space<vmem>>) target(%dma_start3A_154 : memref<8x512xf32, #tpu.memory_space<hbm>>) target_semaphore(%arg8 : memref<!tpu.dma_semaphore, #tpu.memory_space<semaphore_mem>>)
    %dma_start3A_159 = arith.constant 0 : i32
    %dma_start3A_160 = arith.constant 9 : i32
    %dma_start3A_161 = arith.constant 9 : i32
    %dma_start3A_162 = arith.constant 0 : i32
    %dma_start3A_163 = arith.constant 0 : i32
    %dma_start3A_164 = tpu.memref_slice %arg7[%dma_start3A_159, %dma_start3A_160, %dma_start3A_162, %dma_start3A_163] : memref<2x10x8x512xf32, #tpu.memory_space<vmem>> -> memref<1x1x8x512xf32, #tpu.memory_space<vmem>>
    %dma_start3A_165 = tpu.memref_squeeze %dma_start3A_164 : memref<1x1x8x512xf32, #tpu.memory_space<vmem>> -> memref<8x512xf32, #tpu.memory_space<vmem>>
    %dma_start3A_166 = arith.constant 0 : i32
    %dma_start3A_167 = tpu.memref_slice %arg4[%dma_start3A_161, %dma_start3A_166, %mul3A_2] : memref<10x200x16384xf32, #tpu.memory_space<hbm>> -> memref<1x8x512xf32, #tpu.memory_space<hbm>>
    %dma_start3A_168 = tpu.memref_squeeze %dma_start3A_167 : memref<1x8x512xf32, #tpu.memory_space<hbm>> -> memref<8x512xf32, #tpu.memory_space<hbm>>
    %dma_start3A_169 = arith.constant 0 : i32
    %dma_start3A_170 = tpu.memref_slice %arg4[%dma_start3A_161, %dma_start3A_169, %mul3A_2] : memref<10x200x16384xf32, #tpu.memory_space<hbm>> -> memref<1x8x512xf32, #tpu.memory_space<hbm>>
    %dma_start3A_171 = tpu.memref_squeeze %dma_start3A_170 : memref<1x8x512xf32, #tpu.memory_space<hbm>> -> memref<8x512xf32, #tpu.memory_space<hbm>>
    %dma_start3A_172 = arith.constant 0 : i32
    %dma_start3A_173 = arith.constant 0 : i32
    %dma_start3A_174 = tpu.memref_slice %arg7[%dma_start3A_159, %dma_start3A_160, %dma_start3A_172, %dma_start3A_173] : memref<2x10x8x512xf32, #tpu.memory_space<vmem>> -> memref<1x1x8x512xf32, #tpu.memory_space<vmem>>
    %dma_start3A_175 = tpu.memref_squeeze %dma_start3A_174 : memref<1x1x8x512xf32, #tpu.memory_space<vmem>> -> memref<8x512xf32, #tpu.memory_space<vmem>>
    tpu.enqueue_dma source(%dma_start3A_175 : memref<8x512xf32, #tpu.memory_space<vmem>>) target(%dma_start3A_171 : memref<8x512xf32, #tpu.memory_space<hbm>>) target_semaphore(%arg8 : memref<!tpu.dma_semaphore, #tpu.memory_space<semaphore_mem>>)
    "tpu.region"() ({
      %run_scoped3A = tpu.sem_alloc : memref<!tpu.dma_semaphore, #tpu.memory_space<semaphore_mem>>
      %dma_start3A_695 = arith.constant 8 : i32
      %dma_start3A_696 = tpu.memref_slice %arg3[%dma_start3A_695, %mul3A_2] : memref<200x16384xi32, #tpu.memory_space<hbm>> -> memref<8x512xi32, #tpu.memory_space<hbm>>
      %dma_start3A_697 = arith.constant 8 : i32
      %dma_start3A_698 = tpu.memref_slice %arg3[%dma_start3A_697, %mul3A_2] : memref<200x16384xi32, #tpu.memory_space<hbm>> -> memref<8x512xi32, #tpu.memory_space<hbm>>
      tpu.enqueue_dma source(%dma_start3A_698 : memref<8x512xi32, #tpu.memory_space<hbm>>) target(%arg6 : memref<8x512xi32, #tpu.memory_space<vmem>>) target_semaphore(%run_scoped3A : memref<!tpu.dma_semaphore, #tpu.memory_space<semaphore_mem>>)
      %dma_wait3A_699 = arith.constant 8 : i32
      %dma_wait3A_700 = tpu.memref_slice %arg3[%dma_wait3A_699, %mul3A_2] : memref<200x16384xi32, #tpu.memory_space<hbm>> -> memref<8x512xi32, #tpu.memory_space<hbm>>
      %dma_wait3A_701 = arith.constant 8 : i32
      %dma_wait3A_702 = tpu.memref_slice %arg3[%dma_wait3A_701, %mul3A_2] : memref<200x16384xi32, #tpu.memory_space<hbm>> -> memref<8x512xi32, #tpu.memory_space<hbm>>
      tpu.wait_dma2 semaphore(%run_scoped3A : memref<!tpu.dma_semaphore, #tpu.memory_space<semaphore_mem>>) src(%dma_wait3A_702 : memref<8x512xi32, #tpu.memory_space<hbm>>) dst(%arg6 : memref<8x512xi32, #tpu.memory_space<vmem>>)
      tpu.yield
    }) : () -> ()
    %scan3A_176 = arith.constant 0 : i32
    %scan3A_177 = arith.constant 8 : i32
    %scan3A_178 = arith.addi %scan3A_176, %scan3A_177 : i32
    %scan3A_179 = arith.constant 1 : i32
    scf.for %scan3A_695 = %scan3A_176 to %scan3A_178 step %scan3A_179  : i32 {
      %mul3A_696 = arith.constant 1 : i32
      %mul3A_697 = arith.muli %scan3A_695, %mul3A_696 : i32
      %add3A_698 = arith.constant 0 : i32
      %add3A_699 = arith.addi %add3A_698, %mul3A_697 : i32
      %scan3A_700 = arith.constant 0 : i32
      %scan3A_701 = arith.constant 32 : i32
      %scan3A_702 = arith.addi %scan3A_700, %scan3A_701 : i32
      %scan3A_703 = arith.constant 4 : i32
      scf.for %scan3A_705 = %scan3A_700 to %scan3A_702 step %scan3A_703  : i32 {
        %mul3A_706 = arith.constant 1 : i32
        %mul3A_707 = arith.muli %scan3A_705, %mul3A_706 : i32
        %add3A_708 = arith.constant 0 : i32
        %add3A_709 = arith.addi %add3A_708, %mul3A_707 : i32
        %mul3A_710 = arith.constant 16 : i32
        %mul3A_711 = arith.muli %add3A_709, %mul3A_710 : i32
        %get3A = arith.index_cast %add3A_699 : i32 to index
        %get3A_712 = arith.index_cast %mul3A_711 : i32 to index
        %get3A_713 = tpu.vector_load %arg6[%get3A, %get3A_712] {strides = array<i32>} : memref<8x512xi32, #tpu.memory_space<vmem>>, vector<16xi32>,
        %gather3A = arith.constant 0 : i32
        %gather3A_714 = tpu.memref_slice %arg5[%gather3A] : memref<240xf32, #tpu.memory_space<vmem>> -> memref<24xf32, #tpu.memory_space<vmem>>
        %gather3A_715 = tpu.vector_load_idx %gather3A_714[%get3A_713] : memref<24xf32, #tpu.memory_space<vmem>>[vector<16xi32>], vector<16xf32>,
        %mul3A_716 = arith.constant 16 : i32
        %mul3A_717 = arith.muli %add3A_709, %mul3A_716 : i32
        %swap3A = arith.constant 1 : i32
        %swap3A_718 = arith.constant 0 : i32
        %swap3A_719 = arith.index_cast %swap3A : i32 to index
        %swap3A_720 = arith.index_cast %swap3A_718 : i32 to index
        %swap3A_721 = arith.index_cast %add3A_699 : i32 to index
        %swap3A_722 = arith.index_cast %mul3A_717 : i32 to index
        %swap3A_723 = tpu.vector_load %arg7[%swap3A_719, %swap3A_720, %swap3A_721, %swap3A_722] {strides = array<i32>} : memref<2x10x8x512xf32, #tpu.memory_space<vmem>>, vector<16xf32>,
        tpu.vector_store %arg7[%swap3A_719, %swap3A_720, %swap3A_721, %swap3A_722], %gather3A_715 {strides = array<i32>} : memref<2x10x8x512xf32, #tpu.memory_space<vmem>>, vector<16xf32>,
        %gather3A_724 = arith.constant 24 : i32
        %gather3A_725 = tpu.memref_slice %arg5[%gather3A_724] : memref<240xf32, #tpu.memory_space<vmem>> -> memref<24xf32, #tpu.memory_space<vmem>>
        %gather3A_726 = tpu.vector_load_idx %gather3A_725[%get3A_713] : memref<24xf32, #tpu.memory_space<vmem>>[vector<16xi32>], vector<16xf32>,
        %mul3A_727 = arith.constant 16 : i32
        %mul3A_728 = arith.muli %add3A_709, %mul3A_727 : i32
        %swap3A_729 = arith.constant 1 : i32
        %swap3A_730 = arith.constant 1 : i32
        %swap3A_731 = arith.index_cast %swap3A_729 : i32 to index
        %swap3A_732 = arith.index_cast %swap3A_730 : i32 to index
        %swap3A_733 = arith.index_cast %add3A_699 : i32 to index
        %swap3A_734 = arith.index_cast %mul3A_728 : i32 to index
        %swap3A_735 = tpu.vector_load %arg7[%swap3A_731, %swap3A_732, %swap3A_733, %swap3A_734] {strides = array<i32>} : memref<2x10x8x512xf32, #tpu.memory_space<vmem>>, vector<16xf32>,
        tpu.vector_store %arg7[%swap3A_731, %swap3A_732, %swap3A_733, %swap3A_734], %gather3A_726 {strides = array<i32>} : memref<2x10x8x512xf32, #tpu.memory_space<vmem>>, vector<16xf32>,
        %gather3A_736 = arith.constant 48 : i32
        %gather3A_737 = tpu.memref_slice %arg5[%gather3A_736] : memref<240xf32, #tpu.memory_space<vmem>> -> memref<24xf32, #tpu.memory_space<vmem>>
        %gather3A_738 = tpu.vector_load_idx %gather3A_737[%get3A_713] : memref<24xf32, #tpu.memory_space<vmem>>[vector<16xi32>], vector<16xf32>,
        %mul3A_739 = arith.constant 16 : i32
        %mul3A_740 = arith.muli %add3A_709, %mul3A_739 : i32
        %swap3A_741 = arith.constant 1 : i32
        %swap3A_742 = arith.constant 2 : i32
        %swap3A_743 = arith.index_cast %swap3A_741 : i32 to index
        %swap3A_744 = arith.index_cast %swap3A_742 : i32 to index
        %swap3A_745 = arith.index_cast %add3A_699 : i32 to index
        %swap3A_746 = arith.index_cast %mul3A_740 : i32 to index
        %swap3A_747 = tpu.vector_load %arg7[%swap3A_743, %swap3A_744, %swap3A_745, %swap3A_746] {strides = array<i32>} : memref<2x10x8x512xf32, #tpu.memory_space<vmem>>, vector<16xf32>,
        tpu.vector_store %arg7[%swap3A_743, %swap3A_744, %swap3A_745, %swap3A_746], %gather3A_738 {strides = array<i32>} : memref<2x10x8x512xf32, #tpu.memory_space<vmem>>, vector<16xf32>,
        %gather3A_748 = arith.constant 72 : i32
        %gather3A_749 = tpu.memref_slice %arg5[%gather3A_748] : memref<240xf32, #tpu.memory_space<vmem>> -> memref<24xf32, #tpu.memory_space<vmem>>
        %gather3A_750 = tpu.vector_load_idx %gather3A_749[%get3A_713] : memref<24xf32, #tpu.memory_space<vmem>>[vector<16xi32>], vector<16xf32>,
        %mul3A_751 = arith.constant 16 : i32
        %mul3A_752 = arith.muli %add3A_709, %mul3A_751 : i32
        %swap3A_753 = arith.constant 1 : i32
        %swap3A_754 = arith.constant 3 : i32
        %swap3A_755 = arith.index_cast %swap3A_753 : i32 to index
        %swap3A_756 = arith.index_cast %swap3A_754 : i32 to index
        %swap3A_757 = arith.index_cast %add3A_699 : i32 to index
        %swap3A_758 = arith.index_cast %mul3A_752 : i32 to index
        %swap3A_759 = tpu.vector_load %arg7[%swap3A_755, %swap3A_756, %swap3A_757, %swap3A_758] {strides = array<i32>} : memref<2x10x8x512xf32, #tpu.memory_space<vmem>>, vector<16xf32>,
        tpu.vector_store %arg7[%swap3A_755, %swap3A_756, %swap3A_757, %swap3A_758], %gather3A_750 {strides = array<i32>} : memref<2x10x8x512xf32, #tpu.memory_space<vmem>>, vector<16xf32>,
        %gather3A_760 = arith.constant 96 : i32
        %gather3A_761 = tpu.memref_slice %arg5[%gather3A_760] : memref<240xf32, #tpu.memory_space<vmem>> -> memref<24xf32, #tpu.memory_space<vmem>>
        %gather3A_762 = tpu.vector_load_idx %gather3A_761[%get3A_713] : memref<24xf32, #tpu.memory_space<vmem>>[vector<16xi32>], vector<16xf32>,
        %mul3A_763 = arith.constant 16 : i32
        %mul3A_764 = arith.muli %add3A_709, %mul3A_763 : i32
        %swap3A_765 = arith.constant 1 : i32
        %swap3A_766 = arith.constant 4 : i32
        %swap3A_767 = arith.index_cast %swap3A_765 : i32 to index
        %swap3A_768 = arith.index_cast %swap3A_766 : i32 to index
        %swap3A_769 = arith.index_cast %add3A_699 : i32 to index
        %swap3A_770 = arith.index_cast %mul3A_764 : i32 to index
        %swap3A_771 = tpu.vector_load %arg7[%swap3A_767, %swap3A_768, %swap3A_769, %swap3A_770] {strides = array<i32>} : memref<2x10x8x512xf32, #tpu.memory_space<vmem>>, vector<16xf32>,
        tpu.vector_store %arg7[%swap3A_767, %swap3A_768, %swap3A_769, %swap3A_770], %gather3A_762 {strides = array<i32>} : memref<2x10x8x512xf32, #tpu.memory_space<vmem>>, vector<16xf32>,
        %gather3A_772 = arith.constant 120 : i32
        %gather3A_773 = tpu.memref_slice %arg5[%gather3A_772] : memref<240xf32, #tpu.memory_space<vmem>> -> memref<24xf32, #tpu.memory_space<vmem>>
        %gather3A_774 = tpu.vector_load_idx %gather3A_773[%get3A_713] : memref<24xf32, #tpu.memory_space<vmem>>[vector<16xi32>], vector<16xf32>,
        %mul3A_775 = arith.constant 16 : i32
        %mul3A_776 = arith.muli %add3A_709, %mul3A_775 : i32
        %swap3A_777 = arith.constant 1 : i32
        %swap3A_778 = arith.constant 5 : i32
        %swap3A_779 = arith.index_cast %swap3A_777 : i32 to index
        %swap3A_780 = arith.index_cast %swap3A_778 : i32 to index
        %swap3A_781 = arith.index_cast %add3A_699 : i32 to index
        %swap3A_782 = arith.index_cast %mul3A_776 : i32 to index
        %swap3A_783 = tpu.vector_load %arg7[%swap3A_779, %swap3A_780, %swap3A_781, %swap3A_782] {strides = array<i32>} : memref<2x10x8x512xf32, #tpu.memory_space<vmem>>, vector<16xf32>,
        tpu.vector_store %arg7[%swap3A_779, %swap3A_780, %swap3A_781, %swap3A_782], %gather3A_774 {strides = array<i32>} : memref<2x10x8x512xf32, #tpu.memory_space<vmem>>, vector<16xf32>,
        %gather3A_784 = arith.constant 144 : i32
        %gather3A_785 = tpu.memref_slice %arg5[%gather3A_784] : memref<240xf32, #tpu.memory_space<vmem>> -> memref<24xf32, #tpu.memory_space<vmem>>
        %gather3A_786 = tpu.vector_load_idx %gather3A_785[%get3A_713] : memref<24xf32, #tpu.memory_space<vmem>>[vector<16xi32>], vector<16xf32>,
        %mul3A_787 = arith.constant 16 : i32
        %mul3A_788 = arith.muli %add3A_709, %mul3A_787 : i32
        %swap3A_789 = arith.constant 1 : i32
        %swap3A_790 = arith.constant 6 : i32
        %swap3A_791 = arith.index_cast %swap3A_789 : i32 to index
        %swap3A_792 = arith.index_cast %swap3A_790 : i32 to index
        %swap3A_793 = arith.index_cast %add3A_699 : i32 to index
        %swap3A_794 = arith.index_cast %mul3A_788 : i32 to index
        %swap3A_795 = tpu.vector_load %arg7[%swap3A_791, %swap3A_792, %swap3A_793, %swap3A_794] {strides = array<i32>} : memref<2x10x8x512xf32, #tpu.memory_space<vmem>>, vector<16xf32>,
        tpu.vector_store %arg7[%swap3A_791, %swap3A_792, %swap3A_793, %swap3A_794], %gather3A_786 {strides = array<i32>} : memref<2x10x8x512xf32, #tpu.memory_space<vmem>>, vector<16xf32>,
        %gather3A_796 = arith.constant 168 : i32
        %gather3A_797 = tpu.memref_slice %arg5[%gather3A_796] : memref<240xf32, #tpu.memory_space<vmem>> -> memref<24xf32, #tpu.memory_space<vmem>>
        %gather3A_798 = tpu.vector_load_idx %gather3A_797[%get3A_713] : memref<24xf32, #tpu.memory_space<vmem>>[vector<16xi32>], vector<16xf32>,
        %mul3A_799 = arith.constant 16 : i32
        %mul3A_800 = arith.muli %add3A_709, %mul3A_799 : i32
        %swap3A_801 = arith.constant 1 : i32
        %swap3A_802 = arith.constant 7 : i32
        %swap3A_803 = arith.index_cast %swap3A_801 : i32 to index
        %swap3A_804 = arith.index_cast %swap3A_802 : i32 to index
        %swap3A_805 = arith.index_cast %add3A_699 : i32 to index
        %swap3A_806 = arith.index_cast %mul3A_800 : i32 to index
        %swap3A_807 = tpu.vector_load %arg7[%swap3A_803, %swap3A_804, %swap3A_805, %swap3A_806] {strides = array<i32>} : memref<2x10x8x512xf32, #tpu.memory_space<vmem>>, vector<16xf32>,
        tpu.vector_store %arg7[%swap3A_803, %swap3A_804, %swap3A_805, %swap3A_806], %gather3A_798 {strides = array<i32>} : memref<2x10x8x512xf32, #tpu.memory_space<vmem>>, vector<16xf32>,
        %gather3A_808 = arith.constant 192 : i32
        %gather3A_809 = tpu.memref_slice %arg5[%gather3A_808] : memref<240xf32, #tpu.memory_space<vmem>> -> memref<24xf32, #tpu.memory_space<vmem>>
        %gather3A_810 = tpu.vector_load_idx %gather3A_809[%get3A_713] : memref<24xf32, #tpu.memory_space<vmem>>[vector<16xi32>], vector<16xf32>,
        %mul3A_811 = arith.constant 16 : i32
        %mul3A_812 = arith.muli %add3A_709, %mul3A_811 : i32
        %swap3A_813 = arith.constant 1 : i32
        %swap3A_814 = arith.constant 8 : i32
        %swap3A_815 = arith.index_cast %swap3A_813 : i32 to index
        %swap3A_816 = arith.index_cast %swap3A_814 : i32 to index
        %swap3A_817 = arith.index_cast %add3A_699 : i32 to index
        %swap3A_818 = arith.index_cast %mul3A_812 : i32 to index
        %swap3A_819 = tpu.vector_load %arg7[%swap3A_815, %swap3A_816, %swap3A_817, %swap3A_818] {strides = array<i32>} : memref<2x10x8x512xf32, #tpu.memory_space<vmem>>, vector<16xf32>,
        tpu.vector_store %arg7[%swap3A_815, %swap3A_816, %swap3A_817, %swap3A_818], %gather3A_810 {strides = array<i32>} : memref<2x10x8x512xf32, #tpu.memory_space<vmem>>, vector<16xf32>,
        %gather3A_820 = arith.constant 216 : i32
        %gather3A_821 = tpu.memref_slice %arg5[%gather3A_820] : memref<240xf32, #tpu.memory_space<vmem>> -> memref<24xf32, #tpu.memory_space<vmem>>
        %gather3A_822 = tpu.vector_load_idx %gather3A_821[%get3A_713] : memref<24xf32, #tpu.memory_space<vmem>>[vector<16xi32>], vector<16xf32>,
        %mul3A_823 = arith.constant 16 : i32
        %mul3A_824 = arith.muli %add3A_709, %mul3A_823 : i32
        %swap3A_825 = arith.constant 1 : i32
        %swap3A_826 = arith.constant 9 : i32
        %swap3A_827 = arith.index_cast %swap3A_825 : i32 to index
        %swap3A_828 = arith.index_cast %swap3A_826 : i32 to index
        %swap3A_829 = arith.index_cast %add3A_699 : i32 to index
        %swap3A_830 = arith.index_cast %mul3A_824 : i32 to index
        %swap3A_831 = tpu.vector_load %arg7[%swap3A_827, %swap3A_828, %swap3A_829, %swap3A_830] {strides = array<i32>} : memref<2x10x8x512xf32, #tpu.memory_space<vmem>>, vector<16xf32>,
        tpu.vector_store %arg7[%swap3A_827, %swap3A_828, %swap3A_829, %swap3A_830], %gather3A_822 {strides = array<i32>} : memref<2x10x8x512xf32, #tpu.memory_space<vmem>>, vector<16xf32>,
        %scan3A_832 = arith.constant 1 : i32
        %scan3A_833 = arith.addi %scan3A_705, %scan3A_832 : i32
        %mul3A_834 = arith.constant 1 : i32
        %mul3A_835 = arith.muli %scan3A_833, %mul3A_834 : i32
        %add3A_836 = arith.constant 0 : i32
        %add3A_837 = arith.addi %add3A_836, %mul3A_835 : i32
        %mul3A_838 = arith.constant 16 : i32
        %mul3A_839 = arith.muli %add3A_837, %mul3A_838 : i32
        %get3A_840 = arith.index_cast %add3A_699 : i32 to index
        %get3A_841 = arith.index_cast %mul3A_839 : i32 to index
        %get3A_842 = tpu.vector_load %arg6[%get3A_840, %get3A_841] {strides = array<i32>} : memref<8x512xi32, #tpu.memory_space<vmem>>, vector<16xi32>,
        %gather3A_843 = arith.constant 0 : i32
        %gather3A_844 = tpu.memref_slice %arg5[%gather3A_843] : memref<240xf32, #tpu.memory_space<vmem>> -> memref<24xf32, #tpu.memory_space<vmem>>
        %gather3A_845 = tpu.vector_load_idx %gather3A_844[%get3A_842] : memref<24xf32, #tpu.memory_space<vmem>>[vector<16xi32>], vector<16xf32>,
        %mul3A_846 = arith.constant 16 : i32
        %mul3A_847 = arith.muli %add3A_837, %mul3A_846 : i32
        %swap3A_848 = arith.constant 1 : i32
        %swap3A_849 = arith.constant 0 : i32
        %swap3A_850 = arith.index_cast %swap3A_848 : i32 to index
        %swap3A_851 = arith.index_cast %swap3A_849 : i32 to index
        %swap3A_852 = arith.index_cast %add3A_699 : i32 to index
        %swap3A_853 = arith.index_cast %mul3A_847 : i32 to index
        %swap3A_854 = tpu.vector_load %arg7[%swap3A_850, %swap3A_851, %swap3A_852, %swap3A_853] {strides = array<i32>} : memref<2x10x8x512xf32, #tpu.memory_space<vmem>>, vector<16xf32>,
        tpu.vector_store %arg7[%swap3A_850, %swap3A_851, %swap3A_852, %swap3A_853], %gather3A_845 {strides = array<i32>} : memref<2x10x8x512xf32, #tpu.memory_space<vmem>>, vector<16xf32>,
        %gather3A_855 = arith.constant 24 : i32
        %gather3A_856 = tpu.memref_slice %arg5[%gather3A_855] : memref<240xf32, #tpu.memory_space<vmem>> -> memref<24xf32, #tpu.memory_space<vmem>>
        %gather3A_857 = tpu.vector_load_idx %gather3A_856[%get3A_842] : memref<24xf32, #tpu.memory_space<vmem>>[vector<16xi32>], vector<16xf32>,
        %mul3A_858 = arith.constant 16 : i32
        %mul3A_859 = arith.muli %add3A_837, %mul3A_858 : i32
        %swap3A_860 = arith.constant 1 : i32
        %swap3A_861 = arith.constant 1 : i32
        %swap3A_862 = arith.index_cast %swap3A_860 : i32 to index
        %swap3A_863 = arith.index_cast %swap3A_861 : i32 to index
        %swap3A_864 = arith.index_cast %add3A_699 : i32 to index
        %swap3A_865 = arith.index_cast %mul3A_859 : i32 to index
        %swap3A_866 = tpu.vector_load %arg7[%swap3A_862, %swap3A_863, %swap3A_864, %swap3A_865] {strides = array<i32>} : memref<2x10x8x512xf32, #tpu.memory_space<vmem>>, vector<16xf32>,
        tpu.vector_store %arg7[%swap3A_862, %swap3A_863, %swap3A_864, %swap3A_865], %gather3A_857 {strides = array<i32>} : memref<2x10x8x512xf32, #tpu.memory_space<vmem>>, vector<16xf32>,
        %gather3A_867 = arith.constant 48 : i32
        %gather3A_868 = tpu.memref_slice %arg5[%gather3A_867] : memref<240xf32, #tpu.memory_space<vmem>> -> memref<24xf32, #tpu.memory_space<vmem>>
        %gather3A_869 = tpu.vector_load_idx %gather3A_868[%get3A_842] : memref<24xf32, #tpu.memory_space<vmem>>[vector<16xi32>], vector<16xf32>,
        %mul3A_870 = arith.constant 16 : i32
        %mul3A_871 = arith.muli %add3A_837, %mul3A_870 : i32
        %swap3A_872 = arith.constant 1 : i32
        %swap3A_873 = arith.constant 2 : i32
        %swap3A_874 = arith.index_cast %swap3A_872 : i32 to index
        %swap3A_875 = arith.index_cast %swap3A_873 : i32 to index
        %swap3A_876 = arith.index_cast %add3A_699 : i32 to index
        %swap3A_877 = arith.index_cast %mul3A_871 : i32 to index
        %swap3A_878 = tpu.vector_load %arg7[%swap3A_874, %swap3A_875, %swap3A_876, %swap3A_877] {strides = array<i32>} : memref<2x10x8x512xf32, #tpu.memory_space<vmem>>, vector<16xf32>,
        tpu.vector_store %arg7[%swap3A_874, %swap3A_875, %swap3A_876, %swap3A_877], %gather3A_869 {strides = array<i32>} : memref<2x10x8x512xf32, #tpu.memory_space<vmem>>, vector<16xf32>,
        %gather3A_879 = arith.constant 72 : i32
        %gather3A_880 = tpu.memref_slice %arg5[%gather3A_879] : memref<240xf32, #tpu.memory_space<vmem>> -> memref<24xf32, #tpu.memory_space<vmem>>
        %gather3A_881 = tpu.vector_load_idx %gather3A_880[%get3A_842] : memref<24xf32, #tpu.memory_space<vmem>>[vector<16xi32>], vector<16xf32>,
        %mul3A_882 = arith.constant 16 : i32
        %mul3A_883 = arith.muli %add3A_837, %mul3A_882 : i32
        %swap3A_884 = arith.constant 1 : i32
        %swap3A_885 = arith.constant 3 : i32
        %swap3A_886 = arith.index_cast %swap3A_884 : i32 to index
        %swap3A_887 = arith.index_cast %swap3A_885 : i32 to index
        %swap3A_888 = arith.index_cast %add3A_699 : i32 to index
        %swap3A_889 = arith.index_cast %mul3A_883 : i32 to index
        %swap3A_890 = tpu.vector_load %arg7[%swap3A_886, %swap3A_887, %swap3A_888, %swap3A_889] {strides = array<i32>} : memref<2x10x8x512xf32, #tpu.memory_space<vmem>>, vector<16xf32>,
        tpu.vector_store %arg7[%swap3A_886, %swap3A_887, %swap3A_888, %swap3A_889], %gather3A_881 {strides = array<i32>} : memref<2x10x8x512xf32, #tpu.memory_space<vmem>>, vector<16xf32>,
        %gather3A_891 = arith.constant 96 : i32
        %gather3A_892 = tpu.memref_slice %arg5[%gather3A_891] : memref<240xf32, #tpu.memory_space<vmem>> -> memref<24xf32, #tpu.memory_space<vmem>>
        %gather3A_893 = tpu.vector_load_idx %gather3A_892[%get3A_842] : memref<24xf32, #tpu.memory_space<vmem>>[vector<16xi32>], vector<16xf32>,
        %mul3A_894 = arith.constant 16 : i32
        %mul3A_895 = arith.muli %add3A_837, %mul3A_894 : i32
        %swap3A_896 = arith.constant 1 : i32
        %swap3A_897 = arith.constant 4 : i32
        %swap3A_898 = arith.index_cast %swap3A_896 : i32 to index
        %swap3A_899 = arith.index_cast %swap3A_897 : i32 to index
        %swap3A_900 = arith.index_cast %add3A_699 : i32 to index
        %swap3A_901 = arith.index_cast %mul3A_895 : i32 to index
        %swap3A_902 = tpu.vector_load %arg7[%swap3A_898, %swap3A_899, %swap3A_900, %swap3A_901] {strides = array<i32>} : memref<2x10x8x512xf32, #tpu.memory_space<vmem>>, vector<16xf32>,
        tpu.vector_store %arg7[%swap3A_898, %swap3A_899, %swap3A_900, %swap3A_901], %gather3A_893 {strides = array<i32>} : memref<2x10x8x512xf32, #tpu.memory_space<vmem>>, vector<16xf32>,
        %gather3A_903 = arith.constant 120 : i32
        %gather3A_904 = tpu.memref_slice %arg5[%gather3A_903] : memref<240xf32, #tpu.memory_space<vmem>> -> memref<24xf32, #tpu.memory_space<vmem>>
        %gather3A_905 = tpu.vector_load_idx %gather3A_904[%get3A_842] : memref<24xf32, #tpu.memory_space<vmem>>[vector<16xi32>], vector<16xf32>,
        %mul3A_906 = arith.constant 16 : i32
        %mul3A_907 = arith.muli %add3A_837, %mul3A_906 : i32
        %swap3A_908 = arith.constant 1 : i32
        %swap3A_909 = arith.constant 5 : i32
        %swap3A_910 = arith.index_cast %swap3A_908 : i32 to index
        %swap3A_911 = arith.index_cast %swap3A_909 : i32 to index
        %swap3A_912 = arith.index_cast %add3A_699 : i32 to index
        %swap3A_913 = arith.index_cast %mul3A_907 : i32 to index
        %swap3A_914 = tpu.vector_load %arg7[%swap3A_910, %swap3A_911, %swap3A_912, %swap3A_913] {strides = array<i32>} : memref<2x10x8x512xf32, #tpu.memory_space<vmem>>, vector<16xf32>,
        tpu.vector_store %arg7[%swap3A_910, %swap3A_911, %swap3A_912, %swap3A_913], %gather3A_905 {strides = array<i32>} : memref<2x10x8x512xf32, #tpu.memory_space<vmem>>, vector<16xf32>,
        %gather3A_915 = arith.constant 144 : i32
        %gather3A_916 = tpu.memref_slice %arg5[%gather3A_915] : memref<240xf32, #tpu.memory_space<vmem>> -> memref<24xf32, #tpu.memory_space<vmem>>
        %gather3A_917 = tpu.vector_load_idx %gather3A_916[%get3A_842] : memref<24xf32, #tpu.memory_space<vmem>>[vector<16xi32>], vector<16xf32>,
        %mul3A_918 = arith.constant 16 : i32
        %mul3A_919 = arith.muli %add3A_837, %mul3A_918 : i32
        %swap3A_920 = arith.constant 1 : i32
        %swap3A_921 = arith.constant 6 : i32
        %swap3A_922 = arith.index_cast %swap3A_920 : i32 to index
        %swap3A_923 = arith.index_cast %swap3A_921 : i32 to index
        %swap3A_924 = arith.index_cast %add3A_699 : i32 to index
        %swap3A_925 = arith.index_cast %mul3A_919 : i32 to index
        %swap3A_926 = tpu.vector_load %arg7[%swap3A_922, %swap3A_923, %swap3A_924, %swap3A_925] {strides = array<i32>} : memref<2x10x8x512xf32, #tpu.memory_space<vmem>>, vector<16xf32>,
        tpu.vector_store %arg7[%swap3A_922, %swap3A_923, %swap3A_924, %swap3A_925], %gather3A_917 {strides = array<i32>} : memref<2x10x8x512xf32, #tpu.memory_space<vmem>>, vector<16xf32>,
        %gather3A_927 = arith.constant 168 : i32
        %gather3A_928 = tpu.memref_slice %arg5[%gather3A_927] : memref<240xf32, #tpu.memory_space<vmem>> -> memref<24xf32, #tpu.memory_space<vmem>>
        %gather3A_929 = tpu.vector_load_idx %gather3A_928[%get3A_842] : memref<24xf32, #tpu.memory_space<vmem>>[vector<16xi32>], vector<16xf32>,
        %mul3A_930 = arith.constant 16 : i32
        %mul3A_931 = arith.muli %add3A_837, %mul3A_930 : i32
        %swap3A_932 = arith.constant 1 : i32
        %swap3A_933 = arith.constant 7 : i32
        %swap3A_934 = arith.index_cast %swap3A_932 : i32 to index
        %swap3A_935 = arith.index_cast %swap3A_933 : i32 to index
        %swap3A_936 = arith.index_cast %add3A_699 : i32 to index
        %swap3A_937 = arith.index_cast %mul3A_931 : i32 to index
        %swap3A_938 = tpu.vector_load %arg7[%swap3A_934, %swap3A_935, %swap3A_936, %swap3A_937] {strides = array<i32>} : memref<2x10x8x512xf32, #tpu.memory_space<vmem>>, vector<16xf32>,
        tpu.vector_store %arg7[%swap3A_934, %swap3A_935, %swap3A_936, %swap3A_937], %gather3A_929 {strides = array<i32>} : memref<2x10x8x512xf32, #tpu.memory_space<vmem>>, vector<16xf32>,
        %gather3A_939 = arith.constant 192 : i32
        %gather3A_940 = tpu.memref_slice %arg5[%gather3A_939] : memref<240xf32, #tpu.memory_space<vmem>> -> memref<24xf32, #tpu.memory_space<vmem>>
        %gather3A_941 = tpu.vector_load_idx %gather3A_940[%get3A_842] : memref<24xf32, #tpu.memory_space<vmem>>[vector<16xi32>], vector<16xf32>,
        %mul3A_942 = arith.constant 16 : i32
        %mul3A_943 = arith.muli %add3A_837, %mul3A_942 : i32
        %swap3A_944 = arith.constant 1 : i32
        %swap3A_945 = arith.constant 8 : i32
        %swap3A_946 = arith.index_cast %swap3A_944 : i32 to index
        %swap3A_947 = arith.index_cast %swap3A_945 : i32 to index
        %swap3A_948 = arith.index_cast %add3A_699 : i32 to index
        %swap3A_949 = arith.index_cast %mul3A_943 : i32 to index
        %swap3A_950 = tpu.vector_load %arg7[%swap3A_946, %swap3A_947, %swap3A_948, %swap3A_949] {strides = array<i32>} : memref<2x10x8x512xf32, #tpu.memory_space<vmem>>, vector<16xf32>,
        tpu.vector_store %arg7[%swap3A_946, %swap3A_947, %swap3A_948, %swap3A_949], %gather3A_941 {strides = array<i32>} : memref<2x10x8x512xf32, #tpu.memory_space<vmem>>, vector<16xf32>,
        %gather3A_951 = arith.constant 216 : i32
        %gather3A_952 = tpu.memref_slice %arg5[%gather3A_951] : memref<240xf32, #tpu.memory_space<vmem>> -> memref<24xf32, #tpu.memory_space<vmem>>
        %gather3A_953 = tpu.vector_load_idx %gather3A_952[%get3A_842] : memref<24xf32, #tpu.memory_space<vmem>>[vector<16xi32>], vector<16xf32>,
        %mul3A_954 = arith.constant 16 : i32
        %mul3A_955 = arith.muli %add3A_837, %mul3A_954 : i32
        %swap3A_956 = arith.constant 1 : i32
        %swap3A_957 = arith.constant 9 : i32
        %swap3A_958 = arith.index_cast %swap3A_956 : i32 to index
        %swap3A_959 = arith.index_cast %swap3A_957 : i32 to index
        %swap3A_960 = arith.index_cast %add3A_699 : i32 to index
        %swap3A_961 = arith.index_cast %mul3A_955 : i32 to index
        %swap3A_962 = tpu.vector_load %arg7[%swap3A_958, %swap3A_959, %swap3A_960, %swap3A_961] {strides = array<i32>} : memref<2x10x8x512xf32, #tpu.memory_space<vmem>>, vector<16xf32>,
        tpu.vector_store %arg7[%swap3A_958, %swap3A_959, %swap3A_960, %swap3A_961], %gather3A_953 {strides = array<i32>} : memref<2x10x8x512xf32, #tpu.memory_space<vmem>>, vector<16xf32>,
        %scan3A_963 = arith.constant 2 : i32
        %scan3A_964 = arith.addi %scan3A_705, %scan3A_963 : i32
        %mul3A_965 = arith.constant 1 : i32
        %mul3A_966 = arith.muli %scan3A_964, %mul3A_965 : i32
        %add3A_967 = arith.constant 0 : i32
        %add3A_968 = arith.addi %add3A_967, %mul3A_966 : i32
        %mul3A_969 = arith.constant 16 : i32
        %mul3A_970 = arith.muli %add3A_968, %mul3A_969 : i32
        %get3A_971 = arith.index_cast %add3A_699 : i32 to index
        %get3A_972 = arith.index_cast %mul3A_970 : i32 to index
        %get3A_973 = tpu.vector_load %arg6[%get3A_971, %get3A_972] {strides = array<i32>} : memref<8x512xi32, #tpu.memory_space<vmem>>, vector<16xi32>,
        %gather3A_974 = arith.constant 0 : i32
        %gather3A_975 = tpu.memref_slice %arg5[%gather3A_974] : memref<240xf32, #tpu.memory_space<vmem>> -> memref<24xf32, #tpu.memory_space<vmem>>
        %gather3A_976 = tpu.vector_load_idx %gather3A_975[%get3A_973] : memref<24xf32, #tpu.memory_space<vmem>>[vector<16xi32>], vector<16xf32>,
        %mul3A_977 = arith.constant 16 : i32
        %mul3A_978 = arith.muli %add3A_968, %mul3A_977 : i32
        %swap3A_979 = arith.constant 1 : i32
        %swap3A_980 = arith.constant 0 : i32
        %swap3A_981 = arith.index_cast %swap3A_979 : i32 to index
        %swap3A_982 = arith.index_cast %swap3A_980 : i32 to index
        %swap3A_983 = arith.index_cast %add3A_699 : i32 to index
        %swap3A_984 = arith.index_cast %mul3A_978 : i32 to index
        %swap3A_985 = tpu.vector_load %arg7[%swap3A_981, %swap3A_982, %swap3A_983, %swap3A_984] {strides = array<i32>} : memref<2x10x8x512xf32, #tpu.memory_space<vmem>>, vector<16xf32>,
        tpu.vector_store %arg7[%swap3A_981, %swap3A_982, %swap3A_983, %swap3A_984], %gather3A_976 {strides = array<i32>} : memref<2x10x8x512xf32, #tpu.memory_space<vmem>>, vector<16xf32>,
        %gather3A_986 = arith.constant 24 : i32
        %gather3A_987 = tpu.memref_slice %arg5[%gather3A_986] : memref<240xf32, #tpu.memory_space<vmem>> -> memref<24xf32, #tpu.memory_space<vmem>>
        %gather3A_988 = tpu.vector_load_idx %gather3A_987[%get3A_973] : memref<24xf32, #tpu.memory_space<vmem>>[vector<16xi32>], vector<16xf32>,
        %mul3A_989 = arith.constant 16 : i32
        %mul3A_990 = arith.muli %add3A_968, %mul3A_989 : i32
        %swap3A_991 = arith.constant 1 : i32
        %swap3A_992 = arith.constant 1 : i32
        %swap3A_993 = arith.index_cast %swap3A_991 : i32 to index
        %swap3A_994 = arith.index_cast %swap3A_992 : i32 to index
        %swap3A_995 = arith.index_cast %add3A_699 : i32 to index
        %swap3A_996 = arith.index_cast %mul3A_990 : i32 to index
        %swap3A_997 = tpu.vector_load %arg7[%swap3A_993, %swap3A_994, %swap3A_995, %swap3A_996] {strides = array<i32>} : memref<2x10x8x512xf32, #tpu.memory_space<vmem>>, vector<16xf32>,
        tpu.vector_store %arg7[%swap3A_993, %swap3A_994, %swap3A_995, %swap3A_996], %gather3A_988 {strides = array<i32>} : memref<2x10x8x512xf32, #tpu.memory_space<vmem>>, vector<16xf32>,
        %gather3A_998 = arith.constant 48 : i32
        %gather3A_999 = tpu.memref_slice %arg5[%gather3A_998] : memref<240xf32, #tpu.memory_space<vmem>> -> memref<24xf32, #tpu.memory_space<vmem>>
        %gather3A_1000 = tpu.vector_load_idx %gather3A_999[%get3A_973] : memref<24xf32, #tpu.memory_space<vmem>>[vector<16xi32>], vector<16xf32>,
        %mul3A_1001 = arith.constant 16 : i32
        %mul3A_1002 = arith.muli %add3A_968, %mul3A_1001 : i32
        %swap3A_1003 = arith.constant 1 : i32
        %swap3A_1004 = arith.constant 2 : i32
        %swap3A_1005 = arith.index_cast %swap3A_1003 : i32 to index
        %swap3A_1006 = arith.index_cast %swap3A_1004 : i32 to index
        %swap3A_1007 = arith.index_cast %add3A_699 : i32 to index
        %swap3A_1008 = arith.index_cast %mul3A_1002 : i32 to index
        %swap3A_1009 = tpu.vector_load %arg7[%swap3A_1005, %swap3A_1006, %swap3A_1007, %swap3A_1008] {strides = array<i32>} : memref<2x10x8x512xf32, #tpu.memory_space<vmem>>, vector<16xf32>,
        tpu.vector_store %arg7[%swap3A_1005, %swap3A_1006, %swap3A_1007, %swap3A_1008], %gather3A_1000 {strides = array<i32>} : memref<2x10x8x512xf32, #tpu.memory_space<vmem>>, vector<16xf32>,
        %gather3A_1010 = arith.constant 72 : i32
        %gather3A_1011 = tpu.memref_slice %arg5[%gather3A_1010] : memref<240xf32, #tpu.memory_space<vmem>> -> memref<24xf32, #tpu.memory_space<vmem>>
        %gather3A_1012 = tpu.vector_load_idx %gather3A_1011[%get3A_973] : memref<24xf32, #tpu.memory_space<vmem>>[vector<16xi32>], vector<16xf32>,
        %mul3A_1013 = arith.constant 16 : i32
        %mul3A_1014 = arith.muli %add3A_968, %mul3A_1013 : i32
        %swap3A_1015 = arith.constant 1 : i32
        %swap3A_1016 = arith.constant 3 : i32
        %swap3A_1017 = arith.index_cast %swap3A_1015 : i32 to index
        %swap3A_1018 = arith.index_cast %swap3A_1016 : i32 to index
        %swap3A_1019 = arith.index_cast %add3A_699 : i32 to index
        %swap3A_1020 = arith.index_cast %mul3A_1014 : i32 to index
        %swap3A_1021 = tpu.vector_load %arg7[%swap3A_1017, %swap3A_1018, %swap3A_1019, %swap3A_1020] {strides = array<i32>} : memref<2x10x8x512xf32, #tpu.memory_space<vmem>>, vector<16xf32>,
        tpu.vector_store %arg7[%swap3A_1017, %swap3A_1018, %swap3A_1019, %swap3A_1020], %gather3A_1012 {strides = array<i32>} : memref<2x10x8x512xf32, #tpu.memory_space<vmem>>, vector<16xf32>,
        %gather3A_1022 = arith.constant 96 : i32
        %gather3A_1023 = tpu.memref_slice %arg5[%gather3A_1022] : memref<240xf32, #tpu.memory_space<vmem>> -> memref<24xf32, #tpu.memory_space<vmem>>
        %gather3A_1024 = tpu.vector_load_idx %gather3A_1023[%get3A_973] : memref<24xf32, #tpu.memory_space<vmem>>[vector<16xi32>], vector<16xf32>,
        %mul3A_1025 = arith.constant 16 : i32
        %mul3A_1026 = arith.muli %add3A_968, %mul3A_1025 : i32
        %swap3A_1027 = arith.constant 1 : i32
        %swap3A_1028 = arith.constant 4 : i32
        %swap3A_1029 = arith.index_cast %swap3A_1027 : i32 to index
        %swap3A_1030 = arith.index_cast %swap3A_1028 : i32 to index
        %swap3A_1031 = arith.index_cast %add3A_699 : i32 to index
        %swap3A_1032 = arith.index_cast %mul3A_1026 : i32 to index
        %swap3A_1033 = tpu.vector_load %arg7[%swap3A_1029, %swap3A_1030, %swap3A_1031, %swap3A_1032] {strides = array<i32>} : memref<2x10x8x512xf32, #tpu.memory_space<vmem>>, vector<16xf32>,
        tpu.vector_store %arg7[%swap3A_1029, %swap3A_1030, %swap3A_1031, %swap3A_1032], %gather3A_1024 {strides = array<i32>} : memref<2x10x8x512xf32, #tpu.memory_space<vmem>>, vector<16xf32>,
        %gather3A_1034 = arith.constant 120 : i32
        %gather3A_1035 = tpu.memref_slice %arg5[%gather3A_1034] : memref<240xf32, #tpu.memory_space<vmem>> -> memref<24xf32, #tpu.memory_space<vmem>>
        %gather3A_1036 = tpu.vector_load_idx %gather3A_1035[%get3A_973] : memref<24xf32, #tpu.memory_space<vmem>>[vector<16xi32>], vector<16xf32>,
        %mul3A_1037 = arith.constant 16 : i32
        %mul3A_1038 = arith.muli %add3A_968, %mul3A_1037 : i32
        %swap3A_1039 = arith.constant 1 : i32
        %swap3A_1040 = arith.constant 5 : i32
        %swap3A_1041 = arith.index_cast %swap3A_1039 : i32 to index
        %swap3A_1042 = arith.index_cast %swap3A_1040 : i32 to index
        %swap3A_1043 = arith.index_cast %add3A_699 : i32 to index
        %swap3A_1044 = arith.index_cast %mul3A_1038 : i32 to index
        %swap3A_1045 = tpu.vector_load %arg7[%swap3A_1041, %swap3A_1042, %swap3A_1043, %swap3A_1044] {strides = array<i32>} : memref<2x10x8x512xf32, #tpu.memory_space<vmem>>, vector<16xf32>,
        tpu.vector_store %arg7[%swap3A_1041, %swap3A_1042, %swap3A_1043, %swap3A_1044], %gather3A_1036 {strides = array<i32>} : memref<2x10x8x512xf32, #tpu.memory_space<vmem>>, vector<16xf32>,
        %gather3A_1046 = arith.constant 144 : i32
        %gather3A_1047 = tpu.memref_slice %arg5[%gather3A_1046] : memref<240xf32, #tpu.memory_space<vmem>> -> memref<24xf32, #tpu.memory_space<vmem>>
        %gather3A_1048 = tpu.vector_load_idx %gather3A_1047[%get3A_973] : memref<24xf32, #tpu.memory_space<vmem>>[vector<16xi32>], vector<16xf32>,
        %mul3A_1049 = arith.constant 16 : i32
        %mul3A_1050 = arith.muli %add3A_968, %mul3A_1049 : i32
        %swap3A_1051 = arith.constant 1 : i32
        %swap3A_1052 = arith.constant 6 : i32
        %swap3A_1053 = arith.index_cast %swap3A_1051 : i32 to index
        %swap3A_1054 = arith.index_cast %swap3A_1052 : i32 to index
        %swap3A_1055 = arith.index_cast %add3A_699 : i32 to index
        %swap3A_1056 = arith.index_cast %mul3A_1050 : i32 to index
        %swap3A_1057 = tpu.vector_load %arg7[%swap3A_1053, %swap3A_1054, %swap3A_1055, %swap3A_1056] {strides = array<i32>} : memref<2x10x8x512xf32, #tpu.memory_space<vmem>>, vector<16xf32>,
        tpu.vector_store %arg7[%swap3A_1053, %swap3A_1054, %swap3A_1055, %swap3A_1056], %gather3A_1048 {strides = array<i32>} : memref<2x10x8x512xf32, #tpu.memory_space<vmem>>, vector<16xf32>,
        %gather3A_1058 = arith.constant 168 : i32
        %gather3A_1059 = tpu.memref_slice %arg5[%gather3A_1058] : memref<240xf32, #tpu.memory_space<vmem>> -> memref<24xf32, #tpu.memory_space<vmem>>
        %gather3A_1060 = tpu.vector_load_idx %gather3A_1059[%get3A_973] : memref<24xf32, #tpu.memory_space<vmem>>[vector<16xi32>], vector<16xf32>,
        %mul3A_1061 = arith.constant 16 : i32
        %mul3A_1062 = arith.muli %add3A_968, %mul3A_1061 : i32
        %swap3A_1063 = arith.constant 1 : i32
        %swap3A_1064 = arith.constant 7 : i32
        %swap3A_1065 = arith.index_cast %swap3A_1063 : i32 to index
        %swap3A_1066 = arith.index_cast %swap3A_1064 : i32 to index
        %swap3A_1067 = arith.index_cast %add3A_699 : i32 to index
        %swap3A_1068 = arith.index_cast %mul3A_1062 : i32 to index
        %swap3A_1069 = tpu.vector_load %arg7[%swap3A_1065, %swap3A_1066, %swap3A_1067, %swap3A_1068] {strides = array<i32>} : memref<2x10x8x512xf32, #tpu.memory_space<vmem>>, vector<16xf32>,
        tpu.vector_store %arg7[%swap3A_1065, %swap3A_1066, %swap3A_1067, %swap3A_1068], %gather3A_1060 {strides = array<i32>} : memref<2x10x8x512xf32, #tpu.memory_space<vmem>>, vector<16xf32>,
        %gather3A_1070 = arith.constant 192 : i32
        %gather3A_1071 = tpu.memref_slice %arg5[%gather3A_1070] : memref<240xf32, #tpu.memory_space<vmem>> -> memref<24xf32, #tpu.memory_space<vmem>>
        %gather3A_1072 = tpu.vector_load_idx %gather3A_1071[%get3A_973] : memref<24xf32, #tpu.memory_space<vmem>>[vector<16xi32>], vector<16xf32>,
        %mul3A_1073 = arith.constant 16 : i32
        %mul3A_1074 = arith.muli %add3A_968, %mul3A_1073 : i32
        %swap3A_1075 = arith.constant 1 : i32
        %swap3A_1076 = arith.constant 8 : i32
        %swap3A_1077 = arith.index_cast %swap3A_1075 : i32 to index
        %swap3A_1078 = arith.index_cast %swap3A_1076 : i32 to index
        %swap3A_1079 = arith.index_cast %add3A_699 : i32 to index
        %swap3A_1080 = arith.index_cast %mul3A_1074 : i32 to index
        %swap3A_1081 = tpu.vector_load %arg7[%swap3A_1077, %swap3A_1078, %swap3A_1079, %swap3A_1080] {strides = array<i32>} : memref<2x10x8x512xf32, #tpu.memory_space<vmem>>, vector<16xf32>,
        tpu.vector_store %arg7[%swap3A_1077, %swap3A_1078, %swap3A_1079, %swap3A_1080], %gather3A_1072 {strides = array<i32>} : memref<2x10x8x512xf32, #tpu.memory_space<vmem>>, vector<16xf32>,
        %gather3A_1082 = arith.constant 216 : i32
        %gather3A_1083 = tpu.memref_slice %arg5[%gather3A_1082] : memref<240xf32, #tpu.memory_space<vmem>> -> memref<24xf32, #tpu.memory_space<vmem>>
        %gather3A_1084 = tpu.vector_load_idx %gather3A_1083[%get3A_973] : memref<24xf32, #tpu.memory_space<vmem>>[vector<16xi32>], vector<16xf32>,
        %mul3A_1085 = arith.constant 16 : i32
        %mul3A_1086 = arith.muli %add3A_968, %mul3A_1085 : i32
        %swap3A_1087 = arith.constant 1 : i32
        %swap3A_1088 = arith.constant 9 : i32
        %swap3A_1089 = arith.index_cast %swap3A_1087 : i32 to index
        %swap3A_1090 = arith.index_cast %swap3A_1088 : i32 to index
        %swap3A_1091 = arith.index_cast %add3A_699 : i32 to index
        %swap3A_1092 = arith.index_cast %mul3A_1086 : i32 to index
        %swap3A_1093 = tpu.vector_load %arg7[%swap3A_1089, %swap3A_1090, %swap3A_1091, %swap3A_1092] {strides = array<i32>} : memref<2x10x8x512xf32, #tpu.memory_space<vmem>>, vector<16xf32>,
        tpu.vector_store %arg7[%swap3A_1089, %swap3A_1090, %swap3A_1091, %swap3A_1092], %gather3A_1084 {strides = array<i32>} : memref<2x10x8x512xf32, #tpu.memory_space<vmem>>, vector<16xf32>,
        %scan3A_1094 = arith.constant 3 : i32
        %scan3A_1095 = arith.addi %scan3A_705, %scan3A_1094 : i32
        %mul3A_1096 = arith.constant 1 : i32
        %mul3A_1097 = arith.muli %scan3A_1095, %mul3A_1096 : i32
        %add3A_1098 = arith.constant 0 : i32
        %add3A_1099 = arith.addi %add3A_1098, %mul3A_1097 : i32
        %mul3A_1100 = arith.constant 16 : i32
        %mul3A_1101 = arith.muli %add3A_1099, %mul3A_1100 : i32
        %get3A_1102 = arith.index_cast %add3A_699 : i32 to index
        %get3A_1103 = arith.index_cast %mul3A_1101 : i32 to index
        %get3A_1104 = tpu.vector_load %arg6[%get3A_1102, %get3A_1103] {strides = array<i32>} : memref<8x512xi32, #tpu.memory_space<vmem>>, vector<16xi32>,
        %gather3A_1105 = arith.constant 0 : i32
        %gather3A_1106 = tpu.memref_slice %arg5[%gather3A_1105] : memref<240xf32, #tpu.memory_space<vmem>> -> memref<24xf32, #tpu.memory_space<vmem>>
        %gather3A_1107 = tpu.vector_load_idx %gather3A_1106[%get3A_1104] : memref<24xf32, #tpu.memory_space<vmem>>[vector<16xi32>], vector<16xf32>,
        %mul3A_1108 = arith.constant 16 : i32
        %mul3A_1109 = arith.muli %add3A_1099, %mul3A_1108 : i32
        %swap3A_1110 = arith.constant 1 : i32
        %swap3A_1111 = arith.constant 0 : i32
        %swap3A_1112 = arith.index_cast %swap3A_1110 : i32 to index
        %swap3A_1113 = arith.index_cast %swap3A_1111 : i32 to index
        %swap3A_1114 = arith.index_cast %add3A_699 : i32 to index
        %swap3A_1115 = arith.index_cast %mul3A_1109 : i32 to index
        %swap3A_1116 = tpu.vector_load %arg7[%swap3A_1112, %swap3A_1113, %swap3A_1114, %swap3A_1115] {strides = array<i32>} : memref<2x10x8x512xf32, #tpu.memory_space<vmem>>, vector<16xf32>,
        tpu.vector_store %arg7[%swap3A_1112, %swap3A_1113, %swap3A_1114, %swap3A_1115], %gather3A_1107 {strides = array<i32>} : memref<2x10x8x512xf32, #tpu.memory_space<vmem>>, vector<16xf32>,
        %gather3A_1117 = arith.constant 24 : i32
        %gather3A_1118 = tpu.memref_slice %arg5[%gather3A_1117] : memref<240xf32, #tpu.memory_space<vmem>> -> memref<24xf32, #tpu.memory_space<vmem>>
        %gather3A_1119 = tpu.vector_load_idx %gather3A_1118[%get3A_1104] : memref<24xf32, #tpu.memory_space<vmem>>[vector<16xi32>], vector<16xf32>,
        %mul3A_1120 = arith.constant 16 : i32
        %mul3A_1121 = arith.muli %add3A_1099, %mul3A_1120 : i32
        %swap3A_1122 = arith.constant 1 : i32
        %swap3A_1123 = arith.constant 1 : i32
        %swap3A_1124 = arith.index_cast %swap3A_1122 : i32 to index
        %swap3A_1125 = arith.index_cast %swap3A_1123 : i32 to index
        %swap3A_1126 = arith.index_cast %add3A_699 : i32 to index
        %swap3A_1127 = arith.index_cast %mul3A_1121 : i32 to index
        %swap3A_1128 = tpu.vector_load %arg7[%swap3A_1124, %swap3A_1125, %swap3A_1126, %swap3A_1127] {strides = array<i32>} : memref<2x10x8x512xf32, #tpu.memory_space<vmem>>, vector<16xf32>,
        tpu.vector_store %arg7[%swap3A_1124, %swap3A_1125, %swap3A_1126, %swap3A_1127], %gather3A_1119 {strides = array<i32>} : memref<2x10x8x512xf32, #tpu.memory_space<vmem>>, vector<16xf32>,
        %gather3A_1129 = arith.constant 48 : i32
        %gather3A_1130 = tpu.memref_slice %arg5[%gather3A_1129] : memref<240xf32, #tpu.memory_space<vmem>> -> memref<24xf32, #tpu.memory_space<vmem>>
        %gather3A_1131 = tpu.vector_load_idx %gather3A_1130[%get3A_1104] : memref<24xf32, #tpu.memory_space<vmem>>[vector<16xi32>], vector<16xf32>,
        %mul3A_1132 = arith.constant 16 : i32
        %mul3A_1133 = arith.muli %add3A_1099, %mul3A_1132 : i32
        %swap3A_1134 = arith.constant 1 : i32
        %swap3A_1135 = arith.constant 2 : i32
        %swap3A_1136 = arith.index_cast %swap3A_1134 : i32 to index
        %swap3A_1137 = arith.index_cast %swap3A_1135 : i32 to index
        %swap3A_1138 = arith.index_cast %add3A_699 : i32 to index
        %swap3A_1139 = arith.index_cast %mul3A_1133 : i32 to index
        %swap3A_1140 = tpu.vector_load %arg7[%swap3A_1136, %swap3A_1137, %swap3A_1138, %swap3A_1139] {strides = array<i32>} : memref<2x10x8x512xf32, #tpu.memory_space<vmem>>, vector<16xf32>,
        tpu.vector_store %arg7[%swap3A_1136, %swap3A_1137, %swap3A_1138, %swap3A_1139], %gather3A_1131 {strides = array<i32>} : memref<2x10x8x512xf32, #tpu.memory_space<vmem>>, vector<16xf32>,
        %gather3A_1141 = arith.constant 72 : i32
        %gather3A_1142 = tpu.memref_slice %arg5[%gather3A_1141] : memref<240xf32, #tpu.memory_space<vmem>> -> memref<24xf32, #tpu.memory_space<vmem>>
        %gather3A_1143 = tpu.vector_load_idx %gather3A_1142[%get3A_1104] : memref<24xf32, #tpu.memory_space<vmem>>[vector<16xi32>], vector<16xf32>,
        %mul3A_1144 = arith.constant 16 : i32
        %mul3A_1145 = arith.muli %add3A_1099, %mul3A_1144 : i32
        %swap3A_1146 = arith.constant 1 : i32
        %swap3A_1147 = arith.constant 3 : i32
        %swap3A_1148 = arith.index_cast %swap3A_1146 : i32 to index
        %swap3A_1149 = arith.index_cast %swap3A_1147 : i32 to index
        %swap3A_1150 = arith.index_cast %add3A_699 : i32 to index
        %swap3A_1151 = arith.index_cast %mul3A_1145 : i32 to index
        %swap3A_1152 = tpu.vector_load %arg7[%swap3A_1148, %swap3A_1149, %swap3A_1150, %swap3A_1151] {strides = array<i32>} : memref<2x10x8x512xf32, #tpu.memory_space<vmem>>, vector<16xf32>,
        tpu.vector_store %arg7[%swap3A_1148, %swap3A_1149, %swap3A_1150, %swap3A_1151], %gather3A_1143 {strides = array<i32>} : memref<2x10x8x512xf32, #tpu.memory_space<vmem>>, vector<16xf32>,
        %gather3A_1153 = arith.constant 96 : i32
        %gather3A_1154 = tpu.memref_slice %arg5[%gather3A_1153] : memref<240xf32, #tpu.memory_space<vmem>> -> memref<24xf32, #tpu.memory_space<vmem>>
        %gather3A_1155 = tpu.vector_load_idx %gather3A_1154[%get3A_1104] : memref<24xf32, #tpu.memory_space<vmem>>[vector<16xi32>], vector<16xf32>,
        %mul3A_1156 = arith.constant 16 : i32
        %mul3A_1157 = arith.muli %add3A_1099, %mul3A_1156 : i32
        %swap3A_1158 = arith.constant 1 : i32
        %swap3A_1159 = arith.constant 4 : i32
        %swap3A_1160 = arith.index_cast %swap3A_1158 : i32 to index
        %swap3A_1161 = arith.index_cast %swap3A_1159 : i32 to index
        %swap3A_1162 = arith.index_cast %add3A_699 : i32 to index
        %swap3A_1163 = arith.index_cast %mul3A_1157 : i32 to index
        %swap3A_1164 = tpu.vector_load %arg7[%swap3A_1160, %swap3A_1161, %swap3A_1162, %swap3A_1163] {strides = array<i32>} : memref<2x10x8x512xf32, #tpu.memory_space<vmem>>, vector<16xf32>,
        tpu.vector_store %arg7[%swap3A_1160, %swap3A_1161, %swap3A_1162, %swap3A_1163], %gather3A_1155 {strides = array<i32>} : memref<2x10x8x512xf32, #tpu.memory_space<vmem>>, vector<16xf32>,
        %gather3A_1165 = arith.constant 120 : i32
        %gather3A_1166 = tpu.memref_slice %arg5[%gather3A_1165] : memref<240xf32, #tpu.memory_space<vmem>> -> memref<24xf32, #tpu.memory_space<vmem>>
        %gather3A_1167 = tpu.vector_load_idx %gather3A_1166[%get3A_1104] : memref<24xf32, #tpu.memory_space<vmem>>[vector<16xi32>], vector<16xf32>,
        %mul3A_1168 = arith.constant 16 : i32
        %mul3A_1169 = arith.muli %add3A_1099, %mul3A_1168 : i32
        %swap3A_1170 = arith.constant 1 : i32
        %swap3A_1171 = arith.constant 5 : i32
        %swap3A_1172 = arith.index_cast %swap3A_1170 : i32 to index
        %swap3A_1173 = arith.index_cast %swap3A_1171 : i32 to index
        %swap3A_1174 = arith.index_cast %add3A_699 : i32 to index
        %swap3A_1175 = arith.index_cast %mul3A_1169 : i32 to index
        %swap3A_1176 = tpu.vector_load %arg7[%swap3A_1172, %swap3A_1173, %swap3A_1174, %swap3A_1175] {strides = array<i32>} : memref<2x10x8x512xf32, #tpu.memory_space<vmem>>, vector<16xf32>,
        tpu.vector_store %arg7[%swap3A_1172, %swap3A_1173, %swap3A_1174, %swap3A_1175], %gather3A_1167 {strides = array<i32>} : memref<2x10x8x512xf32, #tpu.memory_space<vmem>>, vector<16xf32>,
        %gather3A_1177 = arith.constant 144 : i32
        %gather3A_1178 = tpu.memref_slice %arg5[%gather3A_1177] : memref<240xf32, #tpu.memory_space<vmem>> -> memref<24xf32, #tpu.memory_space<vmem>>
        %gather3A_1179 = tpu.vector_load_idx %gather3A_1178[%get3A_1104] : memref<24xf32, #tpu.memory_space<vmem>>[vector<16xi32>], vector<16xf32>,
        %mul3A_1180 = arith.constant 16 : i32
        %mul3A_1181 = arith.muli %add3A_1099, %mul3A_1180 : i32
        %swap3A_1182 = arith.constant 1 : i32
        %swap3A_1183 = arith.constant 6 : i32
        %swap3A_1184 = arith.index_cast %swap3A_1182 : i32 to index
        %swap3A_1185 = arith.index_cast %swap3A_1183 : i32 to index
        %swap3A_1186 = arith.index_cast %add3A_699 : i32 to index
        %swap3A_1187 = arith.index_cast %mul3A_1181 : i32 to index
        %swap3A_1188 = tpu.vector_load %arg7[%swap3A_1184, %swap3A_1185, %swap3A_1186, %swap3A_1187] {strides = array<i32>} : memref<2x10x8x512xf32, #tpu.memory_space<vmem>>, vector<16xf32>,
        tpu.vector_store %arg7[%swap3A_1184, %swap3A_1185, %swap3A_1186, %swap3A_1187], %gather3A_1179 {strides = array<i32>} : memref<2x10x8x512xf32, #tpu.memory_space<vmem>>, vector<16xf32>,
        %gather3A_1189 = arith.constant 168 : i32
        %gather3A_1190 = tpu.memref_slice %arg5[%gather3A_1189] : memref<240xf32, #tpu.memory_space<vmem>> -> memref<24xf32, #tpu.memory_space<vmem>>
        %gather3A_1191 = tpu.vector_load_idx %gather3A_1190[%get3A_1104] : memref<24xf32, #tpu.memory_space<vmem>>[vector<16xi32>], vector<16xf32>,
        %mul3A_1192 = arith.constant 16 : i32
        %mul3A_1193 = arith.muli %add3A_1099, %mul3A_1192 : i32
        %swap3A_1194 = arith.constant 1 : i32
        %swap3A_1195 = arith.constant 7 : i32
        %swap3A_1196 = arith.index_cast %swap3A_1194 : i32 to index
        %swap3A_1197 = arith.index_cast %swap3A_1195 : i32 to index
        %swap3A_1198 = arith.index_cast %add3A_699 : i32 to index
        %swap3A_1199 = arith.index_cast %mul3A_1193 : i32 to index
        %swap3A_1200 = tpu.vector_load %arg7[%swap3A_1196, %swap3A_1197, %swap3A_1198, %swap3A_1199] {strides = array<i32>} : memref<2x10x8x512xf32, #tpu.memory_space<vmem>>, vector<16xf32>,
        tpu.vector_store %arg7[%swap3A_1196, %swap3A_1197, %swap3A_1198, %swap3A_1199], %gather3A_1191 {strides = array<i32>} : memref<2x10x8x512xf32, #tpu.memory_space<vmem>>, vector<16xf32>,
        %gather3A_1201 = arith.constant 192 : i32
        %gather3A_1202 = tpu.memref_slice %arg5[%gather3A_1201] : memref<240xf32, #tpu.memory_space<vmem>> -> memref<24xf32, #tpu.memory_space<vmem>>
        %gather3A_1203 = tpu.vector_load_idx %gather3A_1202[%get3A_1104] : memref<24xf32, #tpu.memory_space<vmem>>[vector<16xi32>], vector<16xf32>,
        %mul3A_1204 = arith.constant 16 : i32
        %mul3A_1205 = arith.muli %add3A_1099, %mul3A_1204 : i32
        %swap3A_1206 = arith.constant 1 : i32
        %swap3A_1207 = arith.constant 8 : i32
        %swap3A_1208 = arith.index_cast %swap3A_1206 : i32 to index
        %swap3A_1209 = arith.index_cast %swap3A_1207 : i32 to index
        %swap3A_1210 = arith.index_cast %add3A_699 : i32 to index
        %swap3A_1211 = arith.index_cast %mul3A_1205 : i32 to index
        %swap3A_1212 = tpu.vector_load %arg7[%swap3A_1208, %swap3A_1209, %swap3A_1210, %swap3A_1211] {strides = array<i32>} : memref<2x10x8x512xf32, #tpu.memory_space<vmem>>, vector<16xf32>,
        tpu.vector_store %arg7[%swap3A_1208, %swap3A_1209, %swap3A_1210, %swap3A_1211], %gather3A_1203 {strides = array<i32>} : memref<2x10x8x512xf32, #tpu.memory_space<vmem>>, vector<16xf32>,
        %gather3A_1213 = arith.constant 216 : i32
        %gather3A_1214 = tpu.memref_slice %arg5[%gather3A_1213] : memref<240xf32, #tpu.memory_space<vmem>> -> memref<24xf32, #tpu.memory_space<vmem>>
        %gather3A_1215 = tpu.vector_load_idx %gather3A_1214[%get3A_1104] : memref<24xf32, #tpu.memory_space<vmem>>[vector<16xi32>], vector<16xf32>,
        %mul3A_1216 = arith.constant 16 : i32
        %mul3A_1217 = arith.muli %add3A_1099, %mul3A_1216 : i32
        %swap3A_1218 = arith.constant 1 : i32
        %swap3A_1219 = arith.constant 9 : i32
        %swap3A_1220 = arith.index_cast %swap3A_1218 : i32 to index
        %swap3A_1221 = arith.index_cast %swap3A_1219 : i32 to index
        %swap3A_1222 = arith.index_cast %add3A_699 : i32 to index
        %swap3A_1223 = arith.index_cast %mul3A_1217 : i32 to index
        %swap3A_1224 = tpu.vector_load %arg7[%swap3A_1220, %swap3A_1221, %swap3A_1222, %swap3A_1223] {strides = array<i32>} : memref<2x10x8x512xf32, #tpu.memory_space<vmem>>, vector<16xf32>,
        tpu.vector_store %arg7[%swap3A_1220, %swap3A_1221, %swap3A_1222, %swap3A_1223], %gather3A_1215 {strides = array<i32>} : memref<2x10x8x512xf32, #tpu.memory_space<vmem>>, vector<16xf32>,
      }
      %scan3A_704 = arith.constant 32 : i32
    }
    %scan3A_180 = arith.constant 8 : i32
    %dma_start3A_181 = arith.constant 1 : i32
    %dma_start3A_182 = arith.constant 0 : i32
    %dma_start3A_183 = arith.constant 0 : i32
    %dma_start3A_184 = arith.constant 0 : i32
    %dma_start3A_185 = arith.constant 0 : i32
    %dma_start3A_186 = tpu.memref_slice %arg7[%dma_start3A_181, %dma_start3A_182, %dma_start3A_184, %dma_start3A_185] : memref<2x10x8x512xf32, #tpu.memory_space<vmem>> -> memref<1x1x8x512xf32, #tpu.memory_space<vmem>>
    %dma_start3A_187 = tpu.memref_squeeze %dma_start3A_186 : memref<1x1x8x512xf32, #tpu.memory_space<vmem>> -> memref<8x512xf32, #tpu.memory_space<vmem>>
    %dma_start3A_188 = arith.constant 8 : i32
    %dma_start3A_189 = tpu.memref_slice %arg4[%dma_start3A_183, %dma_start3A_188, %mul3A_2] : memref<10x200x16384xf32, #tpu.memory_space<hbm>> -> memref<1x8x512xf32, #tpu.memory_space<hbm>>
    %dma_start3A_190 = tpu.memref_squeeze %dma_start3A_189 : memref<1x8x512xf32, #tpu.memory_space<hbm>> -> memref<8x512xf32, #tpu.memory_space<hbm>>
    %dma_start3A_191 = arith.constant 8 : i32
    %dma_start3A_192 = tpu.memref_slice %arg4[%dma_start3A_183, %dma_start3A_191, %mul3A_2] : memref<10x200x16384xf32, #tpu.memory_space<hbm>> -> memref<1x8x512xf32, #tpu.memory_space<hbm>>
    %dma_start3A_193 = tpu.memref_squeeze %dma_start3A_192 : memref<1x8x512xf32, #tpu.memory_space<hbm>> -> memref<8x512xf32, #tpu.memory_space<hbm>>
    %dma_start3A_194 = arith.constant 0 : i32
    %dma_start3A_195 = arith.constant 0 : i32
    %dma_start3A_196 = tpu.memref_slice %arg7[%dma_start3A_181, %dma_start3A_182, %dma_start3A_194, %dma_start3A_195] : memref<2x10x8x512xf32, #tpu.memory_space<vmem>> -> memref<1x1x8x512xf32, #tpu.memory_space<vmem>>
    %dma_start3A_197 = tpu.memref_squeeze %dma_start3A_196 : memref<1x1x8x512xf32, #tpu.memory_space<vmem>> -> memref<8x512xf32, #tpu.memory_space<vmem>>
    tpu.enqueue_dma source(%dma_start3A_197 : memref<8x512xf32, #tpu.memory_space<vmem>>) target(%dma_start3A_193 : memref<8x512xf32, #tpu.memory_space<hbm>>) target_semaphore(%arg8 : memref<!tpu.dma_semaphore, #tpu.memory_space<semaphore_mem>>)
    %dma_start3A_198 = arith.constant 1 : i32
    %dma_start3A_199 = arith.constant 1 : i32
    %dma_start3A_200 = arith.constant 1 : i32
    %dma_start3A_201 = arith.constant 0 : i32
    %dma_start3A_202 = arith.constant 0 : i32
    %dma_start3A_203 = tpu.memref_slice %arg7[%dma_start3A_198, %dma_start3A_199, %dma_start3A_201, %dma_start3A_202] : memref<2x10x8x512xf32, #tpu.memory_space<vmem>> -> memref<1x1x8x512xf32, #tpu.memory_space<vmem>>
    %dma_start3A_204 = tpu.memref_squeeze %dma_start3A_203 : memref<1x1x8x512xf32, #tpu.memory_space<vmem>> -> memref<8x512xf32, #tpu.memory_space<vmem>>
    %dma_start3A_205 = arith.constant 8 : i32
    %dma_start3A_206 = tpu.memref_slice %arg4[%dma_start3A_200, %dma_start3A_205, %mul3A_2] : memref<10x200x16384xf32, #tpu.memory_space<hbm>> -> memref<1x8x512xf32, #tpu.memory_space<hbm>>
    %dma_start3A_207 = tpu.memref_squeeze %dma_start3A_206 : memref<1x8x512xf32, #tpu.memory_space<hbm>> -> memref<8x512xf32, #tpu.memory_space<hbm>>
    %dma_start3A_208 = arith.constant 8 : i32
    %dma_start3A_209 = tpu.memref_slice %arg4[%dma_start3A_200, %dma_start3A_208, %mul3A_2] : memref<10x200x16384xf32, #tpu.memory_space<hbm>> -> memref<1x8x512xf32, #tpu.memory_space<hbm>>
    %dma_start3A_210 = tpu.memref_squeeze %dma_start3A_209 : memref<1x8x512xf32, #tpu.memory_space<hbm>> -> memref<8x512xf32, #tpu.memory_space<hbm>>
    %dma_start3A_211 = arith.constant 0 : i32
    %dma_start3A_212 = arith.constant 0 : i32
    %dma_start3A_213 = tpu.memref_slice %arg7[%dma_start3A_198, %dma_start3A_199, %dma_start3A_211, %dma_start3A_212] : memref<2x10x8x512xf32, #tpu.memory_space<vmem>> -> memref<1x1x8x512xf32, #tpu.memory_space<vmem>>
    %dma_start3A_214 = tpu.memref_squeeze %dma_start3A_213 : memref<1x1x8x512xf32, #tpu.memory_space<vmem>> -> memref<8x512xf32, #tpu.memory_space<vmem>>
    tpu.enqueue_dma source(%dma_start3A_214 : memref<8x512xf32, #tpu.memory_space<vmem>>) target(%dma_start3A_210 : memref<8x512xf32, #tpu.memory_space<hbm>>) target_semaphore(%arg8 : memref<!tpu.dma_semaphore, #tpu.memory_space<semaphore_mem>>)
    %dma_start3A_215 = arith.constant 1 : i32
    %dma_start3A_216 = arith.constant 2 : i32
    %dma_start3A_217 = arith.constant 2 : i32
    %dma_start3A_218 = arith.constant 0 : i32
    %dma_start3A_219 = arith.constant 0 : i32
    %dma_start3A_220 = tpu.memref_slice %arg7[%dma_start3A_215, %dma_start3A_216, %dma_start3A_218, %dma_start3A_219] : memref<2x10x8x512xf32, #tpu.memory_space<vmem>> -> memref<1x1x8x512xf32, #tpu.memory_space<vmem>>
    %dma_start3A_221 = tpu.memref_squeeze %dma_start3A_220 : memref<1x1x8x512xf32, #tpu.memory_space<vmem>> -> memref<8x512xf32, #tpu.memory_space<vmem>>
    %dma_start3A_222 = arith.constant 8 : i32
    %dma_start3A_223 = tpu.memref_slice %arg4[%dma_start3A_217, %dma_start3A_222, %mul3A_2] : memref<10x200x16384xf32, #tpu.memory_space<hbm>> -> memref<1x8x512xf32, #tpu.memory_space<hbm>>
    %dma_start3A_224 = tpu.memref_squeeze %dma_start3A_223 : memref<1x8x512xf32, #tpu.memory_space<hbm>> -> memref<8x512xf32, #tpu.memory_space<hbm>>
    %dma_start3A_225 = arith.constant 8 : i32
    %dma_start3A_226 = tpu.memref_slice %arg4[%dma_start3A_217, %dma_start3A_225, %mul3A_2] : memref<10x200x16384xf32, #tpu.memory_space<hbm>> -> memref<1x8x512xf32, #tpu.memory_space<hbm>>
    %dma_start3A_227 = tpu.memref_squeeze %dma_start3A_226 : memref<1x8x512xf32, #tpu.memory_space<hbm>> -> memref<8x512xf32, #tpu.memory_space<hbm>>
    %dma_start3A_228 = arith.constant 0 : i32
    %dma_start3A_229 = arith.constant 0 : i32
    %dma_start3A_230 = tpu.memref_slice %arg7[%dma_start3A_215, %dma_start3A_216, %dma_start3A_228, %dma_start3A_229] : memref<2x10x8x512xf32, #tpu.memory_space<vmem>> -> memref<1x1x8x512xf32, #tpu.memory_space<vmem>>
    %dma_start3A_231 = tpu.memref_squeeze %dma_start3A_230 : memref<1x1x8x512xf32, #tpu.memory_space<vmem>> -> memref<8x512xf32, #tpu.memory_space<vmem>>
    tpu.enqueue_dma source(%dma_start3A_231 : memref<8x512xf32, #tpu.memory_space<vmem>>) target(%dma_start3A_227 : memref<8x512xf32, #tpu.memory_space<hbm>>) target_semaphore(%arg8 : memref<!tpu.dma_semaphore, #tpu.memory_space<semaphore_mem>>)
    %dma_start3A_232 = arith.constant 1 : i32
    %dma_start3A_233 = arith.constant 3 : i32
    %dma_start3A_234 = arith.constant 3 : i32
    %dma_start3A_235 = arith.constant 0 : i32
    %dma_start3A_236 = arith.constant 0 : i32
    %dma_start3A_237 = tpu.memref_slice %arg7[%dma_start3A_232, %dma_start3A_233, %dma_start3A_235, %dma_start3A_236] : memref<2x10x8x512xf32, #tpu.memory_space<vmem>> -> memref<1x1x8x512xf32, #tpu.memory_space<vmem>>
    %dma_start3A_238 = tpu.memref_squeeze %dma_start3A_237 : memref<1x1x8x512xf32, #tpu.memory_space<vmem>> -> memref<8x512xf32, #tpu.memory_space<vmem>>
    %dma_start3A_239 = arith.constant 8 : i32
    %dma_start3A_240 = tpu.memref_slice %arg4[%dma_start3A_234, %dma_start3A_239, %mul3A_2] : memref<10x200x16384xf32, #tpu.memory_space<hbm>> -> memref<1x8x512xf32, #tpu.memory_space<hbm>>
    %dma_start3A_241 = tpu.memref_squeeze %dma_start3A_240 : memref<1x8x512xf32, #tpu.memory_space<hbm>> -> memref<8x512xf32, #tpu.memory_space<hbm>>
    %dma_start3A_242 = arith.constant 8 : i32
    %dma_start3A_243 = tpu.memref_slice %arg4[%dma_start3A_234, %dma_start3A_242, %mul3A_2] : memref<10x200x16384xf32, #tpu.memory_space<hbm>> -> memref<1x8x512xf32, #tpu.memory_space<hbm>>
    %dma_start3A_244 = tpu.memref_squeeze %dma_start3A_243 : memref<1x8x512xf32, #tpu.memory_space<hbm>> -> memref<8x512xf32, #tpu.memory_space<hbm>>
    %dma_start3A_245 = arith.constant 0 : i32
    %dma_start3A_246 = arith.constant 0 : i32
    %dma_start3A_247 = tpu.memref_slice %arg7[%dma_start3A_232, %dma_start3A_233, %dma_start3A_245, %dma_start3A_246] : memref<2x10x8x512xf32, #tpu.memory_space<vmem>> -> memref<1x1x8x512xf32, #tpu.memory_space<vmem>>
    %dma_start3A_248 = tpu.memref_squeeze %dma_start3A_247 : memref<1x1x8x512xf32, #tpu.memory_space<vmem>> -> memref<8x512xf32, #tpu.memory_space<vmem>>
    tpu.enqueue_dma source(%dma_start3A_248 : memref<8x512xf32, #tpu.memory_space<vmem>>) target(%dma_start3A_244 : memref<8x512xf32, #tpu.memory_space<hbm>>) target_semaphore(%arg8 : memref<!tpu.dma_semaphore, #tpu.memory_space<semaphore_mem>>)
    %dma_start3A_249 = arith.constant 1 : i32
    %dma_start3A_250 = arith.constant 4 : i32
    %dma_start3A_251 = arith.constant 4 : i32
    %dma_start3A_252 = arith.constant 0 : i32
    %dma_start3A_253 = arith.constant 0 : i32
    %dma_start3A_254 = tpu.memref_slice %arg7[%dma_start3A_249, %dma_start3A_250, %dma_start3A_252, %dma_start3A_253] : memref<2x10x8x512xf32, #tpu.memory_space<vmem>> -> memref<1x1x8x512xf32, #tpu.memory_space<vmem>>
    %dma_start3A_255 = tpu.memref_squeeze %dma_start3A_254 : memref<1x1x8x512xf32, #tpu.memory_space<vmem>> -> memref<8x512xf32, #tpu.memory_space<vmem>>
    %dma_start3A_256 = arith.constant 8 : i32
    %dma_start3A_257 = tpu.memref_slice %arg4[%dma_start3A_251, %dma_start3A_256, %mul3A_2] : memref<10x200x16384xf32, #tpu.memory_space<hbm>> -> memref<1x8x512xf32, #tpu.memory_space<hbm>>
    %dma_start3A_258 = tpu.memref_squeeze %dma_start3A_257 : memref<1x8x512xf32, #tpu.memory_space<hbm>> -> memref<8x512xf32, #tpu.memory_space<hbm>>
    %dma_start3A_259 = arith.constant 8 : i32
    %dma_start3A_260 = tpu.memref_slice %arg4[%dma_start3A_251, %dma_start3A_259, %mul3A_2] : memref<10x200x16384xf32, #tpu.memory_space<hbm>> -> memref<1x8x512xf32, #tpu.memory_space<hbm>>
    %dma_start3A_261 = tpu.memref_squeeze %dma_start3A_260 : memref<1x8x512xf32, #tpu.memory_space<hbm>> -> memref<8x512xf32, #tpu.memory_space<hbm>>
    %dma_start3A_262 = arith.constant 0 : i32
    %dma_start3A_263 = arith.constant 0 : i32
    %dma_start3A_264 = tpu.memref_slice %arg7[%dma_start3A_249, %dma_start3A_250, %dma_start3A_262, %dma_start3A_263] : memref<2x10x8x512xf32, #tpu.memory_space<vmem>> -> memref<1x1x8x512xf32, #tpu.memory_space<vmem>>
    %dma_start3A_265 = tpu.memref_squeeze %dma_start3A_264 : memref<1x1x8x512xf32, #tpu.memory_space<vmem>> -> memref<8x512xf32, #tpu.memory_space<vmem>>
    tpu.enqueue_dma source(%dma_start3A_265 : memref<8x512xf32, #tpu.memory_space<vmem>>) target(%dma_start3A_261 : memref<8x512xf32, #tpu.memory_space<hbm>>) target_semaphore(%arg8 : memref<!tpu.dma_semaphore, #tpu.memory_space<semaphore_mem>>)
    %dma_start3A_266 = arith.constant 1 : i32
    %dma_start3A_267 = arith.constant 5 : i32
    %dma_start3A_268 = arith.constant 5 : i32
    %dma_start3A_269 = arith.constant 0 : i32
    %dma_start3A_270 = arith.constant 0 : i32
    %dma_start3A_271 = tpu.memref_slice %arg7[%dma_start3A_266, %dma_start3A_267, %dma_start3A_269, %dma_start3A_270] : memref<2x10x8x512xf32, #tpu.memory_space<vmem>> -> memref<1x1x8x512xf32, #tpu.memory_space<vmem>>
    %dma_start3A_272 = tpu.memref_squeeze %dma_start3A_271 : memref<1x1x8x512xf32, #tpu.memory_space<vmem>> -> memref<8x512xf32, #tpu.memory_space<vmem>>
    %dma_start3A_273 = arith.constant 8 : i32
    %dma_start3A_274 = tpu.memref_slice %arg4[%dma_start3A_268, %dma_start3A_273, %mul3A_2] : memref<10x200x16384xf32, #tpu.memory_space<hbm>> -> memref<1x8x512xf32, #tpu.memory_space<hbm>>
    %dma_start3A_275 = tpu.memref_squeeze %dma_start3A_274 : memref<1x8x512xf32, #tpu.memory_space<hbm>> -> memref<8x512xf32, #tpu.memory_space<hbm>>
    %dma_start3A_276 = arith.constant 8 : i32
    %dma_start3A_277 = tpu.memref_slice %arg4[%dma_start3A_268, %dma_start3A_276, %mul3A_2] : memref<10x200x16384xf32, #tpu.memory_space<hbm>> -> memref<1x8x512xf32, #tpu.memory_space<hbm>>
    %dma_start3A_278 = tpu.memref_squeeze %dma_start3A_277 : memref<1x8x512xf32, #tpu.memory_space<hbm>> -> memref<8x512xf32, #tpu.memory_space<hbm>>
    %dma_start3A_279 = arith.constant 0 : i32
    %dma_start3A_280 = arith.constant 0 : i32
    %dma_start3A_281 = tpu.memref_slice %arg7[%dma_start3A_266, %dma_start3A_267, %dma_start3A_279, %dma_start3A_280] : memref<2x10x8x512xf32, #tpu.memory_space<vmem>> -> memref<1x1x8x512xf32, #tpu.memory_space<vmem>>
    %dma_start3A_282 = tpu.memref_squeeze %dma_start3A_281 : memref<1x1x8x512xf32, #tpu.memory_space<vmem>> -> memref<8x512xf32, #tpu.memory_space<vmem>>
    tpu.enqueue_dma source(%dma_start3A_282 : memref<8x512xf32, #tpu.memory_space<vmem>>) target(%dma_start3A_278 : memref<8x512xf32, #tpu.memory_space<hbm>>) target_semaphore(%arg8 : memref<!tpu.dma_semaphore, #tpu.memory_space<semaphore_mem>>)
    %dma_start3A_283 = arith.constant 1 : i32
    %dma_start3A_284 = arith.constant 6 : i32
    %dma_start3A_285 = arith.constant 6 : i32
    %dma_start3A_286 = arith.constant 0 : i32
    %dma_start3A_287 = arith.constant 0 : i32
    %dma_start3A_288 = tpu.memref_slice %arg7[%dma_start3A_283, %dma_start3A_284, %dma_start3A_286, %dma_start3A_287] : memref<2x10x8x512xf32, #tpu.memory_space<vmem>> -> memref<1x1x8x512xf32, #tpu.memory_space<vmem>>
    %dma_start3A_289 = tpu.memref_squeeze %dma_start3A_288 : memref<1x1x8x512xf32, #tpu.memory_space<vmem>> -> memref<8x512xf32, #tpu.memory_space<vmem>>
    %dma_start3A_290 = arith.constant 8 : i32
    %dma_start3A_291 = tpu.memref_slice %arg4[%dma_start3A_285, %dma_start3A_290, %mul3A_2] : memref<10x200x16384xf32, #tpu.memory_space<hbm>> -> memref<1x8x512xf32, #tpu.memory_space<hbm>>
    %dma_start3A_292 = tpu.memref_squeeze %dma_start3A_291 : memref<1x8x512xf32, #tpu.memory_space<hbm>> -> memref<8x512xf32, #tpu.memory_space<hbm>>
    %dma_start3A_293 = arith.constant 8 : i32
    %dma_start3A_294 = tpu.memref_slice %arg4[%dma_start3A_285, %dma_start3A_293, %mul3A_2] : memref<10x200x16384xf32, #tpu.memory_space<hbm>> -> memref<1x8x512xf32, #tpu.memory_space<hbm>>
    %dma_start3A_295 = tpu.memref_squeeze %dma_start3A_294 : memref<1x8x512xf32, #tpu.memory_space<hbm>> -> memref<8x512xf32, #tpu.memory_space<hbm>>
    %dma_start3A_296 = arith.constant 0 : i32
    %dma_start3A_297 = arith.constant 0 : i32
    %dma_start3A_298 = tpu.memref_slice %arg7[%dma_start3A_283, %dma_start3A_284, %dma_start3A_296, %dma_start3A_297] : memref<2x10x8x512xf32, #tpu.memory_space<vmem>> -> memref<1x1x8x512xf32, #tpu.memory_space<vmem>>
    %dma_start3A_299 = tpu.memref_squeeze %dma_start3A_298 : memref<1x1x8x512xf32, #tpu.memory_space<vmem>> -> memref<8x512xf32, #tpu.memory_space<vmem>>
    tpu.enqueue_dma source(%dma_start3A_299 : memref<8x512xf32, #tpu.memory_space<vmem>>) target(%dma_start3A_295 : memref<8x512xf32, #tpu.memory_space<hbm>>) target_semaphore(%arg8 : memref<!tpu.dma_semaphore, #tpu.memory_space<semaphore_mem>>)
    %dma_start3A_300 = arith.constant 1 : i32
    %dma_start3A_301 = arith.constant 7 : i32
    %dma_start3A_302 = arith.constant 7 : i32
    %dma_start3A_303 = arith.constant 0 : i32
    %dma_start3A_304 = arith.constant 0 : i32
    %dma_start3A_305 = tpu.memref_slice %arg7[%dma_start3A_300, %dma_start3A_301, %dma_start3A_303, %dma_start3A_304] : memref<2x10x8x512xf32, #tpu.memory_space<vmem>> -> memref<1x1x8x512xf32, #tpu.memory_space<vmem>>
    %dma_start3A_306 = tpu.memref_squeeze %dma_start3A_305 : memref<1x1x8x512xf32, #tpu.memory_space<vmem>> -> memref<8x512xf32, #tpu.memory_space<vmem>>
    %dma_start3A_307 = arith.constant 8 : i32
    %dma_start3A_308 = tpu.memref_slice %arg4[%dma_start3A_302, %dma_start3A_307, %mul3A_2] : memref<10x200x16384xf32, #tpu.memory_space<hbm>> -> memref<1x8x512xf32, #tpu.memory_space<hbm>>
    %dma_start3A_309 = tpu.memref_squeeze %dma_start3A_308 : memref<1x8x512xf32, #tpu.memory_space<hbm>> -> memref<8x512xf32, #tpu.memory_space<hbm>>
    %dma_start3A_310 = arith.constant 8 : i32
    %dma_start3A_311 = tpu.memref_slice %arg4[%dma_start3A_302, %dma_start3A_310, %mul3A_2] : memref<10x200x16384xf32, #tpu.memory_space<hbm>> -> memref<1x8x512xf32, #tpu.memory_space<hbm>>
    %dma_start3A_312 = tpu.memref_squeeze %dma_start3A_311 : memref<1x8x512xf32, #tpu.memory_space<hbm>> -> memref<8x512xf32, #tpu.memory_space<hbm>>
    %dma_start3A_313 = arith.constant 0 : i32
    %dma_start3A_314 = arith.constant 0 : i32
    %dma_start3A_315 = tpu.memref_slice %arg7[%dma_start3A_300, %dma_start3A_301, %dma_start3A_313, %dma_start3A_314] : memref<2x10x8x512xf32, #tpu.memory_space<vmem>> -> memref<1x1x8x512xf32, #tpu.memory_space<vmem>>
    %dma_start3A_316 = tpu.memref_squeeze %dma_start3A_315 : memref<1x1x8x512xf32, #tpu.memory_space<vmem>> -> memref<8x512xf32, #tpu.memory_space<vmem>>
    tpu.enqueue_dma source(%dma_start3A_316 : memref<8x512xf32, #tpu.memory_space<vmem>>) target(%dma_start3A_312 : memref<8x512xf32, #tpu.memory_space<hbm>>) target_semaphore(%arg8 : memref<!tpu.dma_semaphore, #tpu.memory_space<semaphore_mem>>)
    %dma_start3A_317 = arith.constant 1 : i32
    %dma_start3A_318 = arith.constant 8 : i32
    %dma_start3A_319 = arith.constant 8 : i32
    %dma_start3A_320 = arith.constant 0 : i32
    %dma_start3A_321 = arith.constant 0 : i32
    %dma_start3A_322 = tpu.memref_slice %arg7[%dma_start3A_317, %dma_start3A_318, %dma_start3A_320, %dma_start3A_321] : memref<2x10x8x512xf32, #tpu.memory_space<vmem>> -> memref<1x1x8x512xf32, #tpu.memory_space<vmem>>
    %dma_start3A_323 = tpu.memref_squeeze %dma_start3A_322 : memref<1x1x8x512xf32, #tpu.memory_space<vmem>> -> memref<8x512xf32, #tpu.memory_space<vmem>>
    %dma_start3A_324 = arith.constant 8 : i32
    %dma_start3A_325 = tpu.memref_slice %arg4[%dma_start3A_319, %dma_start3A_324, %mul3A_2] : memref<10x200x16384xf32, #tpu.memory_space<hbm>> -> memref<1x8x512xf32, #tpu.memory_space<hbm>>
    %dma_start3A_326 = tpu.memref_squeeze %dma_start3A_325 : memref<1x8x512xf32, #tpu.memory_space<hbm>> -> memref<8x512xf32, #tpu.memory_space<hbm>>
    %dma_start3A_327 = arith.constant 8 : i32
    %dma_start3A_328 = tpu.memref_slice %arg4[%dma_start3A_319, %dma_start3A_327, %mul3A_2] : memref<10x200x16384xf32, #tpu.memory_space<hbm>> -> memref<1x8x512xf32, #tpu.memory_space<hbm>>
    %dma_start3A_329 = tpu.memref_squeeze %dma_start3A_328 : memref<1x8x512xf32, #tpu.memory_space<hbm>> -> memref<8x512xf32, #tpu.memory_space<hbm>>
    %dma_start3A_330 = arith.constant 0 : i32
    %dma_start3A_331 = arith.constant 0 : i32
    %dma_start3A_332 = tpu.memref_slice %arg7[%dma_start3A_317, %dma_start3A_318, %dma_start3A_330, %dma_start3A_331] : memref<2x10x8x512xf32, #tpu.memory_space<vmem>> -> memref<1x1x8x512xf32, #tpu.memory_space<vmem>>
    %dma_start3A_333 = tpu.memref_squeeze %dma_start3A_332 : memref<1x1x8x512xf32, #tpu.memory_space<vmem>> -> memref<8x512xf32, #tpu.memory_space<vmem>>
    tpu.enqueue_dma source(%dma_start3A_333 : memref<8x512xf32, #tpu.memory_space<vmem>>) target(%dma_start3A_329 : memref<8x512xf32, #tpu.memory_space<hbm>>) target_semaphore(%arg8 : memref<!tpu.dma_semaphore, #tpu.memory_space<semaphore_mem>>)
    %dma_start3A_334 = arith.constant 1 : i32
    %dma_start3A_335 = arith.constant 9 : i32
    %dma_start3A_336 = arith.constant 9 : i32
    %dma_start3A_337 = arith.constant 0 : i32
    %dma_start3A_338 = arith.constant 0 : i32
    %dma_start3A_339 = tpu.memref_slice %arg7[%dma_start3A_334, %dma_start3A_335, %dma_start3A_337, %dma_start3A_338] : memref<2x10x8x512xf32, #tpu.memory_space<vmem>> -> memref<1x1x8x512xf32, #tpu.memory_space<vmem>>
    %dma_start3A_340 = tpu.memref_squeeze %dma_start3A_339 : memref<1x1x8x512xf32, #tpu.memory_space<vmem>> -> memref<8x512xf32, #tpu.memory_space<vmem>>
    %dma_start3A_341 = arith.constant 8 : i32
    %dma_start3A_342 = tpu.memref_slice %arg4[%dma_start3A_336, %dma_start3A_341, %mul3A_2] : memref<10x200x16384xf32, #tpu.memory_space<hbm>> -> memref<1x8x512xf32, #tpu.memory_space<hbm>>
    %dma_start3A_343 = tpu.memref_squeeze %dma_start3A_342 : memref<1x8x512xf32, #tpu.memory_space<hbm>> -> memref<8x512xf32, #tpu.memory_space<hbm>>
    %dma_start3A_344 = arith.constant 8 : i32
    %dma_start3A_345 = tpu.memref_slice %arg4[%dma_start3A_336, %dma_start3A_344, %mul3A_2] : memref<10x200x16384xf32, #tpu.memory_space<hbm>> -> memref<1x8x512xf32, #tpu.memory_space<hbm>>
    %dma_start3A_346 = tpu.memref_squeeze %dma_start3A_345 : memref<1x8x512xf32, #tpu.memory_space<hbm>> -> memref<8x512xf32, #tpu.memory_space<hbm>>
    %dma_start3A_347 = arith.constant 0 : i32
    %dma_start3A_348 = arith.constant 0 : i32
    %dma_start3A_349 = tpu.memref_slice %arg7[%dma_start3A_334, %dma_start3A_335, %dma_start3A_347, %dma_start3A_348] : memref<2x10x8x512xf32, #tpu.memory_space<vmem>> -> memref<1x1x8x512xf32, #tpu.memory_space<vmem>>
    %dma_start3A_350 = tpu.memref_squeeze %dma_start3A_349 : memref<1x1x8x512xf32, #tpu.memory_space<vmem>> -> memref<8x512xf32, #tpu.memory_space<vmem>>
    tpu.enqueue_dma source(%dma_start3A_350 : memref<8x512xf32, #tpu.memory_space<vmem>>) target(%dma_start3A_346 : memref<8x512xf32, #tpu.memory_space<hbm>>) target_semaphore(%arg8 : memref<!tpu.dma_semaphore, #tpu.memory_space<semaphore_mem>>)
    %scan3A_351 = arith.constant 0 : i32
    %scan3A_352 = arith.constant 23 : i32
    %scan3A_353 = arith.addi %scan3A_351, %scan3A_352 : i32
    %scan3A_354 = arith.constant 1 : i32
    scf.for %scan3A_695 = %scan3A_351 to %scan3A_353 step %scan3A_354  : i32 {
      %mul3A_696 = arith.constant 1 : i32
      %mul3A_697 = arith.muli %scan3A_695, %mul3A_696 : i32
      %add3A_698 = arith.constant 0 : i32
      %add3A_699 = arith.addi %add3A_698, %mul3A_697 : i32
      %rem3A = arith.constant 2 : i32
      %rem3A_700 = arith.remsi %add3A_699, %rem3A : i32
      %mul3A_701 = arith.constant 8 : i32
      %mul3A_702 = arith.muli %add3A_699, %mul3A_701 : i32
      %dma_wait3A_703 = arith.constant 0 : i32
      %dma_wait3A_704 = arith.constant 0 : i32
      %dma_wait3A_705 = arith.constant 0 : i32
      %dma_wait3A_706 = arith.constant 0 : i32
      %dma_wait3A_707 = tpu.memref_slice %arg7[%rem3A_700, %dma_wait3A_704, %dma_wait3A_705, %dma_wait3A_706] : memref<2x10x8x512xf32, #tpu.memory_space<vmem>> -> memref<1x1x8x512xf32, #tpu.memory_space<vmem>>
      %dma_wait3A_708 = tpu.memref_squeeze %dma_wait3A_707 : memref<1x1x8x512xf32, #tpu.memory_space<vmem>> -> memref<8x512xf32, #tpu.memory_space<vmem>>
      %dma_wait3A_709 = tpu.memref_slice %arg4[%dma_wait3A_703, %mul3A_702, %mul3A_2] : memref<10x200x16384xf32, #tpu.memory_space<hbm>> -> memref<1x8x512xf32, #tpu.memory_space<hbm>>
      %dma_wait3A_710 = tpu.memref_squeeze %dma_wait3A_709 : memref<1x8x512xf32, #tpu.memory_space<hbm>> -> memref<8x512xf32, #tpu.memory_space<hbm>>
      %dma_wait3A_711 = arith.constant 0 : i32
      %dma_wait3A_712 = arith.constant 0 : i32
      %dma_wait3A_713 = tpu.memref_slice %arg7[%rem3A_700, %dma_wait3A_704, %dma_wait3A_711, %dma_wait3A_712] : memref<2x10x8x512xf32, #tpu.memory_space<vmem>> -> memref<1x1x8x512xf32, #tpu.memory_space<vmem>>
      %dma_wait3A_714 = tpu.memref_squeeze %dma_wait3A_713 : memref<1x1x8x512xf32, #tpu.memory_space<vmem>> -> memref<8x512xf32, #tpu.memory_space<vmem>>
      %dma_wait3A_715 = tpu.memref_slice %arg4[%dma_wait3A_703, %mul3A_702, %mul3A_2] : memref<10x200x16384xf32, #tpu.memory_space<hbm>> -> memref<1x8x512xf32, #tpu.memory_space<hbm>>
      %dma_wait3A_716 = tpu.memref_squeeze %dma_wait3A_715 : memref<1x8x512xf32, #tpu.memory_space<hbm>> -> memref<8x512xf32, #tpu.memory_space<hbm>>
      tpu.wait_dma2 semaphore(%arg8 : memref<!tpu.dma_semaphore, #tpu.memory_space<semaphore_mem>>) src(%dma_wait3A_716 : memref<8x512xf32, #tpu.memory_space<hbm>>) dst(%dma_wait3A_714 : memref<8x512xf32, #tpu.memory_space<vmem>>)
      %mul3A_717 = arith.constant 8 : i32
      %mul3A_718 = arith.muli %add3A_699, %mul3A_717 : i32
      %dma_wait3A_719 = arith.constant 1 : i32
      %dma_wait3A_720 = arith.constant 1 : i32
      %dma_wait3A_721 = arith.constant 0 : i32
      %dma_wait3A_722 = arith.constant 0 : i32
      %dma_wait3A_723 = tpu.memref_slice %arg7[%rem3A_700, %dma_wait3A_720, %dma_wait3A_721, %dma_wait3A_722] : memref<2x10x8x512xf32, #tpu.memory_space<vmem>> -> memref<1x1x8x512xf32, #tpu.memory_space<vmem>>
      %dma_wait3A_724 = tpu.memref_squeeze %dma_wait3A_723 : memref<1x1x8x512xf32, #tpu.memory_space<vmem>> -> memref<8x512xf32, #tpu.memory_space<vmem>>
      %dma_wait3A_725 = tpu.memref_slice %arg4[%dma_wait3A_719, %mul3A_718, %mul3A_2] : memref<10x200x16384xf32, #tpu.memory_space<hbm>> -> memref<1x8x512xf32, #tpu.memory_space<hbm>>
      %dma_wait3A_726 = tpu.memref_squeeze %dma_wait3A_725 : memref<1x8x512xf32, #tpu.memory_space<hbm>> -> memref<8x512xf32, #tpu.memory_space<hbm>>
      %dma_wait3A_727 = arith.constant 0 : i32
      %dma_wait3A_728 = arith.constant 0 : i32
      %dma_wait3A_729 = tpu.memref_slice %arg7[%rem3A_700, %dma_wait3A_720, %dma_wait3A_727, %dma_wait3A_728] : memref<2x10x8x512xf32, #tpu.memory_space<vmem>> -> memref<1x1x8x512xf32, #tpu.memory_space<vmem>>
      %dma_wait3A_730 = tpu.memref_squeeze %dma_wait3A_729 : memref<1x1x8x512xf32, #tpu.memory_space<vmem>> -> memref<8x512xf32, #tpu.memory_space<vmem>>
      %dma_wait3A_731 = tpu.memref_slice %arg4[%dma_wait3A_719, %mul3A_718, %mul3A_2] : memref<10x200x16384xf32, #tpu.memory_space<hbm>> -> memref<1x8x512xf32, #tpu.memory_space<hbm>>
      %dma_wait3A_732 = tpu.memref_squeeze %dma_wait3A_731 : memref<1x8x512xf32, #tpu.memory_space<hbm>> -> memref<8x512xf32, #tpu.memory_space<hbm>>
      tpu.wait_dma2 semaphore(%arg8 : memref<!tpu.dma_semaphore, #tpu.memory_space<semaphore_mem>>) src(%dma_wait3A_732 : memref<8x512xf32, #tpu.memory_space<hbm>>) dst(%dma_wait3A_730 : memref<8x512xf32, #tpu.memory_space<vmem>>)
      %mul3A_733 = arith.constant 8 : i32
      %mul3A_734 = arith.muli %add3A_699, %mul3A_733 : i32
      %dma_wait3A_735 = arith.constant 2 : i32
      %dma_wait3A_736 = arith.constant 2 : i32
      %dma_wait3A_737 = arith.constant 0 : i32
      %dma_wait3A_738 = arith.constant 0 : i32
      %dma_wait3A_739 = tpu.memref_slice %arg7[%rem3A_700, %dma_wait3A_736, %dma_wait3A_737, %dma_wait3A_738] : memref<2x10x8x512xf32, #tpu.memory_space<vmem>> -> memref<1x1x8x512xf32, #tpu.memory_space<vmem>>
      %dma_wait3A_740 = tpu.memref_squeeze %dma_wait3A_739 : memref<1x1x8x512xf32, #tpu.memory_space<vmem>> -> memref<8x512xf32, #tpu.memory_space<vmem>>
      %dma_wait3A_741 = tpu.memref_slice %arg4[%dma_wait3A_735, %mul3A_734, %mul3A_2] : memref<10x200x16384xf32, #tpu.memory_space<hbm>> -> memref<1x8x512xf32, #tpu.memory_space<hbm>>
      %dma_wait3A_742 = tpu.memref_squeeze %dma_wait3A_741 : memref<1x8x512xf32, #tpu.memory_space<hbm>> -> memref<8x512xf32, #tpu.memory_space<hbm>>
      %dma_wait3A_743 = arith.constant 0 : i32
      %dma_wait3A_744 = arith.constant 0 : i32
      %dma_wait3A_745 = tpu.memref_slice %arg7[%rem3A_700, %dma_wait3A_736, %dma_wait3A_743, %dma_wait3A_744] : memref<2x10x8x512xf32, #tpu.memory_space<vmem>> -> memref<1x1x8x512xf32, #tpu.memory_space<vmem>>
      %dma_wait3A_746 = tpu.memref_squeeze %dma_wait3A_745 : memref<1x1x8x512xf32, #tpu.memory_space<vmem>> -> memref<8x512xf32, #tpu.memory_space<vmem>>
      %dma_wait3A_747 = tpu.memref_slice %arg4[%dma_wait3A_735, %mul3A_734, %mul3A_2] : memref<10x200x16384xf32, #tpu.memory_space<hbm>> -> memref<1x8x512xf32, #tpu.memory_space<hbm>>
      %dma_wait3A_748 = tpu.memref_squeeze %dma_wait3A_747 : memref<1x8x512xf32, #tpu.memory_space<hbm>> -> memref<8x512xf32, #tpu.memory_space<hbm>>
      tpu.wait_dma2 semaphore(%arg8 : memref<!tpu.dma_semaphore, #tpu.memory_space<semaphore_mem>>) src(%dma_wait3A_748 : memref<8x512xf32, #tpu.memory_space<hbm>>) dst(%dma_wait3A_746 : memref<8x512xf32, #tpu.memory_space<vmem>>)
      %mul3A_749 = arith.constant 8 : i32
      %mul3A_750 = arith.muli %add3A_699, %mul3A_749 : i32
      %dma_wait3A_751 = arith.constant 3 : i32
      %dma_wait3A_752 = arith.constant 3 : i32
      %dma_wait3A_753 = arith.constant 0 : i32
      %dma_wait3A_754 = arith.constant 0 : i32
      %dma_wait3A_755 = tpu.memref_slice %arg7[%rem3A_700, %dma_wait3A_752, %dma_wait3A_753, %dma_wait3A_754] : memref<2x10x8x512xf32, #tpu.memory_space<vmem>> -> memref<1x1x8x512xf32, #tpu.memory_space<vmem>>
      %dma_wait3A_756 = tpu.memref_squeeze %dma_wait3A_755 : memref<1x1x8x512xf32, #tpu.memory_space<vmem>> -> memref<8x512xf32, #tpu.memory_space<vmem>>
      %dma_wait3A_757 = tpu.memref_slice %arg4[%dma_wait3A_751, %mul3A_750, %mul3A_2] : memref<10x200x16384xf32, #tpu.memory_space<hbm>> -> memref<1x8x512xf32, #tpu.memory_space<hbm>>
      %dma_wait3A_758 = tpu.memref_squeeze %dma_wait3A_757 : memref<1x8x512xf32, #tpu.memory_space<hbm>> -> memref<8x512xf32, #tpu.memory_space<hbm>>
      %dma_wait3A_759 = arith.constant 0 : i32
      %dma_wait3A_760 = arith.constant 0 : i32
      %dma_wait3A_761 = tpu.memref_slice %arg7[%rem3A_700, %dma_wait3A_752, %dma_wait3A_759, %dma_wait3A_760] : memref<2x10x8x512xf32, #tpu.memory_space<vmem>> -> memref<1x1x8x512xf32, #tpu.memory_space<vmem>>
      %dma_wait3A_762 = tpu.memref_squeeze %dma_wait3A_761 : memref<1x1x8x512xf32, #tpu.memory_space<vmem>> -> memref<8x512xf32, #tpu.memory_space<vmem>>
      %dma_wait3A_763 = tpu.memref_slice %arg4[%dma_wait3A_751, %mul3A_750, %mul3A_2] : memref<10x200x16384xf32, #tpu.memory_space<hbm>> -> memref<1x8x512xf32, #tpu.memory_space<hbm>>
      %dma_wait3A_764 = tpu.memref_squeeze %dma_wait3A_763 : memref<1x8x512xf32, #tpu.memory_space<hbm>> -> memref<8x512xf32, #tpu.memory_space<hbm>>
      tpu.wait_dma2 semaphore(%arg8 : memref<!tpu.dma_semaphore, #tpu.memory_space<semaphore_mem>>) src(%dma_wait3A_764 : memref<8x512xf32, #tpu.memory_space<hbm>>) dst(%dma_wait3A_762 : memref<8x512xf32, #tpu.memory_space<vmem>>)
      %mul3A_765 = arith.constant 8 : i32
      %mul3A_766 = arith.muli %add3A_699, %mul3A_765 : i32
      %dma_wait3A_767 = arith.constant 4 : i32
      %dma_wait3A_768 = arith.constant 4 : i32
      %dma_wait3A_769 = arith.constant 0 : i32
      %dma_wait3A_770 = arith.constant 0 : i32
      %dma_wait3A_771 = tpu.memref_slice %arg7[%rem3A_700, %dma_wait3A_768, %dma_wait3A_769, %dma_wait3A_770] : memref<2x10x8x512xf32, #tpu.memory_space<vmem>> -> memref<1x1x8x512xf32, #tpu.memory_space<vmem>>
      %dma_wait3A_772 = tpu.memref_squeeze %dma_wait3A_771 : memref<1x1x8x512xf32, #tpu.memory_space<vmem>> -> memref<8x512xf32, #tpu.memory_space<vmem>>
      %dma_wait3A_773 = tpu.memref_slice %arg4[%dma_wait3A_767, %mul3A_766, %mul3A_2] : memref<10x200x16384xf32, #tpu.memory_space<hbm>> -> memref<1x8x512xf32, #tpu.memory_space<hbm>>
      %dma_wait3A_774 = tpu.memref_squeeze %dma_wait3A_773 : memref<1x8x512xf32, #tpu.memory_space<hbm>> -> memref<8x512xf32, #tpu.memory_space<hbm>>
      %dma_wait3A_775 = arith.constant 0 : i32
      %dma_wait3A_776 = arith.constant 0 : i32
      %dma_wait3A_777 = tpu.memref_slice %arg7[%rem3A_700, %dma_wait3A_768, %dma_wait3A_775, %dma_wait3A_776] : memref<2x10x8x512xf32, #tpu.memory_space<vmem>> -> memref<1x1x8x512xf32, #tpu.memory_space<vmem>>
      %dma_wait3A_778 = tpu.memref_squeeze %dma_wait3A_777 : memref<1x1x8x512xf32, #tpu.memory_space<vmem>> -> memref<8x512xf32, #tpu.memory_space<vmem>>
      %dma_wait3A_779 = tpu.memref_slice %arg4[%dma_wait3A_767, %mul3A_766, %mul3A_2] : memref<10x200x16384xf32, #tpu.memory_space<hbm>> -> memref<1x8x512xf32, #tpu.memory_space<hbm>>
      %dma_wait3A_780 = tpu.memref_squeeze %dma_wait3A_779 : memref<1x8x512xf32, #tpu.memory_space<hbm>> -> memref<8x512xf32, #tpu.memory_space<hbm>>
      tpu.wait_dma2 semaphore(%arg8 : memref<!tpu.dma_semaphore, #tpu.memory_space<semaphore_mem>>) src(%dma_wait3A_780 : memref<8x512xf32, #tpu.memory_space<hbm>>) dst(%dma_wait3A_778 : memref<8x512xf32, #tpu.memory_space<vmem>>)
      %mul3A_781 = arith.constant 8 : i32
      %mul3A_782 = arith.muli %add3A_699, %mul3A_781 : i32
      %dma_wait3A_783 = arith.constant 5 : i32
      %dma_wait3A_784 = arith.constant 5 : i32
      %dma_wait3A_785 = arith.constant 0 : i32
      %dma_wait3A_786 = arith.constant 0 : i32
      %dma_wait3A_787 = tpu.memref_slice %arg7[%rem3A_700, %dma_wait3A_784, %dma_wait3A_785, %dma_wait3A_786] : memref<2x10x8x512xf32, #tpu.memory_space<vmem>> -> memref<1x1x8x512xf32, #tpu.memory_space<vmem>>
      %dma_wait3A_788 = tpu.memref_squeeze %dma_wait3A_787 : memref<1x1x8x512xf32, #tpu.memory_space<vmem>> -> memref<8x512xf32, #tpu.memory_space<vmem>>
      %dma_wait3A_789 = tpu.memref_slice %arg4[%dma_wait3A_783, %mul3A_782, %mul3A_2] : memref<10x200x16384xf32, #tpu.memory_space<hbm>> -> memref<1x8x512xf32, #tpu.memory_space<hbm>>
      %dma_wait3A_790 = tpu.memref_squeeze %dma_wait3A_789 : memref<1x8x512xf32, #tpu.memory_space<hbm>> -> memref<8x512xf32, #tpu.memory_space<hbm>>
      %dma_wait3A_791 = arith.constant 0 : i32
      %dma_wait3A_792 = arith.constant 0 : i32
      %dma_wait3A_793 = tpu.memref_slice %arg7[%rem3A_700, %dma_wait3A_784, %dma_wait3A_791, %dma_wait3A_792] : memref<2x10x8x512xf32, #tpu.memory_space<vmem>> -> memref<1x1x8x512xf32, #tpu.memory_space<vmem>>
      %dma_wait3A_794 = tpu.memref_squeeze %dma_wait3A_793 : memref<1x1x8x512xf32, #tpu.memory_space<vmem>> -> memref<8x512xf32, #tpu.memory_space<vmem>>
      %dma_wait3A_795 = tpu.memref_slice %arg4[%dma_wait3A_783, %mul3A_782, %mul3A_2] : memref<10x200x16384xf32, #tpu.memory_space<hbm>> -> memref<1x8x512xf32, #tpu.memory_space<hbm>>
      %dma_wait3A_796 = tpu.memref_squeeze %dma_wait3A_795 : memref<1x8x512xf32, #tpu.memory_space<hbm>> -> memref<8x512xf32, #tpu.memory_space<hbm>>
      tpu.wait_dma2 semaphore(%arg8 : memref<!tpu.dma_semaphore, #tpu.memory_space<semaphore_mem>>) src(%dma_wait3A_796 : memref<8x512xf32, #tpu.memory_space<hbm>>) dst(%dma_wait3A_794 : memref<8x512xf32, #tpu.memory_space<vmem>>)
      %mul3A_797 = arith.constant 8 : i32
      %mul3A_798 = arith.muli %add3A_699, %mul3A_797 : i32
      %dma_wait3A_799 = arith.constant 6 : i32
      %dma_wait3A_800 = arith.constant 6 : i32
      %dma_wait3A_801 = arith.constant 0 : i32
      %dma_wait3A_802 = arith.constant 0 : i32
      %dma_wait3A_803 = tpu.memref_slice %arg7[%rem3A_700, %dma_wait3A_800, %dma_wait3A_801, %dma_wait3A_802] : memref<2x10x8x512xf32, #tpu.memory_space<vmem>> -> memref<1x1x8x512xf32, #tpu.memory_space<vmem>>
      %dma_wait3A_804 = tpu.memref_squeeze %dma_wait3A_803 : memref<1x1x8x512xf32, #tpu.memory_space<vmem>> -> memref<8x512xf32, #tpu.memory_space<vmem>>
      %dma_wait3A_805 = tpu.memref_slice %arg4[%dma_wait3A_799, %mul3A_798, %mul3A_2] : memref<10x200x16384xf32, #tpu.memory_space<hbm>> -> memref<1x8x512xf32, #tpu.memory_space<hbm>>
      %dma_wait3A_806 = tpu.memref_squeeze %dma_wait3A_805 : memref<1x8x512xf32, #tpu.memory_space<hbm>> -> memref<8x512xf32, #tpu.memory_space<hbm>>
      %dma_wait3A_807 = arith.constant 0 : i32
      %dma_wait3A_808 = arith.constant 0 : i32
      %dma_wait3A_809 = tpu.memref_slice %arg7[%rem3A_700, %dma_wait3A_800, %dma_wait3A_807, %dma_wait3A_808] : memref<2x10x8x512xf32, #tpu.memory_space<vmem>> -> memref<1x1x8x512xf32, #tpu.memory_space<vmem>>
      %dma_wait3A_810 = tpu.memref_squeeze %dma_wait3A_809 : memref<1x1x8x512xf32, #tpu.memory_space<vmem>> -> memref<8x512xf32, #tpu.memory_space<vmem>>
      %dma_wait3A_811 = tpu.memref_slice %arg4[%dma_wait3A_799, %mul3A_798, %mul3A_2] : memref<10x200x16384xf32, #tpu.memory_space<hbm>> -> memref<1x8x512xf32, #tpu.memory_space<hbm>>
      %dma_wait3A_812 = tpu.memref_squeeze %dma_wait3A_811 : memref<1x8x512xf32, #tpu.memory_space<hbm>> -> memref<8x512xf32, #tpu.memory_space<hbm>>
      tpu.wait_dma2 semaphore(%arg8 : memref<!tpu.dma_semaphore, #tpu.memory_space<semaphore_mem>>) src(%dma_wait3A_812 : memref<8x512xf32, #tpu.memory_space<hbm>>) dst(%dma_wait3A_810 : memref<8x512xf32, #tpu.memory_space<vmem>>)
      %mul3A_813 = arith.constant 8 : i32
      %mul3A_814 = arith.muli %add3A_699, %mul3A_813 : i32
      %dma_wait3A_815 = arith.constant 7 : i32
      %dma_wait3A_816 = arith.constant 7 : i32
      %dma_wait3A_817 = arith.constant 0 : i32
      %dma_wait3A_818 = arith.constant 0 : i32
      %dma_wait3A_819 = tpu.memref_slice %arg7[%rem3A_700, %dma_wait3A_816, %dma_wait3A_817, %dma_wait3A_818] : memref<2x10x8x512xf32, #tpu.memory_space<vmem>> -> memref<1x1x8x512xf32, #tpu.memory_space<vmem>>
      %dma_wait3A_820 = tpu.memref_squeeze %dma_wait3A_819 : memref<1x1x8x512xf32, #tpu.memory_space<vmem>> -> memref<8x512xf32, #tpu.memory_space<vmem>>
      %dma_wait3A_821 = tpu.memref_slice %arg4[%dma_wait3A_815, %mul3A_814, %mul3A_2] : memref<10x200x16384xf32, #tpu.memory_space<hbm>> -> memref<1x8x512xf32, #tpu.memory_space<hbm>>
      %dma_wait3A_822 = tpu.memref_squeeze %dma_wait3A_821 : memref<1x8x512xf32, #tpu.memory_space<hbm>> -> memref<8x512xf32, #tpu.memory_space<hbm>>
      %dma_wait3A_823 = arith.constant 0 : i32
      %dma_wait3A_824 = arith.constant 0 : i32
      %dma_wait3A_825 = tpu.memref_slice %arg7[%rem3A_700, %dma_wait3A_816, %dma_wait3A_823, %dma_wait3A_824] : memref<2x10x8x512xf32, #tpu.memory_space<vmem>> -> memref<1x1x8x512xf32, #tpu.memory_space<vmem>>
      %dma_wait3A_826 = tpu.memref_squeeze %dma_wait3A_825 : memref<1x1x8x512xf32, #tpu.memory_space<vmem>> -> memref<8x512xf32, #tpu.memory_space<vmem>>
      %dma_wait3A_827 = tpu.memref_slice %arg4[%dma_wait3A_815, %mul3A_814, %mul3A_2] : memref<10x200x16384xf32, #tpu.memory_space<hbm>> -> memref<1x8x512xf32, #tpu.memory_space<hbm>>
      %dma_wait3A_828 = tpu.memref_squeeze %dma_wait3A_827 : memref<1x8x512xf32, #tpu.memory_space<hbm>> -> memref<8x512xf32, #tpu.memory_space<hbm>>
      tpu.wait_dma2 semaphore(%arg8 : memref<!tpu.dma_semaphore, #tpu.memory_space<semaphore_mem>>) src(%dma_wait3A_828 : memref<8x512xf32, #tpu.memory_space<hbm>>) dst(%dma_wait3A_826 : memref<8x512xf32, #tpu.memory_space<vmem>>)
      %mul3A_829 = arith.constant 8 : i32
      %mul3A_830 = arith.muli %add3A_699, %mul3A_829 : i32
      %dma_wait3A_831 = arith.constant 8 : i32
      %dma_wait3A_832 = arith.constant 8 : i32
      %dma_wait3A_833 = arith.constant 0 : i32
      %dma_wait3A_834 = arith.constant 0 : i32
      %dma_wait3A_835 = tpu.memref_slice %arg7[%rem3A_700, %dma_wait3A_832, %dma_wait3A_833, %dma_wait3A_834] : memref<2x10x8x512xf32, #tpu.memory_space<vmem>> -> memref<1x1x8x512xf32, #tpu.memory_space<vmem>>
      %dma_wait3A_836 = tpu.memref_squeeze %dma_wait3A_835 : memref<1x1x8x512xf32, #tpu.memory_space<vmem>> -> memref<8x512xf32, #tpu.memory_space<vmem>>
      %dma_wait3A_837 = tpu.memref_slice %arg4[%dma_wait3A_831, %mul3A_830, %mul3A_2] : memref<10x200x16384xf32, #tpu.memory_space<hbm>> -> memref<1x8x512xf32, #tpu.memory_space<hbm>>
      %dma_wait3A_838 = tpu.memref_squeeze %dma_wait3A_837 : memref<1x8x512xf32, #tpu.memory_space<hbm>> -> memref<8x512xf32, #tpu.memory_space<hbm>>
      %dma_wait3A_839 = arith.constant 0 : i32
      %dma_wait3A_840 = arith.constant 0 : i32
      %dma_wait3A_841 = tpu.memref_slice %arg7[%rem3A_700, %dma_wait3A_832, %dma_wait3A_839, %dma_wait3A_840] : memref<2x10x8x512xf32, #tpu.memory_space<vmem>> -> memref<1x1x8x512xf32, #tpu.memory_space<vmem>>
      %dma_wait3A_842 = tpu.memref_squeeze %dma_wait3A_841 : memref<1x1x8x512xf32, #tpu.memory_space<vmem>> -> memref<8x512xf32, #tpu.memory_space<vmem>>
      %dma_wait3A_843 = tpu.memref_slice %arg4[%dma_wait3A_831, %mul3A_830, %mul3A_2] : memref<10x200x16384xf32, #tpu.memory_space<hbm>> -> memref<1x8x512xf32, #tpu.memory_space<hbm>>
      %dma_wait3A_844 = tpu.memref_squeeze %dma_wait3A_843 : memref<1x8x512xf32, #tpu.memory_space<hbm>> -> memref<8x512xf32, #tpu.memory_space<hbm>>
      tpu.wait_dma2 semaphore(%arg8 : memref<!tpu.dma_semaphore, #tpu.memory_space<semaphore_mem>>) src(%dma_wait3A_844 : memref<8x512xf32, #tpu.memory_space<hbm>>) dst(%dma_wait3A_842 : memref<8x512xf32, #tpu.memory_space<vmem>>)
      %mul3A_845 = arith.constant 8 : i32
      %mul3A_846 = arith.muli %add3A_699, %mul3A_845 : i32
      %dma_wait3A_847 = arith.constant 9 : i32
      %dma_wait3A_848 = arith.constant 9 : i32
      %dma_wait3A_849 = arith.constant 0 : i32
      %dma_wait3A_850 = arith.constant 0 : i32
      %dma_wait3A_851 = tpu.memref_slice %arg7[%rem3A_700, %dma_wait3A_848, %dma_wait3A_849, %dma_wait3A_850] : memref<2x10x8x512xf32, #tpu.memory_space<vmem>> -> memref<1x1x8x512xf32, #tpu.memory_space<vmem>>
      %dma_wait3A_852 = tpu.memref_squeeze %dma_wait3A_851 : memref<1x1x8x512xf32, #tpu.memory_space<vmem>> -> memref<8x512xf32, #tpu.memory_space<vmem>>
      %dma_wait3A_853 = tpu.memref_slice %arg4[%dma_wait3A_847, %mul3A_846, %mul3A_2] : memref<10x200x16384xf32, #tpu.memory_space<hbm>> -> memref<1x8x512xf32, #tpu.memory_space<hbm>>
      %dma_wait3A_854 = tpu.memref_squeeze %dma_wait3A_853 : memref<1x8x512xf32, #tpu.memory_space<hbm>> -> memref<8x512xf32, #tpu.memory_space<hbm>>
      %dma_wait3A_855 = arith.constant 0 : i32
      %dma_wait3A_856 = arith.constant 0 : i32
      %dma_wait3A_857 = tpu.memref_slice %arg7[%rem3A_700, %dma_wait3A_848, %dma_wait3A_855, %dma_wait3A_856] : memref<2x10x8x512xf32, #tpu.memory_space<vmem>> -> memref<1x1x8x512xf32, #tpu.memory_space<vmem>>
      %dma_wait3A_858 = tpu.memref_squeeze %dma_wait3A_857 : memref<1x1x8x512xf32, #tpu.memory_space<vmem>> -> memref<8x512xf32, #tpu.memory_space<vmem>>
      %dma_wait3A_859 = tpu.memref_slice %arg4[%dma_wait3A_847, %mul3A_846, %mul3A_2] : memref<10x200x16384xf32, #tpu.memory_space<hbm>> -> memref<1x8x512xf32, #tpu.memory_space<hbm>>
      %dma_wait3A_860 = tpu.memref_squeeze %dma_wait3A_859 : memref<1x8x512xf32, #tpu.memory_space<hbm>> -> memref<8x512xf32, #tpu.memory_space<hbm>>
      tpu.wait_dma2 semaphore(%arg8 : memref<!tpu.dma_semaphore, #tpu.memory_space<semaphore_mem>>) src(%dma_wait3A_860 : memref<8x512xf32, #tpu.memory_space<hbm>>) dst(%dma_wait3A_858 : memref<8x512xf32, #tpu.memory_space<vmem>>)
      %add3A_861 = arith.constant 2 : i32
      %add3A_862 = arith.addi %add3A_699, %add3A_861 : i32
      %rem3A_863 = arith.constant 2 : i32
      %rem3A_864 = arith.remsi %add3A_699, %rem3A_863 : i32
      %mul3A_865 = arith.constant 8 : i32
      %mul3A_866 = arith.muli %add3A_862, %mul3A_865 : i32
      "tpu.region"() ({
        %run_scoped3A = tpu.sem_alloc : memref<!tpu.dma_semaphore, #tpu.memory_space<semaphore_mem>>
        %dma_start3A_1032 = tpu.memref_slice %arg3[%mul3A_866, %mul3A_2] : memref<200x16384xi32, #tpu.memory_space<hbm>> -> memref<8x512xi32, #tpu.memory_space<hbm>>
        %dma_start3A_1033 = tpu.memref_slice %arg3[%mul3A_866, %mul3A_2] : memref<200x16384xi32, #tpu.memory_space<hbm>> -> memref<8x512xi32, #tpu.memory_space<hbm>>
        tpu.enqueue_dma source(%dma_start3A_1033 : memref<8x512xi32, #tpu.memory_space<hbm>>) target(%arg6 : memref<8x512xi32, #tpu.memory_space<vmem>>) target_semaphore(%run_scoped3A : memref<!tpu.dma_semaphore, #tpu.memory_space<semaphore_mem>>)
        %dma_wait3A_1034 = tpu.memref_slice %arg3[%mul3A_866, %mul3A_2] : memref<200x16384xi32, #tpu.memory_space<hbm>> -> memref<8x512xi32, #tpu.memory_space<hbm>>
        %dma_wait3A_1035 = tpu.memref_slice %arg3[%mul3A_866, %mul3A_2] : memref<200x16384xi32, #tpu.memory_space<hbm>> -> memref<8x512xi32, #tpu.memory_space<hbm>>
        tpu.wait_dma2 semaphore(%run_scoped3A : memref<!tpu.dma_semaphore, #tpu.memory_space<semaphore_mem>>) src(%dma_wait3A_1035 : memref<8x512xi32, #tpu.memory_space<hbm>>) dst(%arg6 : memref<8x512xi32, #tpu.memory_space<vmem>>)
        tpu.yield
      }) : () -> ()
      %scan3A_867 = arith.constant 0 : i32
      %scan3A_868 = arith.constant 8 : i32
      %scan3A_869 = arith.addi %scan3A_867, %scan3A_868 : i32
      %scan3A_870 = arith.constant 1 : i32
      scf.for %scan3A_1032 = %scan3A_867 to %scan3A_869 step %scan3A_870  : i32 {
        %mul3A_1033 = arith.constant 1 : i32
        %mul3A_1034 = arith.muli %scan3A_1032, %mul3A_1033 : i32
        %add3A_1035 = arith.constant 0 : i32
        %add3A_1036 = arith.addi %add3A_1035, %mul3A_1034 : i32
        %scan3A_1037 = arith.constant 0 : i32
        %scan3A_1038 = arith.constant 32 : i32
        %scan3A_1039 = arith.addi %scan3A_1037, %scan3A_1038 : i32
        %scan3A_1040 = arith.constant 4 : i32
        scf.for %scan3A_1042 = %scan3A_1037 to %scan3A_1039 step %scan3A_1040  : i32 {
          %mul3A_1043 = arith.constant 1 : i32
          %mul3A_1044 = arith.muli %scan3A_1042, %mul3A_1043 : i32
          %add3A_1045 = arith.constant 0 : i32
          %add3A_1046 = arith.addi %add3A_1045, %mul3A_1044 : i32
          %mul3A_1047 = arith.constant 16 : i32
          %mul3A_1048 = arith.muli %add3A_1046, %mul3A_1047 : i32
          %get3A = arith.index_cast %add3A_1036 : i32 to index
          %get3A_1049 = arith.index_cast %mul3A_1048 : i32 to index
          %get3A_1050 = tpu.vector_load %arg6[%get3A, %get3A_1049] {strides = array<i32>} : memref<8x512xi32, #tpu.memory_space<vmem>>, vector<16xi32>,
          %gather3A = arith.constant 0 : i32
          %gather3A_1051 = tpu.memref_slice %arg5[%gather3A] : memref<240xf32, #tpu.memory_space<vmem>> -> memref<24xf32, #tpu.memory_space<vmem>>
          %gather3A_1052 = tpu.vector_load_idx %gather3A_1051[%get3A_1050] : memref<24xf32, #tpu.memory_space<vmem>>[vector<16xi32>], vector<16xf32>,
          %mul3A_1053 = arith.constant 16 : i32
          %mul3A_1054 = arith.muli %add3A_1046, %mul3A_1053 : i32
          %swap3A = arith.constant 0 : i32
          %swap3A_1055 = arith.index_cast %rem3A_864 : i32 to index
          %swap3A_1056 = arith.index_cast %swap3A : i32 to index
          %swap3A_1057 = arith.index_cast %add3A_1036 : i32 to index
          %swap3A_1058 = arith.index_cast %mul3A_1054 : i32 to index
          %swap3A_1059 = tpu.vector_load %arg7[%swap3A_1055, %swap3A_1056, %swap3A_1057, %swap3A_1058] {strides = array<i32>} : memref<2x10x8x512xf32, #tpu.memory_space<vmem>>, vector<16xf32>,
          tpu.vector_store %arg7[%swap3A_1055, %swap3A_1056, %swap3A_1057, %swap3A_1058], %gather3A_1052 {strides = array<i32>} : memref<2x10x8x512xf32, #tpu.memory_space<vmem>>, vector<16xf32>,
          %gather3A_1060 = arith.constant 24 : i32
          %gather3A_1061 = tpu.memref_slice %arg5[%gather3A_1060] : memref<240xf32, #tpu.memory_space<vmem>> -> memref<24xf32, #tpu.memory_space<vmem>>
          %gather3A_1062 = tpu.vector_load_idx %gather3A_1061[%get3A_1050] : memref<24xf32, #tpu.memory_space<vmem>>[vector<16xi32>], vector<16xf32>,
          %mul3A_1063 = arith.constant 16 : i32
          %mul3A_1064 = arith.muli %add3A_1046, %mul3A_1063 : i32
          %swap3A_1065 = arith.constant 1 : i32
          %swap3A_1066 = arith.index_cast %rem3A_864 : i32 to index
          %swap3A_1067 = arith.index_cast %swap3A_1065 : i32 to index
          %swap3A_1068 = arith.index_cast %add3A_1036 : i32 to index
          %swap3A_1069 = arith.index_cast %mul3A_1064 : i32 to index
          %swap3A_1070 = tpu.vector_load %arg7[%swap3A_1066, %swap3A_1067, %swap3A_1068, %swap3A_1069] {strides = array<i32>} : memref<2x10x8x512xf32, #tpu.memory_space<vmem>>, vector<16xf32>,
          tpu.vector_store %arg7[%swap3A_1066, %swap3A_1067, %swap3A_1068, %swap3A_1069], %gather3A_1062 {strides = array<i32>} : memref<2x10x8x512xf32, #tpu.memory_space<vmem>>, vector<16xf32>,
          %gather3A_1071 = arith.constant 48 : i32
          %gather3A_1072 = tpu.memref_slice %arg5[%gather3A_1071] : memref<240xf32, #tpu.memory_space<vmem>> -> memref<24xf32, #tpu.memory_space<vmem>>
          %gather3A_1073 = tpu.vector_load_idx %gather3A_1072[%get3A_1050] : memref<24xf32, #tpu.memory_space<vmem>>[vector<16xi32>], vector<16xf32>,
          %mul3A_1074 = arith.constant 16 : i32
          %mul3A_1075 = arith.muli %add3A_1046, %mul3A_1074 : i32
          %swap3A_1076 = arith.constant 2 : i32
          %swap3A_1077 = arith.index_cast %rem3A_864 : i32 to index
          %swap3A_1078 = arith.index_cast %swap3A_1076 : i32 to index
          %swap3A_1079 = arith.index_cast %add3A_1036 : i32 to index
          %swap3A_1080 = arith.index_cast %mul3A_1075 : i32 to index
          %swap3A_1081 = tpu.vector_load %arg7[%swap3A_1077, %swap3A_1078, %swap3A_1079, %swap3A_1080] {strides = array<i32>} : memref<2x10x8x512xf32, #tpu.memory_space<vmem>>, vector<16xf32>,
          tpu.vector_store %arg7[%swap3A_1077, %swap3A_1078, %swap3A_1079, %swap3A_1080], %gather3A_1073 {strides = array<i32>} : memref<2x10x8x512xf32, #tpu.memory_space<vmem>>, vector<16xf32>,
          %gather3A_1082 = arith.constant 72 : i32
          %gather3A_1083 = tpu.memref_slice %arg5[%gather3A_1082] : memref<240xf32, #tpu.memory_space<vmem>> -> memref<24xf32, #tpu.memory_space<vmem>>
          %gather3A_1084 = tpu.vector_load_idx %gather3A_1083[%get3A_1050] : memref<24xf32, #tpu.memory_space<vmem>>[vector<16xi32>], vector<16xf32>,
          %mul3A_1085 = arith.constant 16 : i32
          %mul3A_1086 = arith.muli %add3A_1046, %mul3A_1085 : i32
          %swap3A_1087 = arith.constant 3 : i32
          %swap3A_1088 = arith.index_cast %rem3A_864 : i32 to index
          %swap3A_1089 = arith.index_cast %swap3A_1087 : i32 to index
          %swap3A_1090 = arith.index_cast %add3A_1036 : i32 to index
          %swap3A_1091 = arith.index_cast %mul3A_1086 : i32 to index
          %swap3A_1092 = tpu.vector_load %arg7[%swap3A_1088, %swap3A_1089, %swap3A_1090, %swap3A_1091] {strides = array<i32>} : memref<2x10x8x512xf32, #tpu.memory_space<vmem>>, vector<16xf32>,
          tpu.vector_store %arg7[%swap3A_1088, %swap3A_1089, %swap3A_1090, %swap3A_1091], %gather3A_1084 {strides = array<i32>} : memref<2x10x8x512xf32, #tpu.memory_space<vmem>>, vector<16xf32>,
          %gather3A_1093 = arith.constant 96 : i32
          %gather3A_1094 = tpu.memref_slice %arg5[%gather3A_1093] : memref<240xf32, #tpu.memory_space<vmem>> -> memref<24xf32, #tpu.memory_space<vmem>>
          %gather3A_1095 = tpu.vector_load_idx %gather3A_1094[%get3A_1050] : memref<24xf32, #tpu.memory_space<vmem>>[vector<16xi32>], vector<16xf32>,
          %mul3A_1096 = arith.constant 16 : i32
          %mul3A_1097 = arith.muli %add3A_1046, %mul3A_1096 : i32
          %swap3A_1098 = arith.constant 4 : i32
          %swap3A_1099 = arith.index_cast %rem3A_864 : i32 to index
          %swap3A_1100 = arith.index_cast %swap3A_1098 : i32 to index
          %swap3A_1101 = arith.index_cast %add3A_1036 : i32 to index
          %swap3A_1102 = arith.index_cast %mul3A_1097 : i32 to index
          %swap3A_1103 = tpu.vector_load %arg7[%swap3A_1099, %swap3A_1100, %swap3A_1101, %swap3A_1102] {strides = array<i32>} : memref<2x10x8x512xf32, #tpu.memory_space<vmem>>, vector<16xf32>,
          tpu.vector_store %arg7[%swap3A_1099, %swap3A_1100, %swap3A_1101, %swap3A_1102], %gather3A_1095 {strides = array<i32>} : memref<2x10x8x512xf32, #tpu.memory_space<vmem>>, vector<16xf32>,
          %gather3A_1104 = arith.constant 120 : i32
          %gather3A_1105 = tpu.memref_slice %arg5[%gather3A_1104] : memref<240xf32, #tpu.memory_space<vmem>> -> memref<24xf32, #tpu.memory_space<vmem>>
          %gather3A_1106 = tpu.vector_load_idx %gather3A_1105[%get3A_1050] : memref<24xf32, #tpu.memory_space<vmem>>[vector<16xi32>], vector<16xf32>,
          %mul3A_1107 = arith.constant 16 : i32
          %mul3A_1108 = arith.muli %add3A_1046, %mul3A_1107 : i32
          %swap3A_1109 = arith.constant 5 : i32
          %swap3A_1110 = arith.index_cast %rem3A_864 : i32 to index
          %swap3A_1111 = arith.index_cast %swap3A_1109 : i32 to index
          %swap3A_1112 = arith.index_cast %add3A_1036 : i32 to index
          %swap3A_1113 = arith.index_cast %mul3A_1108 : i32 to index
          %swap3A_1114 = tpu.vector_load %arg7[%swap3A_1110, %swap3A_1111, %swap3A_1112, %swap3A_1113] {strides = array<i32>} : memref<2x10x8x512xf32, #tpu.memory_space<vmem>>, vector<16xf32>,
          tpu.vector_store %arg7[%swap3A_1110, %swap3A_1111, %swap3A_1112, %swap3A_1113], %gather3A_1106 {strides = array<i32>} : memref<2x10x8x512xf32, #tpu.memory_space<vmem>>, vector<16xf32>,
          %gather3A_1115 = arith.constant 144 : i32
          %gather3A_1116 = tpu.memref_slice %arg5[%gather3A_1115] : memref<240xf32, #tpu.memory_space<vmem>> -> memref<24xf32, #tpu.memory_space<vmem>>
          %gather3A_1117 = tpu.vector_load_idx %gather3A_1116[%get3A_1050] : memref<24xf32, #tpu.memory_space<vmem>>[vector<16xi32>], vector<16xf32>,
          %mul3A_1118 = arith.constant 16 : i32
          %mul3A_1119 = arith.muli %add3A_1046, %mul3A_1118 : i32
          %swap3A_1120 = arith.constant 6 : i32
          %swap3A_1121 = arith.index_cast %rem3A_864 : i32 to index
          %swap3A_1122 = arith.index_cast %swap3A_1120 : i32 to index
          %swap3A_1123 = arith.index_cast %add3A_1036 : i32 to index
          %swap3A_1124 = arith.index_cast %mul3A_1119 : i32 to index
          %swap3A_1125 = tpu.vector_load %arg7[%swap3A_1121, %swap3A_1122, %swap3A_1123, %swap3A_1124] {strides = array<i32>} : memref<2x10x8x512xf32, #tpu.memory_space<vmem>>, vector<16xf32>,
          tpu.vector_store %arg7[%swap3A_1121, %swap3A_1122, %swap3A_1123, %swap3A_1124], %gather3A_1117 {strides = array<i32>} : memref<2x10x8x512xf32, #tpu.memory_space<vmem>>, vector<16xf32>,
          %gather3A_1126 = arith.constant 168 : i32
          %gather3A_1127 = tpu.memref_slice %arg5[%gather3A_1126] : memref<240xf32, #tpu.memory_space<vmem>> -> memref<24xf32, #tpu.memory_space<vmem>>
          %gather3A_1128 = tpu.vector_load_idx %gather3A_1127[%get3A_1050] : memref<24xf32, #tpu.memory_space<vmem>>[vector<16xi32>], vector<16xf32>,
          %mul3A_1129 = arith.constant 16 : i32
          %mul3A_1130 = arith.muli %add3A_1046, %mul3A_1129 : i32
          %swap3A_1131 = arith.constant 7 : i32
          %swap3A_1132 = arith.index_cast %rem3A_864 : i32 to index
          %swap3A_1133 = arith.index_cast %swap3A_1131 : i32 to index
          %swap3A_1134 = arith.index_cast %add3A_1036 : i32 to index
          %swap3A_1135 = arith.index_cast %mul3A_1130 : i32 to index
          %swap3A_1136 = tpu.vector_load %arg7[%swap3A_1132, %swap3A_1133, %swap3A_1134, %swap3A_1135] {strides = array<i32>} : memref<2x10x8x512xf32, #tpu.memory_space<vmem>>, vector<16xf32>,
          tpu.vector_store %arg7[%swap3A_1132, %swap3A_1133, %swap3A_1134, %swap3A_1135], %gather3A_1128 {strides = array<i32>} : memref<2x10x8x512xf32, #tpu.memory_space<vmem>>, vector<16xf32>,
          %gather3A_1137 = arith.constant 192 : i32
          %gather3A_1138 = tpu.memref_slice %arg5[%gather3A_1137] : memref<240xf32, #tpu.memory_space<vmem>> -> memref<24xf32, #tpu.memory_space<vmem>>
          %gather3A_1139 = tpu.vector_load_idx %gather3A_1138[%get3A_1050] : memref<24xf32, #tpu.memory_space<vmem>>[vector<16xi32>], vector<16xf32>,
          %mul3A_1140 = arith.constant 16 : i32
          %mul3A_1141 = arith.muli %add3A_1046, %mul3A_1140 : i32
          %swap3A_1142 = arith.constant 8 : i32
          %swap3A_1143 = arith.index_cast %rem3A_864 : i32 to index
          %swap3A_1144 = arith.index_cast %swap3A_1142 : i32 to index
          %swap3A_1145 = arith.index_cast %add3A_1036 : i32 to index
          %swap3A_1146 = arith.index_cast %mul3A_1141 : i32 to index
          %swap3A_1147 = tpu.vector_load %arg7[%swap3A_1143, %swap3A_1144, %swap3A_1145, %swap3A_1146] {strides = array<i32>} : memref<2x10x8x512xf32, #tpu.memory_space<vmem>>, vector<16xf32>,
          tpu.vector_store %arg7[%swap3A_1143, %swap3A_1144, %swap3A_1145, %swap3A_1146], %gather3A_1139 {strides = array<i32>} : memref<2x10x8x512xf32, #tpu.memory_space<vmem>>, vector<16xf32>,
          %gather3A_1148 = arith.constant 216 : i32
          %gather3A_1149 = tpu.memref_slice %arg5[%gather3A_1148] : memref<240xf32, #tpu.memory_space<vmem>> -> memref<24xf32, #tpu.memory_space<vmem>>
          %gather3A_1150 = tpu.vector_load_idx %gather3A_1149[%get3A_1050] : memref<24xf32, #tpu.memory_space<vmem>>[vector<16xi32>], vector<16xf32>,
          %mul3A_1151 = arith.constant 16 : i32
          %mul3A_1152 = arith.muli %add3A_1046, %mul3A_1151 : i32
          %swap3A_1153 = arith.constant 9 : i32
          %swap3A_1154 = arith.index_cast %rem3A_864 : i32 to index
          %swap3A_1155 = arith.index_cast %swap3A_1153 : i32 to index
          %swap3A_1156 = arith.index_cast %add3A_1036 : i32 to index
          %swap3A_1157 = arith.index_cast %mul3A_1152 : i32 to index
          %swap3A_1158 = tpu.vector_load %arg7[%swap3A_1154, %swap3A_1155, %swap3A_1156, %swap3A_1157] {strides = array<i32>} : memref<2x10x8x512xf32, #tpu.memory_space<vmem>>, vector<16xf32>,
          tpu.vector_store %arg7[%swap3A_1154, %swap3A_1155, %swap3A_1156, %swap3A_1157], %gather3A_1150 {strides = array<i32>} : memref<2x10x8x512xf32, #tpu.memory_space<vmem>>, vector<16xf32>,
          %scan3A_1159 = arith.constant 1 : i32
          %scan3A_1160 = arith.addi %scan3A_1042, %scan3A_1159 : i32
          %mul3A_1161 = arith.constant 1 : i32
          %mul3A_1162 = arith.muli %scan3A_1160, %mul3A_1161 : i32
          %add3A_1163 = arith.constant 0 : i32
          %add3A_1164 = arith.addi %add3A_1163, %mul3A_1162 : i32
          %mul3A_1165 = arith.constant 16 : i32
          %mul3A_1166 = arith.muli %add3A_1164, %mul3A_1165 : i32
          %get3A_1167 = arith.index_cast %add3A_1036 : i32 to index
          %get3A_1168 = arith.index_cast %mul3A_1166 : i32 to index
          %get3A_1169 = tpu.vector_load %arg6[%get3A_1167, %get3A_1168] {strides = array<i32>} : memref<8x512xi32, #tpu.memory_space<vmem>>, vector<16xi32>,
          %gather3A_1170 = arith.constant 0 : i32
          %gather3A_1171 = tpu.memref_slice %arg5[%gather3A_1170] : memref<240xf32, #tpu.memory_space<vmem>> -> memref<24xf32, #tpu.memory_space<vmem>>
          %gather3A_1172 = tpu.vector_load_idx %gather3A_1171[%get3A_1169] : memref<24xf32, #tpu.memory_space<vmem>>[vector<16xi32>], vector<16xf32>,
          %mul3A_1173 = arith.constant 16 : i32
          %mul3A_1174 = arith.muli %add3A_1164, %mul3A_1173 : i32
          %swap3A_1175 = arith.constant 0 : i32
          %swap3A_1176 = arith.index_cast %rem3A_864 : i32 to index
          %swap3A_1177 = arith.index_cast %swap3A_1175 : i32 to index
          %swap3A_1178 = arith.index_cast %add3A_1036 : i32 to index
          %swap3A_1179 = arith.index_cast %mul3A_1174 : i32 to index
          %swap3A_1180 = tpu.vector_load %arg7[%swap3A_1176, %swap3A_1177, %swap3A_1178, %swap3A_1179] {strides = array<i32>} : memref<2x10x8x512xf32, #tpu.memory_space<vmem>>, vector<16xf32>,
          tpu.vector_store %arg7[%swap3A_1176, %swap3A_1177, %swap3A_1178, %swap3A_1179], %gather3A_1172 {strides = array<i32>} : memref<2x10x8x512xf32, #tpu.memory_space<vmem>>, vector<16xf32>,
          %gather3A_1181 = arith.constant 24 : i32
          %gather3A_1182 = tpu.memref_slice %arg5[%gather3A_1181] : memref<240xf32, #tpu.memory_space<vmem>> -> memref<24xf32, #tpu.memory_space<vmem>>
          %gather3A_1183 = tpu.vector_load_idx %gather3A_1182[%get3A_1169] : memref<24xf32, #tpu.memory_space<vmem>>[vector<16xi32>], vector<16xf32>,
          %mul3A_1184 = arith.constant 16 : i32
          %mul3A_1185 = arith.muli %add3A_1164, %mul3A_1184 : i32
          %swap3A_1186 = arith.constant 1 : i32
          %swap3A_1187 = arith.index_cast %rem3A_864 : i32 to index
          %swap3A_1188 = arith.index_cast %swap3A_1186 : i32 to index
          %swap3A_1189 = arith.index_cast %add3A_1036 : i32 to index
          %swap3A_1190 = arith.index_cast %mul3A_1185 : i32 to index
          %swap3A_1191 = tpu.vector_load %arg7[%swap3A_1187, %swap3A_1188, %swap3A_1189, %swap3A_1190] {strides = array<i32>} : memref<2x10x8x512xf32, #tpu.memory_space<vmem>>, vector<16xf32>,
          tpu.vector_store %arg7[%swap3A_1187, %swap3A_1188, %swap3A_1189, %swap3A_1190], %gather3A_1183 {strides = array<i32>} : memref<2x10x8x512xf32, #tpu.memory_space<vmem>>, vector<16xf32>,
          %gather3A_1192 = arith.constant 48 : i32
          %gather3A_1193 = tpu.memref_slice %arg5[%gather3A_1192] : memref<240xf32, #tpu.memory_space<vmem>> -> memref<24xf32, #tpu.memory_space<vmem>>
          %gather3A_1194 = tpu.vector_load_idx %gather3A_1193[%get3A_1169] : memref<24xf32, #tpu.memory_space<vmem>>[vector<16xi32>], vector<16xf32>,
          %mul3A_1195 = arith.constant 16 : i32
          %mul3A_1196 = arith.muli %add3A_1164, %mul3A_1195 : i32
          %swap3A_1197 = arith.constant 2 : i32
          %swap3A_1198 = arith.index_cast %rem3A_864 : i32 to index
          %swap3A_1199 = arith.index_cast %swap3A_1197 : i32 to index
          %swap3A_1200 = arith.index_cast %add3A_1036 : i32 to index
          %swap3A_1201 = arith.index_cast %mul3A_1196 : i32 to index
          %swap3A_1202 = tpu.vector_load %arg7[%swap3A_1198, %swap3A_1199, %swap3A_1200, %swap3A_1201] {strides = array<i32>} : memref<2x10x8x512xf32, #tpu.memory_space<vmem>>, vector<16xf32>,
          tpu.vector_store %arg7[%swap3A_1198, %swap3A_1199, %swap3A_1200, %swap3A_1201], %gather3A_1194 {strides = array<i32>} : memref<2x10x8x512xf32, #tpu.memory_space<vmem>>, vector<16xf32>,
          %gather3A_1203 = arith.constant 72 : i32
          %gather3A_1204 = tpu.memref_slice %arg5[%gather3A_1203] : memref<240xf32, #tpu.memory_space<vmem>> -> memref<24xf32, #tpu.memory_space<vmem>>
          %gather3A_1205 = tpu.vector_load_idx %gather3A_1204[%get3A_1169] : memref<24xf32, #tpu.memory_space<vmem>>[vector<16xi32>], vector<16xf32>,
          %mul3A_1206 = arith.constant 16 : i32
          %mul3A_1207 = arith.muli %add3A_1164, %mul3A_1206 : i32
          %swap3A_1208 = arith.constant 3 : i32
          %swap3A_1209 = arith.index_cast %rem3A_864 : i32 to index
          %swap3A_1210 = arith.index_cast %swap3A_1208 : i32 to index
          %swap3A_1211 = arith.index_cast %add3A_1036 : i32 to index
          %swap3A_1212 = arith.index_cast %mul3A_1207 : i32 to index
          %swap3A_1213 = tpu.vector_load %arg7[%swap3A_1209, %swap3A_1210, %swap3A_1211, %swap3A_1212] {strides = array<i32>} : memref<2x10x8x512xf32, #tpu.memory_space<vmem>>, vector<16xf32>,
          tpu.vector_store %arg7[%swap3A_1209, %swap3A_1210, %swap3A_1211, %swap3A_1212], %gather3A_1205 {strides = array<i32>} : memref<2x10x8x512xf32, #tpu.memory_space<vmem>>, vector<16xf32>,
          %gather3A_1214 = arith.constant 96 : i32
          %gather3A_1215 = tpu.memref_slice %arg5[%gather3A_1214] : memref<240xf32, #tpu.memory_space<vmem>> -> memref<24xf32, #tpu.memory_space<vmem>>
          %gather3A_1216 = tpu.vector_load_idx %gather3A_1215[%get3A_1169] : memref<24xf32, #tpu.memory_space<vmem>>[vector<16xi32>], vector<16xf32>,
          %mul3A_1217 = arith.constant 16 : i32
          %mul3A_1218 = arith.muli %add3A_1164, %mul3A_1217 : i32
          %swap3A_1219 = arith.constant 4 : i32
          %swap3A_1220 = arith.index_cast %rem3A_864 : i32 to index
          %swap3A_1221 = arith.index_cast %swap3A_1219 : i32 to index
          %swap3A_1222 = arith.index_cast %add3A_1036 : i32 to index
          %swap3A_1223 = arith.index_cast %mul3A_1218 : i32 to index
          %swap3A_1224 = tpu.vector_load %arg7[%swap3A_1220, %swap3A_1221, %swap3A_1222, %swap3A_1223] {strides = array<i32>} : memref<2x10x8x512xf32, #tpu.memory_space<vmem>>, vector<16xf32>,
          tpu.vector_store %arg7[%swap3A_1220, %swap3A_1221, %swap3A_1222, %swap3A_1223], %gather3A_1216 {strides = array<i32>} : memref<2x10x8x512xf32, #tpu.memory_space<vmem>>, vector<16xf32>,
          %gather3A_1225 = arith.constant 120 : i32
          %gather3A_1226 = tpu.memref_slice %arg5[%gather3A_1225] : memref<240xf32, #tpu.memory_space<vmem>> -> memref<24xf32, #tpu.memory_space<vmem>>
          %gather3A_1227 = tpu.vector_load_idx %gather3A_1226[%get3A_1169] : memref<24xf32, #tpu.memory_space<vmem>>[vector<16xi32>], vector<16xf32>,
          %mul3A_1228 = arith.constant 16 : i32
          %mul3A_1229 = arith.muli %add3A_1164, %mul3A_1228 : i32
          %swap3A_1230 = arith.constant 5 : i32
          %swap3A_1231 = arith.index_cast %rem3A_864 : i32 to index
          %swap3A_1232 = arith.index_cast %swap3A_1230 : i32 to index
          %swap3A_1233 = arith.index_cast %add3A_1036 : i32 to index
          %swap3A_1234 = arith.index_cast %mul3A_1229 : i32 to index
          %swap3A_1235 = tpu.vector_load %arg7[%swap3A_1231, %swap3A_1232, %swap3A_1233, %swap3A_1234] {strides = array<i32>} : memref<2x10x8x512xf32, #tpu.memory_space<vmem>>, vector<16xf32>,
          tpu.vector_store %arg7[%swap3A_1231, %swap3A_1232, %swap3A_1233, %swap3A_1234], %gather3A_1227 {strides = array<i32>} : memref<2x10x8x512xf32, #tpu.memory_space<vmem>>, vector<16xf32>,
          %gather3A_1236 = arith.constant 144 : i32
          %gather3A_1237 = tpu.memref_slice %arg5[%gather3A_1236] : memref<240xf32, #tpu.memory_space<vmem>> -> memref<24xf32, #tpu.memory_space<vmem>>
          %gather3A_1238 = tpu.vector_load_idx %gather3A_1237[%get3A_1169] : memref<24xf32, #tpu.memory_space<vmem>>[vector<16xi32>], vector<16xf32>,
          %mul3A_1239 = arith.constant 16 : i32
          %mul3A_1240 = arith.muli %add3A_1164, %mul3A_1239 : i32
          %swap3A_1241 = arith.constant 6 : i32
          %swap3A_1242 = arith.index_cast %rem3A_864 : i32 to index
          %swap3A_1243 = arith.index_cast %swap3A_1241 : i32 to index
          %swap3A_1244 = arith.index_cast %add3A_1036 : i32 to index
          %swap3A_1245 = arith.index_cast %mul3A_1240 : i32 to index
          %swap3A_1246 = tpu.vector_load %arg7[%swap3A_1242, %swap3A_1243, %swap3A_1244, %swap3A_1245] {strides = array<i32>} : memref<2x10x8x512xf32, #tpu.memory_space<vmem>>, vector<16xf32>,
          tpu.vector_store %arg7[%swap3A_1242, %swap3A_1243, %swap3A_1244, %swap3A_1245], %gather3A_1238 {strides = array<i32>} : memref<2x10x8x512xf32, #tpu.memory_space<vmem>>, vector<16xf32>,
          %gather3A_1247 = arith.constant 168 : i32
          %gather3A_1248 = tpu.memref_slice %arg5[%gather3A_1247] : memref<240xf32, #tpu.memory_space<vmem>> -> memref<24xf32, #tpu.memory_space<vmem>>
          %gather3A_1249 = tpu.vector_load_idx %gather3A_1248[%get3A_1169] : memref<24xf32, #tpu.memory_space<vmem>>[vector<16xi32>], vector<16xf32>,
          %mul3A_1250 = arith.constant 16 : i32
          %mul3A_1251 = arith.muli %add3A_1164, %mul3A_1250 : i32
          %swap3A_1252 = arith.constant 7 : i32
          %swap3A_1253 = arith.index_cast %rem3A_864 : i32 to index
          %swap3A_1254 = arith.index_cast %swap3A_1252 : i32 to index
          %swap3A_1255 = arith.index_cast %add3A_1036 : i32 to index
          %swap3A_1256 = arith.index_cast %mul3A_1251 : i32 to index
          %swap3A_1257 = tpu.vector_load %arg7[%swap3A_1253, %swap3A_1254, %swap3A_1255, %swap3A_1256] {strides = array<i32>} : memref<2x10x8x512xf32, #tpu.memory_space<vmem>>, vector<16xf32>,
          tpu.vector_store %arg7[%swap3A_1253, %swap3A_1254, %swap3A_1255, %swap3A_1256], %gather3A_1249 {strides = array<i32>} : memref<2x10x8x512xf32, #tpu.memory_space<vmem>>, vector<16xf32>,
          %gather3A_1258 = arith.constant 192 : i32
          %gather3A_1259 = tpu.memref_slice %arg5[%gather3A_1258] : memref<240xf32, #tpu.memory_space<vmem>> -> memref<24xf32, #tpu.memory_space<vmem>>
          %gather3A_1260 = tpu.vector_load_idx %gather3A_1259[%get3A_1169] : memref<24xf32, #tpu.memory_space<vmem>>[vector<16xi32>], vector<16xf32>,
          %mul3A_1261 = arith.constant 16 : i32
          %mul3A_1262 = arith.muli %add3A_1164, %mul3A_1261 : i32
          %swap3A_1263 = arith.constant 8 : i32
          %swap3A_1264 = arith.index_cast %rem3A_864 : i32 to index
          %swap3A_1265 = arith.index_cast %swap3A_1263 : i32 to index
          %swap3A_1266 = arith.index_cast %add3A_1036 : i32 to index
          %swap3A_1267 = arith.index_cast %mul3A_1262 : i32 to index
          %swap3A_1268 = tpu.vector_load %arg7[%swap3A_1264, %swap3A_1265, %swap3A_1266, %swap3A_1267] {strides = array<i32>} : memref<2x10x8x512xf32, #tpu.memory_space<vmem>>, vector<16xf32>,
          tpu.vector_store %arg7[%swap3A_1264, %swap3A_1265, %swap3A_1266, %swap3A_1267], %gather3A_1260 {strides = array<i32>} : memref<2x10x8x512xf32, #tpu.memory_space<vmem>>, vector<16xf32>,
          %gather3A_1269 = arith.constant 216 : i32
          %gather3A_1270 = tpu.memref_slice %arg5[%gather3A_1269] : memref<240xf32, #tpu.memory_space<vmem>> -> memref<24xf32, #tpu.memory_space<vmem>>
          %gather3A_1271 = tpu.vector_load_idx %gather3A_1270[%get3A_1169] : memref<24xf32, #tpu.memory_space<vmem>>[vector<16xi32>], vector<16xf32>,
          %mul3A_1272 = arith.constant 16 : i32
          %mul3A_1273 = arith.muli %add3A_1164, %mul3A_1272 : i32
          %swap3A_1274 = arith.constant 9 : i32
          %swap3A_1275 = arith.index_cast %rem3A_864 : i32 to index
          %swap3A_1276 = arith.index_cast %swap3A_1274 : i32 to index
          %swap3A_1277 = arith.index_cast %add3A_1036 : i32 to index
          %swap3A_1278 = arith.index_cast %mul3A_1273 : i32 to index
          %swap3A_1279 = tpu.vector_load %arg7[%swap3A_1275, %swap3A_1276, %swap3A_1277, %swap3A_1278] {strides = array<i32>} : memref<2x10x8x512xf32, #tpu.memory_space<vmem>>, vector<16xf32>,
          tpu.vector_store %arg7[%swap3A_1275, %swap3A_1276, %swap3A_1277, %swap3A_1278], %gather3A_1271 {strides = array<i32>} : memref<2x10x8x512xf32, #tpu.memory_space<vmem>>, vector<16xf32>,
          %scan3A_1280 = arith.constant 2 : i32
          %scan3A_1281 = arith.addi %scan3A_1042, %scan3A_1280 : i32
          %mul3A_1282 = arith.constant 1 : i32
          %mul3A_1283 = arith.muli %scan3A_1281, %mul3A_1282 : i32
          %add3A_1284 = arith.constant 0 : i32
          %add3A_1285 = arith.addi %add3A_1284, %mul3A_1283 : i32
          %mul3A_1286 = arith.constant 16 : i32
          %mul3A_1287 = arith.muli %add3A_1285, %mul3A_1286 : i32
          %get3A_1288 = arith.index_cast %add3A_1036 : i32 to index
          %get3A_1289 = arith.index_cast %mul3A_1287 : i32 to index
          %get3A_1290 = tpu.vector_load %arg6[%get3A_1288, %get3A_1289] {strides = array<i32>} : memref<8x512xi32, #tpu.memory_space<vmem>>, vector<16xi32>,
          %gather3A_1291 = arith.constant 0 : i32
          %gather3A_1292 = tpu.memref_slice %arg5[%gather3A_1291] : memref<240xf32, #tpu.memory_space<vmem>> -> memref<24xf32, #tpu.memory_space<vmem>>
          %gather3A_1293 = tpu.vector_load_idx %gather3A_1292[%get3A_1290] : memref<24xf32, #tpu.memory_space<vmem>>[vector<16xi32>], vector<16xf32>,
          %mul3A_1294 = arith.constant 16 : i32
          %mul3A_1295 = arith.muli %add3A_1285, %mul3A_1294 : i32
          %swap3A_1296 = arith.constant 0 : i32
          %swap3A_1297 = arith.index_cast %rem3A_864 : i32 to index
          %swap3A_1298 = arith.index_cast %swap3A_1296 : i32 to index
          %swap3A_1299 = arith.index_cast %add3A_1036 : i32 to index
          %swap3A_1300 = arith.index_cast %mul3A_1295 : i32 to index
          %swap3A_1301 = tpu.vector_load %arg7[%swap3A_1297, %swap3A_1298, %swap3A_1299, %swap3A_1300] {strides = array<i32>} : memref<2x10x8x512xf32, #tpu.memory_space<vmem>>, vector<16xf32>,
          tpu.vector_store %arg7[%swap3A_1297, %swap3A_1298, %swap3A_1299, %swap3A_1300], %gather3A_1293 {strides = array<i32>} : memref<2x10x8x512xf32, #tpu.memory_space<vmem>>, vector<16xf32>,
          %gather3A_1302 = arith.constant 24 : i32
          %gather3A_1303 = tpu.memref_slice %arg5[%gather3A_1302] : memref<240xf32, #tpu.memory_space<vmem>> -> memref<24xf32, #tpu.memory_space<vmem>>
          %gather3A_1304 = tpu.vector_load_idx %gather3A_1303[%get3A_1290] : memref<24xf32, #tpu.memory_space<vmem>>[vector<16xi32>], vector<16xf32>,
          %mul3A_1305 = arith.constant 16 : i32
          %mul3A_1306 = arith.muli %add3A_1285, %mul3A_1305 : i32
          %swap3A_1307 = arith.constant 1 : i32
          %swap3A_1308 = arith.index_cast %rem3A_864 : i32 to index
          %swap3A_1309 = arith.index_cast %swap3A_1307 : i32 to index
          %swap3A_1310 = arith.index_cast %add3A_1036 : i32 to index
          %swap3A_1311 = arith.index_cast %mul3A_1306 : i32 to index
          %swap3A_1312 = tpu.vector_load %arg7[%swap3A_1308, %swap3A_1309, %swap3A_1310, %swap3A_1311] {strides = array<i32>} : memref<2x10x8x512xf32, #tpu.memory_space<vmem>>, vector<16xf32>,
          tpu.vector_store %arg7[%swap3A_1308, %swap3A_1309, %swap3A_1310, %swap3A_1311], %gather3A_1304 {strides = array<i32>} : memref<2x10x8x512xf32, #tpu.memory_space<vmem>>, vector<16xf32>,
          %gather3A_1313 = arith.constant 48 : i32
          %gather3A_1314 = tpu.memref_slice %arg5[%gather3A_1313] : memref<240xf32, #tpu.memory_space<vmem>> -> memref<24xf32, #tpu.memory_space<vmem>>
          %gather3A_1315 = tpu.vector_load_idx %gather3A_1314[%get3A_1290] : memref<24xf32, #tpu.memory_space<vmem>>[vector<16xi32>], vector<16xf32>,
          %mul3A_1316 = arith.constant 16 : i32
          %mul3A_1317 = arith.muli %add3A_1285, %mul3A_1316 : i32
          %swap3A_1318 = arith.constant 2 : i32
          %swap3A_1319 = arith.index_cast %rem3A_864 : i32 to index
          %swap3A_1320 = arith.index_cast %swap3A_1318 : i32 to index
          %swap3A_1321 = arith.index_cast %add3A_1036 : i32 to index
          %swap3A_1322 = arith.index_cast %mul3A_1317 : i32 to index
          %swap3A_1323 = tpu.vector_load %arg7[%swap3A_1319, %swap3A_1320, %swap3A_1321, %swap3A_1322] {strides = array<i32>} : memref<2x10x8x512xf32, #tpu.memory_space<vmem>>, vector<16xf32>,
          tpu.vector_store %arg7[%swap3A_1319, %swap3A_1320, %swap3A_1321, %swap3A_1322], %gather3A_1315 {strides = array<i32>} : memref<2x10x8x512xf32, #tpu.memory_space<vmem>>, vector<16xf32>,
          %gather3A_1324 = arith.constant 72 : i32
          %gather3A_1325 = tpu.memref_slice %arg5[%gather3A_1324] : memref<240xf32, #tpu.memory_space<vmem>> -> memref<24xf32, #tpu.memory_space<vmem>>
          %gather3A_1326 = tpu.vector_load_idx %gather3A_1325[%get3A_1290] : memref<24xf32, #tpu.memory_space<vmem>>[vector<16xi32>], vector<16xf32>,
          %mul3A_1327 = arith.constant 16 : i32
          %mul3A_1328 = arith.muli %add3A_1285, %mul3A_1327 : i32
          %swap3A_1329 = arith.constant 3 : i32
          %swap3A_1330 = arith.index_cast %rem3A_864 : i32 to index
          %swap3A_1331 = arith.index_cast %swap3A_1329 : i32 to index
          %swap3A_1332 = arith.index_cast %add3A_1036 : i32 to index
          %swap3A_1333 = arith.index_cast %mul3A_1328 : i32 to index
          %swap3A_1334 = tpu.vector_load %arg7[%swap3A_1330, %swap3A_1331, %swap3A_1332, %swap3A_1333] {strides = array<i32>} : memref<2x10x8x512xf32, #tpu.memory_space<vmem>>, vector<16xf32>,
          tpu.vector_store %arg7[%swap3A_1330, %swap3A_1331, %swap3A_1332, %swap3A_1333], %gather3A_1326 {strides = array<i32>} : memref<2x10x8x512xf32, #tpu.memory_space<vmem>>, vector<16xf32>,
          %gather3A_1335 = arith.constant 96 : i32
          %gather3A_1336 = tpu.memref_slice %arg5[%gather3A_1335] : memref<240xf32, #tpu.memory_space<vmem>> -> memref<24xf32, #tpu.memory_space<vmem>>
          %gather3A_1337 = tpu.vector_load_idx %gather3A_1336[%get3A_1290] : memref<24xf32, #tpu.memory_space<vmem>>[vector<16xi32>], vector<16xf32>,
          %mul3A_1338 = arith.constant 16 : i32
          %mul3A_1339 = arith.muli %add3A_1285, %mul3A_1338 : i32
          %swap3A_1340 = arith.constant 4 : i32
          %swap3A_1341 = arith.index_cast %rem3A_864 : i32 to index
          %swap3A_1342 = arith.index_cast %swap3A_1340 : i32 to index
          %swap3A_1343 = arith.index_cast %add3A_1036 : i32 to index
          %swap3A_1344 = arith.index_cast %mul3A_1339 : i32 to index
          %swap3A_1345 = tpu.vector_load %arg7[%swap3A_1341, %swap3A_1342, %swap3A_1343, %swap3A_1344] {strides = array<i32>} : memref<2x10x8x512xf32, #tpu.memory_space<vmem>>, vector<16xf32>,
          tpu.vector_store %arg7[%swap3A_1341, %swap3A_1342, %swap3A_1343, %swap3A_1344], %gather3A_1337 {strides = array<i32>} : memref<2x10x8x512xf32, #tpu.memory_space<vmem>>, vector<16xf32>,
          %gather3A_1346 = arith.constant 120 : i32
          %gather3A_1347 = tpu.memref_slice %arg5[%gather3A_1346] : memref<240xf32, #tpu.memory_space<vmem>> -> memref<24xf32, #tpu.memory_space<vmem>>
          %gather3A_1348 = tpu.vector_load_idx %gather3A_1347[%get3A_1290] : memref<24xf32, #tpu.memory_space<vmem>>[vector<16xi32>], vector<16xf32>,
          %mul3A_1349 = arith.constant 16 : i32
          %mul3A_1350 = arith.muli %add3A_1285, %mul3A_1349 : i32
          %swap3A_1351 = arith.constant 5 : i32
          %swap3A_1352 = arith.index_cast %rem3A_864 : i32 to index
          %swap3A_1353 = arith.index_cast %swap3A_1351 : i32 to index
          %swap3A_1354 = arith.index_cast %add3A_1036 : i32 to index
          %swap3A_1355 = arith.index_cast %mul3A_1350 : i32 to index
          %swap3A_1356 = tpu.vector_load %arg7[%swap3A_1352, %swap3A_1353, %swap3A_1354, %swap3A_1355] {strides = array<i32>} : memref<2x10x8x512xf32, #tpu.memory_space<vmem>>, vector<16xf32>,
          tpu.vector_store %arg7[%swap3A_1352, %swap3A_1353, %swap3A_1354, %swap3A_1355], %gather3A_1348 {strides = array<i32>} : memref<2x10x8x512xf32, #tpu.memory_space<vmem>>, vector<16xf32>,
          %gather3A_1357 = arith.constant 144 : i32
          %gather3A_1358 = tpu.memref_slice %arg5[%gather3A_1357] : memref<240xf32, #tpu.memory_space<vmem>> -> memref<24xf32, #tpu.memory_space<vmem>>
          %gather3A_1359 = tpu.vector_load_idx %gather3A_1358[%get3A_1290] : memref<24xf32, #tpu.memory_space<vmem>>[vector<16xi32>], vector<16xf32>,
          %mul3A_1360 = arith.constant 16 : i32
          %mul3A_1361 = arith.muli %add3A_1285, %mul3A_1360 : i32
          %swap3A_1362 = arith.constant 6 : i32
          %swap3A_1363 = arith.index_cast %rem3A_864 : i32 to index
          %swap3A_1364 = arith.index_cast %swap3A_1362 : i32 to index
          %swap3A_1365 = arith.index_cast %add3A_1036 : i32 to index
          %swap3A_1366 = arith.index_cast %mul3A_1361 : i32 to index
          %swap3A_1367 = tpu.vector_load %arg7[%swap3A_1363, %swap3A_1364, %swap3A_1365, %swap3A_1366] {strides = array<i32>} : memref<2x10x8x512xf32, #tpu.memory_space<vmem>>, vector<16xf32>,
          tpu.vector_store %arg7[%swap3A_1363, %swap3A_1364, %swap3A_1365, %swap3A_1366], %gather3A_1359 {strides = array<i32>} : memref<2x10x8x512xf32, #tpu.memory_space<vmem>>, vector<16xf32>,
          %gather3A_1368 = arith.constant 168 : i32
          %gather3A_1369 = tpu.memref_slice %arg5[%gather3A_1368] : memref<240xf32, #tpu.memory_space<vmem>> -> memref<24xf32, #tpu.memory_space<vmem>>
          %gather3A_1370 = tpu.vector_load_idx %gather3A_1369[%get3A_1290] : memref<24xf32, #tpu.memory_space<vmem>>[vector<16xi32>], vector<16xf32>,
          %mul3A_1371 = arith.constant 16 : i32
          %mul3A_1372 = arith.muli %add3A_1285, %mul3A_1371 : i32
          %swap3A_1373 = arith.constant 7 : i32
          %swap3A_1374 = arith.index_cast %rem3A_864 : i32 to index
          %swap3A_1375 = arith.index_cast %swap3A_1373 : i32 to index
          %swap3A_1376 = arith.index_cast %add3A_1036 : i32 to index
          %swap3A_1377 = arith.index_cast %mul3A_1372 : i32 to index
          %swap3A_1378 = tpu.vector_load %arg7[%swap3A_1374, %swap3A_1375, %swap3A_1376, %swap3A_1377] {strides = array<i32>} : memref<2x10x8x512xf32, #tpu.memory_space<vmem>>, vector<16xf32>,
          tpu.vector_store %arg7[%swap3A_1374, %swap3A_1375, %swap3A_1376, %swap3A_1377], %gather3A_1370 {strides = array<i32>} : memref<2x10x8x512xf32, #tpu.memory_space<vmem>>, vector<16xf32>,
          %gather3A_1379 = arith.constant 192 : i32
          %gather3A_1380 = tpu.memref_slice %arg5[%gather3A_1379] : memref<240xf32, #tpu.memory_space<vmem>> -> memref<24xf32, #tpu.memory_space<vmem>>
          %gather3A_1381 = tpu.vector_load_idx %gather3A_1380[%get3A_1290] : memref<24xf32, #tpu.memory_space<vmem>>[vector<16xi32>], vector<16xf32>,
          %mul3A_1382 = arith.constant 16 : i32
          %mul3A_1383 = arith.muli %add3A_1285, %mul3A_1382 : i32
          %swap3A_1384 = arith.constant 8 : i32
          %swap3A_1385 = arith.index_cast %rem3A_864 : i32 to index
          %swap3A_1386 = arith.index_cast %swap3A_1384 : i32 to index
          %swap3A_1387 = arith.index_cast %add3A_1036 : i32 to index
          %swap3A_1388 = arith.index_cast %mul3A_1383 : i32 to index
          %swap3A_1389 = tpu.vector_load %arg7[%swap3A_1385, %swap3A_1386, %swap3A_1387, %swap3A_1388] {strides = array<i32>} : memref<2x10x8x512xf32, #tpu.memory_space<vmem>>, vector<16xf32>,
          tpu.vector_store %arg7[%swap3A_1385, %swap3A_1386, %swap3A_1387, %swap3A_1388], %gather3A_1381 {strides = array<i32>} : memref<2x10x8x512xf32, #tpu.memory_space<vmem>>, vector<16xf32>,
          %gather3A_1390 = arith.constant 216 : i32
          %gather3A_1391 = tpu.memref_slice %arg5[%gather3A_1390] : memref<240xf32, #tpu.memory_space<vmem>> -> memref<24xf32, #tpu.memory_space<vmem>>
          %gather3A_1392 = tpu.vector_load_idx %gather3A_1391[%get3A_1290] : memref<24xf32, #tpu.memory_space<vmem>>[vector<16xi32>], vector<16xf32>,
          %mul3A_1393 = arith.constant 16 : i32
          %mul3A_1394 = arith.muli %add3A_1285, %mul3A_1393 : i32
          %swap3A_1395 = arith.constant 9 : i32
          %swap3A_1396 = arith.index_cast %rem3A_864 : i32 to index
          %swap3A_1397 = arith.index_cast %swap3A_1395 : i32 to index
          %swap3A_1398 = arith.index_cast %add3A_1036 : i32 to index
          %swap3A_1399 = arith.index_cast %mul3A_1394 : i32 to index
          %swap3A_1400 = tpu.vector_load %arg7[%swap3A_1396, %swap3A_1397, %swap3A_1398, %swap3A_1399] {strides = array<i32>} : memref<2x10x8x512xf32, #tpu.memory_space<vmem>>, vector<16xf32>,
          tpu.vector_store %arg7[%swap3A_1396, %swap3A_1397, %swap3A_1398, %swap3A_1399], %gather3A_1392 {strides = array<i32>} : memref<2x10x8x512xf32, #tpu.memory_space<vmem>>, vector<16xf32>,
          %scan3A_1401 = arith.constant 3 : i32
          %scan3A_1402 = arith.addi %scan3A_1042, %scan3A_1401 : i32
          %mul3A_1403 = arith.constant 1 : i32
          %mul3A_1404 = arith.muli %scan3A_1402, %mul3A_1403 : i32
          %add3A_1405 = arith.constant 0 : i32
          %add3A_1406 = arith.addi %add3A_1405, %mul3A_1404 : i32
          %mul3A_1407 = arith.constant 16 : i32
          %mul3A_1408 = arith.muli %add3A_1406, %mul3A_1407 : i32
          %get3A_1409 = arith.index_cast %add3A_1036 : i32 to index
          %get3A_1410 = arith.index_cast %mul3A_1408 : i32 to index
          %get3A_1411 = tpu.vector_load %arg6[%get3A_1409, %get3A_1410] {strides = array<i32>} : memref<8x512xi32, #tpu.memory_space<vmem>>, vector<16xi32>,
          %gather3A_1412 = arith.constant 0 : i32
          %gather3A_1413 = tpu.memref_slice %arg5[%gather3A_1412] : memref<240xf32, #tpu.memory_space<vmem>> -> memref<24xf32, #tpu.memory_space<vmem>>
          %gather3A_1414 = tpu.vector_load_idx %gather3A_1413[%get3A_1411] : memref<24xf32, #tpu.memory_space<vmem>>[vector<16xi32>], vector<16xf32>,
          %mul3A_1415 = arith.constant 16 : i32
          %mul3A_1416 = arith.muli %add3A_1406, %mul3A_1415 : i32
          %swap3A_1417 = arith.constant 0 : i32
          %swap3A_1418 = arith.index_cast %rem3A_864 : i32 to index
          %swap3A_1419 = arith.index_cast %swap3A_1417 : i32 to index
          %swap3A_1420 = arith.index_cast %add3A_1036 : i32 to index
          %swap3A_1421 = arith.index_cast %mul3A_1416 : i32 to index
          %swap3A_1422 = tpu.vector_load %arg7[%swap3A_1418, %swap3A_1419, %swap3A_1420, %swap3A_1421] {strides = array<i32>} : memref<2x10x8x512xf32, #tpu.memory_space<vmem>>, vector<16xf32>,
          tpu.vector_store %arg7[%swap3A_1418, %swap3A_1419, %swap3A_1420, %swap3A_1421], %gather3A_1414 {strides = array<i32>} : memref<2x10x8x512xf32, #tpu.memory_space<vmem>>, vector<16xf32>,
          %gather3A_1423 = arith.constant 24 : i32
          %gather3A_1424 = tpu.memref_slice %arg5[%gather3A_1423] : memref<240xf32, #tpu.memory_space<vmem>> -> memref<24xf32, #tpu.memory_space<vmem>>
          %gather3A_1425 = tpu.vector_load_idx %gather3A_1424[%get3A_1411] : memref<24xf32, #tpu.memory_space<vmem>>[vector<16xi32>], vector<16xf32>,
          %mul3A_1426 = arith.constant 16 : i32
          %mul3A_1427 = arith.muli %add3A_1406, %mul3A_1426 : i32
          %swap3A_1428 = arith.constant 1 : i32
          %swap3A_1429 = arith.index_cast %rem3A_864 : i32 to index
          %swap3A_1430 = arith.index_cast %swap3A_1428 : i32 to index
          %swap3A_1431 = arith.index_cast %add3A_1036 : i32 to index
          %swap3A_1432 = arith.index_cast %mul3A_1427 : i32 to index
          %swap3A_1433 = tpu.vector_load %arg7[%swap3A_1429, %swap3A_1430, %swap3A_1431, %swap3A_1432] {strides = array<i32>} : memref<2x10x8x512xf32, #tpu.memory_space<vmem>>, vector<16xf32>,
          tpu.vector_store %arg7[%swap3A_1429, %swap3A_1430, %swap3A_1431, %swap3A_1432], %gather3A_1425 {strides = array<i32>} : memref<2x10x8x512xf32, #tpu.memory_space<vmem>>, vector<16xf32>,
          %gather3A_1434 = arith.constant 48 : i32
          %gather3A_1435 = tpu.memref_slice %arg5[%gather3A_1434] : memref<240xf32, #tpu.memory_space<vmem>> -> memref<24xf32, #tpu.memory_space<vmem>>
          %gather3A_1436 = tpu.vector_load_idx %gather3A_1435[%get3A_1411] : memref<24xf32, #tpu.memory_space<vmem>>[vector<16xi32>], vector<16xf32>,
          %mul3A_1437 = arith.constant 16 : i32
          %mul3A_1438 = arith.muli %add3A_1406, %mul3A_1437 : i32
          %swap3A_1439 = arith.constant 2 : i32
          %swap3A_1440 = arith.index_cast %rem3A_864 : i32 to index
          %swap3A_1441 = arith.index_cast %swap3A_1439 : i32 to index
          %swap3A_1442 = arith.index_cast %add3A_1036 : i32 to index
          %swap3A_1443 = arith.index_cast %mul3A_1438 : i32 to index
          %swap3A_1444 = tpu.vector_load %arg7[%swap3A_1440, %swap3A_1441, %swap3A_1442, %swap3A_1443] {strides = array<i32>} : memref<2x10x8x512xf32, #tpu.memory_space<vmem>>, vector<16xf32>,
          tpu.vector_store %arg7[%swap3A_1440, %swap3A_1441, %swap3A_1442, %swap3A_1443], %gather3A_1436 {strides = array<i32>} : memref<2x10x8x512xf32, #tpu.memory_space<vmem>>, vector<16xf32>,
          %gather3A_1445 = arith.constant 72 : i32
          %gather3A_1446 = tpu.memref_slice %arg5[%gather3A_1445] : memref<240xf32, #tpu.memory_space<vmem>> -> memref<24xf32, #tpu.memory_space<vmem>>
          %gather3A_1447 = tpu.vector_load_idx %gather3A_1446[%get3A_1411] : memref<24xf32, #tpu.memory_space<vmem>>[vector<16xi32>], vector<16xf32>,
          %mul3A_1448 = arith.constant 16 : i32
          %mul3A_1449 = arith.muli %add3A_1406, %mul3A_1448 : i32
          %swap3A_1450 = arith.constant 3 : i32
          %swap3A_1451 = arith.index_cast %rem3A_864 : i32 to index
          %swap3A_1452 = arith.index_cast %swap3A_1450 : i32 to index
          %swap3A_1453 = arith.index_cast %add3A_1036 : i32 to index
          %swap3A_1454 = arith.index_cast %mul3A_1449 : i32 to index
          %swap3A_1455 = tpu.vector_load %arg7[%swap3A_1451, %swap3A_1452, %swap3A_1453, %swap3A_1454] {strides = array<i32>} : memref<2x10x8x512xf32, #tpu.memory_space<vmem>>, vector<16xf32>,
          tpu.vector_store %arg7[%swap3A_1451, %swap3A_1452, %swap3A_1453, %swap3A_1454], %gather3A_1447 {strides = array<i32>} : memref<2x10x8x512xf32, #tpu.memory_space<vmem>>, vector<16xf32>,
          %gather3A_1456 = arith.constant 96 : i32
          %gather3A_1457 = tpu.memref_slice %arg5[%gather3A_1456] : memref<240xf32, #tpu.memory_space<vmem>> -> memref<24xf32, #tpu.memory_space<vmem>>
          %gather3A_1458 = tpu.vector_load_idx %gather3A_1457[%get3A_1411] : memref<24xf32, #tpu.memory_space<vmem>>[vector<16xi32>], vector<16xf32>,
          %mul3A_1459 = arith.constant 16 : i32
          %mul3A_1460 = arith.muli %add3A_1406, %mul3A_1459 : i32
          %swap3A_1461 = arith.constant 4 : i32
          %swap3A_1462 = arith.index_cast %rem3A_864 : i32 to index
          %swap3A_1463 = arith.index_cast %swap3A_1461 : i32 to index
          %swap3A_1464 = arith.index_cast %add3A_1036 : i32 to index
          %swap3A_1465 = arith.index_cast %mul3A_1460 : i32 to index
          %swap3A_1466 = tpu.vector_load %arg7[%swap3A_1462, %swap3A_1463, %swap3A_1464, %swap3A_1465] {strides = array<i32>} : memref<2x10x8x512xf32, #tpu.memory_space<vmem>>, vector<16xf32>,
          tpu.vector_store %arg7[%swap3A_1462, %swap3A_1463, %swap3A_1464, %swap3A_1465], %gather3A_1458 {strides = array<i32>} : memref<2x10x8x512xf32, #tpu.memory_space<vmem>>, vector<16xf32>,
          %gather3A_1467 = arith.constant 120 : i32
          %gather3A_1468 = tpu.memref_slice %arg5[%gather3A_1467] : memref<240xf32, #tpu.memory_space<vmem>> -> memref<24xf32, #tpu.memory_space<vmem>>
          %gather3A_1469 = tpu.vector_load_idx %gather3A_1468[%get3A_1411] : memref<24xf32, #tpu.memory_space<vmem>>[vector<16xi32>], vector<16xf32>,
          %mul3A_1470 = arith.constant 16 : i32
          %mul3A_1471 = arith.muli %add3A_1406, %mul3A_1470 : i32
          %swap3A_1472 = arith.constant 5 : i32
          %swap3A_1473 = arith.index_cast %rem3A_864 : i32 to index
          %swap3A_1474 = arith.index_cast %swap3A_1472 : i32 to index
          %swap3A_1475 = arith.index_cast %add3A_1036 : i32 to index
          %swap3A_1476 = arith.index_cast %mul3A_1471 : i32 to index
          %swap3A_1477 = tpu.vector_load %arg7[%swap3A_1473, %swap3A_1474, %swap3A_1475, %swap3A_1476] {strides = array<i32>} : memref<2x10x8x512xf32, #tpu.memory_space<vmem>>, vector<16xf32>,
          tpu.vector_store %arg7[%swap3A_1473, %swap3A_1474, %swap3A_1475, %swap3A_1476], %gather3A_1469 {strides = array<i32>} : memref<2x10x8x512xf32, #tpu.memory_space<vmem>>, vector<16xf32>,
          %gather3A_1478 = arith.constant 144 : i32
          %gather3A_1479 = tpu.memref_slice %arg5[%gather3A_1478] : memref<240xf32, #tpu.memory_space<vmem>> -> memref<24xf32, #tpu.memory_space<vmem>>
          %gather3A_1480 = tpu.vector_load_idx %gather3A_1479[%get3A_1411] : memref<24xf32, #tpu.memory_space<vmem>>[vector<16xi32>], vector<16xf32>,
          %mul3A_1481 = arith.constant 16 : i32
          %mul3A_1482 = arith.muli %add3A_1406, %mul3A_1481 : i32
          %swap3A_1483 = arith.constant 6 : i32
          %swap3A_1484 = arith.index_cast %rem3A_864 : i32 to index
          %swap3A_1485 = arith.index_cast %swap3A_1483 : i32 to index
          %swap3A_1486 = arith.index_cast %add3A_1036 : i32 to index
          %swap3A_1487 = arith.index_cast %mul3A_1482 : i32 to index
          %swap3A_1488 = tpu.vector_load %arg7[%swap3A_1484, %swap3A_1485, %swap3A_1486, %swap3A_1487] {strides = array<i32>} : memref<2x10x8x512xf32, #tpu.memory_space<vmem>>, vector<16xf32>,
          tpu.vector_store %arg7[%swap3A_1484, %swap3A_1485, %swap3A_1486, %swap3A_1487], %gather3A_1480 {strides = array<i32>} : memref<2x10x8x512xf32, #tpu.memory_space<vmem>>, vector<16xf32>,
          %gather3A_1489 = arith.constant 168 : i32
          %gather3A_1490 = tpu.memref_slice %arg5[%gather3A_1489] : memref<240xf32, #tpu.memory_space<vmem>> -> memref<24xf32, #tpu.memory_space<vmem>>
          %gather3A_1491 = tpu.vector_load_idx %gather3A_1490[%get3A_1411] : memref<24xf32, #tpu.memory_space<vmem>>[vector<16xi32>], vector<16xf32>,
          %mul3A_1492 = arith.constant 16 : i32
          %mul3A_1493 = arith.muli %add3A_1406, %mul3A_1492 : i32
          %swap3A_1494 = arith.constant 7 : i32
          %swap3A_1495 = arith.index_cast %rem3A_864 : i32 to index
          %swap3A_1496 = arith.index_cast %swap3A_1494 : i32 to index
          %swap3A_1497 = arith.index_cast %add3A_1036 : i32 to index
          %swap3A_1498 = arith.index_cast %mul3A_1493 : i32 to index
          %swap3A_1499 = tpu.vector_load %arg7[%swap3A_1495, %swap3A_1496, %swap3A_1497, %swap3A_1498] {strides = array<i32>} : memref<2x10x8x512xf32, #tpu.memory_space<vmem>>, vector<16xf32>,
          tpu.vector_store %arg7[%swap3A_1495, %swap3A_1496, %swap3A_1497, %swap3A_1498], %gather3A_1491 {strides = array<i32>} : memref<2x10x8x512xf32, #tpu.memory_space<vmem>>, vector<16xf32>,
          %gather3A_1500 = arith.constant 192 : i32
          %gather3A_1501 = tpu.memref_slice %arg5[%gather3A_1500] : memref<240xf32, #tpu.memory_space<vmem>> -> memref<24xf32, #tpu.memory_space<vmem>>
          %gather3A_1502 = tpu.vector_load_idx %gather3A_1501[%get3A_1411] : memref<24xf32, #tpu.memory_space<vmem>>[vector<16xi32>], vector<16xf32>,
          %mul3A_1503 = arith.constant 16 : i32
          %mul3A_1504 = arith.muli %add3A_1406, %mul3A_1503 : i32
          %swap3A_1505 = arith.constant 8 : i32
          %swap3A_1506 = arith.index_cast %rem3A_864 : i32 to index
          %swap3A_1507 = arith.index_cast %swap3A_1505 : i32 to index
          %swap3A_1508 = arith.index_cast %add3A_1036 : i32 to index
          %swap3A_1509 = arith.index_cast %mul3A_1504 : i32 to index
          %swap3A_1510 = tpu.vector_load %arg7[%swap3A_1506, %swap3A_1507, %swap3A_1508, %swap3A_1509] {strides = array<i32>} : memref<2x10x8x512xf32, #tpu.memory_space<vmem>>, vector<16xf32>,
          tpu.vector_store %arg7[%swap3A_1506, %swap3A_1507, %swap3A_1508, %swap3A_1509], %gather3A_1502 {strides = array<i32>} : memref<2x10x8x512xf32, #tpu.memory_space<vmem>>, vector<16xf32>,
          %gather3A_1511 = arith.constant 216 : i32
          %gather3A_1512 = tpu.memref_slice %arg5[%gather3A_1511] : memref<240xf32, #tpu.memory_space<vmem>> -> memref<24xf32, #tpu.memory_space<vmem>>
          %gather3A_1513 = tpu.vector_load_idx %gather3A_1512[%get3A_1411] : memref<24xf32, #tpu.memory_space<vmem>>[vector<16xi32>], vector<16xf32>,
          %mul3A_1514 = arith.constant 16 : i32
          %mul3A_1515 = arith.muli %add3A_1406, %mul3A_1514 : i32
          %swap3A_1516 = arith.constant 9 : i32
          %swap3A_1517 = arith.index_cast %rem3A_864 : i32 to index
          %swap3A_1518 = arith.index_cast %swap3A_1516 : i32 to index
          %swap3A_1519 = arith.index_cast %add3A_1036 : i32 to index
          %swap3A_1520 = arith.index_cast %mul3A_1515 : i32 to index
          %swap3A_1521 = tpu.vector_load %arg7[%swap3A_1517, %swap3A_1518, %swap3A_1519, %swap3A_1520] {strides = array<i32>} : memref<2x10x8x512xf32, #tpu.memory_space<vmem>>, vector<16xf32>,
          tpu.vector_store %arg7[%swap3A_1517, %swap3A_1518, %swap3A_1519, %swap3A_1520], %gather3A_1513 {strides = array<i32>} : memref<2x10x8x512xf32, #tpu.memory_space<vmem>>, vector<16xf32>,
        }
        %scan3A_1041 = arith.constant 32 : i32
      }
      %scan3A_871 = arith.constant 8 : i32
      %mul3A_872 = arith.constant 8 : i32
      %mul3A_873 = arith.muli %add3A_862, %mul3A_872 : i32
      %dma_start3A_874 = arith.constant 0 : i32
      %dma_start3A_875 = arith.constant 0 : i32
      %dma_start3A_876 = arith.constant 0 : i32
      %dma_start3A_877 = arith.constant 0 : i32
      %dma_start3A_878 = tpu.memref_slice %arg7[%rem3A_864, %dma_start3A_874, %dma_start3A_876, %dma_start3A_877] : memref<2x10x8x512xf32, #tpu.memory_space<vmem>> -> memref<1x1x8x512xf32, #tpu.memory_space<vmem>>
      %dma_start3A_879 = tpu.memref_squeeze %dma_start3A_878 : memref<1x1x8x512xf32, #tpu.memory_space<vmem>> -> memref<8x512xf32, #tpu.memory_space<vmem>>
      %dma_start3A_880 = tpu.memref_slice %arg4[%dma_start3A_875, %mul3A_873, %mul3A_2] : memref<10x200x16384xf32, #tpu.memory_space<hbm>> -> memref<1x8x512xf32, #tpu.memory_space<hbm>>
      %dma_start3A_881 = tpu.memref_squeeze %dma_start3A_880 : memref<1x8x512xf32, #tpu.memory_space<hbm>> -> memref<8x512xf32, #tpu.memory_space<hbm>>
      %dma_start3A_882 = tpu.memref_slice %arg4[%dma_start3A_875, %mul3A_873, %mul3A_2] : memref<10x200x16384xf32, #tpu.memory_space<hbm>> -> memref<1x8x512xf32, #tpu.memory_space<hbm>>
      %dma_start3A_883 = tpu.memref_squeeze %dma_start3A_882 : memref<1x8x512xf32, #tpu.memory_space<hbm>> -> memref<8x512xf32, #tpu.memory_space<hbm>>
      %dma_start3A_884 = arith.constant 0 : i32
      %dma_start3A_885 = arith.constant 0 : i32
      %dma_start3A_886 = tpu.memref_slice %arg7[%rem3A_864, %dma_start3A_874, %dma_start3A_884, %dma_start3A_885] : memref<2x10x8x512xf32, #tpu.memory_space<vmem>> -> memref<1x1x8x512xf32, #tpu.memory_space<vmem>>
      %dma_start3A_887 = tpu.memref_squeeze %dma_start3A_886 : memref<1x1x8x512xf32, #tpu.memory_space<vmem>> -> memref<8x512xf32, #tpu.memory_space<vmem>>
      tpu.enqueue_dma source(%dma_start3A_887 : memref<8x512xf32, #tpu.memory_space<vmem>>) target(%dma_start3A_883 : memref<8x512xf32, #tpu.memory_space<hbm>>) target_semaphore(%arg8 : memref<!tpu.dma_semaphore, #tpu.memory_space<semaphore_mem>>)
      %mul3A_888 = arith.constant 8 : i32
      %mul3A_889 = arith.muli %add3A_862, %mul3A_888 : i32
      %dma_start3A_890 = arith.constant 1 : i32
      %dma_start3A_891 = arith.constant 1 : i32
      %dma_start3A_892 = arith.constant 0 : i32
      %dma_start3A_893 = arith.constant 0 : i32
      %dma_start3A_894 = tpu.memref_slice %arg7[%rem3A_864, %dma_start3A_890, %dma_start3A_892, %dma_start3A_893] : memref<2x10x8x512xf32, #tpu.memory_space<vmem>> -> memref<1x1x8x512xf32, #tpu.memory_space<vmem>>
      %dma_start3A_895 = tpu.memref_squeeze %dma_start3A_894 : memref<1x1x8x512xf32, #tpu.memory_space<vmem>> -> memref<8x512xf32, #tpu.memory_space<vmem>>
      %dma_start3A_896 = tpu.memref_slice %arg4[%dma_start3A_891, %mul3A_889, %mul3A_2] : memref<10x200x16384xf32, #tpu.memory_space<hbm>> -> memref<1x8x512xf32, #tpu.memory_space<hbm>>
      %dma_start3A_897 = tpu.memref_squeeze %dma_start3A_896 : memref<1x8x512xf32, #tpu.memory_space<hbm>> -> memref<8x512xf32, #tpu.memory_space<hbm>>
      %dma_start3A_898 = tpu.memref_slice %arg4[%dma_start3A_891, %mul3A_889, %mul3A_2] : memref<10x200x16384xf32, #tpu.memory_space<hbm>> -> memref<1x8x512xf32, #tpu.memory_space<hbm>>
      %dma_start3A_899 = tpu.memref_squeeze %dma_start3A_898 : memref<1x8x512xf32, #tpu.memory_space<hbm>> -> memref<8x512xf32, #tpu.memory_space<hbm>>
      %dma_start3A_900 = arith.constant 0 : i32
      %dma_start3A_901 = arith.constant 0 : i32
      %dma_start3A_902 = tpu.memref_slice %arg7[%rem3A_864, %dma_start3A_890, %dma_start3A_900, %dma_start3A_901] : memref<2x10x8x512xf32, #tpu.memory_space<vmem>> -> memref<1x1x8x512xf32, #tpu.memory_space<vmem>>
      %dma_start3A_903 = tpu.memref_squeeze %dma_start3A_902 : memref<1x1x8x512xf32, #tpu.memory_space<vmem>> -> memref<8x512xf32, #tpu.memory_space<vmem>>
      tpu.enqueue_dma source(%dma_start3A_903 : memref<8x512xf32, #tpu.memory_space<vmem>>) target(%dma_start3A_899 : memref<8x512xf32, #tpu.memory_space<hbm>>) target_semaphore(%arg8 : memref<!tpu.dma_semaphore, #tpu.memory_space<semaphore_mem>>)
      %mul3A_904 = arith.constant 8 : i32
      %mul3A_905 = arith.muli %add3A_862, %mul3A_904 : i32
      %dma_start3A_906 = arith.constant 2 : i32
      %dma_start3A_907 = arith.constant 2 : i32
      %dma_start3A_908 = arith.constant 0 : i32
      %dma_start3A_909 = arith.constant 0 : i32
      %dma_start3A_910 = tpu.memref_slice %arg7[%rem3A_864, %dma_start3A_906, %dma_start3A_908, %dma_start3A_909] : memref<2x10x8x512xf32, #tpu.memory_space<vmem>> -> memref<1x1x8x512xf32, #tpu.memory_space<vmem>>
      %dma_start3A_911 = tpu.memref_squeeze %dma_start3A_910 : memref<1x1x8x512xf32, #tpu.memory_space<vmem>> -> memref<8x512xf32, #tpu.memory_space<vmem>>
      %dma_start3A_912 = tpu.memref_slice %arg4[%dma_start3A_907, %mul3A_905, %mul3A_2] : memref<10x200x16384xf32, #tpu.memory_space<hbm>> -> memref<1x8x512xf32, #tpu.memory_space<hbm>>
      %dma_start3A_913 = tpu.memref_squeeze %dma_start3A_912 : memref<1x8x512xf32, #tpu.memory_space<hbm>> -> memref<8x512xf32, #tpu.memory_space<hbm>>
      %dma_start3A_914 = tpu.memref_slice %arg4[%dma_start3A_907, %mul3A_905, %mul3A_2] : memref<10x200x16384xf32, #tpu.memory_space<hbm>> -> memref<1x8x512xf32, #tpu.memory_space<hbm>>
      %dma_start3A_915 = tpu.memref_squeeze %dma_start3A_914 : memref<1x8x512xf32, #tpu.memory_space<hbm>> -> memref<8x512xf32, #tpu.memory_space<hbm>>
      %dma_start3A_916 = arith.constant 0 : i32
      %dma_start3A_917 = arith.constant 0 : i32
      %dma_start3A_918 = tpu.memref_slice %arg7[%rem3A_864, %dma_start3A_906, %dma_start3A_916, %dma_start3A_917] : memref<2x10x8x512xf32, #tpu.memory_space<vmem>> -> memref<1x1x8x512xf32, #tpu.memory_space<vmem>>
      %dma_start3A_919 = tpu.memref_squeeze %dma_start3A_918 : memref<1x1x8x512xf32, #tpu.memory_space<vmem>> -> memref<8x512xf32, #tpu.memory_space<vmem>>
      tpu.enqueue_dma source(%dma_start3A_919 : memref<8x512xf32, #tpu.memory_space<vmem>>) target(%dma_start3A_915 : memref<8x512xf32, #tpu.memory_space<hbm>>) target_semaphore(%arg8 : memref<!tpu.dma_semaphore, #tpu.memory_space<semaphore_mem>>)
      %mul3A_920 = arith.constant 8 : i32
      %mul3A_921 = arith.muli %add3A_862, %mul3A_920 : i32
      %dma_start3A_922 = arith.constant 3 : i32
      %dma_start3A_923 = arith.constant 3 : i32
      %dma_start3A_924 = arith.constant 0 : i32
      %dma_start3A_925 = arith.constant 0 : i32
      %dma_start3A_926 = tpu.memref_slice %arg7[%rem3A_864, %dma_start3A_922, %dma_start3A_924, %dma_start3A_925] : memref<2x10x8x512xf32, #tpu.memory_space<vmem>> -> memref<1x1x8x512xf32, #tpu.memory_space<vmem>>
      %dma_start3A_927 = tpu.memref_squeeze %dma_start3A_926 : memref<1x1x8x512xf32, #tpu.memory_space<vmem>> -> memref<8x512xf32, #tpu.memory_space<vmem>>
      %dma_start3A_928 = tpu.memref_slice %arg4[%dma_start3A_923, %mul3A_921, %mul3A_2] : memref<10x200x16384xf32, #tpu.memory_space<hbm>> -> memref<1x8x512xf32, #tpu.memory_space<hbm>>
      %dma_start3A_929 = tpu.memref_squeeze %dma_start3A_928 : memref<1x8x512xf32, #tpu.memory_space<hbm>> -> memref<8x512xf32, #tpu.memory_space<hbm>>
      %dma_start3A_930 = tpu.memref_slice %arg4[%dma_start3A_923, %mul3A_921, %mul3A_2] : memref<10x200x16384xf32, #tpu.memory_space<hbm>> -> memref<1x8x512xf32, #tpu.memory_space<hbm>>
      %dma_start3A_931 = tpu.memref_squeeze %dma_start3A_930 : memref<1x8x512xf32, #tpu.memory_space<hbm>> -> memref<8x512xf32, #tpu.memory_space<hbm>>
      %dma_start3A_932 = arith.constant 0 : i32
      %dma_start3A_933 = arith.constant 0 : i32
      %dma_start3A_934 = tpu.memref_slice %arg7[%rem3A_864, %dma_start3A_922, %dma_start3A_932, %dma_start3A_933] : memref<2x10x8x512xf32, #tpu.memory_space<vmem>> -> memref<1x1x8x512xf32, #tpu.memory_space<vmem>>
      %dma_start3A_935 = tpu.memref_squeeze %dma_start3A_934 : memref<1x1x8x512xf32, #tpu.memory_space<vmem>> -> memref<8x512xf32, #tpu.memory_space<vmem>>
      tpu.enqueue_dma source(%dma_start3A_935 : memref<8x512xf32, #tpu.memory_space<vmem>>) target(%dma_start3A_931 : memref<8x512xf32, #tpu.memory_space<hbm>>) target_semaphore(%arg8 : memref<!tpu.dma_semaphore, #tpu.memory_space<semaphore_mem>>)
      %mul3A_936 = arith.constant 8 : i32
      %mul3A_937 = arith.muli %add3A_862, %mul3A_936 : i32
      %dma_start3A_938 = arith.constant 4 : i32
      %dma_start3A_939 = arith.constant 4 : i32
      %dma_start3A_940 = arith.constant 0 : i32
      %dma_start3A_941 = arith.constant 0 : i32
      %dma_start3A_942 = tpu.memref_slice %arg7[%rem3A_864, %dma_start3A_938, %dma_start3A_940, %dma_start3A_941] : memref<2x10x8x512xf32, #tpu.memory_space<vmem>> -> memref<1x1x8x512xf32, #tpu.memory_space<vmem>>
      %dma_start3A_943 = tpu.memref_squeeze %dma_start3A_942 : memref<1x1x8x512xf32, #tpu.memory_space<vmem>> -> memref<8x512xf32, #tpu.memory_space<vmem>>
      %dma_start3A_944 = tpu.memref_slice %arg4[%dma_start3A_939, %mul3A_937, %mul3A_2] : memref<10x200x16384xf32, #tpu.memory_space<hbm>> -> memref<1x8x512xf32, #tpu.memory_space<hbm>>
      %dma_start3A_945 = tpu.memref_squeeze %dma_start3A_944 : memref<1x8x512xf32, #tpu.memory_space<hbm>> -> memref<8x512xf32, #tpu.memory_space<hbm>>
      %dma_start3A_946 = tpu.memref_slice %arg4[%dma_start3A_939, %mul3A_937, %mul3A_2] : memref<10x200x16384xf32, #tpu.memory_space<hbm>> -> memref<1x8x512xf32, #tpu.memory_space<hbm>>
      %dma_start3A_947 = tpu.memref_squeeze %dma_start3A_946 : memref<1x8x512xf32, #tpu.memory_space<hbm>> -> memref<8x512xf32, #tpu.memory_space<hbm>>
      %dma_start3A_948 = arith.constant 0 : i32
      %dma_start3A_949 = arith.constant 0 : i32
      %dma_start3A_950 = tpu.memref_slice %arg7[%rem3A_864, %dma_start3A_938, %dma_start3A_948, %dma_start3A_949] : memref<2x10x8x512xf32, #tpu.memory_space<vmem>> -> memref<1x1x8x512xf32, #tpu.memory_space<vmem>>
      %dma_start3A_951 = tpu.memref_squeeze %dma_start3A_950 : memref<1x1x8x512xf32, #tpu.memory_space<vmem>> -> memref<8x512xf32, #tpu.memory_space<vmem>>
      tpu.enqueue_dma source(%dma_start3A_951 : memref<8x512xf32, #tpu.memory_space<vmem>>) target(%dma_start3A_947 : memref<8x512xf32, #tpu.memory_space<hbm>>) target_semaphore(%arg8 : memref<!tpu.dma_semaphore, #tpu.memory_space<semaphore_mem>>)
      %mul3A_952 = arith.constant 8 : i32
      %mul3A_953 = arith.muli %add3A_862, %mul3A_952 : i32
      %dma_start3A_954 = arith.constant 5 : i32
      %dma_start3A_955 = arith.constant 5 : i32
      %dma_start3A_956 = arith.constant 0 : i32
      %dma_start3A_957 = arith.constant 0 : i32
      %dma_start3A_958 = tpu.memref_slice %arg7[%rem3A_864, %dma_start3A_954, %dma_start3A_956, %dma_start3A_957] : memref<2x10x8x512xf32, #tpu.memory_space<vmem>> -> memref<1x1x8x512xf32, #tpu.memory_space<vmem>>
      %dma_start3A_959 = tpu.memref_squeeze %dma_start3A_958 : memref<1x1x8x512xf32, #tpu.memory_space<vmem>> -> memref<8x512xf32, #tpu.memory_space<vmem>>
      %dma_start3A_960 = tpu.memref_slice %arg4[%dma_start3A_955, %mul3A_953, %mul3A_2] : memref<10x200x16384xf32, #tpu.memory_space<hbm>> -> memref<1x8x512xf32, #tpu.memory_space<hbm>>
      %dma_start3A_961 = tpu.memref_squeeze %dma_start3A_960 : memref<1x8x512xf32, #tpu.memory_space<hbm>> -> memref<8x512xf32, #tpu.memory_space<hbm>>
      %dma_start3A_962 = tpu.memref_slice %arg4[%dma_start3A_955, %mul3A_953, %mul3A_2] : memref<10x200x16384xf32, #tpu.memory_space<hbm>> -> memref<1x8x512xf32, #tpu.memory_space<hbm>>
      %dma_start3A_963 = tpu.memref_squeeze %dma_start3A_962 : memref<1x8x512xf32, #tpu.memory_space<hbm>> -> memref<8x512xf32, #tpu.memory_space<hbm>>
      %dma_start3A_964 = arith.constant 0 : i32
      %dma_start3A_965 = arith.constant 0 : i32
      %dma_start3A_966 = tpu.memref_slice %arg7[%rem3A_864, %dma_start3A_954, %dma_start3A_964, %dma_start3A_965] : memref<2x10x8x512xf32, #tpu.memory_space<vmem>> -> memref<1x1x8x512xf32, #tpu.memory_space<vmem>>
      %dma_start3A_967 = tpu.memref_squeeze %dma_start3A_966 : memref<1x1x8x512xf32, #tpu.memory_space<vmem>> -> memref<8x512xf32, #tpu.memory_space<vmem>>
      tpu.enqueue_dma source(%dma_start3A_967 : memref<8x512xf32, #tpu.memory_space<vmem>>) target(%dma_start3A_963 : memref<8x512xf32, #tpu.memory_space<hbm>>) target_semaphore(%arg8 : memref<!tpu.dma_semaphore, #tpu.memory_space<semaphore_mem>>)
      %mul3A_968 = arith.constant 8 : i32
      %mul3A_969 = arith.muli %add3A_862, %mul3A_968 : i32
      %dma_start3A_970 = arith.constant 6 : i32
      %dma_start3A_971 = arith.constant 6 : i32
      %dma_start3A_972 = arith.constant 0 : i32
      %dma_start3A_973 = arith.constant 0 : i32
      %dma_start3A_974 = tpu.memref_slice %arg7[%rem3A_864, %dma_start3A_970, %dma_start3A_972, %dma_start3A_973] : memref<2x10x8x512xf32, #tpu.memory_space<vmem>> -> memref<1x1x8x512xf32, #tpu.memory_space<vmem>>
      %dma_start3A_975 = tpu.memref_squeeze %dma_start3A_974 : memref<1x1x8x512xf32, #tpu.memory_space<vmem>> -> memref<8x512xf32, #tpu.memory_space<vmem>>
      %dma_start3A_976 = tpu.memref_slice %arg4[%dma_start3A_971, %mul3A_969, %mul3A_2] : memref<10x200x16384xf32, #tpu.memory_space<hbm>> -> memref<1x8x512xf32, #tpu.memory_space<hbm>>
      %dma_start3A_977 = tpu.memref_squeeze %dma_start3A_976 : memref<1x8x512xf32, #tpu.memory_space<hbm>> -> memref<8x512xf32, #tpu.memory_space<hbm>>
      %dma_start3A_978 = tpu.memref_slice %arg4[%dma_start3A_971, %mul3A_969, %mul3A_2] : memref<10x200x16384xf32, #tpu.memory_space<hbm>> -> memref<1x8x512xf32, #tpu.memory_space<hbm>>
      %dma_start3A_979 = tpu.memref_squeeze %dma_start3A_978 : memref<1x8x512xf32, #tpu.memory_space<hbm>> -> memref<8x512xf32, #tpu.memory_space<hbm>>
      %dma_start3A_980 = arith.constant 0 : i32
      %dma_start3A_981 = arith.constant 0 : i32
      %dma_start3A_982 = tpu.memref_slice %arg7[%rem3A_864, %dma_start3A_970, %dma_start3A_980, %dma_start3A_981] : memref<2x10x8x512xf32, #tpu.memory_space<vmem>> -> memref<1x1x8x512xf32, #tpu.memory_space<vmem>>
      %dma_start3A_983 = tpu.memref_squeeze %dma_start3A_982 : memref<1x1x8x512xf32, #tpu.memory_space<vmem>> -> memref<8x512xf32, #tpu.memory_space<vmem>>
      tpu.enqueue_dma source(%dma_start3A_983 : memref<8x512xf32, #tpu.memory_space<vmem>>) target(%dma_start3A_979 : memref<8x512xf32, #tpu.memory_space<hbm>>) target_semaphore(%arg8 : memref<!tpu.dma_semaphore, #tpu.memory_space<semaphore_mem>>)
      %mul3A_984 = arith.constant 8 : i32
      %mul3A_985 = arith.muli %add3A_862, %mul3A_984 : i32
      %dma_start3A_986 = arith.constant 7 : i32
      %dma_start3A_987 = arith.constant 7 : i32
      %dma_start3A_988 = arith.constant 0 : i32
      %dma_start3A_989 = arith.constant 0 : i32
      %dma_start3A_990 = tpu.memref_slice %arg7[%rem3A_864, %dma_start3A_986, %dma_start3A_988, %dma_start3A_989] : memref<2x10x8x512xf32, #tpu.memory_space<vmem>> -> memref<1x1x8x512xf32, #tpu.memory_space<vmem>>
      %dma_start3A_991 = tpu.memref_squeeze %dma_start3A_990 : memref<1x1x8x512xf32, #tpu.memory_space<vmem>> -> memref<8x512xf32, #tpu.memory_space<vmem>>
      %dma_start3A_992 = tpu.memref_slice %arg4[%dma_start3A_987, %mul3A_985, %mul3A_2] : memref<10x200x16384xf32, #tpu.memory_space<hbm>> -> memref<1x8x512xf32, #tpu.memory_space<hbm>>
      %dma_start3A_993 = tpu.memref_squeeze %dma_start3A_992 : memref<1x8x512xf32, #tpu.memory_space<hbm>> -> memref<8x512xf32, #tpu.memory_space<hbm>>
      %dma_start3A_994 = tpu.memref_slice %arg4[%dma_start3A_987, %mul3A_985, %mul3A_2] : memref<10x200x16384xf32, #tpu.memory_space<hbm>> -> memref<1x8x512xf32, #tpu.memory_space<hbm>>
      %dma_start3A_995 = tpu.memref_squeeze %dma_start3A_994 : memref<1x8x512xf32, #tpu.memory_space<hbm>> -> memref<8x512xf32, #tpu.memory_space<hbm>>
      %dma_start3A_996 = arith.constant 0 : i32
      %dma_start3A_997 = arith.constant 0 : i32
      %dma_start3A_998 = tpu.memref_slice %arg7[%rem3A_864, %dma_start3A_986, %dma_start3A_996, %dma_start3A_997] : memref<2x10x8x512xf32, #tpu.memory_space<vmem>> -> memref<1x1x8x512xf32, #tpu.memory_space<vmem>>
      %dma_start3A_999 = tpu.memref_squeeze %dma_start3A_998 : memref<1x1x8x512xf32, #tpu.memory_space<vmem>> -> memref<8x512xf32, #tpu.memory_space<vmem>>
      tpu.enqueue_dma source(%dma_start3A_999 : memref<8x512xf32, #tpu.memory_space<vmem>>) target(%dma_start3A_995 : memref<8x512xf32, #tpu.memory_space<hbm>>) target_semaphore(%arg8 : memref<!tpu.dma_semaphore, #tpu.memory_space<semaphore_mem>>)
      %mul3A_1000 = arith.constant 8 : i32
      %mul3A_1001 = arith.muli %add3A_862, %mul3A_1000 : i32
      %dma_start3A_1002 = arith.constant 8 : i32
      %dma_start3A_1003 = arith.constant 8 : i32
      %dma_start3A_1004 = arith.constant 0 : i32
      %dma_start3A_1005 = arith.constant 0 : i32
      %dma_start3A_1006 = tpu.memref_slice %arg7[%rem3A_864, %dma_start3A_1002, %dma_start3A_1004, %dma_start3A_1005] : memref<2x10x8x512xf32, #tpu.memory_space<vmem>> -> memref<1x1x8x512xf32, #tpu.memory_space<vmem>>
      %dma_start3A_1007 = tpu.memref_squeeze %dma_start3A_1006 : memref<1x1x8x512xf32, #tpu.memory_space<vmem>> -> memref<8x512xf32, #tpu.memory_space<vmem>>
      %dma_start3A_1008 = tpu.memref_slice %arg4[%dma_start3A_1003, %mul3A_1001, %mul3A_2] : memref<10x200x16384xf32, #tpu.memory_space<hbm>> -> memref<1x8x512xf32, #tpu.memory_space<hbm>>
      %dma_start3A_1009 = tpu.memref_squeeze %dma_start3A_1008 : memref<1x8x512xf32, #tpu.memory_space<hbm>> -> memref<8x512xf32, #tpu.memory_space<hbm>>
      %dma_start3A_1010 = tpu.memref_slice %arg4[%dma_start3A_1003, %mul3A_1001, %mul3A_2] : memref<10x200x16384xf32, #tpu.memory_space<hbm>> -> memref<1x8x512xf32, #tpu.memory_space<hbm>>
      %dma_start3A_1011 = tpu.memref_squeeze %dma_start3A_1010 : memref<1x8x512xf32, #tpu.memory_space<hbm>> -> memref<8x512xf32, #tpu.memory_space<hbm>>
      %dma_start3A_1012 = arith.constant 0 : i32
      %dma_start3A_1013 = arith.constant 0 : i32
      %dma_start3A_1014 = tpu.memref_slice %arg7[%rem3A_864, %dma_start3A_1002, %dma_start3A_1012, %dma_start3A_1013] : memref<2x10x8x512xf32, #tpu.memory_space<vmem>> -> memref<1x1x8x512xf32, #tpu.memory_space<vmem>>
      %dma_start3A_1015 = tpu.memref_squeeze %dma_start3A_1014 : memref<1x1x8x512xf32, #tpu.memory_space<vmem>> -> memref<8x512xf32, #tpu.memory_space<vmem>>
      tpu.enqueue_dma source(%dma_start3A_1015 : memref<8x512xf32, #tpu.memory_space<vmem>>) target(%dma_start3A_1011 : memref<8x512xf32, #tpu.memory_space<hbm>>) target_semaphore(%arg8 : memref<!tpu.dma_semaphore, #tpu.memory_space<semaphore_mem>>)
      %mul3A_1016 = arith.constant 8 : i32
      %mul3A_1017 = arith.muli %add3A_862, %mul3A_1016 : i32
      %dma_start3A_1018 = arith.constant 9 : i32
      %dma_start3A_1019 = arith.constant 9 : i32
      %dma_start3A_1020 = arith.constant 0 : i32
      %dma_start3A_1021 = arith.constant 0 : i32
      %dma_start3A_1022 = tpu.memref_slice %arg7[%rem3A_864, %dma_start3A_1018, %dma_start3A_1020, %dma_start3A_1021] : memref<2x10x8x512xf32, #tpu.memory_space<vmem>> -> memref<1x1x8x512xf32, #tpu.memory_space<vmem>>
      %dma_start3A_1023 = tpu.memref_squeeze %dma_start3A_1022 : memref<1x1x8x512xf32, #tpu.memory_space<vmem>> -> memref<8x512xf32, #tpu.memory_space<vmem>>
      %dma_start3A_1024 = tpu.memref_slice %arg4[%dma_start3A_1019, %mul3A_1017, %mul3A_2] : memref<10x200x16384xf32, #tpu.memory_space<hbm>> -> memref<1x8x512xf32, #tpu.memory_space<hbm>>
      %dma_start3A_1025 = tpu.memref_squeeze %dma_start3A_1024 : memref<1x8x512xf32, #tpu.memory_space<hbm>> -> memref<8x512xf32, #tpu.memory_space<hbm>>
      %dma_start3A_1026 = tpu.memref_slice %arg4[%dma_start3A_1019, %mul3A_1017, %mul3A_2] : memref<10x200x16384xf32, #tpu.memory_space<hbm>> -> memref<1x8x512xf32, #tpu.memory_space<hbm>>
      %dma_start3A_1027 = tpu.memref_squeeze %dma_start3A_1026 : memref<1x8x512xf32, #tpu.memory_space<hbm>> -> memref<8x512xf32, #tpu.memory_space<hbm>>
      %dma_start3A_1028 = arith.constant 0 : i32
      %dma_start3A_1029 = arith.constant 0 : i32
      %dma_start3A_1030 = tpu.memref_slice %arg7[%rem3A_864, %dma_start3A_1018, %dma_start3A_1028, %dma_start3A_1029] : memref<2x10x8x512xf32, #tpu.memory_space<vmem>> -> memref<1x1x8x512xf32, #tpu.memory_space<vmem>>
      %dma_start3A_1031 = tpu.memref_squeeze %dma_start3A_1030 : memref<1x1x8x512xf32, #tpu.memory_space<vmem>> -> memref<8x512xf32, #tpu.memory_space<vmem>>
      tpu.enqueue_dma source(%dma_start3A_1031 : memref<8x512xf32, #tpu.memory_space<vmem>>) target(%dma_start3A_1027 : memref<8x512xf32, #tpu.memory_space<hbm>>) target_semaphore(%arg8 : memref<!tpu.dma_semaphore, #tpu.memory_space<semaphore_mem>>)
    }
    %scan3A_355 = arith.constant 23 : i32
    %dma_wait3A = arith.constant 0 : i32
    %dma_wait3A_356 = arith.constant 1 : i32
    %dma_wait3A_357 = arith.constant 0 : i32
    %dma_wait3A_358 = arith.constant 0 : i32
    %dma_wait3A_359 = arith.constant 0 : i32
    %dma_wait3A_360 = tpu.memref_slice %arg7[%dma_wait3A_356, %dma_wait3A_357, %dma_wait3A_358, %dma_wait3A_359] : memref<2x10x8x512xf32, #tpu.memory_space<vmem>> -> memref<1x1x8x512xf32, #tpu.memory_space<vmem>>
    %dma_wait3A_361 = tpu.memref_squeeze %dma_wait3A_360 : memref<1x1x8x512xf32, #tpu.memory_space<vmem>> -> memref<8x512xf32, #tpu.memory_space<vmem>>
    %dma_wait3A_362 = arith.constant 184 : i32
    %dma_wait3A_363 = tpu.memref_slice %arg4[%dma_wait3A, %dma_wait3A_362, %mul3A_2] : memref<10x200x16384xf32, #tpu.memory_space<hbm>> -> memref<1x8x512xf32, #tpu.memory_space<hbm>>
    %dma_wait3A_364 = tpu.memref_squeeze %dma_wait3A_363 : memref<1x8x512xf32, #tpu.memory_space<hbm>> -> memref<8x512xf32, #tpu.memory_space<hbm>>
    %dma_wait3A_365 = arith.constant 0 : i32
    %dma_wait3A_366 = arith.constant 0 : i32
    %dma_wait3A_367 = tpu.memref_slice %arg7[%dma_wait3A_356, %dma_wait3A_357, %dma_wait3A_365, %dma_wait3A_366] : memref<2x10x8x512xf32, #tpu.memory_space<vmem>> -> memref<1x1x8x512xf32, #tpu.memory_space<vmem>>
    %dma_wait3A_368 = tpu.memref_squeeze %dma_wait3A_367 : memref<1x1x8x512xf32, #tpu.memory_space<vmem>> -> memref<8x512xf32, #tpu.memory_space<vmem>>
    %dma_wait3A_369 = arith.constant 184 : i32
    %dma_wait3A_370 = tpu.memref_slice %arg4[%dma_wait3A, %dma_wait3A_369, %mul3A_2] : memref<10x200x16384xf32, #tpu.memory_space<hbm>> -> memref<1x8x512xf32, #tpu.memory_space<hbm>>
    %dma_wait3A_371 = tpu.memref_squeeze %dma_wait3A_370 : memref<1x8x512xf32, #tpu.memory_space<hbm>> -> memref<8x512xf32, #tpu.memory_space<hbm>>
    tpu.wait_dma2 semaphore(%arg8 : memref<!tpu.dma_semaphore, #tpu.memory_space<semaphore_mem>>) src(%dma_wait3A_371 : memref<8x512xf32, #tpu.memory_space<hbm>>) dst(%dma_wait3A_368 : memref<8x512xf32, #tpu.memory_space<vmem>>)
    %dma_wait3A_372 = arith.constant 1 : i32
    %dma_wait3A_373 = arith.constant 1 : i32
    %dma_wait3A_374 = arith.constant 1 : i32
    %dma_wait3A_375 = arith.constant 0 : i32
    %dma_wait3A_376 = arith.constant 0 : i32
    %dma_wait3A_377 = tpu.memref_slice %arg7[%dma_wait3A_373, %dma_wait3A_374, %dma_wait3A_375, %dma_wait3A_376] : memref<2x10x8x512xf32, #tpu.memory_space<vmem>> -> memref<1x1x8x512xf32, #tpu.memory_space<vmem>>
    %dma_wait3A_378 = tpu.memref_squeeze %dma_wait3A_377 : memref<1x1x8x512xf32, #tpu.memory_space<vmem>> -> memref<8x512xf32, #tpu.memory_space<vmem>>
    %dma_wait3A_379 = arith.constant 184 : i32
    %dma_wait3A_380 = tpu.memref_slice %arg4[%dma_wait3A_372, %dma_wait3A_379, %mul3A_2] : memref<10x200x16384xf32, #tpu.memory_space<hbm>> -> memref<1x8x512xf32, #tpu.memory_space<hbm>>
    %dma_wait3A_381 = tpu.memref_squeeze %dma_wait3A_380 : memref<1x8x512xf32, #tpu.memory_space<hbm>> -> memref<8x512xf32, #tpu.memory_space<hbm>>
    %dma_wait3A_382 = arith.constant 0 : i32
    %dma_wait3A_383 = arith.constant 0 : i32
    %dma_wait3A_384 = tpu.memref_slice %arg7[%dma_wait3A_373, %dma_wait3A_374, %dma_wait3A_382, %dma_wait3A_383] : memref<2x10x8x512xf32, #tpu.memory_space<vmem>> -> memref<1x1x8x512xf32, #tpu.memory_space<vmem>>
    %dma_wait3A_385 = tpu.memref_squeeze %dma_wait3A_384 : memref<1x1x8x512xf32, #tpu.memory_space<vmem>> -> memref<8x512xf32, #tpu.memory_space<vmem>>
    %dma_wait3A_386 = arith.constant 184 : i32
    %dma_wait3A_387 = tpu.memref_slice %arg4[%dma_wait3A_372, %dma_wait3A_386, %mul3A_2] : memref<10x200x16384xf32, #tpu.memory_space<hbm>> -> memref<1x8x512xf32, #tpu.memory_space<hbm>>
    %dma_wait3A_388 = tpu.memref_squeeze %dma_wait3A_387 : memref<1x8x512xf32, #tpu.memory_space<hbm>> -> memref<8x512xf32, #tpu.memory_space<hbm>>
    tpu.wait_dma2 semaphore(%arg8 : memref<!tpu.dma_semaphore, #tpu.memory_space<semaphore_mem>>) src(%dma_wait3A_388 : memref<8x512xf32, #tpu.memory_space<hbm>>) dst(%dma_wait3A_385 : memref<8x512xf32, #tpu.memory_space<vmem>>)
    %dma_wait3A_389 = arith.constant 2 : i32
    %dma_wait3A_390 = arith.constant 1 : i32
    %dma_wait3A_391 = arith.constant 2 : i32
    %dma_wait3A_392 = arith.constant 0 : i32
    %dma_wait3A_393 = arith.constant 0 : i32
    %dma_wait3A_394 = tpu.memref_slice %arg7[%dma_wait3A_390, %dma_wait3A_391, %dma_wait3A_392, %dma_wait3A_393] : memref<2x10x8x512xf32, #tpu.memory_space<vmem>> -> memref<1x1x8x512xf32, #tpu.memory_space<vmem>>
    %dma_wait3A_395 = tpu.memref_squeeze %dma_wait3A_394 : memref<1x1x8x512xf32, #tpu.memory_space<vmem>> -> memref<8x512xf32, #tpu.memory_space<vmem>>
    %dma_wait3A_396 = arith.constant 184 : i32
    %dma_wait3A_397 = tpu.memref_slice %arg4[%dma_wait3A_389, %dma_wait3A_396, %mul3A_2] : memref<10x200x16384xf32, #tpu.memory_space<hbm>> -> memref<1x8x512xf32, #tpu.memory_space<hbm>>
    %dma_wait3A_398 = tpu.memref_squeeze %dma_wait3A_397 : memref<1x8x512xf32, #tpu.memory_space<hbm>> -> memref<8x512xf32, #tpu.memory_space<hbm>>
    %dma_wait3A_399 = arith.constant 0 : i32
    %dma_wait3A_400 = arith.constant 0 : i32
    %dma_wait3A_401 = tpu.memref_slice %arg7[%dma_wait3A_390, %dma_wait3A_391, %dma_wait3A_399, %dma_wait3A_400] : memref<2x10x8x512xf32, #tpu.memory_space<vmem>> -> memref<1x1x8x512xf32, #tpu.memory_space<vmem>>
    %dma_wait3A_402 = tpu.memref_squeeze %dma_wait3A_401 : memref<1x1x8x512xf32, #tpu.memory_space<vmem>> -> memref<8x512xf32, #tpu.memory_space<vmem>>
    %dma_wait3A_403 = arith.constant 184 : i32
    %dma_wait3A_404 = tpu.memref_slice %arg4[%dma_wait3A_389, %dma_wait3A_403, %mul3A_2] : memref<10x200x16384xf32, #tpu.memory_space<hbm>> -> memref<1x8x512xf32, #tpu.memory_space<hbm>>
    %dma_wait3A_405 = tpu.memref_squeeze %dma_wait3A_404 : memref<1x8x512xf32, #tpu.memory_space<hbm>> -> memref<8x512xf32, #tpu.memory_space<hbm>>
    tpu.wait_dma2 semaphore(%arg8 : memref<!tpu.dma_semaphore, #tpu.memory_space<semaphore_mem>>) src(%dma_wait3A_405 : memref<8x512xf32, #tpu.memory_space<hbm>>) dst(%dma_wait3A_402 : memref<8x512xf32, #tpu.memory_space<vmem>>)
    %dma_wait3A_406 = arith.constant 3 : i32
    %dma_wait3A_407 = arith.constant 1 : i32
    %dma_wait3A_408 = arith.constant 3 : i32
    %dma_wait3A_409 = arith.constant 0 : i32
    %dma_wait3A_410 = arith.constant 0 : i32
    %dma_wait3A_411 = tpu.memref_slice %arg7[%dma_wait3A_407, %dma_wait3A_408, %dma_wait3A_409, %dma_wait3A_410] : memref<2x10x8x512xf32, #tpu.memory_space<vmem>> -> memref<1x1x8x512xf32, #tpu.memory_space<vmem>>
    %dma_wait3A_412 = tpu.memref_squeeze %dma_wait3A_411 : memref<1x1x8x512xf32, #tpu.memory_space<vmem>> -> memref<8x512xf32, #tpu.memory_space<vmem>>
    %dma_wait3A_413 = arith.constant 184 : i32
    %dma_wait3A_414 = tpu.memref_slice %arg4[%dma_wait3A_406, %dma_wait3A_413, %mul3A_2] : memref<10x200x16384xf32, #tpu.memory_space<hbm>> -> memref<1x8x512xf32, #tpu.memory_space<hbm>>
    %dma_wait3A_415 = tpu.memref_squeeze %dma_wait3A_414 : memref<1x8x512xf32, #tpu.memory_space<hbm>> -> memref<8x512xf32, #tpu.memory_space<hbm>>
    %dma_wait3A_416 = arith.constant 0 : i32
    %dma_wait3A_417 = arith.constant 0 : i32
    %dma_wait3A_418 = tpu.memref_slice %arg7[%dma_wait3A_407, %dma_wait3A_408, %dma_wait3A_416, %dma_wait3A_417] : memref<2x10x8x512xf32, #tpu.memory_space<vmem>> -> memref<1x1x8x512xf32, #tpu.memory_space<vmem>>
    %dma_wait3A_419 = tpu.memref_squeeze %dma_wait3A_418 : memref<1x1x8x512xf32, #tpu.memory_space<vmem>> -> memref<8x512xf32, #tpu.memory_space<vmem>>
    %dma_wait3A_420 = arith.constant 184 : i32
    %dma_wait3A_421 = tpu.memref_slice %arg4[%dma_wait3A_406, %dma_wait3A_420, %mul3A_2] : memref<10x200x16384xf32, #tpu.memory_space<hbm>> -> memref<1x8x512xf32, #tpu.memory_space<hbm>>
    %dma_wait3A_422 = tpu.memref_squeeze %dma_wait3A_421 : memref<1x8x512xf32, #tpu.memory_space<hbm>> -> memref<8x512xf32, #tpu.memory_space<hbm>>
    tpu.wait_dma2 semaphore(%arg8 : memref<!tpu.dma_semaphore, #tpu.memory_space<semaphore_mem>>) src(%dma_wait3A_422 : memref<8x512xf32, #tpu.memory_space<hbm>>) dst(%dma_wait3A_419 : memref<8x512xf32, #tpu.memory_space<vmem>>)
    %dma_wait3A_423 = arith.constant 4 : i32
    %dma_wait3A_424 = arith.constant 1 : i32
    %dma_wait3A_425 = arith.constant 4 : i32
    %dma_wait3A_426 = arith.constant 0 : i32
    %dma_wait3A_427 = arith.constant 0 : i32
    %dma_wait3A_428 = tpu.memref_slice %arg7[%dma_wait3A_424, %dma_wait3A_425, %dma_wait3A_426, %dma_wait3A_427] : memref<2x10x8x512xf32, #tpu.memory_space<vmem>> -> memref<1x1x8x512xf32, #tpu.memory_space<vmem>>
    %dma_wait3A_429 = tpu.memref_squeeze %dma_wait3A_428 : memref<1x1x8x512xf32, #tpu.memory_space<vmem>> -> memref<8x512xf32, #tpu.memory_space<vmem>>
    %dma_wait3A_430 = arith.constant 184 : i32
    %dma_wait3A_431 = tpu.memref_slice %arg4[%dma_wait3A_423, %dma_wait3A_430, %mul3A_2] : memref<10x200x16384xf32, #tpu.memory_space<hbm>> -> memref<1x8x512xf32, #tpu.memory_space<hbm>>
    %dma_wait3A_432 = tpu.memref_squeeze %dma_wait3A_431 : memref<1x8x512xf32, #tpu.memory_space<hbm>> -> memref<8x512xf32, #tpu.memory_space<hbm>>
    %dma_wait3A_433 = arith.constant 0 : i32
    %dma_wait3A_434 = arith.constant 0 : i32
    %dma_wait3A_435 = tpu.memref_slice %arg7[%dma_wait3A_424, %dma_wait3A_425, %dma_wait3A_433, %dma_wait3A_434] : memref<2x10x8x512xf32, #tpu.memory_space<vmem>> -> memref<1x1x8x512xf32, #tpu.memory_space<vmem>>
    %dma_wait3A_436 = tpu.memref_squeeze %dma_wait3A_435 : memref<1x1x8x512xf32, #tpu.memory_space<vmem>> -> memref<8x512xf32, #tpu.memory_space<vmem>>
    %dma_wait3A_437 = arith.constant 184 : i32
    %dma_wait3A_438 = tpu.memref_slice %arg4[%dma_wait3A_423, %dma_wait3A_437, %mul3A_2] : memref<10x200x16384xf32, #tpu.memory_space<hbm>> -> memref<1x8x512xf32, #tpu.memory_space<hbm>>
    %dma_wait3A_439 = tpu.memref_squeeze %dma_wait3A_438 : memref<1x8x512xf32, #tpu.memory_space<hbm>> -> memref<8x512xf32, #tpu.memory_space<hbm>>
    tpu.wait_dma2 semaphore(%arg8 : memref<!tpu.dma_semaphore, #tpu.memory_space<semaphore_mem>>) src(%dma_wait3A_439 : memref<8x512xf32, #tpu.memory_space<hbm>>) dst(%dma_wait3A_436 : memref<8x512xf32, #tpu.memory_space<vmem>>)
    %dma_wait3A_440 = arith.constant 5 : i32
    %dma_wait3A_441 = arith.constant 1 : i32
    %dma_wait3A_442 = arith.constant 5 : i32
    %dma_wait3A_443 = arith.constant 0 : i32
    %dma_wait3A_444 = arith.constant 0 : i32
    %dma_wait3A_445 = tpu.memref_slice %arg7[%dma_wait3A_441, %dma_wait3A_442, %dma_wait3A_443, %dma_wait3A_444] : memref<2x10x8x512xf32, #tpu.memory_space<vmem>> -> memref<1x1x8x512xf32, #tpu.memory_space<vmem>>
    %dma_wait3A_446 = tpu.memref_squeeze %dma_wait3A_445 : memref<1x1x8x512xf32, #tpu.memory_space<vmem>> -> memref<8x512xf32, #tpu.memory_space<vmem>>
    %dma_wait3A_447 = arith.constant 184 : i32
    %dma_wait3A_448 = tpu.memref_slice %arg4[%dma_wait3A_440, %dma_wait3A_447, %mul3A_2] : memref<10x200x16384xf32, #tpu.memory_space<hbm>> -> memref<1x8x512xf32, #tpu.memory_space<hbm>>
    %dma_wait3A_449 = tpu.memref_squeeze %dma_wait3A_448 : memref<1x8x512xf32, #tpu.memory_space<hbm>> -> memref<8x512xf32, #tpu.memory_space<hbm>>
    %dma_wait3A_450 = arith.constant 0 : i32
    %dma_wait3A_451 = arith.constant 0 : i32
    %dma_wait3A_452 = tpu.memref_slice %arg7[%dma_wait3A_441, %dma_wait3A_442, %dma_wait3A_450, %dma_wait3A_451] : memref<2x10x8x512xf32, #tpu.memory_space<vmem>> -> memref<1x1x8x512xf32, #tpu.memory_space<vmem>>
    %dma_wait3A_453 = tpu.memref_squeeze %dma_wait3A_452 : memref<1x1x8x512xf32, #tpu.memory_space<vmem>> -> memref<8x512xf32, #tpu.memory_space<vmem>>
    %dma_wait3A_454 = arith.constant 184 : i32
    %dma_wait3A_455 = tpu.memref_slice %arg4[%dma_wait3A_440, %dma_wait3A_454, %mul3A_2] : memref<10x200x16384xf32, #tpu.memory_space<hbm>> -> memref<1x8x512xf32, #tpu.memory_space<hbm>>
    %dma_wait3A_456 = tpu.memref_squeeze %dma_wait3A_455 : memref<1x8x512xf32, #tpu.memory_space<hbm>> -> memref<8x512xf32, #tpu.memory_space<hbm>>
    tpu.wait_dma2 semaphore(%arg8 : memref<!tpu.dma_semaphore, #tpu.memory_space<semaphore_mem>>) src(%dma_wait3A_456 : memref<8x512xf32, #tpu.memory_space<hbm>>) dst(%dma_wait3A_453 : memref<8x512xf32, #tpu.memory_space<vmem>>)
    %dma_wait3A_457 = arith.constant 6 : i32
    %dma_wait3A_458 = arith.constant 1 : i32
    %dma_wait3A_459 = arith.constant 6 : i32
    %dma_wait3A_460 = arith.constant 0 : i32
    %dma_wait3A_461 = arith.constant 0 : i32
    %dma_wait3A_462 = tpu.memref_slice %arg7[%dma_wait3A_458, %dma_wait3A_459, %dma_wait3A_460, %dma_wait3A_461] : memref<2x10x8x512xf32, #tpu.memory_space<vmem>> -> memref<1x1x8x512xf32, #tpu.memory_space<vmem>>
    %dma_wait3A_463 = tpu.memref_squeeze %dma_wait3A_462 : memref<1x1x8x512xf32, #tpu.memory_space<vmem>> -> memref<8x512xf32, #tpu.memory_space<vmem>>
    %dma_wait3A_464 = arith.constant 184 : i32
    %dma_wait3A_465 = tpu.memref_slice %arg4[%dma_wait3A_457, %dma_wait3A_464, %mul3A_2] : memref<10x200x16384xf32, #tpu.memory_space<hbm>> -> memref<1x8x512xf32, #tpu.memory_space<hbm>>
    %dma_wait3A_466 = tpu.memref_squeeze %dma_wait3A_465 : memref<1x8x512xf32, #tpu.memory_space<hbm>> -> memref<8x512xf32, #tpu.memory_space<hbm>>
    %dma_wait3A_467 = arith.constant 0 : i32
    %dma_wait3A_468 = arith.constant 0 : i32
    %dma_wait3A_469 = tpu.memref_slice %arg7[%dma_wait3A_458, %dma_wait3A_459, %dma_wait3A_467, %dma_wait3A_468] : memref<2x10x8x512xf32, #tpu.memory_space<vmem>> -> memref<1x1x8x512xf32, #tpu.memory_space<vmem>>
    %dma_wait3A_470 = tpu.memref_squeeze %dma_wait3A_469 : memref<1x1x8x512xf32, #tpu.memory_space<vmem>> -> memref<8x512xf32, #tpu.memory_space<vmem>>
    %dma_wait3A_471 = arith.constant 184 : i32
    %dma_wait3A_472 = tpu.memref_slice %arg4[%dma_wait3A_457, %dma_wait3A_471, %mul3A_2] : memref<10x200x16384xf32, #tpu.memory_space<hbm>> -> memref<1x8x512xf32, #tpu.memory_space<hbm>>
    %dma_wait3A_473 = tpu.memref_squeeze %dma_wait3A_472 : memref<1x8x512xf32, #tpu.memory_space<hbm>> -> memref<8x512xf32, #tpu.memory_space<hbm>>
    tpu.wait_dma2 semaphore(%arg8 : memref<!tpu.dma_semaphore, #tpu.memory_space<semaphore_mem>>) src(%dma_wait3A_473 : memref<8x512xf32, #tpu.memory_space<hbm>>) dst(%dma_wait3A_470 : memref<8x512xf32, #tpu.memory_space<vmem>>)
    %dma_wait3A_474 = arith.constant 7 : i32
    %dma_wait3A_475 = arith.constant 1 : i32
    %dma_wait3A_476 = arith.constant 7 : i32
    %dma_wait3A_477 = arith.constant 0 : i32
    %dma_wait3A_478 = arith.constant 0 : i32
    %dma_wait3A_479 = tpu.memref_slice %arg7[%dma_wait3A_475, %dma_wait3A_476, %dma_wait3A_477, %dma_wait3A_478] : memref<2x10x8x512xf32, #tpu.memory_space<vmem>> -> memref<1x1x8x512xf32, #tpu.memory_space<vmem>>
    %dma_wait3A_480 = tpu.memref_squeeze %dma_wait3A_479 : memref<1x1x8x512xf32, #tpu.memory_space<vmem>> -> memref<8x512xf32, #tpu.memory_space<vmem>>
    %dma_wait3A_481 = arith.constant 184 : i32
    %dma_wait3A_482 = tpu.memref_slice %arg4[%dma_wait3A_474, %dma_wait3A_481, %mul3A_2] : memref<10x200x16384xf32, #tpu.memory_space<hbm>> -> memref<1x8x512xf32, #tpu.memory_space<hbm>>
    %dma_wait3A_483 = tpu.memref_squeeze %dma_wait3A_482 : memref<1x8x512xf32, #tpu.memory_space<hbm>> -> memref<8x512xf32, #tpu.memory_space<hbm>>
    %dma_wait3A_484 = arith.constant 0 : i32
    %dma_wait3A_485 = arith.constant 0 : i32
    %dma_wait3A_486 = tpu.memref_slice %arg7[%dma_wait3A_475, %dma_wait3A_476, %dma_wait3A_484, %dma_wait3A_485] : memref<2x10x8x512xf32, #tpu.memory_space<vmem>> -> memref<1x1x8x512xf32, #tpu.memory_space<vmem>>
    %dma_wait3A_487 = tpu.memref_squeeze %dma_wait3A_486 : memref<1x1x8x512xf32, #tpu.memory_space<vmem>> -> memref<8x512xf32, #tpu.memory_space<vmem>>
    %dma_wait3A_488 = arith.constant 184 : i32
    %dma_wait3A_489 = tpu.memref_slice %arg4[%dma_wait3A_474, %dma_wait3A_488, %mul3A_2] : memref<10x200x16384xf32, #tpu.memory_space<hbm>> -> memref<1x8x512xf32, #tpu.memory_space<hbm>>
    %dma_wait3A_490 = tpu.memref_squeeze %dma_wait3A_489 : memref<1x8x512xf32, #tpu.memory_space<hbm>> -> memref<8x512xf32, #tpu.memory_space<hbm>>
    tpu.wait_dma2 semaphore(%arg8 : memref<!tpu.dma_semaphore, #tpu.memory_space<semaphore_mem>>) src(%dma_wait3A_490 : memref<8x512xf32, #tpu.memory_space<hbm>>) dst(%dma_wait3A_487 : memref<8x512xf32, #tpu.memory_space<vmem>>)
    %dma_wait3A_491 = arith.constant 8 : i32
    %dma_wait3A_492 = arith.constant 1 : i32
    %dma_wait3A_493 = arith.constant 8 : i32
    %dma_wait3A_494 = arith.constant 0 : i32
    %dma_wait3A_495 = arith.constant 0 : i32
    %dma_wait3A_496 = tpu.memref_slice %arg7[%dma_wait3A_492, %dma_wait3A_493, %dma_wait3A_494, %dma_wait3A_495] : memref<2x10x8x512xf32, #tpu.memory_space<vmem>> -> memref<1x1x8x512xf32, #tpu.memory_space<vmem>>
    %dma_wait3A_497 = tpu.memref_squeeze %dma_wait3A_496 : memref<1x1x8x512xf32, #tpu.memory_space<vmem>> -> memref<8x512xf32, #tpu.memory_space<vmem>>
    %dma_wait3A_498 = arith.constant 184 : i32
    %dma_wait3A_499 = tpu.memref_slice %arg4[%dma_wait3A_491, %dma_wait3A_498, %mul3A_2] : memref<10x200x16384xf32, #tpu.memory_space<hbm>> -> memref<1x8x512xf32, #tpu.memory_space<hbm>>
    %dma_wait3A_500 = tpu.memref_squeeze %dma_wait3A_499 : memref<1x8x512xf32, #tpu.memory_space<hbm>> -> memref<8x512xf32, #tpu.memory_space<hbm>>
    %dma_wait3A_501 = arith.constant 0 : i32
    %dma_wait3A_502 = arith.constant 0 : i32
    %dma_wait3A_503 = tpu.memref_slice %arg7[%dma_wait3A_492, %dma_wait3A_493, %dma_wait3A_501, %dma_wait3A_502] : memref<2x10x8x512xf32, #tpu.memory_space<vmem>> -> memref<1x1x8x512xf32, #tpu.memory_space<vmem>>
    %dma_wait3A_504 = tpu.memref_squeeze %dma_wait3A_503 : memref<1x1x8x512xf32, #tpu.memory_space<vmem>> -> memref<8x512xf32, #tpu.memory_space<vmem>>
    %dma_wait3A_505 = arith.constant 184 : i32
    %dma_wait3A_506 = tpu.memref_slice %arg4[%dma_wait3A_491, %dma_wait3A_505, %mul3A_2] : memref<10x200x16384xf32, #tpu.memory_space<hbm>> -> memref<1x8x512xf32, #tpu.memory_space<hbm>>
    %dma_wait3A_507 = tpu.memref_squeeze %dma_wait3A_506 : memref<1x8x512xf32, #tpu.memory_space<hbm>> -> memref<8x512xf32, #tpu.memory_space<hbm>>
    tpu.wait_dma2 semaphore(%arg8 : memref<!tpu.dma_semaphore, #tpu.memory_space<semaphore_mem>>) src(%dma_wait3A_507 : memref<8x512xf32, #tpu.memory_space<hbm>>) dst(%dma_wait3A_504 : memref<8x512xf32, #tpu.memory_space<vmem>>)
    %dma_wait3A_508 = arith.constant 9 : i32
    %dma_wait3A_509 = arith.constant 1 : i32
    %dma_wait3A_510 = arith.constant 9 : i32
    %dma_wait3A_511 = arith.constant 0 : i32
    %dma_wait3A_512 = arith.constant 0 : i32
    %dma_wait3A_513 = tpu.memref_slice %arg7[%dma_wait3A_509, %dma_wait3A_510, %dma_wait3A_511, %dma_wait3A_512] : memref<2x10x8x512xf32, #tpu.memory_space<vmem>> -> memref<1x1x8x512xf32, #tpu.memory_space<vmem>>
    %dma_wait3A_514 = tpu.memref_squeeze %dma_wait3A_513 : memref<1x1x8x512xf32, #tpu.memory_space<vmem>> -> memref<8x512xf32, #tpu.memory_space<vmem>>
    %dma_wait3A_515 = arith.constant 184 : i32
    %dma_wait3A_516 = tpu.memref_slice %arg4[%dma_wait3A_508, %dma_wait3A_515, %mul3A_2] : memref<10x200x16384xf32, #tpu.memory_space<hbm>> -> memref<1x8x512xf32, #tpu.memory_space<hbm>>
    %dma_wait3A_517 = tpu.memref_squeeze %dma_wait3A_516 : memref<1x8x512xf32, #tpu.memory_space<hbm>> -> memref<8x512xf32, #tpu.memory_space<hbm>>
    %dma_wait3A_518 = arith.constant 0 : i32
    %dma_wait3A_519 = arith.constant 0 : i32
    %dma_wait3A_520 = tpu.memref_slice %arg7[%dma_wait3A_509, %dma_wait3A_510, %dma_wait3A_518, %dma_wait3A_519] : memref<2x10x8x512xf32, #tpu.memory_space<vmem>> -> memref<1x1x8x512xf32, #tpu.memory_space<vmem>>
    %dma_wait3A_521 = tpu.memref_squeeze %dma_wait3A_520 : memref<1x1x8x512xf32, #tpu.memory_space<vmem>> -> memref<8x512xf32, #tpu.memory_space<vmem>>
    %dma_wait3A_522 = arith.constant 184 : i32
    %dma_wait3A_523 = tpu.memref_slice %arg4[%dma_wait3A_508, %dma_wait3A_522, %mul3A_2] : memref<10x200x16384xf32, #tpu.memory_space<hbm>> -> memref<1x8x512xf32, #tpu.memory_space<hbm>>
    %dma_wait3A_524 = tpu.memref_squeeze %dma_wait3A_523 : memref<1x8x512xf32, #tpu.memory_space<hbm>> -> memref<8x512xf32, #tpu.memory_space<hbm>>
    tpu.wait_dma2 semaphore(%arg8 : memref<!tpu.dma_semaphore, #tpu.memory_space<semaphore_mem>>) src(%dma_wait3A_524 : memref<8x512xf32, #tpu.memory_space<hbm>>) dst(%dma_wait3A_521 : memref<8x512xf32, #tpu.memory_space<vmem>>)
    %dma_wait3A_525 = arith.constant 0 : i32
    %dma_wait3A_526 = arith.constant 0 : i32
    %dma_wait3A_527 = arith.constant 0 : i32
    %dma_wait3A_528 = arith.constant 0 : i32
    %dma_wait3A_529 = arith.constant 0 : i32
    %dma_wait3A_530 = tpu.memref_slice %arg7[%dma_wait3A_526, %dma_wait3A_527, %dma_wait3A_528, %dma_wait3A_529] : memref<2x10x8x512xf32, #tpu.memory_space<vmem>> -> memref<1x1x8x512xf32, #tpu.memory_space<vmem>>
    %dma_wait3A_531 = tpu.memref_squeeze %dma_wait3A_530 : memref<1x1x8x512xf32, #tpu.memory_space<vmem>> -> memref<8x512xf32, #tpu.memory_space<vmem>>
    %dma_wait3A_532 = arith.constant 192 : i32
    %dma_wait3A_533 = tpu.memref_slice %arg4[%dma_wait3A_525, %dma_wait3A_532, %mul3A_2] : memref<10x200x16384xf32, #tpu.memory_space<hbm>> -> memref<1x8x512xf32, #tpu.memory_space<hbm>>
    %dma_wait3A_534 = tpu.memref_squeeze %dma_wait3A_533 : memref<1x8x512xf32, #tpu.memory_space<hbm>> -> memref<8x512xf32, #tpu.memory_space<hbm>>
    %dma_wait3A_535 = arith.constant 0 : i32
    %dma_wait3A_536 = arith.constant 0 : i32
    %dma_wait3A_537 = tpu.memref_slice %arg7[%dma_wait3A_526, %dma_wait3A_527, %dma_wait3A_535, %dma_wait3A_536] : memref<2x10x8x512xf32, #tpu.memory_space<vmem>> -> memref<1x1x8x512xf32, #tpu.memory_space<vmem>>
    %dma_wait3A_538 = tpu.memref_squeeze %dma_wait3A_537 : memref<1x1x8x512xf32, #tpu.memory_space<vmem>> -> memref<8x512xf32, #tpu.memory_space<vmem>>
    %dma_wait3A_539 = arith.constant 192 : i32
    %dma_wait3A_540 = tpu.memref_slice %arg4[%dma_wait3A_525, %dma_wait3A_539, %mul3A_2] : memref<10x200x16384xf32, #tpu.memory_space<hbm>> -> memref<1x8x512xf32, #tpu.memory_space<hbm>>
    %dma_wait3A_541 = tpu.memref_squeeze %dma_wait3A_540 : memref<1x8x512xf32, #tpu.memory_space<hbm>> -> memref<8x512xf32, #tpu.memory_space<hbm>>
    tpu.wait_dma2 semaphore(%arg8 : memref<!tpu.dma_semaphore, #tpu.memory_space<semaphore_mem>>) src(%dma_wait3A_541 : memref<8x512xf32, #tpu.memory_space<hbm>>) dst(%dma_wait3A_538 : memref<8x512xf32, #tpu.memory_space<vmem>>)
    %dma_wait3A_542 = arith.constant 1 : i32
    %dma_wait3A_543 = arith.constant 0 : i32
    %dma_wait3A_544 = arith.constant 1 : i32
    %dma_wait3A_545 = arith.constant 0 : i32
    %dma_wait3A_546 = arith.constant 0 : i32
    %dma_wait3A_547 = tpu.memref_slice %arg7[%dma_wait3A_543, %dma_wait3A_544, %dma_wait3A_545, %dma_wait3A_546] : memref<2x10x8x512xf32, #tpu.memory_space<vmem>> -> memref<1x1x8x512xf32, #tpu.memory_space<vmem>>
    %dma_wait3A_548 = tpu.memref_squeeze %dma_wait3A_547 : memref<1x1x8x512xf32, #tpu.memory_space<vmem>> -> memref<8x512xf32, #tpu.memory_space<vmem>>
    %dma_wait3A_549 = arith.constant 192 : i32
    %dma_wait3A_550 = tpu.memref_slice %arg4[%dma_wait3A_542, %dma_wait3A_549, %mul3A_2] : memref<10x200x16384xf32, #tpu.memory_space<hbm>> -> memref<1x8x512xf32, #tpu.memory_space<hbm>>
    %dma_wait3A_551 = tpu.memref_squeeze %dma_wait3A_550 : memref<1x8x512xf32, #tpu.memory_space<hbm>> -> memref<8x512xf32, #tpu.memory_space<hbm>>
    %dma_wait3A_552 = arith.constant 0 : i32
    %dma_wait3A_553 = arith.constant 0 : i32
    %dma_wait3A_554 = tpu.memref_slice %arg7[%dma_wait3A_543, %dma_wait3A_544, %dma_wait3A_552, %dma_wait3A_553] : memref<2x10x8x512xf32, #tpu.memory_space<vmem>> -> memref<1x1x8x512xf32, #tpu.memory_space<vmem>>
    %dma_wait3A_555 = tpu.memref_squeeze %dma_wait3A_554 : memref<1x1x8x512xf32, #tpu.memory_space<vmem>> -> memref<8x512xf32, #tpu.memory_space<vmem>>
    %dma_wait3A_556 = arith.constant 192 : i32
    %dma_wait3A_557 = tpu.memref_slice %arg4[%dma_wait3A_542, %dma_wait3A_556, %mul3A_2] : memref<10x200x16384xf32, #tpu.memory_space<hbm>> -> memref<1x8x512xf32, #tpu.memory_space<hbm>>
    %dma_wait3A_558 = tpu.memref_squeeze %dma_wait3A_557 : memref<1x8x512xf32, #tpu.memory_space<hbm>> -> memref<8x512xf32, #tpu.memory_space<hbm>>
    tpu.wait_dma2 semaphore(%arg8 : memref<!tpu.dma_semaphore, #tpu.memory_space<semaphore_mem>>) src(%dma_wait3A_558 : memref<8x512xf32, #tpu.memory_space<hbm>>) dst(%dma_wait3A_555 : memref<8x512xf32, #tpu.memory_space<vmem>>)
    %dma_wait3A_559 = arith.constant 2 : i32
    %dma_wait3A_560 = arith.constant 0 : i32
    %dma_wait3A_561 = arith.constant 2 : i32
    %dma_wait3A_562 = arith.constant 0 : i32
    %dma_wait3A_563 = arith.constant 0 : i32
    %dma_wait3A_564 = tpu.memref_slice %arg7[%dma_wait3A_560, %dma_wait3A_561, %dma_wait3A_562, %dma_wait3A_563] : memref<2x10x8x512xf32, #tpu.memory_space<vmem>> -> memref<1x1x8x512xf32, #tpu.memory_space<vmem>>
    %dma_wait3A_565 = tpu.memref_squeeze %dma_wait3A_564 : memref<1x1x8x512xf32, #tpu.memory_space<vmem>> -> memref<8x512xf32, #tpu.memory_space<vmem>>
    %dma_wait3A_566 = arith.constant 192 : i32
    %dma_wait3A_567 = tpu.memref_slice %arg4[%dma_wait3A_559, %dma_wait3A_566, %mul3A_2] : memref<10x200x16384xf32, #tpu.memory_space<hbm>> -> memref<1x8x512xf32, #tpu.memory_space<hbm>>
    %dma_wait3A_568 = tpu.memref_squeeze %dma_wait3A_567 : memref<1x8x512xf32, #tpu.memory_space<hbm>> -> memref<8x512xf32, #tpu.memory_space<hbm>>
    %dma_wait3A_569 = arith.constant 0 : i32
    %dma_wait3A_570 = arith.constant 0 : i32
    %dma_wait3A_571 = tpu.memref_slice %arg7[%dma_wait3A_560, %dma_wait3A_561, %dma_wait3A_569, %dma_wait3A_570] : memref<2x10x8x512xf32, #tpu.memory_space<vmem>> -> memref<1x1x8x512xf32, #tpu.memory_space<vmem>>
    %dma_wait3A_572 = tpu.memref_squeeze %dma_wait3A_571 : memref<1x1x8x512xf32, #tpu.memory_space<vmem>> -> memref<8x512xf32, #tpu.memory_space<vmem>>
    %dma_wait3A_573 = arith.constant 192 : i32
    %dma_wait3A_574 = tpu.memref_slice %arg4[%dma_wait3A_559, %dma_wait3A_573, %mul3A_2] : memref<10x200x16384xf32, #tpu.memory_space<hbm>> -> memref<1x8x512xf32, #tpu.memory_space<hbm>>
    %dma_wait3A_575 = tpu.memref_squeeze %dma_wait3A_574 : memref<1x8x512xf32, #tpu.memory_space<hbm>> -> memref<8x512xf32, #tpu.memory_space<hbm>>
    tpu.wait_dma2 semaphore(%arg8 : memref<!tpu.dma_semaphore, #tpu.memory_space<semaphore_mem>>) src(%dma_wait3A_575 : memref<8x512xf32, #tpu.memory_space<hbm>>) dst(%dma_wait3A_572 : memref<8x512xf32, #tpu.memory_space<vmem>>)
    %dma_wait3A_576 = arith.constant 3 : i32
    %dma_wait3A_577 = arith.constant 0 : i32
    %dma_wait3A_578 = arith.constant 3 : i32
    %dma_wait3A_579 = arith.constant 0 : i32
    %dma_wait3A_580 = arith.constant 0 : i32
    %dma_wait3A_581 = tpu.memref_slice %arg7[%dma_wait3A_577, %dma_wait3A_578, %dma_wait3A_579, %dma_wait3A_580] : memref<2x10x8x512xf32, #tpu.memory_space<vmem>> -> memref<1x1x8x512xf32, #tpu.memory_space<vmem>>
    %dma_wait3A_582 = tpu.memref_squeeze %dma_wait3A_581 : memref<1x1x8x512xf32, #tpu.memory_space<vmem>> -> memref<8x512xf32, #tpu.memory_space<vmem>>
    %dma_wait3A_583 = arith.constant 192 : i32
    %dma_wait3A_584 = tpu.memref_slice %arg4[%dma_wait3A_576, %dma_wait3A_583, %mul3A_2] : memref<10x200x16384xf32, #tpu.memory_space<hbm>> -> memref<1x8x512xf32, #tpu.memory_space<hbm>>
    %dma_wait3A_585 = tpu.memref_squeeze %dma_wait3A_584 : memref<1x8x512xf32, #tpu.memory_space<hbm>> -> memref<8x512xf32, #tpu.memory_space<hbm>>
    %dma_wait3A_586 = arith.constant 0 : i32
    %dma_wait3A_587 = arith.constant 0 : i32
    %dma_wait3A_588 = tpu.memref_slice %arg7[%dma_wait3A_577, %dma_wait3A_578, %dma_wait3A_586, %dma_wait3A_587] : memref<2x10x8x512xf32, #tpu.memory_space<vmem>> -> memref<1x1x8x512xf32, #tpu.memory_space<vmem>>
    %dma_wait3A_589 = tpu.memref_squeeze %dma_wait3A_588 : memref<1x1x8x512xf32, #tpu.memory_space<vmem>> -> memref<8x512xf32, #tpu.memory_space<vmem>>
    %dma_wait3A_590 = arith.constant 192 : i32
    %dma_wait3A_591 = tpu.memref_slice %arg4[%dma_wait3A_576, %dma_wait3A_590, %mul3A_2] : memref<10x200x16384xf32, #tpu.memory_space<hbm>> -> memref<1x8x512xf32, #tpu.memory_space<hbm>>
    %dma_wait3A_592 = tpu.memref_squeeze %dma_wait3A_591 : memref<1x8x512xf32, #tpu.memory_space<hbm>> -> memref<8x512xf32, #tpu.memory_space<hbm>>
    tpu.wait_dma2 semaphore(%arg8 : memref<!tpu.dma_semaphore, #tpu.memory_space<semaphore_mem>>) src(%dma_wait3A_592 : memref<8x512xf32, #tpu.memory_space<hbm>>) dst(%dma_wait3A_589 : memref<8x512xf32, #tpu.memory_space<vmem>>)
    %dma_wait3A_593 = arith.constant 4 : i32
    %dma_wait3A_594 = arith.constant 0 : i32
    %dma_wait3A_595 = arith.constant 4 : i32
    %dma_wait3A_596 = arith.constant 0 : i32
    %dma_wait3A_597 = arith.constant 0 : i32
    %dma_wait3A_598 = tpu.memref_slice %arg7[%dma_wait3A_594, %dma_wait3A_595, %dma_wait3A_596, %dma_wait3A_597] : memref<2x10x8x512xf32, #tpu.memory_space<vmem>> -> memref<1x1x8x512xf32, #tpu.memory_space<vmem>>
    %dma_wait3A_599 = tpu.memref_squeeze %dma_wait3A_598 : memref<1x1x8x512xf32, #tpu.memory_space<vmem>> -> memref<8x512xf32, #tpu.memory_space<vmem>>
    %dma_wait3A_600 = arith.constant 192 : i32
    %dma_wait3A_601 = tpu.memref_slice %arg4[%dma_wait3A_593, %dma_wait3A_600, %mul3A_2] : memref<10x200x16384xf32, #tpu.memory_space<hbm>> -> memref<1x8x512xf32, #tpu.memory_space<hbm>>
    %dma_wait3A_602 = tpu.memref_squeeze %dma_wait3A_601 : memref<1x8x512xf32, #tpu.memory_space<hbm>> -> memref<8x512xf32, #tpu.memory_space<hbm>>
    %dma_wait3A_603 = arith.constant 0 : i32
    %dma_wait3A_604 = arith.constant 0 : i32
    %dma_wait3A_605 = tpu.memref_slice %arg7[%dma_wait3A_594, %dma_wait3A_595, %dma_wait3A_603, %dma_wait3A_604] : memref<2x10x8x512xf32, #tpu.memory_space<vmem>> -> memref<1x1x8x512xf32, #tpu.memory_space<vmem>>
    %dma_wait3A_606 = tpu.memref_squeeze %dma_wait3A_605 : memref<1x1x8x512xf32, #tpu.memory_space<vmem>> -> memref<8x512xf32, #tpu.memory_space<vmem>>
    %dma_wait3A_607 = arith.constant 192 : i32
    %dma_wait3A_608 = tpu.memref_slice %arg4[%dma_wait3A_593, %dma_wait3A_607, %mul3A_2] : memref<10x200x16384xf32, #tpu.memory_space<hbm>> -> memref<1x8x512xf32, #tpu.memory_space<hbm>>
    %dma_wait3A_609 = tpu.memref_squeeze %dma_wait3A_608 : memref<1x8x512xf32, #tpu.memory_space<hbm>> -> memref<8x512xf32, #tpu.memory_space<hbm>>
    tpu.wait_dma2 semaphore(%arg8 : memref<!tpu.dma_semaphore, #tpu.memory_space<semaphore_mem>>) src(%dma_wait3A_609 : memref<8x512xf32, #tpu.memory_space<hbm>>) dst(%dma_wait3A_606 : memref<8x512xf32, #tpu.memory_space<vmem>>)
    %dma_wait3A_610 = arith.constant 5 : i32
    %dma_wait3A_611 = arith.constant 0 : i32
    %dma_wait3A_612 = arith.constant 5 : i32
    %dma_wait3A_613 = arith.constant 0 : i32
    %dma_wait3A_614 = arith.constant 0 : i32
    %dma_wait3A_615 = tpu.memref_slice %arg7[%dma_wait3A_611, %dma_wait3A_612, %dma_wait3A_613, %dma_wait3A_614] : memref<2x10x8x512xf32, #tpu.memory_space<vmem>> -> memref<1x1x8x512xf32, #tpu.memory_space<vmem>>
    %dma_wait3A_616 = tpu.memref_squeeze %dma_wait3A_615 : memref<1x1x8x512xf32, #tpu.memory_space<vmem>> -> memref<8x512xf32, #tpu.memory_space<vmem>>
    %dma_wait3A_617 = arith.constant 192 : i32
    %dma_wait3A_618 = tpu.memref_slice %arg4[%dma_wait3A_610, %dma_wait3A_617, %mul3A_2] : memref<10x200x16384xf32, #tpu.memory_space<hbm>> -> memref<1x8x512xf32, #tpu.memory_space<hbm>>
    %dma_wait3A_619 = tpu.memref_squeeze %dma_wait3A_618 : memref<1x8x512xf32, #tpu.memory_space<hbm>> -> memref<8x512xf32, #tpu.memory_space<hbm>>
    %dma_wait3A_620 = arith.constant 0 : i32
    %dma_wait3A_621 = arith.constant 0 : i32
    %dma_wait3A_622 = tpu.memref_slice %arg7[%dma_wait3A_611, %dma_wait3A_612, %dma_wait3A_620, %dma_wait3A_621] : memref<2x10x8x512xf32, #tpu.memory_space<vmem>> -> memref<1x1x8x512xf32, #tpu.memory_space<vmem>>
    %dma_wait3A_623 = tpu.memref_squeeze %dma_wait3A_622 : memref<1x1x8x512xf32, #tpu.memory_space<vmem>> -> memref<8x512xf32, #tpu.memory_space<vmem>>
    %dma_wait3A_624 = arith.constant 192 : i32
    %dma_wait3A_625 = tpu.memref_slice %arg4[%dma_wait3A_610, %dma_wait3A_624, %mul3A_2] : memref<10x200x16384xf32, #tpu.memory_space<hbm>> -> memref<1x8x512xf32, #tpu.memory_space<hbm>>
    %dma_wait3A_626 = tpu.memref_squeeze %dma_wait3A_625 : memref<1x8x512xf32, #tpu.memory_space<hbm>> -> memref<8x512xf32, #tpu.memory_space<hbm>>
    tpu.wait_dma2 semaphore(%arg8 : memref<!tpu.dma_semaphore, #tpu.memory_space<semaphore_mem>>) src(%dma_wait3A_626 : memref<8x512xf32, #tpu.memory_space<hbm>>) dst(%dma_wait3A_623 : memref<8x512xf32, #tpu.memory_space<vmem>>)
    %dma_wait3A_627 = arith.constant 6 : i32
    %dma_wait3A_628 = arith.constant 0 : i32
    %dma_wait3A_629 = arith.constant 6 : i32
    %dma_wait3A_630 = arith.constant 0 : i32
    %dma_wait3A_631 = arith.constant 0 : i32
    %dma_wait3A_632 = tpu.memref_slice %arg7[%dma_wait3A_628, %dma_wait3A_629, %dma_wait3A_630, %dma_wait3A_631] : memref<2x10x8x512xf32, #tpu.memory_space<vmem>> -> memref<1x1x8x512xf32, #tpu.memory_space<vmem>>
    %dma_wait3A_633 = tpu.memref_squeeze %dma_wait3A_632 : memref<1x1x8x512xf32, #tpu.memory_space<vmem>> -> memref<8x512xf32, #tpu.memory_space<vmem>>
    %dma_wait3A_634 = arith.constant 192 : i32
    %dma_wait3A_635 = tpu.memref_slice %arg4[%dma_wait3A_627, %dma_wait3A_634, %mul3A_2] : memref<10x200x16384xf32, #tpu.memory_space<hbm>> -> memref<1x8x512xf32, #tpu.memory_space<hbm>>
    %dma_wait3A_636 = tpu.memref_squeeze %dma_wait3A_635 : memref<1x8x512xf32, #tpu.memory_space<hbm>> -> memref<8x512xf32, #tpu.memory_space<hbm>>
    %dma_wait3A_637 = arith.constant 0 : i32
    %dma_wait3A_638 = arith.constant 0 : i32
    %dma_wait3A_639 = tpu.memref_slice %arg7[%dma_wait3A_628, %dma_wait3A_629, %dma_wait3A_637, %dma_wait3A_638] : memref<2x10x8x512xf32, #tpu.memory_space<vmem>> -> memref<1x1x8x512xf32, #tpu.memory_space<vmem>>
    %dma_wait3A_640 = tpu.memref_squeeze %dma_wait3A_639 : memref<1x1x8x512xf32, #tpu.memory_space<vmem>> -> memref<8x512xf32, #tpu.memory_space<vmem>>
    %dma_wait3A_641 = arith.constant 192 : i32
    %dma_wait3A_642 = tpu.memref_slice %arg4[%dma_wait3A_627, %dma_wait3A_641, %mul3A_2] : memref<10x200x16384xf32, #tpu.memory_space<hbm>> -> memref<1x8x512xf32, #tpu.memory_space<hbm>>
    %dma_wait3A_643 = tpu.memref_squeeze %dma_wait3A_642 : memref<1x8x512xf32, #tpu.memory_space<hbm>> -> memref<8x512xf32, #tpu.memory_space<hbm>>
    tpu.wait_dma2 semaphore(%arg8 : memref<!tpu.dma_semaphore, #tpu.memory_space<semaphore_mem>>) src(%dma_wait3A_643 : memref<8x512xf32, #tpu.memory_space<hbm>>) dst(%dma_wait3A_640 : memref<8x512xf32, #tpu.memory_space<vmem>>)
    %dma_wait3A_644 = arith.constant 7 : i32
    %dma_wait3A_645 = arith.constant 0 : i32
    %dma_wait3A_646 = arith.constant 7 : i32
    %dma_wait3A_647 = arith.constant 0 : i32
    %dma_wait3A_648 = arith.constant 0 : i32
    %dma_wait3A_649 = tpu.memref_slice %arg7[%dma_wait3A_645, %dma_wait3A_646, %dma_wait3A_647, %dma_wait3A_648] : memref<2x10x8x512xf32, #tpu.memory_space<vmem>> -> memref<1x1x8x512xf32, #tpu.memory_space<vmem>>
    %dma_wait3A_650 = tpu.memref_squeeze %dma_wait3A_649 : memref<1x1x8x512xf32, #tpu.memory_space<vmem>> -> memref<8x512xf32, #tpu.memory_space<vmem>>
    %dma_wait3A_651 = arith.constant 192 : i32
    %dma_wait3A_652 = tpu.memref_slice %arg4[%dma_wait3A_644, %dma_wait3A_651, %mul3A_2] : memref<10x200x16384xf32, #tpu.memory_space<hbm>> -> memref<1x8x512xf32, #tpu.memory_space<hbm>>
    %dma_wait3A_653 = tpu.memref_squeeze %dma_wait3A_652 : memref<1x8x512xf32, #tpu.memory_space<hbm>> -> memref<8x512xf32, #tpu.memory_space<hbm>>
    %dma_wait3A_654 = arith.constant 0 : i32
    %dma_wait3A_655 = arith.constant 0 : i32
    %dma_wait3A_656 = tpu.memref_slice %arg7[%dma_wait3A_645, %dma_wait3A_646, %dma_wait3A_654, %dma_wait3A_655] : memref<2x10x8x512xf32, #tpu.memory_space<vmem>> -> memref<1x1x8x512xf32, #tpu.memory_space<vmem>>
    %dma_wait3A_657 = tpu.memref_squeeze %dma_wait3A_656 : memref<1x1x8x512xf32, #tpu.memory_space<vmem>> -> memref<8x512xf32, #tpu.memory_space<vmem>>
    %dma_wait3A_658 = arith.constant 192 : i32
    %dma_wait3A_659 = tpu.memref_slice %arg4[%dma_wait3A_644, %dma_wait3A_658, %mul3A_2] : memref<10x200x16384xf32, #tpu.memory_space<hbm>> -> memref<1x8x512xf32, #tpu.memory_space<hbm>>
    %dma_wait3A_660 = tpu.memref_squeeze %dma_wait3A_659 : memref<1x8x512xf32, #tpu.memory_space<hbm>> -> memref<8x512xf32, #tpu.memory_space<hbm>>
    tpu.wait_dma2 semaphore(%arg8 : memref<!tpu.dma_semaphore, #tpu.memory_space<semaphore_mem>>) src(%dma_wait3A_660 : memref<8x512xf32, #tpu.memory_space<hbm>>) dst(%dma_wait3A_657 : memref<8x512xf32, #tpu.memory_space<vmem>>)
    %dma_wait3A_661 = arith.constant 8 : i32
    %dma_wait3A_662 = arith.constant 0 : i32
    %dma_wait3A_663 = arith.constant 8 : i32
    %dma_wait3A_664 = arith.constant 0 : i32
    %dma_wait3A_665 = arith.constant 0 : i32
    %dma_wait3A_666 = tpu.memref_slice %arg7[%dma_wait3A_662, %dma_wait3A_663, %dma_wait3A_664, %dma_wait3A_665] : memref<2x10x8x512xf32, #tpu.memory_space<vmem>> -> memref<1x1x8x512xf32, #tpu.memory_space<vmem>>
    %dma_wait3A_667 = tpu.memref_squeeze %dma_wait3A_666 : memref<1x1x8x512xf32, #tpu.memory_space<vmem>> -> memref<8x512xf32, #tpu.memory_space<vmem>>
    %dma_wait3A_668 = arith.constant 192 : i32
    %dma_wait3A_669 = tpu.memref_slice %arg4[%dma_wait3A_661, %dma_wait3A_668, %mul3A_2] : memref<10x200x16384xf32, #tpu.memory_space<hbm>> -> memref<1x8x512xf32, #tpu.memory_space<hbm>>
    %dma_wait3A_670 = tpu.memref_squeeze %dma_wait3A_669 : memref<1x8x512xf32, #tpu.memory_space<hbm>> -> memref<8x512xf32, #tpu.memory_space<hbm>>
    %dma_wait3A_671 = arith.constant 0 : i32
    %dma_wait3A_672 = arith.constant 0 : i32
    %dma_wait3A_673 = tpu.memref_slice %arg7[%dma_wait3A_662, %dma_wait3A_663, %dma_wait3A_671, %dma_wait3A_672] : memref<2x10x8x512xf32, #tpu.memory_space<vmem>> -> memref<1x1x8x512xf32, #tpu.memory_space<vmem>>
    %dma_wait3A_674 = tpu.memref_squeeze %dma_wait3A_673 : memref<1x1x8x512xf32, #tpu.memory_space<vmem>> -> memref<8x512xf32, #tpu.memory_space<vmem>>
    %dma_wait3A_675 = arith.constant 192 : i32
    %dma_wait3A_676 = tpu.memref_slice %arg4[%dma_wait3A_661, %dma_wait3A_675, %mul3A_2] : memref<10x200x16384xf32, #tpu.memory_space<hbm>> -> memref<1x8x512xf32, #tpu.memory_space<hbm>>
    %dma_wait3A_677 = tpu.memref_squeeze %dma_wait3A_676 : memref<1x8x512xf32, #tpu.memory_space<hbm>> -> memref<8x512xf32, #tpu.memory_space<hbm>>
    tpu.wait_dma2 semaphore(%arg8 : memref<!tpu.dma_semaphore, #tpu.memory_space<semaphore_mem>>) src(%dma_wait3A_677 : memref<8x512xf32, #tpu.memory_space<hbm>>) dst(%dma_wait3A_674 : memref<8x512xf32, #tpu.memory_space<vmem>>)
    %dma_wait3A_678 = arith.constant 9 : i32
    %dma_wait3A_679 = arith.constant 0 : i32
    %dma_wait3A_680 = arith.constant 9 : i32
    %dma_wait3A_681 = arith.constant 0 : i32
    %dma_wait3A_682 = arith.constant 0 : i32
    %dma_wait3A_683 = tpu.memref_slice %arg7[%dma_wait3A_679, %dma_wait3A_680, %dma_wait3A_681, %dma_wait3A_682] : memref<2x10x8x512xf32, #tpu.memory_space<vmem>> -> memref<1x1x8x512xf32, #tpu.memory_space<vmem>>
    %dma_wait3A_684 = tpu.memref_squeeze %dma_wait3A_683 : memref<1x1x8x512xf32, #tpu.memory_space<vmem>> -> memref<8x512xf32, #tpu.memory_space<vmem>>
    %dma_wait3A_685 = arith.constant 192 : i32
    %dma_wait3A_686 = tpu.memref_slice %arg4[%dma_wait3A_678, %dma_wait3A_685, %mul3A_2] : memref<10x200x16384xf32, #tpu.memory_space<hbm>> -> memref<1x8x512xf32, #tpu.memory_space<hbm>>
    %dma_wait3A_687 = tpu.memref_squeeze %dma_wait3A_686 : memref<1x8x512xf32, #tpu.memory_space<hbm>> -> memref<8x512xf32, #tpu.memory_space<hbm>>
    %dma_wait3A_688 = arith.constant 0 : i32
    %dma_wait3A_689 = arith.constant 0 : i32
    %dma_wait3A_690 = tpu.memref_slice %arg7[%dma_wait3A_679, %dma_wait3A_680, %dma_wait3A_688, %dma_wait3A_689] : memref<2x10x8x512xf32, #tpu.memory_space<vmem>> -> memref<1x1x8x512xf32, #tpu.memory_space<vmem>>
    %dma_wait3A_691 = tpu.memref_squeeze %dma_wait3A_690 : memref<1x1x8x512xf32, #tpu.memory_space<vmem>> -> memref<8x512xf32, #tpu.memory_space<vmem>>
    %dma_wait3A_692 = arith.constant 192 : i32
    %dma_wait3A_693 = tpu.memref_slice %arg4[%dma_wait3A_678, %dma_wait3A_692, %mul3A_2] : memref<10x200x16384xf32, #tpu.memory_space<hbm>> -> memref<1x8x512xf32, #tpu.memory_space<hbm>>
    %dma_wait3A_694 = tpu.memref_squeeze %dma_wait3A_693 : memref<1x8x512xf32, #tpu.memory_space<hbm>> -> memref<8x512xf32, #tpu.memory_space<hbm>>
    tpu.wait_dma2 semaphore(%arg8 : memref<!tpu.dma_semaphore, #tpu.memory_space<semaphore_mem>>) src(%dma_wait3A_694 : memref<8x512xf32, #tpu.memory_space<hbm>>) dst(%dma_wait3A_691 : memref<8x512xf32, #tpu.memory_space<vmem>>)
    return
  }
}

</mosaic_0001>

<sc_bundles>
// kernel: kernel.3.cloned.1.call-start
scs
__scs_entry_jumppad:
0x0: {  	(pc) =	sbr.rel $0x88, $3  }
0x1: {  	(tag) =	ssettag $0x0;
	lr =	simm.s32 $0x1  }
0x2: {  	[smem:$0x3F9F] =	sst lr;
	_ =	strace $0xD0000000  }
0x3: {  	_ = 	snop  }
0x4: {  	_ = 	snop  }
0x5: {  	_ = 	snop  }
0x6: {  	_ = 	snop  }
0x7: {  	_ = 	snop  }
__scs_overlays_trampoline_lowered:
0x8: {  	[smem:$0x3FAE] =	sst s0  }
0x9: {  	[smem:$0x3FAF] =	sst s1  }
0xa: {  	[smem:$0x3FB0] =	sst s2  }
0xb: {  	[smem:$0x3FB1] =	sst s3  }
0xc: {  	[smem:$0x3FB2] =	sst s4  }
0xd: {  	[smem:$0x3FB3] =	sst s5  }
0xe: {  	[smem:$0x3FB4] =	sst s6  }
0xf: {  	[smem:$0x3FB5] =	sst s7  }
0x10: {  	[smem:$0x3FB6] =	sst s8  }
0x11: {  	[smem:$0x3FB7] =	sst s9;
	s0 =	simm.s32 @!p0 $0x0  }
0x12: {  	s1 =	sld [smem:$0x3F9D];
	s0 =	simm.s32 @p0 $0x1  }
0x13: {  	[smem:$0x3FB8] =	sst s0;
	s0 =	simm.s32 @!p1 $0x0  }
0x14: {  	s2 =	sld [smem:$0x3F9C];
	s0 =	simm.s32 @p1 $0x1  }
0x15: {  	[smem:$0x3FB9] =	sst s0;
	s0 =	simm.s32 @!p2 $0x0  }
0x16: {  	s3 =	sld [smem:$0x3FDB];
	s0 =	simm.s32 @p2 $0x1  }
0x17: {  	s4 =	simm.s32 $0x1BF5;
	[smem:$0x3FBB] =	sst s0  }
0x18: {  	s0 =	sld [smem:$0x3F9E];
	_ =	swait.ge [sflag:s4], $0x0  }
0x19: {  	s7 =	sld [smem:$0x3F9F]  }
0x1a: {  	s8 =	sadd.s32 $0xFFFFE003, lr  }
0x1b: {  	s9 =	sadd.s32 $0xFFFFFEF7, lr;
	s5 =	simm.s32 $0xFFFFFFFF;
	p2 =	slt.u32 s8, $0xFFFFF086  }
0x1c: {  	p1 =	slt.u32 s9, $0xF7A;
	s5 =	simm.s32 @!p2 $0x0  }
0x1d: {  	s5 =	simm.s32 @p1 $0x1;
	p0 =	seq.s32 s7, s2  }
0x1e: {  	s7 =	smul.u32 @!p0 $0xF7A, s2;
	p2 =	seq.s32 @!p0 s5, $0x0  }
0x1f: {  	s9 =	smul.u32 $0xF7A, s1;
	s8 =	simm.s32 @!p0 $0x1BF5;
	p2 =	por !p2, p0  }
0x20: {  	[sflag:s8] =	ssyncset.s32 @!p0 $0xFFFFF086;
	s6 =	sadd.s32 @!p0 s3, s7;
	s7 =	simm.s32 @!p0 $0x108  }
0x21: {  	s3 =	sadd.s32 s3, s9;
	s6 =	sadd.s32 @!p0 $0x88, s6;
	s7 =	simm.s32 @p2 $0x1082  }
0x22: {  	[simem:s7], [sflag:s8] =	dma.local @!p0 [hbm:s6], $0xF7A  }
0x23: {  	s9 =	sor.u32 $0xD0000000, s2;
	s6 =	simm.s32 $0x108;
	_ =	swait.ge @!p0 [sflag:s8], $0x0  }
0x24: {  	s3 =	sadd.s32 $0x88, s3;
	s6 =	simm.s32 @!p1 $0x1082;
	[sflag:s4] =	ssyncset.s32 $0xFFFFF086  }
0x25: {  	[simem:s6], [sflag:s4] =	dma.local [hbm:s3], $0xF7A  }
0x26: {  	[smem:$0x3F9F] =	sst s1;
	(tag) =	ssettag s2;
	_ =	strace s9  }
0x27: {  	s1 =	sld [smem:$0x3FAF]  }
0x28: {  	s2 =	sld [smem:$0x3FB0]  }
0x29: {  	s4 =	sld [smem:$0x3FB2]  }
0x2a: {  	p0 =	seq.s32 s5, $0x0;
	s5 =	sld [smem:$0x3FB3]  }
0x2b: {  	s6 =	sld [smem:$0x3FB4]  }
0x2c: {  	s7 =	sld [smem:$0x3FB5]  }
0x2d: {  	s3 =	simm.s32 $0x108;
	s8 =	sld [smem:$0x3FB6]  }
0x2e: {  	s3 =	simm.s32 @!p0 $0x1082;
	s9 =	sld [smem:$0x3FB7]  }
0x2f: {  	lr =	sadd.s32 s0, s3;
	s0 =	sld [smem:$0x3FAE]  }
0x30: {  	s3 =	sld [smem:$0x3FB1]  }
0x31: {  	[smem:$0x3FBA] =	sst s10  }
0x32: {  	s10 =	sld [smem:$0x3FB8];
	_ =	sdelay $0x3  }
0x33: {  	p0 =	seq.s32 s10, $0x1;
	s10 =	sld [smem:$0x3FBA];
	_ =	sdelay $0x3  }
0x34: {  	[smem:$0x3FBA] =	sst s10  }
0x35: {  	s10 =	sld [smem:$0x3FB9];
	_ =	sdelay $0x3  }
0x36: {  	p1 =	seq.s32 s10, $0x1;
	s10 =	sld [smem:$0x3FBA];
	_ =	sdelay $0x3  }
0x37: {  	[smem:$0x3FBA] =	sst s10  }
0x38: {  	s10 =	sld [smem:$0x3FBB]  }
0x39: {  	_ = 	snop;
	(pc) =	sbr.ind lr, $3  }
0x3a: {  	_ = 	snop  }
0x3b: {  	_ = 	snop  }
0x3c: {  	p2 =	seq.s32 s10, $0x1;
	s10 =	sld [smem:$0x3FBA]  }
0x3d: {  	_ =	shalt  }
0x3e: {  	_ =	shalt  }
0x3f: {  	_ =	shalt  }
0x40: {  	_ =	shalt  }
0x41: {  	_ =	shalt  }
0x42: {  	_ =	shalt  }
0x43: {  	_ =	shalt  }
0x44: {  	_ =	shalt  }
0x45: {  	_ =	shalt  }
0x46: {  	_ =	shalt  }
0x47: {  	_ =	shalt  }
0x48: {  	_ =	shalt  }
0x49: {  	_ =	shalt  }
0x4a: {  	_ =	shalt  }
0x4b: {  	_ =	shalt  }
0x4c: {  	_ =	shalt  }
0x4d: {  	_ =	shalt  }
0x4e: {  	_ =	shalt  }
0x4f: {  	_ =	shalt  }
0x50: {  	_ =	shalt  }
0x51: {  	_ =	shalt  }
0x52: {  	_ =	shalt  }
0x53: {  	_ =	shalt  }
0x54: {  	_ =	shalt  }
0x55: {  	_ =	shalt  }
0x56: {  	_ =	shalt  }
0x57: {  	_ =	shalt  }
0x58: {  	_ =	shalt  }
0x59: {  	_ =	shalt  }
0x5a: {  	_ =	shalt  }
0x5b: {  	_ =	shalt  }
0x5c: {  	_ =	shalt  }
0x5d: {  	_ =	shalt  }
0x5e: {  	_ =	shalt  }
0x5f: {  	_ =	shalt  }
0x60: {  	_ =	shalt  }
0x61: {  	_ =	shalt  }
0x62: {  	_ =	shalt  }
0x63: {  	_ =	shalt  }
0x64: {  	_ =	shalt  }
0x65: {  	_ =	shalt  }
0x66: {  	_ =	shalt  }
0x67: {  	_ =	shalt  }
0x68: {  	_ =	shalt  }
0x69: {  	_ =	shalt  }
0x6a: {  	_ =	shalt  }
0x6b: {  	_ =	shalt  }
0x6c: {  	_ =	shalt  }
0x6d: {  	_ =	shalt  }
0x6e: {  	_ =	shalt  }
0x6f: {  	_ =	shalt  }
0x70: {  	_ =	shalt  }
0x71: {  	_ =	shalt  }
0x72: {  	_ =	shalt  }
0x73: {  	_ =	shalt  }
0x74: {  	_ =	shalt  }
0x75: {  	_ =	shalt  }
0x76: {  	_ =	shalt  }
0x77: {  	_ =	shalt  }
0x78: {  	_ =	shalt  }
0x79: {  	_ =	shalt  }
0x7a: {  	_ =	shalt  }
0x7b: {  	_ =	shalt  }
0x7c: {  	_ =	shalt  }
0x7d: {  	_ =	shalt  }
0x7e: {  	_ =	shalt  }
0x7f: {  	_ =	shalt  }
0x80: {  	_ =	shalt  }
0x81: {  	_ =	shalt  }
0x82: {  	_ =	shalt  }
0x83: {  	_ =	shalt  }
0x84: {  	_ =	shalt  }
0x85: {  	_ =	shalt  }
0x86: {  	_ =	shalt  }
0x87: {  	_ =	shalt  }
.Lfunc_end0:
.L_simem_size_0:
called_computation_lowered:
.L_overlay_start_0:
0x88: {  	s2 =	sld [smem:$0x3FD9]  }
0x89: {  	s3 =	sld [smem:$0x3FFE];
	_ =	sdelay $0x1  }
0x8a: {  	s1 =	srdreg.scid  }
0x8b: {  	s0 =	sand.u32 $0x1, s1  }
0x8c: {  	s17 =	sshll.u32 s0, $0xA;
	s2 =	sadd.s32 s3, s2  }
0x8d: {  	s2 =	sadd.s32 s2, s17  }
0x8e: {  	[smem:$0x3FC6] =	sst s2  }
0x8f: {  	_ = 	snop  }
0x90: {  	s2 =	sld [smem:$0x3FC9]  }
0x91: {  	s18 =	sld [smem:$0x3FD0];
	(tm) =	ssettm $0x1  }
0x92: {  	s4 =	sld [smem:$0x3FFB];
	_ =	sdelay $0x3  }
0x93: {  	_ =	strace s4  }
0x94: {  	s4 =	sld [smem:$0x3FFC];
	_ =	sdelay $0x3  }
0x95: {  	_ =	strace s4  }
0x96: {  	s4 =	sld [smem:$0x3FFD];
	_ =	sdelay $0x3  }
0x97: {  	_ =	strace s4  }
0x98: {  	_ =	strace $0x8FFFFFFF  }
0x99: {  	s19 =	sld [smem:$0x3FDB];
	_ =	sdelay $0x1  }
0x9a: {  	s5 =	simm.s32 $_scs_section_size  }
0x9b: {  	s6 =	simm.s32 $_size__tile_overlayer_lowered;
	s7 =	simm.s32 $_tile_overlayer_lowered  }
0x9c: {  	s22 =	simm.s32 $0x1BFF;
	s21 =	sshll.u32 s7, $0x1;
	s4 =	sadd.s32 s5, s19  }
0x9d: {  	s8 =	simm.s32 $0x0;
	s20 =	sshll.u32 s6, $0x1;
	s6 =	sadd.s32 s21, s4  }
0x9e: {  	[timem:s8], [sflag:s22] =	dma.local [hbm:s6], s20  }
0x9f: {  	_ =	swait.ge [sflag:s22], s20  }
0xa0: {  	s5 =	ssub.s32 $0x0, s20;
	[sflag:s22] =	ssyncset.done $0x0  }
0xa1: {  	[sflag:s22] =	ssyncadd.s32 s5;
	_ =	sdelay $0x1  }
0xa2: {  	s23 =	simm.s32 $0x1B8B  }
0xa3: {  	_ =	swait.ge [sflag:s23], $0x1  }
0xa4: {  	[sflag:s23] =	ssyncset.done $0x0  }
0xa5: {  	s25 =	simm.s32 $0x1B8E;
	s24 =	sld [smem:$0x3FFE];
	[sflag:s23] =	ssyncadd.s32 $0xFFFFFFFF  }
0xa6: {  	s26 =	simm.s32 $execute0_lowered;
	[smem:$0x3FD2] =	sst s25  }
0xa7: {  	s6 =	sshll.u32 s26, $0x1;
	_ =	strace $0x80000046;
	[dreg:$0x1] =	wrdreg $0xFFFFFFFF  }
0xa8: {  	s28 =	simm.s32 $_size_execute0_lowered;
	s4 =	sadd.s32 s4, s6;
	[dreg:$0x0] =	wrdreg $0x0  }
0xa9: {  	s6 =	sshll.u32 s28, $0x1;
	[dreg:$0x2] =	wrdreg s4  }
0xaa: {  	[dreg:$0x3] =	wrdreg s6  }
0xab: {  	[dreg:$0x4] =	wrdreg $0xC0  }
0xac: {  	_ =	task [dreg:s8], $0x5FFFF  }
0xad: {  	[dreg:$0x1] =	wrdreg $0xFFFFFFFF  }
0xae: {  	[dreg:$0x0] =	wrdreg $0x60  }
0xaf: {  	[dreg:$0x2] =	wrdreg s24  }
0xb0: {  	[dreg:$0x3] =	wrdreg s2  }
0xb1: {  	[dreg:$0x4] =	wrdreg s18  }
0xb2: {  	[dreg:$0x5] =	wrdreg $0x9  }
0xb3: {  	_ =	task.clear_ibuf [dreg:s8], $0x6FFFF;
	_ =	strace $0x90000046  }
0xb4: {  	s29 =	simm.s32 $0x9;
	_ =	strace $0x80000048  }
0xb5: {  	_ =	swait.ge [sflag:s29], $0x1  }
0xb6: {  	[sflag:s29] =	ssyncadd.s32 $0xFFFFFFFF  }
0xb7: {  	_ =	strace $0x90000048  }
0xb8: {  	_ =	sfence  }
0xb9: {  	s30 =	sld [smem:$0x0];
	_ =	sdelay $0x2  }
0xba: {  	s31 =	sshll.u32 s1, $0xD;
	s1 =	sshrl.u32 s1, $0x2  }
0xbb: {  	s3 =	sand.u32 $0x4000, s31;
	s1 =	sadd.s32 s1, s30  }
0xbc: {  	s0 =	sor.u32 s3, s0;
	s1 =	sshll.u32 s1, $0x11  }
0xbd: {  	s0 =	sor.u32 s1, s0  }
0xbe: {  	s0 =	sadd.s32 $0x8F2B, s0  }
0xbf: {  	[sflag:s0] =	ssyncadd.remote.s32 $0x1  }
0xc0: {  	_ =	sfence.sel $0xFFFF  }
0xc1: {  	[dreg:$0x0] =	wrdreg $0xFFFFFFFF;
	(pc) =	sbr.abs _section_cstart, $3  }
0xc2: {  	[dreg:$0x1] =	wrdreg $0xFFFFFFFF  }
0xc3: {  	_ =	task.clear_ibuf [dreg:s8], $0x2FFFF;
	_ =	strace $0x9FFFFFFF  }
0xc4: {  	(tm) =	ssettm $0x7FFFFFFF  }
0xc5: {  	_ =	shalt  }
tec
execute0_lowered:
.L_overlay_start_1:
0x0: {  	(tag) =	ssettag $0x1  }
0x1: {  	s0 =	rddreg [dreg:$0x0]  }
0x2: {  	s6 =	rddreg [dreg:$0x1]  }
0x3: {  	s7 =	rddreg [dreg:$0x2]  }
0x4: {  	s1 =	srdreg.scid;
	s2 =	stileid.u32;
	s4 =	simm.s32 $0x0  }
0x5: {  	s1 =	sand.u32 $0x1, s1;
	s2 =	sshll.u32 s2, $0xD;
	[smem:$0x7FF] =	sst s4  }
0x6: {  	s0 =	sadd.s32 $0x400, s0;
	s3 =	sshll.u32 s1, $0xC;
	s1 =	ssub.s32 $0x2, s1  }
0x7: {  	_ =	strace $0x80000047;
	[smem:$0x7E5] =	sst s0;
	s2 =	sor.u32 s3, s2  }
0x8: {  	s31 =	sshrl.u32 s1, $0x1;
	s5 =	sshrl.u32 s2, $0x3;
	s26 =	sor.u32 $0x40000, s2  }
0x9: {  	s3 =	ssub.s32 s1, s31;
	s9 =	sadd.s32 s6, s5;
	[smem:$0x7F7] =	sst s26  }
0xa: {  	s0 =	smax.u32 s3, $0x1;
	[smem:$0x7E6] =	sst s9  }
0xb: {  	s8 =	sadd.s32 s7, s5;
	[smem:$0x7F8] =	sst s0  }
0xc: {  	s10 =	sadd.s32 $0x64000, s8;
	[smem:$0x7FC] =	sst s8  }
0xd: {  	s11 =	sadd.s32 $0xC8000, s8;
	[smem:$0x7E7] =	sst s10  }
0xe: {  	s12 =	sadd.s32 $0x12C000, s8;
	[smem:$0x7E8] =	sst s11  }
0xf: {  	s13 =	sadd.s32 $0x190000, s8;
	[smem:$0x7E9] =	sst s12  }
0x10: {  	s14 =	sadd.s32 $0x1F4000, s8;
	[smem:$0x7EA] =	sst s13  }
0x11: {  	s15 =	sadd.s32 $0x258000, s8;
	[smem:$0x7EB] =	sst s14  }
0x12: {  	s16 =	sadd.s32 $0x2BC000, s8;
	[smem:$0x7EC] =	sst s15  }
0x13: {  	s18 =	sadd.s32 $0x320000, s8;
	[smem:$0x7ED] =	sst s16  }
0x14: {  	s17 =	sor.u32 $0x4000, s5;
	s19 =	sadd.s32 $0x384000, s8;
	[smem:$0x7EE] =	sst s18  }
0x15: {  	s20 =	sadd.s32 s6, s17;
	[smem:$0x7EF] =	sst s19  }
0x16: {  	s1 =	sadd.s32 s7, s17;
	[smem:$0x7F0] =	sst s20  }
0x17: {  	s21 =	sadd.s32 $0x68000, s8;
	[smem:$0x7F1] =	sst s1  }
0x18: {  	s22 =	sadd.s32 $0xCC000, s8;
	[smem:$0x7F2] =	sst s21  }
0x19: {  	s23 =	sadd.s32 $0x130000, s8;
	[smem:$0x7F3] =	sst s22  }
0x1a: {  	s24 =	sadd.s32 $0x194000, s8;
	[smem:$0x7F4] =	sst s23  }
0x1b: {  	s5 =	simm.s32 $0x30;
	s25 =	sadd.s32 $0x1F8000, s8;
	[smem:$0x7F5] =	sst s24  }
0x1c: {  	s3 =	simm.s32 $0x0;
	s28 =	sadd.s32 $0x25C000, s8;
	[smem:$0x7F6] =	sst s25  }
0x1d: {  	s29 =	sadd.s32 $0x2C0000, s8;
	s30 =	sadd.s32 $0x324000, s8;
	[smem:$0x7F9] =	sst s28  }
0x1e: {  	s31 =	sadd.s32 $0x388000, s8;
	s7 =	simm.s32 $0x48;
	[smem:$0x7FA] =	sst s29  }
0x1f: {  	s8 =	simm.s32 $0x60;
	s9 =	simm.s32 $0x78;
	[smem:$0x7FB] =	sst s30  }
0x20: {  	[smem:$0x7FD] =	sst s31;
	s1 =	simm.s32 $0x18;
	s10 =	simm.s32 $0x90  }
0x21: {  	s11 =	simm.s32 $0xA8;
	s12 =	simm.s32 $0xC0;
	s13 =	simm.s32 $0xD8  }
.LBB2_1:
0x22: {  	s0 =	sld [smem:$0x7E5];
	_ =	sdelay $0x1  }
0x23: {  	[smem:$0x7E4] =	sst s3;
	s2 =	simm.s32 $0x2  }
0x24: {  	[tilespmem:s4], [sflag:$0x2] =	stream.linear.gather [hbm4b:s0+s4], $0x100, $0x38;
	[tilespmem:$0x15100] =	vst v63  }
0x25: {  	_ =	swait.ge [sflag:s2], $0x100  }
0x26: {  	s30 =	sld [smem:$0x7E6]  }
0x27: {  	[sflag:s2] =	ssyncset.done $0x0  }
0x28: {  	s31 =	simm.s32 $0x100;
	[sflag:s2] =	ssyncadd.s32 $0xFFFFFF00  }
0x29: {  	[tilespmem:s31], [sflag:$0x2] =	stream.linear.gather [hbm4b:s30+s4], $0x1000, $0x38;
	[tilespmem:$0x15100] =	vst v63  }
0x2a: {  	_ =	swait.ge [sflag:s2], $0x1000  }
0x2b: {  	[sflag:s2] =	ssyncset.done $0x0  }
0x2c: {  	s6 =	simm.s32 $0x0;
	[sflag:s2] =	ssyncadd.s32 $0xFFFFF000  }
.LBB2_2:
0x2d: {  	s16 =	sshll.u32 s6, $0x7  }
0x2e: {  	s0 =	sadd.s32 $0x2100, s16  }
0x2f: {  	s23 =	sadd.s32 $0x3100, s16;
	[dreg:$0x4] =	wrdreg s0  }
0x30: {  	s24 =	sadd.s32 $0x4100, s16;
	[dreg:$0x5] =	wrdreg s23  }
0x31: {  	s25 =	sadd.s32 $0x5100, s16;
	[dreg:$0x6] =	wrdreg s24  }
0x32: {  	s26 =	sadd.s32 $0x6100, s16;
	[dreg:$0x7] =	wrdreg s25  }
0x33: {  	s28 =	sadd.s32 $0x7100, s16;
	[dreg:$0x8] =	wrdreg s26  }
0x34: {  	s29 =	sadd.s32 $0x8100, s16;
	[dreg:$0x9] =	wrdreg s28  }
0x35: {  	s30 =	sadd.s32 $0x9100, s16;
	[dreg:$0xa] =	wrdreg s29  }
0x36: {  	s2 =	simm.s32 $0xFFFFFFFC;
	s31 =	sadd.s32 $0xA100, s16;
	[dreg:$0xb] =	wrdreg s30  }
0x37: {  	s3 =	simm.s32 $0x0;
	s15 =	simm.s32 $0x0;
	[dreg:$0xc] =	wrdreg s31  }
.LBB2_3:
0x38: {  	s25 =	sand.u32 $0xC00, s15  }
0x39: {  	s17 =	sand.u32 $0x40, s3;
	s0 =	sor.u32 s16, s25  }
0x3a: {  	s14 =	sor.u32 s17, s0  }
0x3b: {  	v0 =	vld [tilespmem:s14+$0x100];
	_ =	sdelay $0x7  }
0x3c: {  	v1 =	vld.idx.msk [tilespmem:v0+s4+$0x0], $0xffff;
	_ =	sdelay $0x4  }
0x3d: {  	[tilespmem:s14+$0x1100] =	vst v1  }
0x3e: {  	v1 =	vld.idx.msk [tilespmem:v0+s1+$0x0], $0xffff;
	_ =	sdelay $0x1  }
0x3f: {  	s18 =	rddreg [dreg:$0x4]  }
0x40: {  	s18 =	sadd.s32 s25, s18  }
0x41: {  	s14 =	sadd.s32 s17, s18  }
0x42: {  	[tilespmem:s14+$0x0] =	vst v1  }
0x43: {  	v1 =	vld.idx.msk [tilespmem:v0+s5+$0x0], $0xffff;
	_ =	sdelay $0x1  }
0x44: {  	s19 =	rddreg [dreg:$0x5]  }
0x45: {  	s14 =	sadd.s32 s25, s19  }
0x46: {  	s19 =	sadd.s32 s17, s14  }
0x47: {  	[tilespmem:s19+$0x0] =	vst v1  }
0x48: {  	v1 =	vld.idx.msk [tilespmem:v0+s7+$0x0], $0xffff;
	_ =	sdelay $0x1  }
0x49: {  	s20 =	rddreg [dreg:$0x6]  }
0x4a: {  	s19 =	sadd.s32 s25, s20  }
0x4b: {  	s20 =	sadd.s32 s17, s19  }
0x4c: {  	[tilespmem:s20+$0x0] =	vst v1  }
0x4d: {  	v1 =	vld.idx.msk [tilespmem:v0+s8+$0x0], $0xffff;
	_ =	sdelay $0x1  }
0x4e: {  	s21 =	rddreg [dreg:$0x7]  }
0x4f: {  	s20 =	sadd.s32 s25, s21  }
0x50: {  	s21 =	sadd.s32 s17, s20  }
0x51: {  	[tilespmem:s21+$0x0] =	vst v1  }
0x52: {  	v1 =	vld.idx.msk [tilespmem:v0+s9+$0x0], $0xffff;
	_ =	sdelay $0x1  }
0x53: {  	s22 =	rddreg [dreg:$0x8]  }
0x54: {  	s21 =	sadd.s32 s25, s22  }
0x55: {  	s22 =	sadd.s32 s17, s21  }
0x56: {  	[tilespmem:s22+$0x0] =	vst v1  }
0x57: {  	v1 =	vld.idx.msk [tilespmem:v0+s10+$0x0], $0xffff;
	_ =	sdelay $0x1  }
0x58: {  	s23 =	rddreg [dreg:$0x9]  }
0x59: {  	s22 =	sadd.s32 s25, s23  }
0x5a: {  	s23 =	sadd.s32 s17, s22  }
0x5b: {  	[tilespmem:s23+$0x0] =	vst v1  }
0x5c: {  	v1 =	vld.idx.msk [tilespmem:v0+s11+$0x0], $0xffff;
	_ =	sdelay $0x1  }
0x5d: {  	s24 =	rddreg [dreg:$0xa]  }
0x5e: {  	s23 =	sadd.s32 s25, s24  }
0x5f: {  	s24 =	sadd.s32 s17, s23  }
0x60: {  	[tilespmem:s24+$0x0] =	vst v1  }
0x61: {  	v1 =	vld.idx.msk [tilespmem:v0+s12+$0x0], $0xffff;
	_ =	sdelay $0x1  }
0x62: {  	s26 =	rddreg [dreg:$0xb]  }
0x63: {  	s24 =	sadd.s32 s25, s26  }
0x64: {  	s26 =	sadd.s32 s17, s24  }
0x65: {  	[tilespmem:s26+$0x0] =	vst v1  }
0x66: {  	v0 =	vld.idx.msk [tilespmem:v0+s13+$0x0], $0xffff;
	_ =	sdelay $0x1  }
0x67: {  	s28 =	rddreg [dreg:$0xc]  }
0x68: {  	s25 =	sadd.s32 s25, s28  }
0x69: {  	s28 =	sor.u32 $0x10, s17;
	s26 =	sadd.s32 s17, s25  }
0x6a: {  	s29 =	sor.u32 s28, s0;
	[tilespmem:s26+$0x0] =	vst v0  }
0x6b: {  	v0 =	vld [tilespmem:s29+$0x100];
	_ =	sdelay $0x7  }
0x6c: {  	v1 =	vld.idx.msk [tilespmem:v0+s4+$0x0], $0xffff;
	_ =	sdelay $0x4  }
0x6d: {  	[tilespmem:s29+$0x1100] =	vst v1  }
0x6e: {  	v1 =	vld.idx.msk [tilespmem:v0+s1+$0x0], $0xffff;
	_ =	sdelay $0x3  }
0x6f: {  	s30 =	sadd.s32 s28, s18  }
0x70: {  	[tilespmem:s30+$0x0] =	vst v1  }
0x71: {  	v1 =	vld.idx.msk [tilespmem:v0+s5+$0x0], $0xffff;
	_ =	sdelay $0x3  }
0x72: {  	s31 =	sadd.s32 s28, s14  }
0x73: {  	[tilespmem:s31+$0x0] =	vst v1  }
0x74: {  	v1 =	vld.idx.msk [tilespmem:v0+s7+$0x0], $0xffff;
	_ =	sdelay $0x3  }
0x75: {  	s29 =	sadd.s32 s28, s19  }
0x76: {  	[tilespmem:s29+$0x0] =	vst v1  }
0x77: {  	v1 =	vld.idx.msk [tilespmem:v0+s8+$0x0], $0xffff;
	_ =	sdelay $0x3  }
0x78: {  	s30 =	sadd.s32 s28, s20  }
0x79: {  	[tilespmem:s30+$0x0] =	vst v1  }
0x7a: {  	v1 =	vld.idx.msk [tilespmem:v0+s9+$0x0], $0xffff;
	_ =	sdelay $0x3  }
0x7b: {  	s31 =	sadd.s32 s28, s21  }
0x7c: {  	[tilespmem:s31+$0x0] =	vst v1  }
0x7d: {  	v1 =	vld.idx.msk [tilespmem:v0+s10+$0x0], $0xffff;
	_ =	sdelay $0x3  }
0x7e: {  	s29 =	sadd.s32 s28, s22  }
0x7f: {  	[tilespmem:s29+$0x0] =	vst v1  }
0x80: {  	v1 =	vld.idx.msk [tilespmem:v0+s11+$0x0], $0xffff;
	_ =	sdelay $0x3  }
0x81: {  	s30 =	sadd.s32 s28, s23  }
0x82: {  	[tilespmem:s30+$0x0] =	vst v1  }
0x83: {  	v1 =	vld.idx.msk [tilespmem:v0+s12+$0x0], $0xffff;
	_ =	sdelay $0x3  }
0x84: {  	s31 =	sadd.s32 s28, s24  }
0x85: {  	[tilespmem:s31+$0x0] =	vst v1  }
0x86: {  	v0 =	vld.idx.msk [tilespmem:v0+s13+$0x0], $0xffff;
	_ =	sdelay $0x3  }
0x87: {  	s29 =	sadd.s32 s28, s25;
	s28 =	sor.u32 $0x20, s17  }
0x88: {  	s30 =	sor.u32 s28, s0;
	[tilespmem:s29+$0x0] =	vst v0  }
0x89: {  	v0 =	vld [tilespmem:s30+$0x100];
	_ =	sdelay $0x7  }
0x8a: {  	v1 =	vld.idx.msk [tilespmem:v0+s4+$0x0], $0xffff;
	_ =	sdelay $0x4  }
0x8b: {  	[tilespmem:s30+$0x1100] =	vst v1  }
0x8c: {  	v1 =	vld.idx.msk [tilespmem:v0+s1+$0x0], $0xffff;
	_ =	sdelay $0x3  }
0x8d: {  	s31 =	sadd.s32 s28, s18  }
0x8e: {  	[tilespmem:s31+$0x0] =	vst v1  }
0x8f: {  	v1 =	vld.idx.msk [tilespmem:v0+s5+$0x0], $0xffff;
	_ =	sdelay $0x3  }
0x90: {  	s29 =	sadd.s32 s28, s14  }
0x91: {  	[tilespmem:s29+$0x0] =	vst v1  }
0x92: {  	v1 =	vld.idx.msk [tilespmem:v0+s7+$0x0], $0xffff;
	_ =	sdelay $0x3  }
0x93: {  	s30 =	sadd.s32 s28, s19  }
0x94: {  	[tilespmem:s30+$0x0] =	vst v1  }
0x95: {  	v1 =	vld.idx.msk [tilespmem:v0+s8+$0x0], $0xffff;
	_ =	sdelay $0x3  }
0x96: {  	s31 =	sadd.s32 s28, s20  }
0x97: {  	[tilespmem:s31+$0x0] =	vst v1  }
0x98: {  	v1 =	vld.idx.msk [tilespmem:v0+s9+$0x0], $0xffff;
	_ =	sdelay $0x3  }
0x99: {  	s29 =	sadd.s32 s28, s21  }
0x9a: {  	[tilespmem:s29+$0x0] =	vst v1  }
0x9b: {  	v1 =	vld.idx.msk [tilespmem:v0+s10+$0x0], $0xffff;
	_ =	sdelay $0x3  }
0x9c: {  	s30 =	sadd.s32 s28, s22  }
0x9d: {  	[tilespmem:s30+$0x0] =	vst v1  }
0x9e: {  	v1 =	vld.idx.msk [tilespmem:v0+s11+$0x0], $0xffff;
	_ =	sdelay $0x3  }
0x9f: {  	s31 =	sadd.s32 s28, s23  }
0xa0: {  	[tilespmem:s31+$0x0] =	vst v1  }
0xa1: {  	v1 =	vld.idx.msk [tilespmem:v0+s12+$0x0], $0xffff;
	_ =	sdelay $0x3  }
0xa2: {  	s29 =	sadd.s32 s28, s24  }
0xa3: {  	[tilespmem:s29+$0x0] =	vst v1  }
0xa4: {  	v0 =	vld.idx.msk [tilespmem:v0+s13+$0x0], $0xffff;
	_ =	sdelay $0x3  }
0xa5: {  	s17 =	sor.u32 $0x30, s17;
	s30 =	sadd.s32 s28, s25  }
0xa6: {  	s0 =	sor.u32 s17, s0;
	[tilespmem:s30+$0x0] =	vst v0  }
0xa7: {  	v0 =	vld [tilespmem:s0+$0x100];
	_ =	sdelay $0x7  }
0xa8: {  	v1 =	vld.idx.msk [tilespmem:v0+s4+$0x0], $0xffff;
	_ =	sdelay $0x4  }
0xa9: {  	[tilespmem:s0+$0x1100] =	vst v1  }
0xaa: {  	v1 =	vld.idx.msk [tilespmem:v0+s1+$0x0], $0xffff;
	_ =	sdelay $0x3  }
0xab: {  	s31 =	sadd.s32 s17, s18  }
0xac: {  	[tilespmem:s31+$0x0] =	vst v1  }
0xad: {  	v1 =	vld.idx.msk [tilespmem:v0+s5+$0x0], $0xffff;
	_ =	sdelay $0x3  }
0xae: {  	s18 =	sadd.s32 s17, s14  }
0xaf: {  	[tilespmem:s18+$0x0] =	vst v1  }
0xb0: {  	v1 =	vld.idx.msk [tilespmem:v0+s7+$0x0], $0xffff;
	_ =	sdelay $0x3  }
0xb1: {  	s19 =	sadd.s32 s17, s19  }
0xb2: {  	[tilespmem:s19+$0x0] =	vst v1  }
0xb3: {  	v1 =	vld.idx.msk [tilespmem:v0+s8+$0x0], $0xffff;
	_ =	sdelay $0x3  }
0xb4: {  	s20 =	sadd.s32 s17, s20  }
0xb5: {  	[tilespmem:s20+$0x0] =	vst v1  }
0xb6: {  	v1 =	vld.idx.msk [tilespmem:v0+s9+$0x0], $0xffff;
	_ =	sdelay $0x3  }
0xb7: {  	s26 =	sadd.s32 s17, s21  }
0xb8: {  	[tilespmem:s26+$0x0] =	vst v1  }
0xb9: {  	v1 =	vld.idx.msk [tilespmem:v0+s10+$0x0], $0xffff;
	_ =	sdelay $0x3  }
0xba: {  	s28 =	sadd.s32 s17, s22  }
0xbb: {  	[tilespmem:s28+$0x0] =	vst v1  }
0xbc: {  	v1 =	vld.idx.msk [tilespmem:v0+s11+$0x0], $0xffff;
	_ =	sdelay $0x3  }
0xbd: {  	s29 =	sadd.s32 s17, s23  }
0xbe: {  	[tilespmem:s29+$0x0] =	vst v1  }
0xbf: {  	v1 =	vld.idx.msk [tilespmem:v0+s12+$0x0], $0xffff;
	_ =	sdelay $0x3  }
0xc0: {  	s30 =	sadd.s32 s17, s24  }
0xc1: {  	s2 =	sadd.s32 $0x4, s2;
	[tilespmem:s30+$0x0] =	vst v1  }
0xc2: {  	p0 =	slt.u32 s2, $0x1C;
	v0 =	vld.idx.msk [tilespmem:v0+s13+$0x0], $0xffff  }
.Ltmp0:
0xc3: {  	_ = 	snop;
	(pc) =	sbr.rel @p0 .LBB2_3-.Ltmp0, $3  }
0xc4: {  	_ =	sdelay $0x1  }
0xc5: {  	s31 =	sadd.s32 s17, s25  }
0xc6: {  	s15 =	sadd.s32 $0x200, s15;
	s3 =	sadd.s32 $0x40, s3;
	[tilespmem:s31+$0x0] =	vst v0  }
0xc7: {  	s6 =	sadd.s32 $0x1, s6  }
0xc8: {  	p0 =	sne.s32 s6, $0x8  }
.Ltmp1:
0xc9: {  	_ = 	snop;
	(pc) =	sbr.rel @p0 .LBB2_2-.Ltmp1, $1  }
0xca: {  	_ =	sdelay $0x3  }
0xcb: {  	s0 =	sld [smem:$0x7FC];
	_ =	sdelay $0x1  }
0xcc: {  	s16 =	simm.s32 $0x0;
	s2 =	simm.s32 $0x1100;
	s30 =	sld [smem:$0x7E7]  }
0xcd: {  	[hbm4b:s0+s16] =	stream.linear.scatter [tilespmem:s2], [sflag:$0x1], $0x1000, $0x38;
	[tilespmem:$0x15100] =	vst v63  }
0xce: {  	s31 =	simm.s32 $0x2100;
	s2 =	sld [smem:$0x7E8]  }
0xcf: {  	[hbm4b:s30+s16] =	stream.linear.scatter [tilespmem:s31], [sflag:$0x1], $0x1000, $0x38;
	[tilespmem:$0x15100] =	vst v63  }
0xd0: {  	s3 =	simm.s32 $0x3100;
	s6 =	sld [smem:$0x7E9]  }
0xd1: {  	[hbm4b:s2+s16] =	stream.linear.scatter [tilespmem:s3], [sflag:$0x1], $0x1000, $0x38;
	[tilespmem:$0x15100] =	vst v63  }
0xd2: {  	s14 =	simm.s32 $0x4100;
	s15 =	sld [smem:$0x7EA]  }
0xd3: {  	[hbm4b:s6+s16] =	stream.linear.scatter [tilespmem:s14], [sflag:$0x1], $0x1000, $0x38;
	[tilespmem:$0x15100] =	vst v63  }
0xd4: {  	s17 =	simm.s32 $0x5100;
	s18 =	sld [smem:$0x7EB]  }
0xd5: {  	[hbm4b:s15+s16] =	stream.linear.scatter [tilespmem:s17], [sflag:$0x1], $0x1000, $0x38;
	[tilespmem:$0x15100] =	vst v63  }
0xd6: {  	s19 =	simm.s32 $0x6100;
	s20 =	sld [smem:$0x7EC]  }
0xd7: {  	[hbm4b:s18+s16] =	stream.linear.scatter [tilespmem:s19], [sflag:$0x1], $0x1000, $0x38;
	[tilespmem:$0x15100] =	vst v63  }
0xd8: {  	s21 =	simm.s32 $0x7100;
	s22 =	sld [smem:$0x7ED]  }
0xd9: {  	[hbm4b:s20+s16] =	stream.linear.scatter [tilespmem:s21], [sflag:$0x1], $0x1000, $0x38;
	[tilespmem:$0x15100] =	vst v63  }
0xda: {  	s23 =	simm.s32 $0x8100;
	s24 =	sld [smem:$0x7EE]  }
0xdb: {  	[hbm4b:s22+s16] =	stream.linear.scatter [tilespmem:s23], [sflag:$0x1], $0x1000, $0x38;
	[tilespmem:$0x15100] =	vst v63  }
0xdc: {  	s25 =	simm.s32 $0x9100;
	s26 =	sld [smem:$0x7EF]  }
0xdd: {  	[hbm4b:s24+s16] =	stream.linear.scatter [tilespmem:s25], [sflag:$0x1], $0x1000, $0x38;
	[tilespmem:$0x15100] =	vst v63  }
0xde: {  	s28 =	simm.s32 $0xA100;
	s29 =	sld [smem:$0x7F0]  }
0xdf: {  	[hbm4b:s26+s16] =	stream.linear.scatter [tilespmem:s28], [sflag:$0x1], $0x1000, $0x38;
	[tilespmem:$0x15100] =	vst v63  }
0xe0: {  	s30 =	simm.s32 $0x100;
	s31 =	simm.s32 $0x2  }
0xe1: {  	[tilespmem:s30], [sflag:$0x2] =	stream.linear.gather [hbm4b:s29+s16], $0x1000, $0x38;
	[tilespmem:$0x15100] =	vst v63  }
0xe2: {  	_ =	swait.ge [sflag:s31], $0x1000  }
0xe3: {  	[sflag:s31] =	ssyncset.done $0x0  }
0xe4: {  	[sflag:s31] =	ssyncadd.s32 $0xFFFFF000  }
.LBB2_6:
0xe5: {  	s0 =	sshll.u32 s16, $0x7  }
0xe6: {  	s2 =	sadd.s32 $0x100, s0  }
0xe7: {  	s22 =	sadd.s32 $0xB100, s0;
	[dreg:$0xd] =	wrdreg s2  }
0xe8: {  	s23 =	sadd.s32 $0xC100, s0;
	[dreg:$0xe] =	wrdreg s22  }
0xe9: {  	s24 =	sadd.s32 $0xD100, s0;
	[dreg:$0xf] =	wrdreg s23  }
0xea: {  	s25 =	sadd.s32 $0xE100, s0;
	[dreg:$0x10] =	wrdreg s24  }
0xeb: {  	s26 =	sadd.s32 $0xF100, s0;
	[dreg:$0x11] =	wrdreg s25  }
0xec: {  	s28 =	sadd.s32 $0x10100, s0;
	[dreg:$0x12] =	wrdreg s26  }
0xed: {  	s29 =	sadd.s32 $0x11100, s0;
	[dreg:$0x13] =	wrdreg s28  }
0xee: {  	s30 =	sadd.s32 $0x12100, s0;
	[dreg:$0x14] =	wrdreg s29  }
0xef: {  	s31 =	sadd.s32 $0x13100, s0;
	[dreg:$0x15] =	wrdreg s30  }
0xf0: {  	s6 =	simm.s32 $0xFFFFFFFC;
	s0 =	sadd.s32 $0x14100, s0;
	[dreg:$0x16] =	wrdreg s31  }
0xf1: {  	s15 =	simm.s32 $0x0;
	[dreg:$0x17] =	wrdreg s0;
	s2 =	simm.s32 $0x0  }
.LBB2_7:
0xf2: {  	s3 =	rddreg [dreg:$0xd];
	s25 =	sand.u32 $0xC00, s2  }
0xf3: {  	s0 =	sand.u32 $0x40, s15;
	s3 =	sadd.s32 s25, s3  }
0xf4: {  	s14 =	sadd.s32 s0, s3  }
0xf5: {  	v0 =	vld [tilespmem:s14+$0x0];
	_ =	sdelay $0x7  }
0xf6: {  	v1 =	vld.idx.msk [tilespmem:v0+s4+$0x0], $0xffff;
	_ =	sdelay $0x1  }
0xf7: {  	s19 =	rddreg [dreg:$0xe]  }
0xf8: {  	s17 =	sadd.s32 s25, s19  }
0xf9: {  	s14 =	sadd.s32 s0, s17  }
0xfa: {  	[tilespmem:s14+$0x0] =	vst v1  }
0xfb: {  	v1 =	vld.idx.msk [tilespmem:v0+s1+$0x0], $0xffff;
	_ =	sdelay $0x1  }
0xfc: {  	s20 =	rddreg [dreg:$0xf]  }
0xfd: {  	s18 =	sadd.s32 s25, s20  }
0xfe: {  	s14 =	sadd.s32 s0, s18  }
0xff: {  	[tilespmem:s14+$0x0] =	vst v1  }
0x100: {  	v1 =	vld.idx.msk [tilespmem:v0+s5+$0x0], $0xffff;
	_ =	sdelay $0x1  }
0x101: {  	s21 =	rddreg [dreg:$0x10]  }
0x102: {  	s19 =	sadd.s32 s25, s21  }
0x103: {  	s14 =	sadd.s32 s0, s19  }
0x104: {  	[tilespmem:s14+$0x0] =	vst v1  }
0x105: {  	v1 =	vld.idx.msk [tilespmem:v0+s7+$0x0], $0xffff;
	_ =	sdelay $0x1  }
0x106: {  	s22 =	rddreg [dreg:$0x11]  }
0x107: {  	s20 =	sadd.s32 s25, s22  }
0x108: {  	s14 =	sadd.s32 s0, s20  }
0x109: {  	[tilespmem:s14+$0x0] =	vst v1  }
0x10a: {  	v1 =	vld.idx.msk [tilespmem:v0+s8+$0x0], $0xffff;
	_ =	sdelay $0x1  }
0x10b: {  	s23 =	rddreg [dreg:$0x12]  }
0x10c: {  	s14 =	sadd.s32 s25, s23  }
0x10d: {  	s21 =	sadd.s32 s0, s14  }
0x10e: {  	[tilespmem:s21+$0x0] =	vst v1  }
0x10f: {  	v1 =	vld.idx.msk [tilespmem:v0+s9+$0x0], $0xffff;
	_ =	sdelay $0x1  }
0x110: {  	s24 =	rddreg [dreg:$0x13]  }
0x111: {  	s21 =	sadd.s32 s25, s24  }
0x112: {  	s22 =	sadd.s32 s0, s21  }
0x113: {  	[tilespmem:s22+$0x0] =	vst v1  }
0x114: {  	v1 =	vld.idx.msk [tilespmem:v0+s10+$0x0], $0xffff;
	_ =	sdelay $0x1  }
0x115: {  	s26 =	rddreg [dreg:$0x14]  }
0x116: {  	s22 =	sadd.s32 s25, s26  }
0x117: {  	s23 =	sadd.s32 s0, s22  }
0x118: {  	[tilespmem:s23+$0x0] =	vst v1  }
0x119: {  	v1 =	vld.idx.msk [tilespmem:v0+s11+$0x0], $0xffff;
	_ =	sdelay $0x1  }
0x11a: {  	s28 =	rddreg [dreg:$0x15]  }
0x11b: {  	s23 =	sadd.s32 s25, s28  }
0x11c: {  	s24 =	sadd.s32 s0, s23  }
0x11d: {  	[tilespmem:s24+$0x0] =	vst v1  }
0x11e: {  	v1 =	vld.idx.msk [tilespmem:v0+s12+$0x0], $0xffff;
	_ =	sdelay $0x1  }
0x11f: {  	s29 =	rddreg [dreg:$0x16]  }
0x120: {  	s24 =	sadd.s32 s25, s29  }
0x121: {  	s26 =	sadd.s32 s0, s24  }
0x122: {  	[tilespmem:s26+$0x0] =	vst v1  }
0x123: {  	v0 =	vld.idx.msk [tilespmem:v0+s13+$0x0], $0xffff;
	_ =	sdelay $0x1  }
0x124: {  	s30 =	rddreg [dreg:$0x17]  }
0x125: {  	s25 =	sadd.s32 s25, s30  }
0x126: {  	s28 =	sor.u32 $0x10, s0;
	s26 =	sadd.s32 s0, s25  }
0x127: {  	s31 =	sadd.s32 s28, s3;
	[tilespmem:s26+$0x0] =	vst v0  }
0x128: {  	v0 =	vld [tilespmem:s31+$0x0];
	_ =	sdelay $0x7  }
0x129: {  	v1 =	vld.idx.msk [tilespmem:v0+s4+$0x0], $0xffff;
	_ =	sdelay $0x3  }
0x12a: {  	s29 =	sadd.s32 s28, s17  }
0x12b: {  	[tilespmem:s29+$0x0] =	vst v1  }
0x12c: {  	v1 =	vld.idx.msk [tilespmem:v0+s1+$0x0], $0xffff;
	_ =	sdelay $0x3  }
0x12d: {  	s30 =	sadd.s32 s28, s18  }
0x12e: {  	[tilespmem:s30+$0x0] =	vst v1  }
0x12f: {  	v1 =	vld.idx.msk [tilespmem:v0+s5+$0x0], $0xffff;
	_ =	sdelay $0x3  }
0x130: {  	s31 =	sadd.s32 s28, s19  }
0x131: {  	[tilespmem:s31+$0x0] =	vst v1  }
0x132: {  	v1 =	vld.idx.msk [tilespmem:v0+s7+$0x0], $0xffff;
	_ =	sdelay $0x3  }
0x133: {  	s29 =	sadd.s32 s28, s20  }
0x134: {  	[tilespmem:s29+$0x0] =	vst v1  }
0x135: {  	v1 =	vld.idx.msk [tilespmem:v0+s8+$0x0], $0xffff;
	_ =	sdelay $0x3  }
0x136: {  	s30 =	sadd.s32 s28, s14  }
0x137: {  	[tilespmem:s30+$0x0] =	vst v1  }
0x138: {  	v1 =	vld.idx.msk [tilespmem:v0+s9+$0x0], $0xffff;
	_ =	sdelay $0x3  }
0x139: {  	s31 =	sadd.s32 s28, s21  }
0x13a: {  	[tilespmem:s31+$0x0] =	vst v1  }
0x13b: {  	v1 =	vld.idx.msk [tilespmem:v0+s10+$0x0], $0xffff;
	_ =	sdelay $0x3  }
0x13c: {  	s29 =	sadd.s32 s28, s22  }
0x13d: {  	[tilespmem:s29+$0x0] =	vst v1  }
0x13e: {  	v1 =	vld.idx.msk [tilespmem:v0+s11+$0x0], $0xffff;
	_ =	sdelay $0x3  }
0x13f: {  	s30 =	sadd.s32 s28, s23  }
0x140: {  	[tilespmem:s30+$0x0] =	vst v1  }
0x141: {  	v1 =	vld.idx.msk [tilespmem:v0+s12+$0x0], $0xffff;
	_ =	sdelay $0x3  }
0x142: {  	s31 =	sadd.s32 s28, s24  }
0x143: {  	[tilespmem:s31+$0x0] =	vst v1  }
0x144: {  	v0 =	vld.idx.msk [tilespmem:v0+s13+$0x0], $0xffff;
	_ =	sdelay $0x3  }
0x145: {  	s29 =	sadd.s32 s28, s25;
	s28 =	sor.u32 $0x20, s0  }
0x146: {  	s30 =	sadd.s32 s28, s3;
	[tilespmem:s29+$0x0] =	vst v0  }
0x147: {  	v0 =	vld [tilespmem:s30+$0x0];
	_ =	sdelay $0x7  }
0x148: {  	v1 =	vld.idx.msk [tilespmem:v0+s4+$0x0], $0xffff;
	_ =	sdelay $0x3  }
0x149: {  	s31 =	sadd.s32 s28, s17  }
0x14a: {  	[tilespmem:s31+$0x0] =	vst v1  }
0x14b: {  	v1 =	vld.idx.msk [tilespmem:v0+s1+$0x0], $0xffff;
	_ =	sdelay $0x3  }
0x14c: {  	s29 =	sadd.s32 s28, s18  }
0x14d: {  	[tilespmem:s29+$0x0] =	vst v1  }
0x14e: {  	v1 =	vld.idx.msk [tilespmem:v0+s5+$0x0], $0xffff;
	_ =	sdelay $0x3  }
0x14f: {  	s30 =	sadd.s32 s28, s19  }
0x150: {  	[tilespmem:s30+$0x0] =	vst v1  }
0x151: {  	v1 =	vld.idx.msk [tilespmem:v0+s7+$0x0], $0xffff;
	_ =	sdelay $0x3  }
0x152: {  	s31 =	sadd.s32 s28, s20  }
0x153: {  	[tilespmem:s31+$0x0] =	vst v1  }
0x154: {  	v1 =	vld.idx.msk [tilespmem:v0+s8+$0x0], $0xffff;
	_ =	sdelay $0x3  }
0x155: {  	s29 =	sadd.s32 s28, s14  }
0x156: {  	[tilespmem:s29+$0x0] =	vst v1  }
0x157: {  	v1 =	vld.idx.msk [tilespmem:v0+s9+$0x0], $0xffff;
	_ =	sdelay $0x3  }
0x158: {  	s30 =	sadd.s32 s28, s21  }
0x159: {  	[tilespmem:s30+$0x0] =	vst v1  }
0x15a: {  	v1 =	vld.idx.msk [tilespmem:v0+s10+$0x0], $0xffff;
	_ =	sdelay $0x3  }
0x15b: {  	s31 =	sadd.s32 s28, s22  }
0x15c: {  	[tilespmem:s31+$0x0] =	vst v1  }
0x15d: {  	v1 =	vld.idx.msk [tilespmem:v0+s11+$0x0], $0xffff;
	_ =	sdelay $0x3  }
0x15e: {  	s29 =	sadd.s32 s28, s23  }
0x15f: {  	[tilespmem:s29+$0x0] =	vst v1  }
0x160: {  	v1 =	vld.idx.msk [tilespmem:v0+s12+$0x0], $0xffff;
	_ =	sdelay $0x3  }
0x161: {  	s30 =	sadd.s32 s28, s24  }
0x162: {  	[tilespmem:s30+$0x0] =	vst v1  }
0x163: {  	v0 =	vld.idx.msk [tilespmem:v0+s13+$0x0], $0xffff;
	_ =	sdelay $0x3  }
0x164: {  	s0 =	sor.u32 $0x30, s0;
	s31 =	sadd.s32 s28, s25  }
0x165: {  	s3 =	sadd.s32 s0, s3;
	[tilespmem:s31+$0x0] =	vst v0  }
0x166: {  	v0 =	vld [tilespmem:s3+$0x0];
	_ =	sdelay $0x7  }
0x167: {  	v1 =	vld.idx.msk [tilespmem:v0+s4+$0x0], $0xffff;
	_ =	sdelay $0x3  }
0x168: {  	s17 =	sadd.s32 s0, s17  }
0x169: {  	[tilespmem:s17+$0x0] =	vst v1  }
0x16a: {  	v1 =	vld.idx.msk [tilespmem:v0+s1+$0x0], $0xffff;
	_ =	sdelay $0x3  }
0x16b: {  	s18 =	sadd.s32 s0, s18  }
0x16c: {  	[tilespmem:s18+$0x0] =	vst v1  }
0x16d: {  	v1 =	vld.idx.msk [tilespmem:v0+s5+$0x0], $0xffff;
	_ =	sdelay $0x3  }
0x16e: {  	s19 =	sadd.s32 s0, s19  }
0x16f: {  	[tilespmem:s19+$0x0] =	vst v1  }
0x170: {  	v1 =	vld.idx.msk [tilespmem:v0+s7+$0x0], $0xffff;
	_ =	sdelay $0x3  }
0x171: {  	s20 =	sadd.s32 s0, s20  }
0x172: {  	[tilespmem:s20+$0x0] =	vst v1  }
0x173: {  	v1 =	vld.idx.msk [tilespmem:v0+s8+$0x0], $0xffff;
	_ =	sdelay $0x3  }
0x174: {  	s26 =	sadd.s32 s0, s14  }
0x175: {  	[tilespmem:s26+$0x0] =	vst v1  }
0x176: {  	v1 =	vld.idx.msk [tilespmem:v0+s9+$0x0], $0xffff;
	_ =	sdelay $0x3  }
0x177: {  	s28 =	sadd.s32 s0, s21  }
0x178: {  	[tilespmem:s28+$0x0] =	vst v1  }
0x179: {  	v1 =	vld.idx.msk [tilespmem:v0+s10+$0x0], $0xffff;
	_ =	sdelay $0x3  }
0x17a: {  	s29 =	sadd.s32 s0, s22  }
0x17b: {  	[tilespmem:s29+$0x0] =	vst v1  }
0x17c: {  	v1 =	vld.idx.msk [tilespmem:v0+s11+$0x0], $0xffff;
	_ =	sdelay $0x3  }
0x17d: {  	s30 =	sadd.s32 s0, s23  }
0x17e: {  	[tilespmem:s30+$0x0] =	vst v1  }
0x17f: {  	v1 =	vld.idx.msk [tilespmem:v0+s12+$0x0], $0xffff;
	_ =	sdelay $0x3  }
0x180: {  	s31 =	sadd.s32 s0, s24  }
0x181: {  	s6 =	sadd.s32 $0x4, s6;
	[tilespmem:s31+$0x0] =	vst v1  }
0x182: {  	p0 =	slt.u32 s6, $0x1C;
	v0 =	vld.idx.msk [tilespmem:v0+s13+$0x0], $0xffff  }
.Ltmp2:
0x183: {  	_ = 	snop;
	(pc) =	sbr.rel @p0 .LBB2_7-.Ltmp2, $3  }
0x184: {  	_ =	sdelay $0x1  }
0x185: {  	s0 =	sadd.s32 s0, s25  }
0x186: {  	s2 =	sadd.s32 $0x200, s2;
	s15 =	sadd.s32 $0x40, s15;
	[tilespmem:s0+$0x0] =	vst v0  }
0x187: {  	s16 =	sadd.s32 $0x1, s16  }
0x188: {  	p0 =	sne.s32 s16, $0x8  }
.Ltmp3:
0x189: {  	_ = 	snop;
	(pc) =	sbr.rel @p0 .LBB2_6-.Ltmp3, $1  }
0x18a: {  	_ =	sdelay $0x3  }
0x18b: {  	s0 =	sld [smem:$0x7F1];
	_ =	sdelay $0x1  }
0x18c: {  	s3 =	simm.s32 $0x0;
	s2 =	simm.s32 $0xB100;
	s6 =	sld [smem:$0x7F2]  }
0x18d: {  	[hbm4b:s0+s3] =	stream.linear.scatter [tilespmem:s2], [sflag:$0x1], $0x1000, $0x38;
	[tilespmem:$0x15100] =	vst v63  }
0x18e: {  	s14 =	simm.s32 $0xC100;
	s15 =	sld [smem:$0x7F3]  }
0x18f: {  	[hbm4b:s6+s3] =	stream.linear.scatter [tilespmem:s14], [sflag:$0x1], $0x1000, $0x38;
	[tilespmem:$0x15100] =	vst v63  }
0x190: {  	s16 =	simm.s32 $0xD100;
	s17 =	sld [smem:$0x7F4]  }
0x191: {  	[hbm4b:s15+s3] =	stream.linear.scatter [tilespmem:s16], [sflag:$0x1], $0x1000, $0x38;
	[tilespmem:$0x15100] =	vst v63  }
0x192: {  	s18 =	simm.s32 $0xE100;
	s19 =	sld [smem:$0x7F5]  }
0x193: {  	[hbm4b:s17+s3] =	stream.linear.scatter [tilespmem:s18], [sflag:$0x1], $0x1000, $0x38;
	[tilespmem:$0x15100] =	vst v63  }
0x194: {  	s20 =	simm.s32 $0xF100;
	s21 =	sld [smem:$0x7F6]  }
0x195: {  	[hbm4b:s19+s3] =	stream.linear.scatter [tilespmem:s20], [sflag:$0x1], $0x1000, $0x38;
	[tilespmem:$0x15100] =	vst v63  }
0x196: {  	s22 =	simm.s32 $0x10100;
	s23 =	sld [smem:$0x7F9]  }
0x197: {  	[hbm4b:s21+s3] =	stream.linear.scatter [tilespmem:s22], [sflag:$0x1], $0x1000, $0x38;
	[tilespmem:$0x15100] =	vst v63  }
0x198: {  	s24 =	simm.s32 $0x11100;
	s25 =	sld [smem:$0x7FA]  }
0x199: {  	[hbm4b:s23+s3] =	stream.linear.scatter [tilespmem:s24], [sflag:$0x1], $0x1000, $0x38;
	[tilespmem:$0x15100] =	vst v63  }
0x19a: {  	s26 =	simm.s32 $0x12100;
	s28 =	sld [smem:$0x7FB]  }
0x19b: {  	[hbm4b:s25+s3] =	stream.linear.scatter [tilespmem:s26], [sflag:$0x1], $0x1000, $0x38;
	[tilespmem:$0x15100] =	vst v63  }
0x19c: {  	s29 =	simm.s32 $0x13100;
	s30 =	sld [smem:$0x7FD]  }
0x19d: {  	[hbm4b:s28+s3] =	stream.linear.scatter [tilespmem:s29], [sflag:$0x1], $0x1000, $0x38;
	[tilespmem:$0x15100] =	vst v63  }
0x19e: {  	s31 =	simm.s32 $0x14100;
	s2 =	simm.s32 $0x0  }
0x19f: {  	[hbm4b:s30+s3] =	stream.linear.scatter [tilespmem:s31], [sflag:$0x1], $0x1000, $0x38;
	[tilespmem:$0x15100] =	vst v63  }
.LBB2_10:
0x1a0: {  	s6 =	simm.s32 $0x1  }
0x1a1: {  	_ =	swait.ge [sflag:s6], $0x1000  }
0x1a2: {  	[sflag:s6] =	ssyncset.done $0x0  }
0x1a3: {  	[sflag:s6] =	ssyncadd.s32 $0xFFFFF000  }
0x1a4: {  	_ =	swait.ge [sflag:s6], $0x1000  }
0x1a5: {  	[sflag:s6] =	ssyncset.done $0x0  }
0x1a6: {  	[sflag:s6] =	ssyncadd.s32 $0xFFFFF000  }
0x1a7: {  	_ =	swait.ge [sflag:s6], $0x1000  }
0x1a8: {  	[sflag:s6] =	ssyncset.done $0x0  }
0x1a9: {  	[sflag:s6] =	ssyncadd.s32 $0xFFFFF000  }
0x1aa: {  	_ =	swait.ge [sflag:s6], $0x1000  }
0x1ab: {  	[sflag:s6] =	ssyncset.done $0x0  }
0x1ac: {  	[sflag:s6] =	ssyncadd.s32 $0xFFFFF000  }
0x1ad: {  	_ =	swait.ge [sflag:s6], $0x1000  }
0x1ae: {  	[sflag:s6] =	ssyncset.done $0x0  }
0x1af: {  	[sflag:s6] =	ssyncadd.s32 $0xFFFFF000  }
0x1b0: {  	_ =	swait.ge [sflag:s6], $0x1000  }
0x1b1: {  	[sflag:s6] =	ssyncset.done $0x0  }
0x1b2: {  	[sflag:s6] =	ssyncadd.s32 $0xFFFFF000  }
0x1b3: {  	_ =	swait.ge [sflag:s6], $0x1000  }
0x1b4: {  	[sflag:s6] =	ssyncset.done $0x0  }
0x1b5: {  	[sflag:s6] =	ssyncadd.s32 $0xFFFFF000  }
0x1b6: {  	s0 =	sand.u32 $0x1, s2;
	_ =	swait.ge [sflag:s6], $0x1000  }
0x1b7: {  	p0 =	seq.s32 s0, $0x1;
	s0 =	simm.s32 $0xA000;
	[sflag:s6] =	ssyncset.done $0x0  }
0x1b8: {  	s0 =	simm.s32 @!p0 $0x0;
	[sflag:s6] =	ssyncadd.s32 $0xFFFFF000  }
0x1b9: {  	s3 =	sor.u32 $0x1100, s0;
	_ =	swait.ge [sflag:s6], $0x1000  }
0x1ba: {  	s17 =	sadd.s32 $0x2100, s0;
	[smem:$0x7DB] =	sst s3  }
0x1bb: {  	[smem:$0x7DC] =	sst s17  }
0x1bc: {  	s19 =	sadd.s32 $0x3100, s0;
	[sflag:s6] =	ssyncset.done $0x0;
	[smem:$0x7DD] =	sst s2  }
0x1bd: {  	[smem:$0x7DE] =	sst s19;
	[sflag:s6] =	ssyncadd.s32 $0xFFFFF000  }
0x1be: {  	_ =	swait.ge [sflag:s6], $0x1000  }
0x1bf: {  	s18 =	sshll.u32 s2, $0x11;
	s25 =	simm.s32 $0x100;
	s20 =	sld [smem:$0x7F7]  }
0x1c0: {  	s26 =	simm.s32 $0x0;
	s30 =	simm.s32 $0x2;
	s21 =	sor.u32 $0x4100, s0  }
0x1c1: {  	s23 =	sor.u32 $0x5100, s0;
	[smem:$0x7DF] =	sst s21;
	[sflag:s6] =	ssyncset.done $0x0  }
0x1c2: {  	[smem:$0x7E0] =	sst s23;
	[sflag:s6] =	ssyncadd.s32 $0xFFFFF000;
	s2 =	sadd.s32 s20, s18  }
0x1c3: {  	s29 =	sadd.s32 $0x6100, s0;
	s24 =	rddreg [dreg:$0x1];
	s22 =	sshrl.u32 s2, $0x3  }
0x1c4: {  	s28 =	sadd.s32 $0x8100, s0;
	[smem:$0x7E1] =	sst s22;
	s2 =	sadd.s32 s24, s22  }
0x1c5: {  	[tilespmem:s25], [sflag:$0x2] =	stream.linear.gather [hbm4b:s2+s26], $0x1000, $0x38;
	[tilespmem:$0x15100] =	vst v63  }
0x1c6: {  	s31 =	sadd.s32 $0x9100, s0;
	s26 =	sadd.s32 $0x7100, s0;
	_ =	swait.ge [sflag:s30], $0x1000  }
0x1c7: {  	s0 =	sadd.s32 $0xA100, s0;
	[smem:$0x7E2] =	sst s31;
	[sflag:s30] =	ssyncset.done $0x0  }
0x1c8: {  	s6 =	simm.s32 $0x0;
	[smem:$0x7E3] =	sst s0;
	[sflag:s30] =	ssyncadd.s32 $0xFFFFF000  }
.LBB2_11:
0x1c9: {  	s18 =	sld [smem:$0x7DB]  }
0x1ca: {  	s19 =	sld [smem:$0x7DC]  }
0x1cb: {  	s20 =	sld [smem:$0x7DE]  }
0x1cc: {  	s21 =	sld [smem:$0x7DF]  }
0x1cd: {  	s22 =	sld [smem:$0x7E0]  }
0x1ce: {  	s0 =	sshll.u32 s6, $0x7;
	s30 =	sld [smem:$0x7E2]  }
0x1cf: {  	s31 =	sld [smem:$0x7E3];
	s2 =	sadd.s32 $0x100, s0  }
0x1d0: {  	s23 =	sadd.s32 s0, s29;
	[dreg:$0x18] =	wrdreg s2  }
0x1d1: {  	s24 =	sadd.s32 s0, s26;
	[dreg:$0x1e] =	wrdreg s23  }
0x1d2: {  	s25 =	sadd.s32 s0, s28;
	[dreg:$0x1f] =	wrdreg s24  }
0x1d3: {  	[smem:$0x7D8] =	sst s25;
	s2 =	sadd.s32 s0, s18  }
0x1d4: {  	[dreg:$0x19] =	wrdreg s2;
	s2 =	sadd.s32 s0, s19  }
0x1d5: {  	[dreg:$0x1a] =	wrdreg s2;
	s2 =	sadd.s32 s0, s20  }
0x1d6: {  	[dreg:$0x1b] =	wrdreg s2;
	s2 =	sadd.s32 s0, s21  }
0x1d7: {  	[dreg:$0x1c] =	wrdreg s2;
	s2 =	sadd.s32 s0, s22  }
0x1d8: {  	[dreg:$0x1d] =	wrdreg s2;
	s2 =	sadd.s32 s0, s30  }
0x1d9: {  	s15 =	simm.s32 $0xFFFFFFFC;
	s0 =	sadd.s32 s0, s31;
	[smem:$0x7D9] =	sst s2  }
0x1da: {  	s3 =	simm.s32 $0x0;
	[smem:$0x7DA] =	sst s0;
	s2 =	simm.s32 $0x0  }
.LBB2_12:
0x1db: {  	s0 =	rddreg [dreg:$0x18];
	s22 =	sand.u32 $0xC00, s3  }
0x1dc: {  	s24 =	sand.u32 $0x40, s2;
	s0 =	sadd.s32 s22, s0  }
0x1dd: {  	s14 =	sadd.s32 s24, s0  }
0x1de: {  	v0 =	vld [tilespmem:s14+$0x0];
	_ =	sdelay $0x7  }
0x1df: {  	v1 =	vld.idx.msk [tilespmem:v0+s4+$0x0], $0xffff;
	_ =	sdelay $0x1  }
0x1e0: {  	s23 =	rddreg [dreg:$0x19]  }
0x1e1: {  	s31 =	sadd.s32 s22, s23  }
0x1e2: {  	s14 =	sadd.s32 s24, s31  }
0x1e3: {  	[tilespmem:s14+$0x0] =	vst v1  }
0x1e4: {  	v1 =	vld.idx.msk [tilespmem:v0+s1+$0x0], $0xffff;
	_ =	sdelay $0x1  }
0x1e5: {  	s25 =	rddreg [dreg:$0x1a]  }
0x1e6: {  	s16 =	sadd.s32 s22, s25  }
0x1e7: {  	s14 =	sadd.s32 s24, s16  }
0x1e8: {  	[tilespmem:s14+$0x0] =	vst v1  }
0x1e9: {  	v1 =	vld.idx.msk [tilespmem:v0+s5+$0x0], $0xffff;
	_ =	sdelay $0x1  }
0x1ea: {  	s30 =	rddreg [dreg:$0x1b]  }
0x1eb: {  	s30 =	sadd.s32 s22, s30  }
0x1ec: {  	s14 =	sadd.s32 s24, s30  }
0x1ed: {  	[tilespmem:s14+$0x0] =	vst v1  }
0x1ee: {  	v1 =	vld.idx.msk [tilespmem:v0+s7+$0x0], $0xffff;
	_ =	sdelay $0x1  }
0x1ef: {  	s17 =	rddreg [dreg:$0x1c]  }
0x1f0: {  	s14 =	sadd.s32 s22, s17  }
0x1f1: {  	s17 =	sadd.s32 s24, s14  }
0x1f2: {  	[tilespmem:s17+$0x0] =	vst v1  }
0x1f3: {  	v1 =	vld.idx.msk [tilespmem:v0+s8+$0x0], $0xffff;
	_ =	sdelay $0x1  }
0x1f4: {  	s18 =	rddreg [dreg:$0x1d]  }
0x1f5: {  	s17 =	sadd.s32 s22, s18  }
0x1f6: {  	s18 =	sadd.s32 s24, s17  }
0x1f7: {  	[tilespmem:s18+$0x0] =	vst v1  }
0x1f8: {  	v1 =	vld.idx.msk [tilespmem:v0+s9+$0x0], $0xffff;
	_ =	sdelay $0x1  }
0x1f9: {  	s19 =	rddreg [dreg:$0x1e]  }
0x1fa: {  	s18 =	sadd.s32 s22, s19  }
0x1fb: {  	s19 =	sadd.s32 s24, s18  }
0x1fc: {  	[tilespmem:s19+$0x0] =	vst v1  }
0x1fd: {  	v1 =	vld.idx.msk [tilespmem:v0+s10+$0x0], $0xffff;
	_ =	sdelay $0x1  }
0x1fe: {  	s20 =	rddreg [dreg:$0x1f]  }
0x1ff: {  	s19 =	sadd.s32 s22, s20  }
0x200: {  	s20 =	sadd.s32 s24, s19  }
0x201: {  	[tilespmem:s20+$0x0] =	vst v1  }
0x202: {  	s21 =	sld [smem:$0x7D8];
	v1 =	vld.idx.msk [tilespmem:v0+s11+$0x0], $0xffff;
	_ =	sdelay $0x2  }
0x203: {  	s20 =	sadd.s32 s22, s21  }
0x204: {  	s21 =	sadd.s32 s24, s20  }
0x205: {  	[tilespmem:s21+$0x0] =	vst v1  }
0x206: {  	s23 =	sld [smem:$0x7D9];
	v1 =	vld.idx.msk [tilespmem:v0+s12+$0x0], $0xffff;
	_ =	sdelay $0x2  }
0x207: {  	s21 =	sadd.s32 s22, s23  }
0x208: {  	s23 =	sadd.s32 s24, s21  }
0x209: {  	[tilespmem:s23+$0x0] =	vst v1  }
0x20a: {  	s25 =	sld [smem:$0x7DA];
	v0 =	vld.idx.msk [tilespmem:v0+s13+$0x0], $0xffff;
	_ =	sdelay $0x2  }
0x20b: {  	s22 =	sadd.s32 s22, s25  }
0x20c: {  	s25 =	sor.u32 $0x10, s24;
	s23 =	sadd.s32 s24, s22  }
0x20d: {  	[tilespmem:s23+$0x0] =	vst v0;
	s23 =	sadd.s32 s25, s0  }
0x20e: {  	v0 =	vld [tilespmem:s23+$0x0];
	_ =	sdelay $0x7  }
0x20f: {  	v1 =	vld.idx.msk [tilespmem:v0+s4+$0x0], $0xffff;
	_ =	sdelay $0x3  }
0x210: {  	s23 =	sadd.s32 s25, s31  }
0x211: {  	[tilespmem:s23+$0x0] =	vst v1  }
0x212: {  	v1 =	vld.idx.msk [tilespmem:v0+s1+$0x0], $0xffff;
	_ =	sdelay $0x3  }
0x213: {  	s23 =	sadd.s32 s25, s16  }
0x214: {  	[tilespmem:s23+$0x0] =	vst v1  }
0x215: {  	v1 =	vld.idx.msk [tilespmem:v0+s5+$0x0], $0xffff;
	_ =	sdelay $0x3  }
0x216: {  	s23 =	sadd.s32 s25, s30  }
0x217: {  	[tilespmem:s23+$0x0] =	vst v1  }
0x218: {  	v1 =	vld.idx.msk [tilespmem:v0+s7+$0x0], $0xffff;
	_ =	sdelay $0x3  }
0x219: {  	s23 =	sadd.s32 s25, s14  }
0x21a: {  	[tilespmem:s23+$0x0] =	vst v1  }
0x21b: {  	v1 =	vld.idx.msk [tilespmem:v0+s8+$0x0], $0xffff;
	_ =	sdelay $0x3  }
0x21c: {  	s23 =	sadd.s32 s25, s17  }
0x21d: {  	[tilespmem:s23+$0x0] =	vst v1  }
0x21e: {  	v1 =	vld.idx.msk [tilespmem:v0+s9+$0x0], $0xffff;
	_ =	sdelay $0x3  }
0x21f: {  	s23 =	sadd.s32 s25, s18  }
0x220: {  	[tilespmem:s23+$0x0] =	vst v1  }
0x221: {  	v1 =	vld.idx.msk [tilespmem:v0+s10+$0x0], $0xffff;
	_ =	sdelay $0x3  }
0x222: {  	s23 =	sadd.s32 s25, s19  }
0x223: {  	[tilespmem:s23+$0x0] =	vst v1  }
0x224: {  	v1 =	vld.idx.msk [tilespmem:v0+s11+$0x0], $0xffff;
	_ =	sdelay $0x3  }
0x225: {  	s23 =	sadd.s32 s25, s20  }
0x226: {  	[tilespmem:s23+$0x0] =	vst v1  }
0x227: {  	v1 =	vld.idx.msk [tilespmem:v0+s12+$0x0], $0xffff;
	_ =	sdelay $0x3  }
0x228: {  	s23 =	sadd.s32 s25, s21  }
0x229: {  	[tilespmem:s23+$0x0] =	vst v1  }
0x22a: {  	v0 =	vld.idx.msk [tilespmem:v0+s13+$0x0], $0xffff;
	_ =	sdelay $0x3  }
0x22b: {  	s23 =	sadd.s32 s25, s22;
	s25 =	sor.u32 $0x20, s24  }
0x22c: {  	[tilespmem:s23+$0x0] =	vst v0;
	s23 =	sadd.s32 s25, s0  }
0x22d: {  	v0 =	vld [tilespmem:s23+$0x0];
	_ =	sdelay $0x7  }
0x22e: {  	v1 =	vld.idx.msk [tilespmem:v0+s4+$0x0], $0xffff;
	_ =	sdelay $0x3  }
0x22f: {  	s23 =	sadd.s32 s25, s31  }
0x230: {  	[tilespmem:s23+$0x0] =	vst v1  }
0x231: {  	v1 =	vld.idx.msk [tilespmem:v0+s1+$0x0], $0xffff;
	_ =	sdelay $0x3  }
0x232: {  	s23 =	sadd.s32 s25, s16  }
0x233: {  	[tilespmem:s23+$0x0] =	vst v1  }
0x234: {  	v1 =	vld.idx.msk [tilespmem:v0+s5+$0x0], $0xffff;
	_ =	sdelay $0x3  }
0x235: {  	s23 =	sadd.s32 s25, s30  }
0x236: {  	[tilespmem:s23+$0x0] =	vst v1  }
0x237: {  	v1 =	vld.idx.msk [tilespmem:v0+s7+$0x0], $0xffff;
	_ =	sdelay $0x3  }
0x238: {  	s23 =	sadd.s32 s25, s14  }
0x239: {  	[tilespmem:s23+$0x0] =	vst v1  }
0x23a: {  	v1 =	vld.idx.msk [tilespmem:v0+s8+$0x0], $0xffff;
	_ =	sdelay $0x3  }
0x23b: {  	s23 =	sadd.s32 s25, s17  }
0x23c: {  	[tilespmem:s23+$0x0] =	vst v1  }
0x23d: {  	v1 =	vld.idx.msk [tilespmem:v0+s9+$0x0], $0xffff;
	_ =	sdelay $0x3  }
0x23e: {  	s23 =	sadd.s32 s25, s18  }
0x23f: {  	[tilespmem:s23+$0x0] =	vst v1  }
0x240: {  	v1 =	vld.idx.msk [tilespmem:v0+s10+$0x0], $0xffff;
	_ =	sdelay $0x3  }
0x241: {  	s23 =	sadd.s32 s25, s19  }
0x242: {  	[tilespmem:s23+$0x0] =	vst v1  }
0x243: {  	v1 =	vld.idx.msk [tilespmem:v0+s11+$0x0], $0xffff;
	_ =	sdelay $0x3  }
0x244: {  	s23 =	sadd.s32 s25, s20  }
0x245: {  	[tilespmem:s23+$0x0] =	vst v1  }
0x246: {  	v1 =	vld.idx.msk [tilespmem:v0+s12+$0x0], $0xffff;
	_ =	sdelay $0x3  }
0x247: {  	s23 =	sadd.s32 s25, s21  }
0x248: {  	[tilespmem:s23+$0x0] =	vst v1  }
0x249: {  	v0 =	vld.idx.msk [tilespmem:v0+s13+$0x0], $0xffff;
	_ =	sdelay $0x3  }
0x24a: {  	s24 =	sor.u32 $0x30, s24;
	s25 =	sadd.s32 s25, s22  }
0x24b: {  	s0 =	sadd.s32 s24, s0;
	[tilespmem:s25+$0x0] =	vst v0  }
0x24c: {  	v0 =	vld [tilespmem:s0+$0x0];
	_ =	sdelay $0x7  }
0x24d: {  	v1 =	vld.idx.msk [tilespmem:v0+s4+$0x0], $0xffff;
	_ =	sdelay $0x3  }
0x24e: {  	s23 =	sadd.s32 s24, s31  }
0x24f: {  	[tilespmem:s23+$0x0] =	vst v1  }
0x250: {  	v1 =	vld.idx.msk [tilespmem:v0+s1+$0x0], $0xffff;
	_ =	sdelay $0x3  }
0x251: {  	s25 =	sadd.s32 s24, s16  }
0x252: {  	[tilespmem:s25+$0x0] =	vst v1  }
0x253: {  	v1 =	vld.idx.msk [tilespmem:v0+s5+$0x0], $0xffff;
	_ =	sdelay $0x3  }
0x254: {  	s31 =	sadd.s32 s24, s30  }
0x255: {  	[tilespmem:s31+$0x0] =	vst v1  }
0x256: {  	v1 =	vld.idx.msk [tilespmem:v0+s7+$0x0], $0xffff;
	_ =	sdelay $0x3  }
0x257: {  	s16 =	sadd.s32 s24, s14  }
0x258: {  	[tilespmem:s16+$0x0] =	vst v1  }
0x259: {  	v1 =	vld.idx.msk [tilespmem:v0+s8+$0x0], $0xffff;
	_ =	sdelay $0x3  }
0x25a: {  	s17 =	sadd.s32 s24, s17  }
0x25b: {  	[tilespmem:s17+$0x0] =	vst v1  }
0x25c: {  	v1 =	vld.idx.msk [tilespmem:v0+s9+$0x0], $0xffff;
	_ =	sdelay $0x3  }
0x25d: {  	s18 =	sadd.s32 s24, s18  }
0x25e: {  	[tilespmem:s18+$0x0] =	vst v1  }
0x25f: {  	v1 =	vld.idx.msk [tilespmem:v0+s10+$0x0], $0xffff;
	_ =	sdelay $0x3  }
0x260: {  	s23 =	sadd.s32 s24, s19  }
0x261: {  	[tilespmem:s23+$0x0] =	vst v1  }
0x262: {  	v1 =	vld.idx.msk [tilespmem:v0+s11+$0x0], $0xffff;
	_ =	sdelay $0x3  }
0x263: {  	s25 =	sadd.s32 s24, s20  }
0x264: {  	[tilespmem:s25+$0x0] =	vst v1  }
0x265: {  	v1 =	vld.idx.msk [tilespmem:v0+s12+$0x0], $0xffff;
	_ =	sdelay $0x3  }
0x266: {  	s30 =	sadd.s32 s24, s21  }
0x267: {  	s15 =	sadd.s32 $0x4, s15;
	[tilespmem:s30+$0x0] =	vst v1  }
0x268: {  	p0 =	slt.u32 s15, $0x1C;
	v0 =	vld.idx.msk [tilespmem:v0+s13+$0x0], $0xffff  }
.Ltmp4:
0x269: {  	_ = 	snop;
	(pc) =	sbr.rel @p0 .LBB2_12-.Ltmp4, $3  }
0x26a: {  	_ =	sdelay $0x1  }
0x26b: {  	s31 =	sadd.s32 s24, s22  }
0x26c: {  	s3 =	sadd.s32 $0x200, s3;
	s2 =	sadd.s32 $0x40, s2;
	[tilespmem:s31+$0x0] =	vst v0  }
0x26d: {  	s6 =	sadd.s32 $0x1, s6  }
0x26e: {  	p0 =	sne.s32 s6, $0x8  }
.Ltmp5:
0x26f: {  	_ = 	snop;
	(pc) =	sbr.rel @p0 .LBB2_11-.Ltmp5, $1  }
0x270: {  	_ =	sdelay $0x3  }
0x271: {  	s2 =	sld [smem:$0x7E1]  }
0x272: {  	s16 =	sld [smem:$0x7DB]  }
0x273: {  	s0 =	rddreg [dreg:$0x2]  }
0x274: {  	s3 =	sld [smem:$0x7DC];
	s0 =	sadd.s32 s0, s2  }
0x275: {  	[hbm4b:s0+s4] =	stream.linear.scatter [tilespmem:s16], [sflag:$0x1], $0x1000, $0x38;
	[tilespmem:$0x15100] =	vst v63  }
0x276: {  	s19 =	sld [smem:$0x7DE];
	s17 =	sadd.s32 $0x64000, s0  }
0x277: {  	[hbm4b:s17+s4] =	stream.linear.scatter [tilespmem:s3], [sflag:$0x1], $0x1000, $0x38;
	[tilespmem:$0x15100] =	vst v63  }
0x278: {  	s21 =	sld [smem:$0x7DF];
	s18 =	sadd.s32 $0xC8000, s0  }
0x279: {  	[hbm4b:s18+s4] =	stream.linear.scatter [tilespmem:s19], [sflag:$0x1], $0x1000, $0x38;
	[tilespmem:$0x15100] =	vst v63  }
0x27a: {  	s23 =	sld [smem:$0x7E0];
	s20 =	sadd.s32 $0x12C000, s0  }
0x27b: {  	[hbm4b:s20+s4] =	stream.linear.scatter [tilespmem:s21], [sflag:$0x1], $0x1000, $0x38;
	[tilespmem:$0x15100] =	vst v63  }
0x27c: {  	s31 =	sld [smem:$0x7DD];
	s22 =	sadd.s32 $0x190000, s0  }
0x27d: {  	[hbm4b:s22+s4] =	stream.linear.scatter [tilespmem:s23], [sflag:$0x1], $0x1000, $0x38;
	[tilespmem:$0x15100] =	vst v63  }
0x27e: {  	s24 =	sadd.s32 $0x1F4000, s0  }
0x27f: {  	[hbm4b:s24+s4] =	stream.linear.scatter [tilespmem:s29], [sflag:$0x1], $0x1000, $0x38;
	[tilespmem:$0x15100] =	vst v63  }
0x280: {  	s2 =	sadd.s32 $0x1, s31;
	s25 =	sadd.s32 $0x258000, s0  }
0x281: {  	[hbm4b:s25+s4] =	stream.linear.scatter [tilespmem:s26], [sflag:$0x1], $0x1000, $0x38;
	[tilespmem:$0x15100] =	vst v63  }
0x282: {  	p0 =	sne.s32 s2, $0x17;
	s29 =	sld [smem:$0x7E2];
	s26 =	sadd.s32 $0x2BC000, s0  }
0x283: {  	[hbm4b:s26+s4] =	stream.linear.scatter [tilespmem:s28], [sflag:$0x1], $0x1000, $0x38;
	[tilespmem:$0x15100] =	vst v63  }
.Ltmp6:
0x284: {  	_ = 	snop;
	(pc) =	sbr.rel @p0 .LBB2_10-.Ltmp6, $4  }
0x285: {  	s30 =	sld [smem:$0x7E3];
	s28 =	sadd.s32 $0x320000, s0  }
0x286: {  	[hbm4b:s28+s4] =	stream.linear.scatter [tilespmem:s29], [sflag:$0x1], $0x1000, $0x38;
	[tilespmem:$0x15100] =	vst v63  }
0x287: {  	s0 =	sadd.s32 $0x384000, s0  }
0x288: {  	[hbm4b:s0+s4] =	stream.linear.scatter [tilespmem:s30], [sflag:$0x1], $0x1000, $0x38;
	[tilespmem:$0x15100] =	vst v63  }
0x289: {  	s2 =	simm.s32 $0x1  }
0x28a: {  	_ =	swait.ge [sflag:s2], $0x1000  }
0x28b: {  	[sflag:s2] =	ssyncset.done $0x0  }
0x28c: {  	[sflag:s2] =	ssyncadd.s32 $0xFFFFF000  }
0x28d: {  	_ =	swait.ge [sflag:s2], $0x1000  }
0x28e: {  	[sflag:s2] =	ssyncset.done $0x0  }
0x28f: {  	[sflag:s2] =	ssyncadd.s32 $0xFFFFF000  }
0x290: {  	_ =	swait.ge [sflag:s2], $0x1000  }
0x291: {  	[sflag:s2] =	ssyncset.done $0x0  }
0x292: {  	[sflag:s2] =	ssyncadd.s32 $0xFFFFF000  }
0x293: {  	_ =	swait.ge [sflag:s2], $0x1000  }
0x294: {  	[sflag:s2] =	ssyncset.done $0x0  }
0x295: {  	[sflag:s2] =	ssyncadd.s32 $0xFFFFF000  }
0x296: {  	_ =	swait.ge [sflag:s2], $0x1000  }
0x297: {  	[sflag:s2] =	ssyncset.done $0x0  }
0x298: {  	[sflag:s2] =	ssyncadd.s32 $0xFFFFF000  }
0x299: {  	_ =	swait.ge [sflag:s2], $0x1000  }
0x29a: {  	[sflag:s2] =	ssyncset.done $0x0  }
0x29b: {  	[sflag:s2] =	ssyncadd.s32 $0xFFFFF000  }
0x29c: {  	_ =	swait.ge [sflag:s2], $0x1000  }
0x29d: {  	[sflag:s2] =	ssyncset.done $0x0  }
0x29e: {  	[sflag:s2] =	ssyncadd.s32 $0xFFFFF000  }
0x29f: {  	_ =	swait.ge [sflag:s2], $0x1000  }
0x2a0: {  	[sflag:s2] =	ssyncset.done $0x0  }
0x2a1: {  	[sflag:s2] =	ssyncadd.s32 $0xFFFFF000  }
0x2a2: {  	_ =	swait.ge [sflag:s2], $0x1000  }
0x2a3: {  	[sflag:s2] =	ssyncset.done $0x0  }
0x2a4: {  	[sflag:s2] =	ssyncadd.s32 $0xFFFFF000  }
0x2a5: {  	_ =	swait.ge [sflag:s2], $0x1000  }
0x2a6: {  	[sflag:s2] =	ssyncset.done $0x0  }
0x2a7: {  	[sflag:s2] =	ssyncadd.s32 $0xFFFFF000  }
0x2a8: {  	_ =	swait.ge [sflag:s2], $0x1000  }
0x2a9: {  	[sflag:s2] =	ssyncset.done $0x0  }
0x2aa: {  	[sflag:s2] =	ssyncadd.s32 $0xFFFFF000  }
0x2ab: {  	_ =	swait.ge [sflag:s2], $0x1000  }
0x2ac: {  	[sflag:s2] =	ssyncset.done $0x0  }
0x2ad: {  	[sflag:s2] =	ssyncadd.s32 $0xFFFFF000  }
0x2ae: {  	_ =	swait.ge [sflag:s2], $0x1000  }
0x2af: {  	[sflag:s2] =	ssyncset.done $0x0  }
0x2b0: {  	[sflag:s2] =	ssyncadd.s32 $0xFFFFF000  }
0x2b1: {  	_ =	swait.ge [sflag:s2], $0x1000  }
0x2b2: {  	[sflag:s2] =	ssyncset.done $0x0  }
0x2b3: {  	[sflag:s2] =	ssyncadd.s32 $0xFFFFF000  }
0x2b4: {  	_ =	swait.ge [sflag:s2], $0x1000  }
0x2b5: {  	[sflag:s2] =	ssyncset.done $0x0  }
0x2b6: {  	[sflag:s2] =	ssyncadd.s32 $0xFFFFF000  }
0x2b7: {  	_ =	swait.ge [sflag:s2], $0x1000  }
0x2b8: {  	[sflag:s2] =	ssyncset.done $0x0  }
0x2b9: {  	[sflag:s2] =	ssyncadd.s32 $0xFFFFF000  }
0x2ba: {  	_ =	swait.ge [sflag:s2], $0x1000  }
0x2bb: {  	[sflag:s2] =	ssyncset.done $0x0  }
0x2bc: {  	[sflag:s2] =	ssyncadd.s32 $0xFFFFF000  }
0x2bd: {  	_ =	swait.ge [sflag:s2], $0x1000  }
0x2be: {  	[sflag:s2] =	ssyncset.done $0x0  }
0x2bf: {  	[sflag:s2] =	ssyncadd.s32 $0xFFFFF000  }
0x2c0: {  	_ =	swait.ge [sflag:s2], $0x1000  }
0x2c1: {  	[sflag:s2] =	ssyncset.done $0x0  }
0x2c2: {  	[sflag:s2] =	ssyncadd.s32 $0xFFFFF000  }
0x2c3: {  	_ =	swait.ge [sflag:s2], $0x1000  }
0x2c4: {  	s3 =	sld [smem:$0x7E4]  }
0x2c5: {  	s0 =	sld [smem:$0x7F8];
	_ =	sdelay $0x1  }
0x2c6: {  	s3 =	sadd.s32 $0x1, s3  }
0x2c7: {  	p0 =	sne.s32 s3, s0  }
.Ltmp7:
0x2c8: {  	_ = 	snop;
	(pc) =	sbr.rel @p0 .LBB2_1-.Ltmp7, $3  }
0x2c9: {  	_ =	sdelay $0x1  }
0x2ca: {  	[sflag:s2] =	ssyncset.done $0x0  }
0x2cb: {  	[sflag:s2] =	ssyncadd.s32 $0xFFFFF000  }
0x2cc: {  	_ =	sfence.sel $0x180000  }
0x2cd: {  	[bflag:$0x0] =	sbarrier.arrive $0xFFFF  }
0x2ce: {  	_ =	strace $0x90000047  }
0x2cf: {  	s0 =	stileid.u32;
	[bflag:$0x2] =	sbarrier.arrive $0xFFFF  }
0x2d0: {  	p0 =	sne.s32 s0, $0x0;
	s0 =	rddreg [dreg:$0x3]  }
0x2d1: {  	s0 =	sadd.s32 @!p0 $0x100000, s0  }
0x2d2: {  	[sflag:s0] =	ssyncadd.tile.s32 @!p0 $0x1;
	_ =	shalt  }
.Lfunc_end2:
_tile_overlayer_lowered:
.L_overlay_start_2:
0x2d3: {  	(tag) =	ssettag $0x2  }
0x2d4: {  	s0 =	rddreg [dreg:$0x0];
	s2 =	stileid.u32  }
0x2d5: {  	s1 =	rddreg [dreg:$0x1];
	p0 =	sne.s32 s2, $0x0  }
0x2d6: {  	s3 =	rddreg [dreg:$0x2];
	[bflag:$0x3] =	sbarrier.arrive $0xFFFF;
	s2 =	simm.s32 @!p0 $0x1C02  }
0x2d7: {  	[timem:s3], [sflag:s2] =	dma.local @!p0 [hbm:s0], s1  }
0x2d8: {  	s0 =	simm.s32 @!p0 $0x2  }
0x2d9: {  	_ =	swait.ge @!p0 [sflag:s0], s1  }
0x2da: {  	s1 =	ssub.s32 @!p0 $0x0, s1;
	[sflag:s0] =	ssyncset.done @!p0 $0x0  }
0x2db: {  	[sflag:s0] =	ssyncadd.s32 @!p0 s1  }
0x2dc: {  	[bflag:$0x3] =	sbarrier.arrive $0xFFFF  }
0x2dd: {  	_ =	shalt  }

</sc_bundles>
